<compile_context>
chip_gen: v7x
topology: tpu7x:2x2x1
jax: 0.10.2.dev20260603
libtpu: 0.0.44.dev20260713+nightly
codegen_flags: <defaults>
</compile_context>

<pallas_src>
import functools

import jax
import jax.numpy as jnp
from jax import lax
from jax.experimental import pallas as pl
from jax.experimental.pallas import tpu as pltpu
from jax.experimental.pallas import tpu_sc as plsc

_BN_THR = 0.5
_B, _C, _H, _W = 8, 192, 128, 128
_ROW = _H * _W
_NC, _NS = 2, 16
_LANES = 16
_NSLOT = 24
_LOOK = 12



def _route_body(bn1, bn2, a1_out, a2_out, bn_v, m_v):
    wid = lax.axis_index("s") * _NC + lax.axis_index("c")

    @pl.when(wid == 0)
    def _():
        one = jnp.full((_LANES,), 1, jnp.int32)
        zero = jnp.full((_LANES,), 0, jnp.int32)

        pltpu.sync_copy(bn1, bn_v)
        for g in range(_C // _LANES):
            w = bn_v[pl.ds(g * _LANES, _LANES)]
            m_v[pl.ds(g * _LANES, _LANES)] = jnp.where(
                jnp.abs(w) >= _BN_THR, one, zero)
        pltpu.sync_copy(m_v, a1_out)

        pltpu.sync_copy(bn2, bn_v)
        for g in range(_C // _LANES):
            w = bn_v[pl.ds(g * _LANES, _LANES)]
            m_v[pl.ds(g * _LANES, _LANES)] = jnp.where(
                jnp.abs(w) >= _BN_THR, zero, one)
        pltpu.sync_copy(m_v, a2_out)


_route = pl.kernel(
    _route_body,
    out_type=(
        jax.ShapeDtypeStruct((_C,), jnp.int32),
        jax.ShapeDtypeStruct((_C,), jnp.int32),
    ),
    mesh=plsc.VectorSubcoreMesh(
        core_axis_name="c", subcore_axis_name="s",
        num_cores=1, num_subcores=1),
    scratch_types=[
        pltpu.VMEM((_C,), jnp.float32),
        pltpu.VMEM((_C,), jnp.int32),
    ],
)



def _copy_body(x0, x1, a1, a2, y1, y2, *refs):
    bufs_a = refs[0:_NSLOT]
    bufs_b = refs[_NSLOT:2 * _NSLOT]
    gsems_a = refs[2 * _NSLOT:3 * _NSLOT]
    gsems_b = refs[3 * _NSLOT:4 * _NSLOT]
    ssems_1 = refs[4 * _NSLOT:5 * _NSLOT]
    ssems_2 = refs[5 * _NSLOT:6 * _NSLOT]

    def issue_gathers(c, t):
        v1 = a1[c]
        v2 = a2[c]
        nsh = v1 != v2

        @pl.when(v1 == 1)
        def _():
            pltpu.async_copy(x0.at[:, c], bufs_a[t], gsems_a[t])

        @pl.when(v1 == 0)
        def _():
            pltpu.async_copy(x1.at[:, c], bufs_a[t], gsems_a[t])

        @pl.when(jnp.logical_and(nsh, v2 == 1))
        def _():
            pltpu.async_copy(x0.at[:, c], bufs_b[t], gsems_b[t])

        @pl.when(jnp.logical_and(nsh, v2 == 0))
        def _():
            pltpu.async_copy(x1.at[:, c], bufs_b[t], gsems_b[t])

    def do_scatters(c, s):
        sh = a1[c] == a2[c]
        pltpu.make_async_copy(x0.at[:, 0], bufs_a[s], gsems_a[s]).wait()
        pltpu.async_copy(bufs_a[s], y1.at[:, c], ssems_1[s])

        @pl.when(sh)
        def _():
            pltpu.async_copy(bufs_a[s], y2.at[:, c], ssems_2[s])

        @pl.when(jnp.logical_not(sh))
        def _():
            pltpu.make_async_copy(x0.at[:, 0], bufs_b[s], gsems_b[s]).wait()
            pltpu.async_copy(bufs_b[s], y2.at[:, c], ssems_2[s])

    for k in range(_LOOK):
        issue_gathers(k, k)

    @pl.loop(0, _C // _NSLOT)
    def _(j):
        for s in range(_NSLOT):
            i = _NSLOT * j + s
            do_scatters(i, s)
            t = (s + _LOOK) % _NSLOT
            inext = i + _LOOK

            @pl.when(inext < _C)
            def _():
                @pl.when(inext >= _NSLOT)
                def _():
                    pltpu.make_async_copy(
                        x0.at[:, 0], bufs_a[t], ssems_1[t]).wait()
                    pltpu.make_async_copy(
                        x0.at[:, 0], bufs_a[t], ssems_2[t]).wait()
                issue_gathers(inext, t)

    for s in range(_NSLOT):
        pltpu.make_async_copy(x0.at[:, 0], bufs_a[s], ssems_1[s]).wait()
        pltpu.make_async_copy(x0.at[:, 0], bufs_a[s], ssems_2[s]).wait()


_tc_copy = pl.pallas_call(
    _copy_body,
    out_shape=(
        jax.ShapeDtypeStruct((_B, _C, _H, _W), jnp.float32),
        jax.ShapeDtypeStruct((_B, _C, _H, _W), jnp.float32),
    ),
    in_specs=[
        pl.BlockSpec(memory_space=pl.ANY),
        pl.BlockSpec(memory_space=pl.ANY),
        pl.BlockSpec(memory_space=pltpu.SMEM),
        pl.BlockSpec(memory_space=pltpu.SMEM),
    ],
    out_specs=(
        pl.BlockSpec(memory_space=pl.ANY),
        pl.BlockSpec(memory_space=pl.ANY),
    ),
    scratch_shapes=(
        [pltpu.VMEM((_B, _H, _W), jnp.float32) for _ in range(2 * _NSLOT)]
        + [pltpu.SemaphoreType.DMA for _ in range(4 * _NSLOT)]
    ),
)


def kernel(x0, x1, bn1_weight, bn2_weight):
    a1, a2 = _route(bn1_weight, bn2_weight)
    return _tc_copy(x0, x1, a1, a2)

# --- scband reference (transcript-rebuilt; emitter-appended) ---
"""Pipeline reference for scband-exchange-53936199303572 (READ-ONLY COPY).

The authoritative reference and input builder live on the scoring server;
editing this copy changes nothing except your own understanding.
"""

import jax, jax.numpy as jnp
import numpy as np

BN_THRESHOLD = 0.5

def setup_inputs(seed: int = 0) -> dict:
    key = jax.random.key(seed)
    k0, k1, k2, k3 = jax.random.split(key, 4)
    x0 = jax.random.normal(k0, (8, 192, 128, 128), dtype=jnp.float32)
    x1 = jax.random.normal(k1, (8, 192, 128, 128), dtype=jnp.float32)
    bn1_weight = jax.random.normal(k2, (192,), dtype=jnp.float32)
    bn2_weight = jax.random.normal(k3, (192,), dtype=jnp.float32)
    return {"x0": x0, "x1": x1, "bn1_weight": bn1_weight, "bn2_weight": bn2_weight}

def reference(x0, x1, bn1_weight, bn2_weight):
    # Faithful translation of Exchange.forward:
    #   x1_out[:, bn1 >= thr] = x[0][:, bn1 >= thr]; x1_out[:, bn1 < thr] = x[1][:, bn1 < thr]
    #   x2_out[:, bn2 >= thr] = x[1][:, bn2 >= thr]; x2_out[:, bn2 < thr] = x[0][:, bn2 < thr]
    # Boolean-masked channel scatter-overwrite == per-channel select.
    bn1 = jnp.abs(bn1_weight)
    bn2 = jnp.abs(bn2_weight)
    m1 = (bn1 >= BN_THRESHOLD)[None, :, None, None]
    m2 = (bn2 >= BN_THRESHOLD)[None, :, None, None]
    y1 = jnp.where(m1, x0, x1)
    y2 = jnp.where(m2, x1, x0)
    return (y1, y2)

if __name__ == "__main__":
    import jax
    _d = setup_inputs()
    print(jax.jit(kernel)(*tuple(_d.values())))

</pallas_src>

<mosaic_0001>
#map = affine_map<(d0, d1) -> (0)>
module attributes {stable_mosaic.version = 14 : i64} {
  func.func @_route_body(%arg0: i32, %arg1: i32, %arg2: memref<192xf32, #tpu.memory_space<hbm>>, %arg3: memref<192xf32, #tpu.memory_space<hbm>>, %arg4: memref<192xi32, #tpu.memory_space<hbm>>, %arg5: memref<192xi32, #tpu.memory_space<hbm>>, %arg6: memref<192xf32, #tpu.memory_space<vmem>>, %arg7: memref<192xi32, #tpu.memory_space<vmem>>) attributes {dimension_semantics = [#tpu.dimension_semantics<core_parallel>, #tpu.dimension_semantics<subcore_parallel>], iteration_bounds = array<i64: 1, 1>, scalar_prefetch = 0 : i64, scratch_operands = 2 : i64, tpu.core_type = #tpu.core_type<sc_vector_subcore>, window_params = [{transform_indices = #map}, {transform_indices = #map}, {transform_indices = #map}, {transform_indices = #map}]} {
    %mul3A = arith.constant 2 : i32
    %mul3A_0 = arith.muli %arg1, %mul3A : i32
    %add3A = arith.addi %mul3A_0, %arg0 : i32
    %eq3A = arith.constant 0 : i32
    %eq3A_1 = arith.cmpi eq, %add3A, %eq3A : i32
    %convert_element_type3A = arith.extui %eq3A_1 : i1 to i32
    %cond3A = arith.constant 0 : i32
    %cond3A_2 = arith.cmpi ne, %convert_element_type3A, %cond3A : i32
    scf.if %cond3A_2 {
      %broadcast_in_dim3A = arith.constant 1 : i32
      %broadcast_in_dim3A_3 = vector.broadcast %broadcast_in_dim3A : i32 to vector<16xi32>
      %broadcast_in_dim3A_4 = arith.constant 0 : i32
      %broadcast_in_dim3A_5 = vector.broadcast %broadcast_in_dim3A_4 : i32 to vector<16xi32>
      "tpu.region"() ({
        %run_scoped3A = tpu.sem_alloc : memref<!tpu.dma_semaphore, #tpu.memory_space<semaphore_mem>>
        tpu.enqueue_dma source(%arg2 : memref<192xf32, #tpu.memory_space<hbm>>) target(%arg6 : memref<192xf32, #tpu.memory_space<vmem>>) target_semaphore(%run_scoped3A : memref<!tpu.dma_semaphore, #tpu.memory_space<semaphore_mem>>)
        tpu.wait_dma2 semaphore(%run_scoped3A : memref<!tpu.dma_semaphore, #tpu.memory_space<semaphore_mem>>) src(%arg2 : memref<192xf32, #tpu.memory_space<hbm>>) dst(%arg6 : memref<192xf32, #tpu.memory_space<vmem>>)
        tpu.yield
      }) : () -> ()
      %get3A = arith.constant 0 : index
      %get3A_6 = tpu.vector_load %arg6[%get3A] {strides = array<i32>} : memref<192xf32, #tpu.memory_space<vmem>>, vector<16xf32>,
      %get3A_7 = vector.shape_cast %get3A_6 : vector<16xf32> to vector<16xf32>
      %abs3A = math.absf %get3A_7 : vector<16xf32>
      %ge3A = arith.constant 5.000000e-01 : f32
      %ge3A_8 = vector.broadcast %ge3A : f32 to vector<16xf32>
      %ge3A_9 = arith.cmpf oge, %abs3A, %ge3A_8 : vector<16xf32>
      %select_n3A = arith.select %ge3A_9, %broadcast_in_dim3A_3, %broadcast_in_dim3A_5 : vector<16xi1>, vector<16xi32>
      %swap3A = arith.constant 0 : index
      %swap3A_10 = tpu.vector_load %arg7[%swap3A] {strides = array<i32>} : memref<192xi32, #tpu.memory_space<vmem>>, vector<16xi32>,
      %swap3A_11 = vector.shape_cast %swap3A_10 : vector<16xi32> to vector<16xi32>
      %swap3A_12 = vector.shape_cast %select_n3A : vector<16xi32> to vector<16xi32>
      tpu.vector_store %arg7[%swap3A], %swap3A_12 {strides = array<i32>} : memref<192xi32, #tpu.memory_space<vmem>>, vector<16xi32>,
      %get3A_13 = arith.constant 16 : index
      %get3A_14 = tpu.vector_load %arg6[%get3A_13] {strides = array<i32>} : memref<192xf32, #tpu.memory_space<vmem>>, vector<16xf32>,
      %get3A_15 = vector.shape_cast %get3A_14 : vector<16xf32> to vector<16xf32>
      %abs3A_16 = math.absf %get3A_15 : vector<16xf32>
      %ge3A_17 = arith.constant 5.000000e-01 : f32
      %ge3A_18 = vector.broadcast %ge3A_17 : f32 to vector<16xf32>
      %ge3A_19 = arith.cmpf oge, %abs3A_16, %ge3A_18 : vector<16xf32>
      %select_n3A_20 = arith.select %ge3A_19, %broadcast_in_dim3A_3, %broadcast_in_dim3A_5 : vector<16xi1>, vector<16xi32>
      %swap3A_21 = arith.constant 16 : index
      %swap3A_22 = tpu.vector_load %arg7[%swap3A_21] {strides = array<i32>} : memref<192xi32, #tpu.memory_space<vmem>>, vector<16xi32>,
      %swap3A_23 = vector.shape_cast %swap3A_22 : vector<16xi32> to vector<16xi32>
      %swap3A_24 = vector.shape_cast %select_n3A_20 : vector<16xi32> to vector<16xi32>
      tpu.vector_store %arg7[%swap3A_21], %swap3A_24 {strides = array<i32>} : memref<192xi32, #tpu.memory_space<vmem>>, vector<16xi32>,
      %get3A_25 = arith.constant 32 : index
      %get3A_26 = tpu.vector_load %arg6[%get3A_25] {strides = array<i32>} : memref<192xf32, #tpu.memory_space<vmem>>, vector<16xf32>,
      %get3A_27 = vector.shape_cast %get3A_26 : vector<16xf32> to vector<16xf32>
      %abs3A_28 = math.absf %get3A_27 : vector<16xf32>
      %ge3A_29 = arith.constant 5.000000e-01 : f32
      %ge3A_30 = vector.broadcast %ge3A_29 : f32 to vector<16xf32>
      %ge3A_31 = arith.cmpf oge, %abs3A_28, %ge3A_30 : vector<16xf32>
      %select_n3A_32 = arith.select %ge3A_31, %broadcast_in_dim3A_3, %broadcast_in_dim3A_5 : vector<16xi1>, vector<16xi32>
      %swap3A_33 = arith.constant 32 : index
      %swap3A_34 = tpu.vector_load %arg7[%swap3A_33] {strides = array<i32>} : memref<192xi32, #tpu.memory_space<vmem>>, vector<16xi32>,
      %swap3A_35 = vector.shape_cast %swap3A_34 : vector<16xi32> to vector<16xi32>
      %swap3A_36 = vector.shape_cast %select_n3A_32 : vector<16xi32> to vector<16xi32>
      tpu.vector_store %arg7[%swap3A_33], %swap3A_36 {strides = array<i32>} : memref<192xi32, #tpu.memory_space<vmem>>, vector<16xi32>,
      %get3A_37 = arith.constant 48 : index
      %get3A_38 = tpu.vector_load %arg6[%get3A_37] {strides = array<i32>} : memref<192xf32, #tpu.memory_space<vmem>>, vector<16xf32>,
      %get3A_39 = vector.shape_cast %get3A_38 : vector<16xf32> to vector<16xf32>
      %abs3A_40 = math.absf %get3A_39 : vector<16xf32>
      %ge3A_41 = arith.constant 5.000000e-01 : f32
      %ge3A_42 = vector.broadcast %ge3A_41 : f32 to vector<16xf32>
      %ge3A_43 = arith.cmpf oge, %abs3A_40, %ge3A_42 : vector<16xf32>
      %select_n3A_44 = arith.select %ge3A_43, %broadcast_in_dim3A_3, %broadcast_in_dim3A_5 : vector<16xi1>, vector<16xi32>
      %swap3A_45 = arith.constant 48 : index
      %swap3A_46 = tpu.vector_load %arg7[%swap3A_45] {strides = array<i32>} : memref<192xi32, #tpu.memory_space<vmem>>, vector<16xi32>,
      %swap3A_47 = vector.shape_cast %swap3A_46 : vector<16xi32> to vector<16xi32>
      %swap3A_48 = vector.shape_cast %select_n3A_44 : vector<16xi32> to vector<16xi32>
      tpu.vector_store %arg7[%swap3A_45], %swap3A_48 {strides = array<i32>} : memref<192xi32, #tpu.memory_space<vmem>>, vector<16xi32>,
      %get3A_49 = arith.constant 64 : index
      %get3A_50 = tpu.vector_load %arg6[%get3A_49] {strides = array<i32>} : memref<192xf32, #tpu.memory_space<vmem>>, vector<16xf32>,
      %get3A_51 = vector.shape_cast %get3A_50 : vector<16xf32> to vector<16xf32>
      %abs3A_52 = math.absf %get3A_51 : vector<16xf32>
      %ge3A_53 = arith.constant 5.000000e-01 : f32
      %ge3A_54 = vector.broadcast %ge3A_53 : f32 to vector<16xf32>
      %ge3A_55 = arith.cmpf oge, %abs3A_52, %ge3A_54 : vector<16xf32>
      %select_n3A_56 = arith.select %ge3A_55, %broadcast_in_dim3A_3, %broadcast_in_dim3A_5 : vector<16xi1>, vector<16xi32>
      %swap3A_57 = arith.constant 64 : index
      %swap3A_58 = tpu.vector_load %arg7[%swap3A_57] {strides = array<i32>} : memref<192xi32, #tpu.memory_space<vmem>>, vector<16xi32>,
      %swap3A_59 = vector.shape_cast %swap3A_58 : vector<16xi32> to vector<16xi32>
      %swap3A_60 = vector.shape_cast %select_n3A_56 : vector<16xi32> to vector<16xi32>
      tpu.vector_store %arg7[%swap3A_57], %swap3A_60 {strides = array<i32>} : memref<192xi32, #tpu.memory_space<vmem>>, vector<16xi32>,
      %get3A_61 = arith.constant 80 : index
      %get3A_62 = tpu.vector_load %arg6[%get3A_61] {strides = array<i32>} : memref<192xf32, #tpu.memory_space<vmem>>, vector<16xf32>,
      %get3A_63 = vector.shape_cast %get3A_62 : vector<16xf32> to vector<16xf32>
      %abs3A_64 = math.absf %get3A_63 : vector<16xf32>
      %ge3A_65 = arith.constant 5.000000e-01 : f32
      %ge3A_66 = vector.broadcast %ge3A_65 : f32 to vector<16xf32>
      %ge3A_67 = arith.cmpf oge, %abs3A_64, %ge3A_66 : vector<16xf32>
      %select_n3A_68 = arith.select %ge3A_67, %broadcast_in_dim3A_3, %broadcast_in_dim3A_5 : vector<16xi1>, vector<16xi32>
      %swap3A_69 = arith.constant 80 : index
      %swap3A_70 = tpu.vector_load %arg7[%swap3A_69] {strides = array<i32>} : memref<192xi32, #tpu.memory_space<vmem>>, vector<16xi32>,
      %swap3A_71 = vector.shape_cast %swap3A_70 : vector<16xi32> to vector<16xi32>
      %swap3A_72 = vector.shape_cast %select_n3A_68 : vector<16xi32> to vector<16xi32>
      tpu.vector_store %arg7[%swap3A_69], %swap3A_72 {strides = array<i32>} : memref<192xi32, #tpu.memory_space<vmem>>, vector<16xi32>,
      %get3A_73 = arith.constant 96 : index
      %get3A_74 = tpu.vector_load %arg6[%get3A_73] {strides = array<i32>} : memref<192xf32, #tpu.memory_space<vmem>>, vector<16xf32>,
      %get3A_75 = vector.shape_cast %get3A_74 : vector<16xf32> to vector<16xf32>
      %abs3A_76 = math.absf %get3A_75 : vector<16xf32>
      %ge3A_77 = arith.constant 5.000000e-01 : f32
      %ge3A_78 = vector.broadcast %ge3A_77 : f32 to vector<16xf32>
      %ge3A_79 = arith.cmpf oge, %abs3A_76, %ge3A_78 : vector<16xf32>
      %select_n3A_80 = arith.select %ge3A_79, %broadcast_in_dim3A_3, %broadcast_in_dim3A_5 : vector<16xi1>, vector<16xi32>
      %swap3A_81 = arith.constant 96 : index
      %swap3A_82 = tpu.vector_load %arg7[%swap3A_81] {strides = array<i32>} : memref<192xi32, #tpu.memory_space<vmem>>, vector<16xi32>,
      %swap3A_83 = vector.shape_cast %swap3A_82 : vector<16xi32> to vector<16xi32>
      %swap3A_84 = vector.shape_cast %select_n3A_80 : vector<16xi32> to vector<16xi32>
      tpu.vector_store %arg7[%swap3A_81], %swap3A_84 {strides = array<i32>} : memref<192xi32, #tpu.memory_space<vmem>>, vector<16xi32>,
      %get3A_85 = arith.constant 112 : index
      %get3A_86 = tpu.vector_load %arg6[%get3A_85] {strides = array<i32>} : memref<192xf32, #tpu.memory_space<vmem>>, vector<16xf32>,
      %get3A_87 = vector.shape_cast %get3A_86 : vector<16xf32> to vector<16xf32>
      %abs3A_88 = math.absf %get3A_87 : vector<16xf32>
      %ge3A_89 = arith.constant 5.000000e-01 : f32
      %ge3A_90 = vector.broadcast %ge3A_89 : f32 to vector<16xf32>
      %ge3A_91 = arith.cmpf oge, %abs3A_88, %ge3A_90 : vector<16xf32>
      %select_n3A_92 = arith.select %ge3A_91, %broadcast_in_dim3A_3, %broadcast_in_dim3A_5 : vector<16xi1>, vector<16xi32>
      %swap3A_93 = arith.constant 112 : index
      %swap3A_94 = tpu.vector_load %arg7[%swap3A_93] {strides = array<i32>} : memref<192xi32, #tpu.memory_space<vmem>>, vector<16xi32>,
      %swap3A_95 = vector.shape_cast %swap3A_94 : vector<16xi32> to vector<16xi32>
      %swap3A_96 = vector.shape_cast %select_n3A_92 : vector<16xi32> to vector<16xi32>
      tpu.vector_store %arg7[%swap3A_93], %swap3A_96 {strides = array<i32>} : memref<192xi32, #tpu.memory_space<vmem>>, vector<16xi32>,
      %get3A_97 = arith.constant 128 : index
      %get3A_98 = tpu.vector_load %arg6[%get3A_97] {strides = array<i32>} : memref<192xf32, #tpu.memory_space<vmem>>, vector<16xf32>,
      %get3A_99 = vector.shape_cast %get3A_98 : vector<16xf32> to vector<16xf32>
      %abs3A_100 = math.absf %get3A_99 : vector<16xf32>
      %ge3A_101 = arith.constant 5.000000e-01 : f32
      %ge3A_102 = vector.broadcast %ge3A_101 : f32 to vector<16xf32>
      %ge3A_103 = arith.cmpf oge, %abs3A_100, %ge3A_102 : vector<16xf32>
      %select_n3A_104 = arith.select %ge3A_103, %broadcast_in_dim3A_3, %broadcast_in_dim3A_5 : vector<16xi1>, vector<16xi32>
      %swap3A_105 = arith.constant 128 : index
      %swap3A_106 = tpu.vector_load %arg7[%swap3A_105] {strides = array<i32>} : memref<192xi32, #tpu.memory_space<vmem>>, vector<16xi32>,
      %swap3A_107 = vector.shape_cast %swap3A_106 : vector<16xi32> to vector<16xi32>
      %swap3A_108 = vector.shape_cast %select_n3A_104 : vector<16xi32> to vector<16xi32>
      tpu.vector_store %arg7[%swap3A_105], %swap3A_108 {strides = array<i32>} : memref<192xi32, #tpu.memory_space<vmem>>, vector<16xi32>,
      %get3A_109 = arith.constant 144 : index
      %get3A_110 = tpu.vector_load %arg6[%get3A_109] {strides = array<i32>} : memref<192xf32, #tpu.memory_space<vmem>>, vector<16xf32>,
      %get3A_111 = vector.shape_cast %get3A_110 : vector<16xf32> to vector<16xf32>
      %abs3A_112 = math.absf %get3A_111 : vector<16xf32>
      %ge3A_113 = arith.constant 5.000000e-01 : f32
      %ge3A_114 = vector.broadcast %ge3A_113 : f32 to vector<16xf32>
      %ge3A_115 = arith.cmpf oge, %abs3A_112, %ge3A_114 : vector<16xf32>
      %select_n3A_116 = arith.select %ge3A_115, %broadcast_in_dim3A_3, %broadcast_in_dim3A_5 : vector<16xi1>, vector<16xi32>
      %swap3A_117 = arith.constant 144 : index
      %swap3A_118 = tpu.vector_load %arg7[%swap3A_117] {strides = array<i32>} : memref<192xi32, #tpu.memory_space<vmem>>, vector<16xi32>,
      %swap3A_119 = vector.shape_cast %swap3A_118 : vector<16xi32> to vector<16xi32>
      %swap3A_120 = vector.shape_cast %select_n3A_116 : vector<16xi32> to vector<16xi32>
      tpu.vector_store %arg7[%swap3A_117], %swap3A_120 {strides = array<i32>} : memref<192xi32, #tpu.memory_space<vmem>>, vector<16xi32>,
      %get3A_121 = arith.constant 160 : index
      %get3A_122 = tpu.vector_load %arg6[%get3A_121] {strides = array<i32>} : memref<192xf32, #tpu.memory_space<vmem>>, vector<16xf32>,
      %get3A_123 = vector.shape_cast %get3A_122 : vector<16xf32> to vector<16xf32>
      %abs3A_124 = math.absf %get3A_123 : vector<16xf32>
      %ge3A_125 = arith.constant 5.000000e-01 : f32
      %ge3A_126 = vector.broadcast %ge3A_125 : f32 to vector<16xf32>
      %ge3A_127 = arith.cmpf oge, %abs3A_124, %ge3A_126 : vector<16xf32>
      %select_n3A_128 = arith.select %ge3A_127, %broadcast_in_dim3A_3, %broadcast_in_dim3A_5 : vector<16xi1>, vector<16xi32>
      %swap3A_129 = arith.constant 160 : index
      %swap3A_130 = tpu.vector_load %arg7[%swap3A_129] {strides = array<i32>} : memref<192xi32, #tpu.memory_space<vmem>>, vector<16xi32>,
      %swap3A_131 = vector.shape_cast %swap3A_130 : vector<16xi32> to vector<16xi32>
      %swap3A_132 = vector.shape_cast %select_n3A_128 : vector<16xi32> to vector<16xi32>
      tpu.vector_store %arg7[%swap3A_129], %swap3A_132 {strides = array<i32>} : memref<192xi32, #tpu.memory_space<vmem>>, vector<16xi32>,
      %get3A_133 = arith.constant 176 : index
      %get3A_134 = tpu.vector_load %arg6[%get3A_133] {strides = array<i32>} : memref<192xf32, #tpu.memory_space<vmem>>, vector<16xf32>,
      %get3A_135 = vector.shape_cast %get3A_134 : vector<16xf32> to vector<16xf32>
      %abs3A_136 = math.absf %get3A_135 : vector<16xf32>
      %ge3A_137 = arith.constant 5.000000e-01 : f32
      %ge3A_138 = vector.broadcast %ge3A_137 : f32 to vector<16xf32>
      %ge3A_139 = arith.cmpf oge, %abs3A_136, %ge3A_138 : vector<16xf32>
      %select_n3A_140 = arith.select %ge3A_139, %broadcast_in_dim3A_3, %broadcast_in_dim3A_5 : vector<16xi1>, vector<16xi32>
      %swap3A_141 = arith.constant 176 : index
      %swap3A_142 = tpu.vector_load %arg7[%swap3A_141] {strides = array<i32>} : memref<192xi32, #tpu.memory_space<vmem>>, vector<16xi32>,
      %swap3A_143 = vector.shape_cast %swap3A_142 : vector<16xi32> to vector<16xi32>
      %swap3A_144 = vector.shape_cast %select_n3A_140 : vector<16xi32> to vector<16xi32>
      tpu.vector_store %arg7[%swap3A_141], %swap3A_144 {strides = array<i32>} : memref<192xi32, #tpu.memory_space<vmem>>, vector<16xi32>,
      "tpu.region"() ({
        %run_scoped3A = tpu.sem_alloc : memref<!tpu.dma_semaphore, #tpu.memory_space<semaphore_mem>>
        tpu.enqueue_dma source(%arg7 : memref<192xi32, #tpu.memory_space<vmem>>) target(%arg4 : memref<192xi32, #tpu.memory_space<hbm>>) target_semaphore(%run_scoped3A : memref<!tpu.dma_semaphore, #tpu.memory_space<semaphore_mem>>)
        tpu.wait_dma2 semaphore(%run_scoped3A : memref<!tpu.dma_semaphore, #tpu.memory_space<semaphore_mem>>) src(%arg7 : memref<192xi32, #tpu.memory_space<vmem>>) dst(%arg4 : memref<192xi32, #tpu.memory_space<hbm>>)
        tpu.yield
      }) : () -> ()
      "tpu.region"() ({
        %run_scoped3A = tpu.sem_alloc : memref<!tpu.dma_semaphore, #tpu.memory_space<semaphore_mem>>
        tpu.enqueue_dma source(%arg3 : memref<192xf32, #tpu.memory_space<hbm>>) target(%arg6 : memref<192xf32, #tpu.memory_space<vmem>>) target_semaphore(%run_scoped3A : memref<!tpu.dma_semaphore, #tpu.memory_space<semaphore_mem>>)
        tpu.wait_dma2 semaphore(%run_scoped3A : memref<!tpu.dma_semaphore, #tpu.memory_space<semaphore_mem>>) src(%arg3 : memref<192xf32, #tpu.memory_space<hbm>>) dst(%arg6 : memref<192xf32, #tpu.memory_space<vmem>>)
        tpu.yield
      }) : () -> ()
      %get3A_145 = arith.constant 0 : index
      %get3A_146 = tpu.vector_load %arg6[%get3A_145] {strides = array<i32>} : memref<192xf32, #tpu.memory_space<vmem>>, vector<16xf32>,
      %get3A_147 = vector.shape_cast %get3A_146 : vector<16xf32> to vector<16xf32>
      %abs3A_148 = math.absf %get3A_147 : vector<16xf32>
      %ge3A_149 = arith.constant 5.000000e-01 : f32
      %ge3A_150 = vector.broadcast %ge3A_149 : f32 to vector<16xf32>
      %ge3A_151 = arith.cmpf oge, %abs3A_148, %ge3A_150 : vector<16xf32>
      %select_n3A_152 = arith.select %ge3A_151, %broadcast_in_dim3A_5, %broadcast_in_dim3A_3 : vector<16xi1>, vector<16xi32>
      %swap3A_153 = arith.constant 0 : index
      %swap3A_154 = tpu.vector_load %arg7[%swap3A_153] {strides = array<i32>} : memref<192xi32, #tpu.memory_space<vmem>>, vector<16xi32>,
      %swap3A_155 = vector.shape_cast %swap3A_154 : vector<16xi32> to vector<16xi32>
      %swap3A_156 = vector.shape_cast %select_n3A_152 : vector<16xi32> to vector<16xi32>
      tpu.vector_store %arg7[%swap3A_153], %swap3A_156 {strides = array<i32>} : memref<192xi32, #tpu.memory_space<vmem>>, vector<16xi32>,
      %get3A_157 = arith.constant 16 : index
      %get3A_158 = tpu.vector_load %arg6[%get3A_157] {strides = array<i32>} : memref<192xf32, #tpu.memory_space<vmem>>, vector<16xf32>,
      %get3A_159 = vector.shape_cast %get3A_158 : vector<16xf32> to vector<16xf32>
      %abs3A_160 = math.absf %get3A_159 : vector<16xf32>
      %ge3A_161 = arith.constant 5.000000e-01 : f32
      %ge3A_162 = vector.broadcast %ge3A_161 : f32 to vector<16xf32>
      %ge3A_163 = arith.cmpf oge, %abs3A_160, %ge3A_162 : vector<16xf32>
      %select_n3A_164 = arith.select %ge3A_163, %broadcast_in_dim3A_5, %broadcast_in_dim3A_3 : vector<16xi1>, vector<16xi32>
      %swap3A_165 = arith.constant 16 : index
      %swap3A_166 = tpu.vector_load %arg7[%swap3A_165] {strides = array<i32>} : memref<192xi32, #tpu.memory_space<vmem>>, vector<16xi32>,
      %swap3A_167 = vector.shape_cast %swap3A_166 : vector<16xi32> to vector<16xi32>
      %swap3A_168 = vector.shape_cast %select_n3A_164 : vector<16xi32> to vector<16xi32>
      tpu.vector_store %arg7[%swap3A_165], %swap3A_168 {strides = array<i32>} : memref<192xi32, #tpu.memory_space<vmem>>, vector<16xi32>,
      %get3A_169 = arith.constant 32 : index
      %get3A_170 = tpu.vector_load %arg6[%get3A_169] {strides = array<i32>} : memref<192xf32, #tpu.memory_space<vmem>>, vector<16xf32>,
      %get3A_171 = vector.shape_cast %get3A_170 : vector<16xf32> to vector<16xf32>
      %abs3A_172 = math.absf %get3A_171 : vector<16xf32>
      %ge3A_173 = arith.constant 5.000000e-01 : f32
      %ge3A_174 = vector.broadcast %ge3A_173 : f32 to vector<16xf32>
      %ge3A_175 = arith.cmpf oge, %abs3A_172, %ge3A_174 : vector<16xf32>
      %select_n3A_176 = arith.select %ge3A_175, %broadcast_in_dim3A_5, %broadcast_in_dim3A_3 : vector<16xi1>, vector<16xi32>
      %swap3A_177 = arith.constant 32 : index
      %swap3A_178 = tpu.vector_load %arg7[%swap3A_177] {strides = array<i32>} : memref<192xi32, #tpu.memory_space<vmem>>, vector<16xi32>,
      %swap3A_179 = vector.shape_cast %swap3A_178 : vector<16xi32> to vector<16xi32>
      %swap3A_180 = vector.shape_cast %select_n3A_176 : vector<16xi32> to vector<16xi32>
      tpu.vector_store %arg7[%swap3A_177], %swap3A_180 {strides = array<i32>} : memref<192xi32, #tpu.memory_space<vmem>>, vector<16xi32>,
      %get3A_181 = arith.constant 48 : index
      %get3A_182 = tpu.vector_load %arg6[%get3A_181] {strides = array<i32>} : memref<192xf32, #tpu.memory_space<vmem>>, vector<16xf32>,
      %get3A_183 = vector.shape_cast %get3A_182 : vector<16xf32> to vector<16xf32>
      %abs3A_184 = math.absf %get3A_183 : vector<16xf32>
      %ge3A_185 = arith.constant 5.000000e-01 : f32
      %ge3A_186 = vector.broadcast %ge3A_185 : f32 to vector<16xf32>
      %ge3A_187 = arith.cmpf oge, %abs3A_184, %ge3A_186 : vector<16xf32>
      %select_n3A_188 = arith.select %ge3A_187, %broadcast_in_dim3A_5, %broadcast_in_dim3A_3 : vector<16xi1>, vector<16xi32>
      %swap3A_189 = arith.constant 48 : index
      %swap3A_190 = tpu.vector_load %arg7[%swap3A_189] {strides = array<i32>} : memref<192xi32, #tpu.memory_space<vmem>>, vector<16xi32>,
      %swap3A_191 = vector.shape_cast %swap3A_190 : vector<16xi32> to vector<16xi32>
      %swap3A_192 = vector.shape_cast %select_n3A_188 : vector<16xi32> to vector<16xi32>
      tpu.vector_store %arg7[%swap3A_189], %swap3A_192 {strides = array<i32>} : memref<192xi32, #tpu.memory_space<vmem>>, vector<16xi32>,
      %get3A_193 = arith.constant 64 : index
      %get3A_194 = tpu.vector_load %arg6[%get3A_193] {strides = array<i32>} : memref<192xf32, #tpu.memory_space<vmem>>, vector<16xf32>,
      %get3A_195 = vector.shape_cast %get3A_194 : vector<16xf32> to vector<16xf32>
      %abs3A_196 = math.absf %get3A_195 : vector<16xf32>
      %ge3A_197 = arith.constant 5.000000e-01 : f32
      %ge3A_198 = vector.broadcast %ge3A_197 : f32 to vector<16xf32>
      %ge3A_199 = arith.cmpf oge, %abs3A_196, %ge3A_198 : vector<16xf32>
      %select_n3A_200 = arith.select %ge3A_199, %broadcast_in_dim3A_5, %broadcast_in_dim3A_3 : vector<16xi1>, vector<16xi32>
      %swap3A_201 = arith.constant 64 : index
      %swap3A_202 = tpu.vector_load %arg7[%swap3A_201] {strides = array<i32>} : memref<192xi32, #tpu.memory_space<vmem>>, vector<16xi32>,
      %swap3A_203 = vector.shape_cast %swap3A_202 : vector<16xi32> to vector<16xi32>
      %swap3A_204 = vector.shape_cast %select_n3A_200 : vector<16xi32> to vector<16xi32>
      tpu.vector_store %arg7[%swap3A_201], %swap3A_204 {strides = array<i32>} : memref<192xi32, #tpu.memory_space<vmem>>, vector<16xi32>,
      %get3A_205 = arith.constant 80 : index
      %get3A_206 = tpu.vector_load %arg6[%get3A_205] {strides = array<i32>} : memref<192xf32, #tpu.memory_space<vmem>>, vector<16xf32>,
      %get3A_207 = vector.shape_cast %get3A_206 : vector<16xf32> to vector<16xf32>
      %abs3A_208 = math.absf %get3A_207 : vector<16xf32>
      %ge3A_209 = arith.constant 5.000000e-01 : f32
      %ge3A_210 = vector.broadcast %ge3A_209 : f32 to vector<16xf32>
      %ge3A_211 = arith.cmpf oge, %abs3A_208, %ge3A_210 : vector<16xf32>
      %select_n3A_212 = arith.select %ge3A_211, %broadcast_in_dim3A_5, %broadcast_in_dim3A_3 : vector<16xi1>, vector<16xi32>
      %swap3A_213 = arith.constant 80 : index
      %swap3A_214 = tpu.vector_load %arg7[%swap3A_213] {strides = array<i32>} : memref<192xi32, #tpu.memory_space<vmem>>, vector<16xi32>,
      %swap3A_215 = vector.shape_cast %swap3A_214 : vector<16xi32> to vector<16xi32>
      %swap3A_216 = vector.shape_cast %select_n3A_212 : vector<16xi32> to vector<16xi32>
      tpu.vector_store %arg7[%swap3A_213], %swap3A_216 {strides = array<i32>} : memref<192xi32, #tpu.memory_space<vmem>>, vector<16xi32>,
      %get3A_217 = arith.constant 96 : index
      %get3A_218 = tpu.vector_load %arg6[%get3A_217] {strides = array<i32>} : memref<192xf32, #tpu.memory_space<vmem>>, vector<16xf32>,
      %get3A_219 = vector.shape_cast %get3A_218 : vector<16xf32> to vector<16xf32>
      %abs3A_220 = math.absf %get3A_219 : vector<16xf32>
      %ge3A_221 = arith.constant 5.000000e-01 : f32
      %ge3A_222 = vector.broadcast %ge3A_221 : f32 to vector<16xf32>
      %ge3A_223 = arith.cmpf oge, %abs3A_220, %ge3A_222 : vector<16xf32>
      %select_n3A_224 = arith.select %ge3A_223, %broadcast_in_dim3A_5, %broadcast_in_dim3A_3 : vector<16xi1>, vector<16xi32>
      %swap3A_225 = arith.constant 96 : index
      %swap3A_226 = tpu.vector_load %arg7[%swap3A_225] {strides = array<i32>} : memref<192xi32, #tpu.memory_space<vmem>>, vector<16xi32>,
      %swap3A_227 = vector.shape_cast %swap3A_226 : vector<16xi32> to vector<16xi32>
      %swap3A_228 = vector.shape_cast %select_n3A_224 : vector<16xi32> to vector<16xi32>
      tpu.vector_store %arg7[%swap3A_225], %swap3A_228 {strides = array<i32>} : memref<192xi32, #tpu.memory_space<vmem>>, vector<16xi32>,
      %get3A_229 = arith.constant 112 : index
      %get3A_230 = tpu.vector_load %arg6[%get3A_229] {strides = array<i32>} : memref<192xf32, #tpu.memory_space<vmem>>, vector<16xf32>,
      %get3A_231 = vector.shape_cast %get3A_230 : vector<16xf32> to vector<16xf32>
      %abs3A_232 = math.absf %get3A_231 : vector<16xf32>
      %ge3A_233 = arith.constant 5.000000e-01 : f32
      %ge3A_234 = vector.broadcast %ge3A_233 : f32 to vector<16xf32>
      %ge3A_235 = arith.cmpf oge, %abs3A_232, %ge3A_234 : vector<16xf32>
      %select_n3A_236 = arith.select %ge3A_235, %broadcast_in_dim3A_5, %broadcast_in_dim3A_3 : vector<16xi1>, vector<16xi32>
      %swap3A_237 = arith.constant 112 : index
      %swap3A_238 = tpu.vector_load %arg7[%swap3A_237] {strides = array<i32>} : memref<192xi32, #tpu.memory_space<vmem>>, vector<16xi32>,
      %swap3A_239 = vector.shape_cast %swap3A_238 : vector<16xi32> to vector<16xi32>
      %swap3A_240 = vector.shape_cast %select_n3A_236 : vector<16xi32> to vector<16xi32>
      tpu.vector_store %arg7[%swap3A_237], %swap3A_240 {strides = array<i32>} : memref<192xi32, #tpu.memory_space<vmem>>, vector<16xi32>,
      %get3A_241 = arith.constant 128 : index
      %get3A_242 = tpu.vector_load %arg6[%get3A_241] {strides = array<i32>} : memref<192xf32, #tpu.memory_space<vmem>>, vector<16xf32>,
      %get3A_243 = vector.shape_cast %get3A_242 : vector<16xf32> to vector<16xf32>
      %abs3A_244 = math.absf %get3A_243 : vector<16xf32>
      %ge3A_245 = arith.constant 5.000000e-01 : f32
      %ge3A_246 = vector.broadcast %ge3A_245 : f32 to vector<16xf32>
      %ge3A_247 = arith.cmpf oge, %abs3A_244, %ge3A_246 : vector<16xf32>
      %select_n3A_248 = arith.select %ge3A_247, %broadcast_in_dim3A_5, %broadcast_in_dim3A_3 : vector<16xi1>, vector<16xi32>
      %swap3A_249 = arith.constant 128 : index
      %swap3A_250 = tpu.vector_load %arg7[%swap3A_249] {strides = array<i32>} : memref<192xi32, #tpu.memory_space<vmem>>, vector<16xi32>,
      %swap3A_251 = vector.shape_cast %swap3A_250 : vector<16xi32> to vector<16xi32>
      %swap3A_252 = vector.shape_cast %select_n3A_248 : vector<16xi32> to vector<16xi32>
      tpu.vector_store %arg7[%swap3A_249], %swap3A_252 {strides = array<i32>} : memref<192xi32, #tpu.memory_space<vmem>>, vector<16xi32>,
      %get3A_253 = arith.constant 144 : index
      %get3A_254 = tpu.vector_load %arg6[%get3A_253] {strides = array<i32>} : memref<192xf32, #tpu.memory_space<vmem>>, vector<16xf32>,
      %get3A_255 = vector.shape_cast %get3A_254 : vector<16xf32> to vector<16xf32>
      %abs3A_256 = math.absf %get3A_255 : vector<16xf32>
      %ge3A_257 = arith.constant 5.000000e-01 : f32
      %ge3A_258 = vector.broadcast %ge3A_257 : f32 to vector<16xf32>
      %ge3A_259 = arith.cmpf oge, %abs3A_256, %ge3A_258 : vector<16xf32>
      %select_n3A_260 = arith.select %ge3A_259, %broadcast_in_dim3A_5, %broadcast_in_dim3A_3 : vector<16xi1>, vector<16xi32>
      %swap3A_261 = arith.constant 144 : index
      %swap3A_262 = tpu.vector_load %arg7[%swap3A_261] {strides = array<i32>} : memref<192xi32, #tpu.memory_space<vmem>>, vector<16xi32>,
      %swap3A_263 = vector.shape_cast %swap3A_262 : vector<16xi32> to vector<16xi32>
      %swap3A_264 = vector.shape_cast %select_n3A_260 : vector<16xi32> to vector<16xi32>
      tpu.vector_store %arg7[%swap3A_261], %swap3A_264 {strides = array<i32>} : memref<192xi32, #tpu.memory_space<vmem>>, vector<16xi32>,
      %get3A_265 = arith.constant 160 : index
      %get3A_266 = tpu.vector_load %arg6[%get3A_265] {strides = array<i32>} : memref<192xf32, #tpu.memory_space<vmem>>, vector<16xf32>,
      %get3A_267 = vector.shape_cast %get3A_266 : vector<16xf32> to vector<16xf32>
      %abs3A_268 = math.absf %get3A_267 : vector<16xf32>
      %ge3A_269 = arith.constant 5.000000e-01 : f32
      %ge3A_270 = vector.broadcast %ge3A_269 : f32 to vector<16xf32>
      %ge3A_271 = arith.cmpf oge, %abs3A_268, %ge3A_270 : vector<16xf32>
      %select_n3A_272 = arith.select %ge3A_271, %broadcast_in_dim3A_5, %broadcast_in_dim3A_3 : vector<16xi1>, vector<16xi32>
      %swap3A_273 = arith.constant 160 : index
      %swap3A_274 = tpu.vector_load %arg7[%swap3A_273] {strides = array<i32>} : memref<192xi32, #tpu.memory_space<vmem>>, vector<16xi32>,
      %swap3A_275 = vector.shape_cast %swap3A_274 : vector<16xi32> to vector<16xi32>
      %swap3A_276 = vector.shape_cast %select_n3A_272 : vector<16xi32> to vector<16xi32>
      tpu.vector_store %arg7[%swap3A_273], %swap3A_276 {strides = array<i32>} : memref<192xi32, #tpu.memory_space<vmem>>, vector<16xi32>,
      %get3A_277 = arith.constant 176 : index
      %get3A_278 = tpu.vector_load %arg6[%get3A_277] {strides = array<i32>} : memref<192xf32, #tpu.memory_space<vmem>>, vector<16xf32>,
      %get3A_279 = vector.shape_cast %get3A_278 : vector<16xf32> to vector<16xf32>
      %abs3A_280 = math.absf %get3A_279 : vector<16xf32>
      %ge3A_281 = arith.constant 5.000000e-01 : f32
      %ge3A_282 = vector.broadcast %ge3A_281 : f32 to vector<16xf32>
      %ge3A_283 = arith.cmpf oge, %abs3A_280, %ge3A_282 : vector<16xf32>
      %select_n3A_284 = arith.select %ge3A_283, %broadcast_in_dim3A_5, %broadcast_in_dim3A_3 : vector<16xi1>, vector<16xi32>
      %swap3A_285 = arith.constant 176 : index
      %swap3A_286 = tpu.vector_load %arg7[%swap3A_285] {strides = array<i32>} : memref<192xi32, #tpu.memory_space<vmem>>, vector<16xi32>,
      %swap3A_287 = vector.shape_cast %swap3A_286 : vector<16xi32> to vector<16xi32>
      %swap3A_288 = vector.shape_cast %select_n3A_284 : vector<16xi32> to vector<16xi32>
      tpu.vector_store %arg7[%swap3A_285], %swap3A_288 {strides = array<i32>} : memref<192xi32, #tpu.memory_space<vmem>>, vector<16xi32>,
      "tpu.region"() ({
        %run_scoped3A = tpu.sem_alloc : memref<!tpu.dma_semaphore, #tpu.memory_space<semaphore_mem>>
        tpu.enqueue_dma source(%arg7 : memref<192xi32, #tpu.memory_space<vmem>>) target(%arg5 : memref<192xi32, #tpu.memory_space<hbm>>) target_semaphore(%run_scoped3A : memref<!tpu.dma_semaphore, #tpu.memory_space<semaphore_mem>>)
        tpu.wait_dma2 semaphore(%run_scoped3A : memref<!tpu.dma_semaphore, #tpu.memory_space<semaphore_mem>>) src(%arg7 : memref<192xi32, #tpu.memory_space<vmem>>) dst(%arg5 : memref<192xi32, #tpu.memory_space<hbm>>)
        tpu.yield
      }) : () -> ()
    } else {
    }
    return
  }
}

module attributes {stable_mosaic.version = 14 : i64} {
  func.func @_copy_body(%arg0: memref<8x192x128x128xf32, #tpu.memory_space<any>>, %arg1: memref<8x192x128x128xf32, #tpu.memory_space<any>>, %arg2: memref<192xi32, #tpu.memory_space<smem>>, %arg3: memref<192xi32, #tpu.memory_space<smem>>, %arg4: memref<8x192x128x128xf32, #tpu.memory_space<any>>, %arg5: memref<8x192x128x128xf32, #tpu.memory_space<any>>, %arg6: memref<8x128x128xf32, #tpu.memory_space<vmem>>, %arg7: memref<8x128x128xf32, #tpu.memory_space<vmem>>, %arg8: memref<8x128x128xf32, #tpu.memory_space<vmem>>, %arg9: memref<8x128x128xf32, #tpu.memory_space<vmem>>, %arg10: memref<8x128x128xf32, #tpu.memory_space<vmem>>, %arg11: memref<8x128x128xf32, #tpu.memory_space<vmem>>, %arg12: memref<8x128x128xf32, #tpu.memory_space<vmem>>, %arg13: memref<8x128x128xf32, #tpu.memory_space<vmem>>, %arg14: memref<8x128x128xf32, #tpu.memory_space<vmem>>, %arg15: memref<8x128x128xf32, #tpu.memory_space<vmem>>, %arg16: memref<8x128x128xf32, #tpu.memory_space<vmem>>, %arg17: memref<8x128x128xf32, #tpu.memory_space<vmem>>, %arg18: memref<8x128x128xf32, #tpu.memory_space<vmem>>, %arg19: memref<8x128x128xf32, #tpu.memory_space<vmem>>, %arg20: memref<8x128x128xf32, #tpu.memory_space<vmem>>, %arg21: memref<8x128x128xf32, #tpu.memory_space<vmem>>, %arg22: memref<8x128x128xf32, #tpu.memory_space<vmem>>, %arg23: memref<8x128x128xf32, #tpu.memory_space<vmem>>, %arg24: memref<8x128x128xf32, #tpu.memory_space<vmem>>, %arg25: memref<8x128x128xf32, #tpu.memory_space<vmem>>, %arg26: memref<8x128x128xf32, #tpu.memory_space<vmem>>, %arg27: memref<8x128x128xf32, #tpu.memory_space<vmem>>, %arg28: memref<8x128x128xf32, #tpu.memory_space<vmem>>, %arg29: memref<8x128x128xf32, #tpu.memory_space<vmem>>, %arg30: memref<8x128x128xf32, #tpu.memory_space<vmem>>, %arg31: memref<8x128x128xf32, #tpu.memory_space<vmem>>, %arg32: memref<8x128x128xf32, #tpu.memory_space<vmem>>, %arg33: memref<8x128x128xf32, #tpu.memory_space<vmem>>, %arg34: memref<8x128x128xf32, #tpu.memory_space<vmem>>, %arg35: memref<8x128x128xf32, #tpu.memory_space<vmem>>, %arg36: memref<8x128x128xf32, #tpu.memory_space<vmem>>, %arg37: memref<8x128x128xf32, #tpu.memory_space<vmem>>, %arg38: memref<8x128x128xf32, #tpu.memory_space<vmem>>, %arg39: memref<8x128x128xf32, #tpu.memory_space<vmem>>, %arg40: memref<8x128x128xf32, #tpu.memory_space<vmem>>, %arg41: memref<8x128x128xf32, #tpu.memory_space<vmem>>, %arg42: memref<8x128x128xf32, #tpu.memory_space<vmem>>, %arg43: memref<8x128x128xf32, #tpu.memory_space<vmem>>, %arg44: memref<8x128x128xf32, #tpu.memory_space<vmem>>, %arg45: memref<8x128x128xf32, #tpu.memory_space<vmem>>, %arg46: memref<8x128x128xf32, #tpu.memory_space<vmem>>, %arg47: memref<8x128x128xf32, #tpu.memory_space<vmem>>, %arg48: memref<8x128x128xf32, #tpu.memory_space<vmem>>, %arg49: memref<8x128x128xf32, #tpu.memory_space<vmem>>, %arg50: memref<8x128x128xf32, #tpu.memory_space<vmem>>, %arg51: memref<8x128x128xf32, #tpu.memory_space<vmem>>, %arg52: memref<8x128x128xf32, #tpu.memory_space<vmem>>, %arg53: memref<8x128x128xf32, #tpu.memory_space<vmem>>, %arg54: memref<!tpu.dma_semaphore, #tpu.memory_space<semaphore_mem>>, %arg55: memref<!tpu.dma_semaphore, #tpu.memory_space<semaphore_mem>>, %arg56: memref<!tpu.dma_semaphore, #tpu.memory_space<semaphore_mem>>, %arg57: memref<!tpu.dma_semaphore, #tpu.memory_space<semaphore_mem>>, %arg58: memref<!tpu.dma_semaphore, #tpu.memory_space<semaphore_mem>>, %arg59: memref<!tpu.dma_semaphore, #tpu.memory_space<semaphore_mem>>, %arg60: memref<!tpu.dma_semaphore, #tpu.memory_space<semaphore_mem>>, %arg61: memref<!tpu.dma_semaphore, #tpu.memory_space<semaphore_mem>>, %arg62: memref<!tpu.dma_semaphore, #tpu.memory_space<semaphore_mem>>, %arg63: memref<!tpu.dma_semaphore, #tpu.memory_space<semaphore_mem>>, %arg64: memref<!tpu.dma_semaphore, #tpu.memory_space<semaphore_mem>>, %arg65: memref<!tpu.dma_semaphore, #tpu.memory_space<semaphore_mem>>, %arg66: memref<!tpu.dma_semaphore, #tpu.memory_space<semaphore_mem>>, %arg67: memref<!tpu.dma_semaphore, #tpu.memory_space<semaphore_mem>>, %arg68: memref<!tpu.dma_semaphore, #tpu.memory_space<semaphore_mem>>, %arg69: memref<!tpu.dma_semaphore, #tpu.memory_space<semaphore_mem>>, %arg70: memref<!tpu.dma_semaphore, #tpu.memory_space<semaphore_mem>>, %arg71: memref<!tpu.dma_semaphore, #tpu.memory_space<semaphore_mem>>, %arg72: memref<!tpu.dma_semaphore, #tpu.memory_space<semaphore_mem>>, %arg73: memref<!tpu.dma_semaphore, #tpu.memory_space<semaphore_mem>>, %arg74: memref<!tpu.dma_semaphore, #tpu.memory_space<semaphore_mem>>, %arg75: memref<!tpu.dma_semaphore, #tpu.memory_space<semaphore_mem>>, %arg76: memref<!tpu.dma_semaphore, #tpu.memory_space<semaphore_mem>>, %arg77: memref<!tpu.dma_semaphore, #tpu.memory_space<semaphore_mem>>, %arg78: memref<!tpu.dma_semaphore, #tpu.memory_space<semaphore_mem>>, %arg79: memref<!tpu.dma_semaphore, #tpu.memory_space<semaphore_mem>>, %arg80: memref<!tpu.dma_semaphore, #tpu.memory_space<semaphore_mem>>, %arg81: memref<!tpu.dma_semaphore, #tpu.memory_space<semaphore_mem>>, %arg82: memref<!tpu.dma_semaphore, #tpu.memory_space<semaphore_mem>>, %arg83: memref<!tpu.dma_semaphore, #tpu.memory_space<semaphore_mem>>, %arg84: memref<!tpu.dma_semaphore, #tpu.memory_space<semaphore_mem>>, %arg85: memref<!tpu.dma_semaphore, #tpu.memory_space<semaphore_mem>>, %arg86: memref<!tpu.dma_semaphore, #tpu.memory_space<semaphore_mem>>, %arg87: memref<!tpu.dma_semaphore, #tpu.memory_space<semaphore_mem>>, %arg88: memref<!tpu.dma_semaphore, #tpu.memory_space<semaphore_mem>>, %arg89: memref<!tpu.dma_semaphore, #tpu.memory_space<semaphore_mem>>, %arg90: memref<!tpu.dma_semaphore, #tpu.memory_space<semaphore_mem>>, %arg91: memref<!tpu.dma_semaphore, #tpu.memory_space<semaphore_mem>>, %arg92: memref<!tpu.dma_semaphore, #tpu.memory_space<semaphore_mem>>, %arg93: memref<!tpu.dma_semaphore, #tpu.memory_space<semaphore_mem>>, %arg94: memref<!tpu.dma_semaphore, #tpu.memory_space<semaphore_mem>>, %arg95: memref<!tpu.dma_semaphore, #tpu.memory_space<semaphore_mem>>, %arg96: memref<!tpu.dma_semaphore, #tpu.memory_space<semaphore_mem>>, %arg97: memref<!tpu.dma_semaphore, #tpu.memory_space<semaphore_mem>>, %arg98: memref<!tpu.dma_semaphore, #tpu.memory_space<semaphore_mem>>, %arg99: memref<!tpu.dma_semaphore, #tpu.memory_space<semaphore_mem>>, %arg100: memref<!tpu.dma_semaphore, #tpu.memory_space<semaphore_mem>>, %arg101: memref<!tpu.dma_semaphore, #tpu.memory_space<semaphore_mem>>, %arg102: memref<!tpu.dma_semaphore, #tpu.memory_space<semaphore_mem>>, %arg103: memref<!tpu.dma_semaphore, #tpu.memory_space<semaphore_mem>>, %arg104: memref<!tpu.dma_semaphore, #tpu.memory_space<semaphore_mem>>, %arg105: memref<!tpu.dma_semaphore, #tpu.memory_space<semaphore_mem>>, %arg106: memref<!tpu.dma_semaphore, #tpu.memory_space<semaphore_mem>>, %arg107: memref<!tpu.dma_semaphore, #tpu.memory_space<semaphore_mem>>, %arg108: memref<!tpu.dma_semaphore, #tpu.memory_space<semaphore_mem>>, %arg109: memref<!tpu.dma_semaphore, #tpu.memory_space<semaphore_mem>>, %arg110: memref<!tpu.dma_semaphore, #tpu.memory_space<semaphore_mem>>, %arg111: memref<!tpu.dma_semaphore, #tpu.memory_space<semaphore_mem>>, %arg112: memref<!tpu.dma_semaphore, #tpu.memory_space<semaphore_mem>>, %arg113: memref<!tpu.dma_semaphore, #tpu.memory_space<semaphore_mem>>, %arg114: memref<!tpu.dma_semaphore, #tpu.memory_space<semaphore_mem>>, %arg115: memref<!tpu.dma_semaphore, #tpu.memory_space<semaphore_mem>>, %arg116: memref<!tpu.dma_semaphore, #tpu.memory_space<semaphore_mem>>, %arg117: memref<!tpu.dma_semaphore, #tpu.memory_space<semaphore_mem>>, %arg118: memref<!tpu.dma_semaphore, #tpu.memory_space<semaphore_mem>>, %arg119: memref<!tpu.dma_semaphore, #tpu.memory_space<semaphore_mem>>, %arg120: memref<!tpu.dma_semaphore, #tpu.memory_space<semaphore_mem>>, %arg121: memref<!tpu.dma_semaphore, #tpu.memory_space<semaphore_mem>>, %arg122: memref<!tpu.dma_semaphore, #tpu.memory_space<semaphore_mem>>, %arg123: memref<!tpu.dma_semaphore, #tpu.memory_space<semaphore_mem>>, %arg124: memref<!tpu.dma_semaphore, #tpu.memory_space<semaphore_mem>>, %arg125: memref<!tpu.dma_semaphore, #tpu.memory_space<semaphore_mem>>, %arg126: memref<!tpu.dma_semaphore, #tpu.memory_space<semaphore_mem>>, %arg127: memref<!tpu.dma_semaphore, #tpu.memory_space<semaphore_mem>>, %arg128: memref<!tpu.dma_semaphore, #tpu.memory_space<semaphore_mem>>, %arg129: memref<!tpu.dma_semaphore, #tpu.memory_space<semaphore_mem>>, %arg130: memref<!tpu.dma_semaphore, #tpu.memory_space<semaphore_mem>>, %arg131: memref<!tpu.dma_semaphore, #tpu.memory_space<semaphore_mem>>, %arg132: memref<!tpu.dma_semaphore, #tpu.memory_space<semaphore_mem>>, %arg133: memref<!tpu.dma_semaphore, #tpu.memory_space<semaphore_mem>>, %arg134: memref<!tpu.dma_semaphore, #tpu.memory_space<semaphore_mem>>, %arg135: memref<!tpu.dma_semaphore, #tpu.memory_space<semaphore_mem>>, %arg136: memref<!tpu.dma_semaphore, #tpu.memory_space<semaphore_mem>>, %arg137: memref<!tpu.dma_semaphore, #tpu.memory_space<semaphore_mem>>, %arg138: memref<!tpu.dma_semaphore, #tpu.memory_space<semaphore_mem>>, %arg139: memref<!tpu.dma_semaphore, #tpu.memory_space<semaphore_mem>>, %arg140: memref<!tpu.dma_semaphore, #tpu.memory_space<semaphore_mem>>, %arg141: memref<!tpu.dma_semaphore, #tpu.memory_space<semaphore_mem>>, %arg142: memref<!tpu.dma_semaphore, #tpu.memory_space<semaphore_mem>>, %arg143: memref<!tpu.dma_semaphore, #tpu.memory_space<semaphore_mem>>, %arg144: memref<!tpu.dma_semaphore, #tpu.memory_space<semaphore_mem>>, %arg145: memref<!tpu.dma_semaphore, #tpu.memory_space<semaphore_mem>>, %arg146: memref<!tpu.dma_semaphore, #tpu.memory_space<semaphore_mem>>, %arg147: memref<!tpu.dma_semaphore, #tpu.memory_space<semaphore_mem>>, %arg148: memref<!tpu.dma_semaphore, #tpu.memory_space<semaphore_mem>>, %arg149: memref<!tpu.dma_semaphore, #tpu.memory_space<semaphore_mem>>) attributes {dimension_semantics = [], scalar_prefetch = 0 : i64, scratch_operands = 144 : i64, tpu.core_type = #tpu.core_type<tc>} {
    %get3A = arith.constant 0 : index
    %get3A_0 = memref.load %arg2[%get3A] : memref<192xi32, #tpu.memory_space<smem>>
    %get3A_1 = arith.constant 0 : index
    %get3A_2 = memref.load %arg3[%get3A_1] : memref<192xi32, #tpu.memory_space<smem>>
    %ne3A = arith.cmpi ne, %get3A_0, %get3A_2 : i32
    %eq3A = arith.constant 1 : i32
    %eq3A_3 = arith.cmpi eq, %get3A_0, %eq3A : i32
    %convert_element_type3A = arith.extui %eq3A_3 : i1 to i32
    %cond3A = arith.constant 0 : i32
    %cond3A_4 = arith.cmpi ne, %convert_element_type3A, %cond3A : i32
    scf.if %cond3A_4 {
      %dma_start3A = arith.constant 0 : i32
      %dma_start3A_609 = arith.constant 0 : i32
      %dma_start3A_610 = arith.constant 0 : i32
      %dma_start3A_611 = arith.constant 0 : i32
      %dma_start3A_612 = tpu.memref_slice %arg0[%dma_start3A_609, %dma_start3A, %dma_start3A_610, %dma_start3A_611] : memref<8x192x128x128xf32, #tpu.memory_space<any>> -> memref<8x1x128x128xf32, #tpu.memory_space<any>>
      %dma_start3A_613 = tpu.memref_squeeze %dma_start3A_612 : memref<8x1x128x128xf32, #tpu.memory_space<any>> -> memref<8x128x128xf32, #tpu.memory_space<any>>
      tpu.enqueue_dma source(%dma_start3A_613 : memref<8x128x128xf32, #tpu.memory_space<any>>) target(%arg6 : memref<8x128x128xf32, #tpu.memory_space<vmem>>) target_semaphore(%arg54 : memref<!tpu.dma_semaphore, #tpu.memory_space<semaphore_mem>>)
    } else {
    }
    %eq3A_5 = arith.constant 0 : i32
    %eq3A_6 = arith.cmpi eq, %get3A_0, %eq3A_5 : i32
    %convert_element_type3A_7 = arith.extui %eq3A_6 : i1 to i32
    %cond3A_8 = arith.constant 0 : i32
    %cond3A_9 = arith.cmpi ne, %convert_element_type3A_7, %cond3A_8 : i32
    scf.if %cond3A_9 {
      %dma_start3A = arith.constant 0 : i32
      %dma_start3A_609 = arith.constant 0 : i32
      %dma_start3A_610 = arith.constant 0 : i32
      %dma_start3A_611 = arith.constant 0 : i32
      %dma_start3A_612 = tpu.memref_slice %arg1[%dma_start3A_609, %dma_start3A, %dma_start3A_610, %dma_start3A_611] : memref<8x192x128x128xf32, #tpu.memory_space<any>> -> memref<8x1x128x128xf32, #tpu.memory_space<any>>
      %dma_start3A_613 = tpu.memref_squeeze %dma_start3A_612 : memref<8x1x128x128xf32, #tpu.memory_space<any>> -> memref<8x128x128xf32, #tpu.memory_space<any>>
      tpu.enqueue_dma source(%dma_start3A_613 : memref<8x128x128xf32, #tpu.memory_space<any>>) target(%arg6 : memref<8x128x128xf32, #tpu.memory_space<vmem>>) target_semaphore(%arg54 : memref<!tpu.dma_semaphore, #tpu.memory_space<semaphore_mem>>)
    } else {
    }
    %eq3A_10 = arith.constant 1 : i32
    %eq3A_11 = arith.cmpi eq, %get3A_2, %eq3A_10 : i32
    %and3A = arith.andi %ne3A, %eq3A_11 : i1
    %convert_element_type3A_12 = arith.extui %and3A : i1 to i32
    %cond3A_13 = arith.constant 0 : i32
    %cond3A_14 = arith.cmpi ne, %convert_element_type3A_12, %cond3A_13 : i32
    scf.if %cond3A_14 {
      %dma_start3A = arith.constant 0 : i32
      %dma_start3A_609 = arith.constant 0 : i32
      %dma_start3A_610 = arith.constant 0 : i32
      %dma_start3A_611 = arith.constant 0 : i32
      %dma_start3A_612 = tpu.memref_slice %arg0[%dma_start3A_609, %dma_start3A, %dma_start3A_610, %dma_start3A_611] : memref<8x192x128x128xf32, #tpu.memory_space<any>> -> memref<8x1x128x128xf32, #tpu.memory_space<any>>
      %dma_start3A_613 = tpu.memref_squeeze %dma_start3A_612 : memref<8x1x128x128xf32, #tpu.memory_space<any>> -> memref<8x128x128xf32, #tpu.memory_space<any>>
      tpu.enqueue_dma source(%dma_start3A_613 : memref<8x128x128xf32, #tpu.memory_space<any>>) target(%arg30 : memref<8x128x128xf32, #tpu.memory_space<vmem>>) target_semaphore(%arg78 : memref<!tpu.dma_semaphore, #tpu.memory_space<semaphore_mem>>)
    } else {
    }
    %eq3A_15 = arith.constant 0 : i32
    %eq3A_16 = arith.cmpi eq, %get3A_2, %eq3A_15 : i32
    %and3A_17 = arith.andi %ne3A, %eq3A_16 : i1
    %convert_element_type3A_18 = arith.extui %and3A_17 : i1 to i32
    %cond3A_19 = arith.constant 0 : i32
    %cond3A_20 = arith.cmpi ne, %convert_element_type3A_18, %cond3A_19 : i32
    scf.if %cond3A_20 {
      %dma_start3A = arith.constant 0 : i32
      %dma_start3A_609 = arith.constant 0 : i32
      %dma_start3A_610 = arith.constant 0 : i32
      %dma_start3A_611 = arith.constant 0 : i32
      %dma_start3A_612 = tpu.memref_slice %arg1[%dma_start3A_609, %dma_start3A, %dma_start3A_610, %dma_start3A_611] : memref<8x192x128x128xf32, #tpu.memory_space<any>> -> memref<8x1x128x128xf32, #tpu.memory_space<any>>
      %dma_start3A_613 = tpu.memref_squeeze %dma_start3A_612 : memref<8x1x128x128xf32, #tpu.memory_space<any>> -> memref<8x128x128xf32, #tpu.memory_space<any>>
      tpu.enqueue_dma source(%dma_start3A_613 : memref<8x128x128xf32, #tpu.memory_space<any>>) target(%arg30 : memref<8x128x128xf32, #tpu.memory_space<vmem>>) target_semaphore(%arg78 : memref<!tpu.dma_semaphore, #tpu.memory_space<semaphore_mem>>)
    } else {
    }
    %get3A_21 = arith.constant 1 : index
    %get3A_22 = memref.load %arg2[%get3A_21] : memref<192xi32, #tpu.memory_space<smem>>
    %get3A_23 = arith.constant 1 : index
    %get3A_24 = memref.load %arg3[%get3A_23] : memref<192xi32, #tpu.memory_space<smem>>
    %ne3A_25 = arith.cmpi ne, %get3A_22, %get3A_24 : i32
    %eq3A_26 = arith.constant 1 : i32
    %eq3A_27 = arith.cmpi eq, %get3A_22, %eq3A_26 : i32
    %convert_element_type3A_28 = arith.extui %eq3A_27 : i1 to i32
    %cond3A_29 = arith.constant 0 : i32
    %cond3A_30 = arith.cmpi ne, %convert_element_type3A_28, %cond3A_29 : i32
    scf.if %cond3A_30 {
      %dma_start3A = arith.constant 1 : i32
      %dma_start3A_609 = arith.constant 0 : i32
      %dma_start3A_610 = arith.constant 0 : i32
      %dma_start3A_611 = arith.constant 0 : i32
      %dma_start3A_612 = tpu.memref_slice %arg0[%dma_start3A_609, %dma_start3A, %dma_start3A_610, %dma_start3A_611] : memref<8x192x128x128xf32, #tpu.memory_space<any>> -> memref<8x1x128x128xf32, #tpu.memory_space<any>>
      %dma_start3A_613 = tpu.memref_squeeze %dma_start3A_612 : memref<8x1x128x128xf32, #tpu.memory_space<any>> -> memref<8x128x128xf32, #tpu.memory_space<any>>
      tpu.enqueue_dma source(%dma_start3A_613 : memref<8x128x128xf32, #tpu.memory_space<any>>) target(%arg7 : memref<8x128x128xf32, #tpu.memory_space<vmem>>) target_semaphore(%arg55 : memref<!tpu.dma_semaphore, #tpu.memory_space<semaphore_mem>>)
    } else {
    }
    %eq3A_31 = arith.constant 0 : i32
    %eq3A_32 = arith.cmpi eq, %get3A_22, %eq3A_31 : i32
    %convert_element_type3A_33 = arith.extui %eq3A_32 : i1 to i32
    %cond3A_34 = arith.constant 0 : i32
    %cond3A_35 = arith.cmpi ne, %convert_element_type3A_33, %cond3A_34 : i32
    scf.if %cond3A_35 {
      %dma_start3A = arith.constant 1 : i32
      %dma_start3A_609 = arith.constant 0 : i32
      %dma_start3A_610 = arith.constant 0 : i32
      %dma_start3A_611 = arith.constant 0 : i32
      %dma_start3A_612 = tpu.memref_slice %arg1[%dma_start3A_609, %dma_start3A, %dma_start3A_610, %dma_start3A_611] : memref<8x192x128x128xf32, #tpu.memory_space<any>> -> memref<8x1x128x128xf32, #tpu.memory_space<any>>
      %dma_start3A_613 = tpu.memref_squeeze %dma_start3A_612 : memref<8x1x128x128xf32, #tpu.memory_space<any>> -> memref<8x128x128xf32, #tpu.memory_space<any>>
      tpu.enqueue_dma source(%dma_start3A_613 : memref<8x128x128xf32, #tpu.memory_space<any>>) target(%arg7 : memref<8x128x128xf32, #tpu.memory_space<vmem>>) target_semaphore(%arg55 : memref<!tpu.dma_semaphore, #tpu.memory_space<semaphore_mem>>)
    } else {
    }
    %eq3A_36 = arith.constant 1 : i32
    %eq3A_37 = arith.cmpi eq, %get3A_24, %eq3A_36 : i32
    %and3A_38 = arith.andi %ne3A_25, %eq3A_37 : i1
    %convert_element_type3A_39 = arith.extui %and3A_38 : i1 to i32
    %cond3A_40 = arith.constant 0 : i32
    %cond3A_41 = arith.cmpi ne, %convert_element_type3A_39, %cond3A_40 : i32
    scf.if %cond3A_41 {
      %dma_start3A = arith.constant 1 : i32
      %dma_start3A_609 = arith.constant 0 : i32
      %dma_start3A_610 = arith.constant 0 : i32
      %dma_start3A_611 = arith.constant 0 : i32
      %dma_start3A_612 = tpu.memref_slice %arg0[%dma_start3A_609, %dma_start3A, %dma_start3A_610, %dma_start3A_611] : memref<8x192x128x128xf32, #tpu.memory_space<any>> -> memref<8x1x128x128xf32, #tpu.memory_space<any>>
      %dma_start3A_613 = tpu.memref_squeeze %dma_start3A_612 : memref<8x1x128x128xf32, #tpu.memory_space<any>> -> memref<8x128x128xf32, #tpu.memory_space<any>>
      tpu.enqueue_dma source(%dma_start3A_613 : memref<8x128x128xf32, #tpu.memory_space<any>>) target(%arg31 : memref<8x128x128xf32, #tpu.memory_space<vmem>>) target_semaphore(%arg79 : memref<!tpu.dma_semaphore, #tpu.memory_space<semaphore_mem>>)
    } else {
    }
    %eq3A_42 = arith.constant 0 : i32
    %eq3A_43 = arith.cmpi eq, %get3A_24, %eq3A_42 : i32
    %and3A_44 = arith.andi %ne3A_25, %eq3A_43 : i1
    %convert_element_type3A_45 = arith.extui %and3A_44 : i1 to i32
    %cond3A_46 = arith.constant 0 : i32
    %cond3A_47 = arith.cmpi ne, %convert_element_type3A_45, %cond3A_46 : i32
    scf.if %cond3A_47 {
      %dma_start3A = arith.constant 1 : i32
      %dma_start3A_609 = arith.constant 0 : i32
      %dma_start3A_610 = arith.constant 0 : i32
      %dma_start3A_611 = arith.constant 0 : i32
      %dma_start3A_612 = tpu.memref_slice %arg1[%dma_start3A_609, %dma_start3A, %dma_start3A_610, %dma_start3A_611] : memref<8x192x128x128xf32, #tpu.memory_space<any>> -> memref<8x1x128x128xf32, #tpu.memory_space<any>>
      %dma_start3A_613 = tpu.memref_squeeze %dma_start3A_612 : memref<8x1x128x128xf32, #tpu.memory_space<any>> -> memref<8x128x128xf32, #tpu.memory_space<any>>
      tpu.enqueue_dma source(%dma_start3A_613 : memref<8x128x128xf32, #tpu.memory_space<any>>) target(%arg31 : memref<8x128x128xf32, #tpu.memory_space<vmem>>) target_semaphore(%arg79 : memref<!tpu.dma_semaphore, #tpu.memory_space<semaphore_mem>>)
    } else {
    }
    %get3A_48 = arith.constant 2 : index
    %get3A_49 = memref.load %arg2[%get3A_48] : memref<192xi32, #tpu.memory_space<smem>>
    %get3A_50 = arith.constant 2 : index
    %get3A_51 = memref.load %arg3[%get3A_50] : memref<192xi32, #tpu.memory_space<smem>>
    %ne3A_52 = arith.cmpi ne, %get3A_49, %get3A_51 : i32
    %eq3A_53 = arith.constant 1 : i32
    %eq3A_54 = arith.cmpi eq, %get3A_49, %eq3A_53 : i32
    %convert_element_type3A_55 = arith.extui %eq3A_54 : i1 to i32
    %cond3A_56 = arith.constant 0 : i32
    %cond3A_57 = arith.cmpi ne, %convert_element_type3A_55, %cond3A_56 : i32
    scf.if %cond3A_57 {
      %dma_start3A = arith.constant 2 : i32
      %dma_start3A_609 = arith.constant 0 : i32
      %dma_start3A_610 = arith.constant 0 : i32
      %dma_start3A_611 = arith.constant 0 : i32
      %dma_start3A_612 = tpu.memref_slice %arg0[%dma_start3A_609, %dma_start3A, %dma_start3A_610, %dma_start3A_611] : memref<8x192x128x128xf32, #tpu.memory_space<any>> -> memref<8x1x128x128xf32, #tpu.memory_space<any>>
      %dma_start3A_613 = tpu.memref_squeeze %dma_start3A_612 : memref<8x1x128x128xf32, #tpu.memory_space<any>> -> memref<8x128x128xf32, #tpu.memory_space<any>>
      tpu.enqueue_dma source(%dma_start3A_613 : memref<8x128x128xf32, #tpu.memory_space<any>>) target(%arg8 : memref<8x128x128xf32, #tpu.memory_space<vmem>>) target_semaphore(%arg56 : memref<!tpu.dma_semaphore, #tpu.memory_space<semaphore_mem>>)
    } else {
    }
    %eq3A_58 = arith.constant 0 : i32
    %eq3A_59 = arith.cmpi eq, %get3A_49, %eq3A_58 : i32
    %convert_element_type3A_60 = arith.extui %eq3A_59 : i1 to i32
    %cond3A_61 = arith.constant 0 : i32
    %cond3A_62 = arith.cmpi ne, %convert_element_type3A_60, %cond3A_61 : i32
    scf.if %cond3A_62 {
      %dma_start3A = arith.constant 2 : i32
      %dma_start3A_609 = arith.constant 0 : i32
      %dma_start3A_610 = arith.constant 0 : i32
      %dma_start3A_611 = arith.constant 0 : i32
      %dma_start3A_612 = tpu.memref_slice %arg1[%dma_start3A_609, %dma_start3A, %dma_start3A_610, %dma_start3A_611] : memref<8x192x128x128xf32, #tpu.memory_space<any>> -> memref<8x1x128x128xf32, #tpu.memory_space<any>>
      %dma_start3A_613 = tpu.memref_squeeze %dma_start3A_612 : memref<8x1x128x128xf32, #tpu.memory_space<any>> -> memref<8x128x128xf32, #tpu.memory_space<any>>
      tpu.enqueue_dma source(%dma_start3A_613 : memref<8x128x128xf32, #tpu.memory_space<any>>) target(%arg8 : memref<8x128x128xf32, #tpu.memory_space<vmem>>) target_semaphore(%arg56 : memref<!tpu.dma_semaphore, #tpu.memory_space<semaphore_mem>>)
    } else {
    }
    %eq3A_63 = arith.constant 1 : i32
    %eq3A_64 = arith.cmpi eq, %get3A_51, %eq3A_63 : i32
    %and3A_65 = arith.andi %ne3A_52, %eq3A_64 : i1
    %convert_element_type3A_66 = arith.extui %and3A_65 : i1 to i32
    %cond3A_67 = arith.constant 0 : i32
    %cond3A_68 = arith.cmpi ne, %convert_element_type3A_66, %cond3A_67 : i32
    scf.if %cond3A_68 {
      %dma_start3A = arith.constant 2 : i32
      %dma_start3A_609 = arith.constant 0 : i32
      %dma_start3A_610 = arith.constant 0 : i32
      %dma_start3A_611 = arith.constant 0 : i32
      %dma_start3A_612 = tpu.memref_slice %arg0[%dma_start3A_609, %dma_start3A, %dma_start3A_610, %dma_start3A_611] : memref<8x192x128x128xf32, #tpu.memory_space<any>> -> memref<8x1x128x128xf32, #tpu.memory_space<any>>
      %dma_start3A_613 = tpu.memref_squeeze %dma_start3A_612 : memref<8x1x128x128xf32, #tpu.memory_space<any>> -> memref<8x128x128xf32, #tpu.memory_space<any>>
      tpu.enqueue_dma source(%dma_start3A_613 : memref<8x128x128xf32, #tpu.memory_space<any>>) target(%arg32 : memref<8x128x128xf32, #tpu.memory_space<vmem>>) target_semaphore(%arg80 : memref<!tpu.dma_semaphore, #tpu.memory_space<semaphore_mem>>)
    } else {
    }
    %eq3A_69 = arith.constant 0 : i32
    %eq3A_70 = arith.cmpi eq, %get3A_51, %eq3A_69 : i32
    %and3A_71 = arith.andi %ne3A_52, %eq3A_70 : i1
    %convert_element_type3A_72 = arith.extui %and3A_71 : i1 to i32
    %cond3A_73 = arith.constant 0 : i32
    %cond3A_74 = arith.cmpi ne, %convert_element_type3A_72, %cond3A_73 : i32
    scf.if %cond3A_74 {
      %dma_start3A = arith.constant 2 : i32
      %dma_start3A_609 = arith.constant 0 : i32
      %dma_start3A_610 = arith.constant 0 : i32
      %dma_start3A_611 = arith.constant 0 : i32
      %dma_start3A_612 = tpu.memref_slice %arg1[%dma_start3A_609, %dma_start3A, %dma_start3A_610, %dma_start3A_611] : memref<8x192x128x128xf32, #tpu.memory_space<any>> -> memref<8x1x128x128xf32, #tpu.memory_space<any>>
      %dma_start3A_613 = tpu.memref_squeeze %dma_start3A_612 : memref<8x1x128x128xf32, #tpu.memory_space<any>> -> memref<8x128x128xf32, #tpu.memory_space<any>>
      tpu.enqueue_dma source(%dma_start3A_613 : memref<8x128x128xf32, #tpu.memory_space<any>>) target(%arg32 : memref<8x128x128xf32, #tpu.memory_space<vmem>>) target_semaphore(%arg80 : memref<!tpu.dma_semaphore, #tpu.memory_space<semaphore_mem>>)
    } else {
    }
    %get3A_75 = arith.constant 3 : index
    %get3A_76 = memref.load %arg2[%get3A_75] : memref<192xi32, #tpu.memory_space<smem>>
    %get3A_77 = arith.constant 3 : index
    %get3A_78 = memref.load %arg3[%get3A_77] : memref<192xi32, #tpu.memory_space<smem>>
    %ne3A_79 = arith.cmpi ne, %get3A_76, %get3A_78 : i32
    %eq3A_80 = arith.constant 1 : i32
    %eq3A_81 = arith.cmpi eq, %get3A_76, %eq3A_80 : i32
    %convert_element_type3A_82 = arith.extui %eq3A_81 : i1 to i32
    %cond3A_83 = arith.constant 0 : i32
    %cond3A_84 = arith.cmpi ne, %convert_element_type3A_82, %cond3A_83 : i32
    scf.if %cond3A_84 {
      %dma_start3A = arith.constant 3 : i32
      %dma_start3A_609 = arith.constant 0 : i32
      %dma_start3A_610 = arith.constant 0 : i32
      %dma_start3A_611 = arith.constant 0 : i32
      %dma_start3A_612 = tpu.memref_slice %arg0[%dma_start3A_609, %dma_start3A, %dma_start3A_610, %dma_start3A_611] : memref<8x192x128x128xf32, #tpu.memory_space<any>> -> memref<8x1x128x128xf32, #tpu.memory_space<any>>
      %dma_start3A_613 = tpu.memref_squeeze %dma_start3A_612 : memref<8x1x128x128xf32, #tpu.memory_space<any>> -> memref<8x128x128xf32, #tpu.memory_space<any>>
      tpu.enqueue_dma source(%dma_start3A_613 : memref<8x128x128xf32, #tpu.memory_space<any>>) target(%arg9 : memref<8x128x128xf32, #tpu.memory_space<vmem>>) target_semaphore(%arg57 : memref<!tpu.dma_semaphore, #tpu.memory_space<semaphore_mem>>)
    } else {
    }
    %eq3A_85 = arith.constant 0 : i32
    %eq3A_86 = arith.cmpi eq, %get3A_76, %eq3A_85 : i32
    %convert_element_type3A_87 = arith.extui %eq3A_86 : i1 to i32
    %cond3A_88 = arith.constant 0 : i32
    %cond3A_89 = arith.cmpi ne, %convert_element_type3A_87, %cond3A_88 : i32
    scf.if %cond3A_89 {
      %dma_start3A = arith.constant 3 : i32
      %dma_start3A_609 = arith.constant 0 : i32
      %dma_start3A_610 = arith.constant 0 : i32
      %dma_start3A_611 = arith.constant 0 : i32
      %dma_start3A_612 = tpu.memref_slice %arg1[%dma_start3A_609, %dma_start3A, %dma_start3A_610, %dma_start3A_611] : memref<8x192x128x128xf32, #tpu.memory_space<any>> -> memref<8x1x128x128xf32, #tpu.memory_space<any>>
      %dma_start3A_613 = tpu.memref_squeeze %dma_start3A_612 : memref<8x1x128x128xf32, #tpu.memory_space<any>> -> memref<8x128x128xf32, #tpu.memory_space<any>>
      tpu.enqueue_dma source(%dma_start3A_613 : memref<8x128x128xf32, #tpu.memory_space<any>>) target(%arg9 : memref<8x128x128xf32, #tpu.memory_space<vmem>>) target_semaphore(%arg57 : memref<!tpu.dma_semaphore, #tpu.memory_space<semaphore_mem>>)
    } else {
    }
    %eq3A_90 = arith.constant 1 : i32
    %eq3A_91 = arith.cmpi eq, %get3A_78, %eq3A_90 : i32
    %and3A_92 = arith.andi %ne3A_79, %eq3A_91 : i1
    %convert_element_type3A_93 = arith.extui %and3A_92 : i1 to i32
    %cond3A_94 = arith.constant 0 : i32
    %cond3A_95 = arith.cmpi ne, %convert_element_type3A_93, %cond3A_94 : i32
    scf.if %cond3A_95 {
      %dma_start3A = arith.constant 3 : i32
      %dma_start3A_609 = arith.constant 0 : i32
      %dma_start3A_610 = arith.constant 0 : i32
      %dma_start3A_611 = arith.constant 0 : i32
      %dma_start3A_612 = tpu.memref_slice %arg0[%dma_start3A_609, %dma_start3A, %dma_start3A_610, %dma_start3A_611] : memref<8x192x128x128xf32, #tpu.memory_space<any>> -> memref<8x1x128x128xf32, #tpu.memory_space<any>>
      %dma_start3A_613 = tpu.memref_squeeze %dma_start3A_612 : memref<8x1x128x128xf32, #tpu.memory_space<any>> -> memref<8x128x128xf32, #tpu.memory_space<any>>
      tpu.enqueue_dma source(%dma_start3A_613 : memref<8x128x128xf32, #tpu.memory_space<any>>) target(%arg33 : memref<8x128x128xf32, #tpu.memory_space<vmem>>) target_semaphore(%arg81 : memref<!tpu.dma_semaphore, #tpu.memory_space<semaphore_mem>>)
    } else {
    }
    %eq3A_96 = arith.constant 0 : i32
    %eq3A_97 = arith.cmpi eq, %get3A_78, %eq3A_96 : i32
    %and3A_98 = arith.andi %ne3A_79, %eq3A_97 : i1
    %convert_element_type3A_99 = arith.extui %and3A_98 : i1 to i32
    %cond3A_100 = arith.constant 0 : i32
    %cond3A_101 = arith.cmpi ne, %convert_element_type3A_99, %cond3A_100 : i32
    scf.if %cond3A_101 {
      %dma_start3A = arith.constant 3 : i32
      %dma_start3A_609 = arith.constant 0 : i32
      %dma_start3A_610 = arith.constant 0 : i32
      %dma_start3A_611 = arith.constant 0 : i32
      %dma_start3A_612 = tpu.memref_slice %arg1[%dma_start3A_609, %dma_start3A, %dma_start3A_610, %dma_start3A_611] : memref<8x192x128x128xf32, #tpu.memory_space<any>> -> memref<8x1x128x128xf32, #tpu.memory_space<any>>
      %dma_start3A_613 = tpu.memref_squeeze %dma_start3A_612 : memref<8x1x128x128xf32, #tpu.memory_space<any>> -> memref<8x128x128xf32, #tpu.memory_space<any>>
      tpu.enqueue_dma source(%dma_start3A_613 : memref<8x128x128xf32, #tpu.memory_space<any>>) target(%arg33 : memref<8x128x128xf32, #tpu.memory_space<vmem>>) target_semaphore(%arg81 : memref<!tpu.dma_semaphore, #tpu.memory_space<semaphore_mem>>)
    } else {
    }
    %get3A_102 = arith.constant 4 : index
    %get3A_103 = memref.load %arg2[%get3A_102] : memref<192xi32, #tpu.memory_space<smem>>
    %get3A_104 = arith.constant 4 : index
    %get3A_105 = memref.load %arg3[%get3A_104] : memref<192xi32, #tpu.memory_space<smem>>
    %ne3A_106 = arith.cmpi ne, %get3A_103, %get3A_105 : i32
    %eq3A_107 = arith.constant 1 : i32
    %eq3A_108 = arith.cmpi eq, %get3A_103, %eq3A_107 : i32
    %convert_element_type3A_109 = arith.extui %eq3A_108 : i1 to i32
    %cond3A_110 = arith.constant 0 : i32
    %cond3A_111 = arith.cmpi ne, %convert_element_type3A_109, %cond3A_110 : i32
    scf.if %cond3A_111 {
      %dma_start3A = arith.constant 4 : i32
      %dma_start3A_609 = arith.constant 0 : i32
      %dma_start3A_610 = arith.constant 0 : i32
      %dma_start3A_611 = arith.constant 0 : i32
      %dma_start3A_612 = tpu.memref_slice %arg0[%dma_start3A_609, %dma_start3A, %dma_start3A_610, %dma_start3A_611] : memref<8x192x128x128xf32, #tpu.memory_space<any>> -> memref<8x1x128x128xf32, #tpu.memory_space<any>>
      %dma_start3A_613 = tpu.memref_squeeze %dma_start3A_612 : memref<8x1x128x128xf32, #tpu.memory_space<any>> -> memref<8x128x128xf32, #tpu.memory_space<any>>
      tpu.enqueue_dma source(%dma_start3A_613 : memref<8x128x128xf32, #tpu.memory_space<any>>) target(%arg10 : memref<8x128x128xf32, #tpu.memory_space<vmem>>) target_semaphore(%arg58 : memref<!tpu.dma_semaphore, #tpu.memory_space<semaphore_mem>>)
    } else {
    }
    %eq3A_112 = arith.constant 0 : i32
    %eq3A_113 = arith.cmpi eq, %get3A_103, %eq3A_112 : i32
    %convert_element_type3A_114 = arith.extui %eq3A_113 : i1 to i32
    %cond3A_115 = arith.constant 0 : i32
    %cond3A_116 = arith.cmpi ne, %convert_element_type3A_114, %cond3A_115 : i32
    scf.if %cond3A_116 {
      %dma_start3A = arith.constant 4 : i32
      %dma_start3A_609 = arith.constant 0 : i32
      %dma_start3A_610 = arith.constant 0 : i32
      %dma_start3A_611 = arith.constant 0 : i32
      %dma_start3A_612 = tpu.memref_slice %arg1[%dma_start3A_609, %dma_start3A, %dma_start3A_610, %dma_start3A_611] : memref<8x192x128x128xf32, #tpu.memory_space<any>> -> memref<8x1x128x128xf32, #tpu.memory_space<any>>
      %dma_start3A_613 = tpu.memref_squeeze %dma_start3A_612 : memref<8x1x128x128xf32, #tpu.memory_space<any>> -> memref<8x128x128xf32, #tpu.memory_space<any>>
      tpu.enqueue_dma source(%dma_start3A_613 : memref<8x128x128xf32, #tpu.memory_space<any>>) target(%arg10 : memref<8x128x128xf32, #tpu.memory_space<vmem>>) target_semaphore(%arg58 : memref<!tpu.dma_semaphore, #tpu.memory_space<semaphore_mem>>)
    } else {
    }
    %eq3A_117 = arith.constant 1 : i32
    %eq3A_118 = arith.cmpi eq, %get3A_105, %eq3A_117 : i32
    %and3A_119 = arith.andi %ne3A_106, %eq3A_118 : i1
    %convert_element_type3A_120 = arith.extui %and3A_119 : i1 to i32
    %cond3A_121 = arith.constant 0 : i32
    %cond3A_122 = arith.cmpi ne, %convert_element_type3A_120, %cond3A_121 : i32
    scf.if %cond3A_122 {
      %dma_start3A = arith.constant 4 : i32
      %dma_start3A_609 = arith.constant 0 : i32
      %dma_start3A_610 = arith.constant 0 : i32
      %dma_start3A_611 = arith.constant 0 : i32
      %dma_start3A_612 = tpu.memref_slice %arg0[%dma_start3A_609, %dma_start3A, %dma_start3A_610, %dma_start3A_611] : memref<8x192x128x128xf32, #tpu.memory_space<any>> -> memref<8x1x128x128xf32, #tpu.memory_space<any>>
      %dma_start3A_613 = tpu.memref_squeeze %dma_start3A_612 : memref<8x1x128x128xf32, #tpu.memory_space<any>> -> memref<8x128x128xf32, #tpu.memory_space<any>>
      tpu.enqueue_dma source(%dma_start3A_613 : memref<8x128x128xf32, #tpu.memory_space<any>>) target(%arg34 : memref<8x128x128xf32, #tpu.memory_space<vmem>>) target_semaphore(%arg82 : memref<!tpu.dma_semaphore, #tpu.memory_space<semaphore_mem>>)
    } else {
    }
    %eq3A_123 = arith.constant 0 : i32
    %eq3A_124 = arith.cmpi eq, %get3A_105, %eq3A_123 : i32
    %and3A_125 = arith.andi %ne3A_106, %eq3A_124 : i1
    %convert_element_type3A_126 = arith.extui %and3A_125 : i1 to i32
    %cond3A_127 = arith.constant 0 : i32
    %cond3A_128 = arith.cmpi ne, %convert_element_type3A_126, %cond3A_127 : i32
    scf.if %cond3A_128 {
      %dma_start3A = arith.constant 4 : i32
      %dma_start3A_609 = arith.constant 0 : i32
      %dma_start3A_610 = arith.constant 0 : i32
      %dma_start3A_611 = arith.constant 0 : i32
      %dma_start3A_612 = tpu.memref_slice %arg1[%dma_start3A_609, %dma_start3A, %dma_start3A_610, %dma_start3A_611] : memref<8x192x128x128xf32, #tpu.memory_space<any>> -> memref<8x1x128x128xf32, #tpu.memory_space<any>>
      %dma_start3A_613 = tpu.memref_squeeze %dma_start3A_612 : memref<8x1x128x128xf32, #tpu.memory_space<any>> -> memref<8x128x128xf32, #tpu.memory_space<any>>
      tpu.enqueue_dma source(%dma_start3A_613 : memref<8x128x128xf32, #tpu.memory_space<any>>) target(%arg34 : memref<8x128x128xf32, #tpu.memory_space<vmem>>) target_semaphore(%arg82 : memref<!tpu.dma_semaphore, #tpu.memory_space<semaphore_mem>>)
    } else {
    }
    %get3A_129 = arith.constant 5 : index
    %get3A_130 = memref.load %arg2[%get3A_129] : memref<192xi32, #tpu.memory_space<smem>>
    %get3A_131 = arith.constant 5 : index
    %get3A_132 = memref.load %arg3[%get3A_131] : memref<192xi32, #tpu.memory_space<smem>>
    %ne3A_133 = arith.cmpi ne, %get3A_130, %get3A_132 : i32
    %eq3A_134 = arith.constant 1 : i32
    %eq3A_135 = arith.cmpi eq, %get3A_130, %eq3A_134 : i32
    %convert_element_type3A_136 = arith.extui %eq3A_135 : i1 to i32
    %cond3A_137 = arith.constant 0 : i32
    %cond3A_138 = arith.cmpi ne, %convert_element_type3A_136, %cond3A_137 : i32
    scf.if %cond3A_138 {
      %dma_start3A = arith.constant 5 : i32
      %dma_start3A_609 = arith.constant 0 : i32
      %dma_start3A_610 = arith.constant 0 : i32
      %dma_start3A_611 = arith.constant 0 : i32
      %dma_start3A_612 = tpu.memref_slice %arg0[%dma_start3A_609, %dma_start3A, %dma_start3A_610, %dma_start3A_611] : memref<8x192x128x128xf32, #tpu.memory_space<any>> -> memref<8x1x128x128xf32, #tpu.memory_space<any>>
      %dma_start3A_613 = tpu.memref_squeeze %dma_start3A_612 : memref<8x1x128x128xf32, #tpu.memory_space<any>> -> memref<8x128x128xf32, #tpu.memory_space<any>>
      tpu.enqueue_dma source(%dma_start3A_613 : memref<8x128x128xf32, #tpu.memory_space<any>>) target(%arg11 : memref<8x128x128xf32, #tpu.memory_space<vmem>>) target_semaphore(%arg59 : memref<!tpu.dma_semaphore, #tpu.memory_space<semaphore_mem>>)
    } else {
    }
    %eq3A_139 = arith.constant 0 : i32
    %eq3A_140 = arith.cmpi eq, %get3A_130, %eq3A_139 : i32
    %convert_element_type3A_141 = arith.extui %eq3A_140 : i1 to i32
    %cond3A_142 = arith.constant 0 : i32
    %cond3A_143 = arith.cmpi ne, %convert_element_type3A_141, %cond3A_142 : i32
    scf.if %cond3A_143 {
      %dma_start3A = arith.constant 5 : i32
      %dma_start3A_609 = arith.constant 0 : i32
      %dma_start3A_610 = arith.constant 0 : i32
      %dma_start3A_611 = arith.constant 0 : i32
      %dma_start3A_612 = tpu.memref_slice %arg1[%dma_start3A_609, %dma_start3A, %dma_start3A_610, %dma_start3A_611] : memref<8x192x128x128xf32, #tpu.memory_space<any>> -> memref<8x1x128x128xf32, #tpu.memory_space<any>>
      %dma_start3A_613 = tpu.memref_squeeze %dma_start3A_612 : memref<8x1x128x128xf32, #tpu.memory_space<any>> -> memref<8x128x128xf32, #tpu.memory_space<any>>
      tpu.enqueue_dma source(%dma_start3A_613 : memref<8x128x128xf32, #tpu.memory_space<any>>) target(%arg11 : memref<8x128x128xf32, #tpu.memory_space<vmem>>) target_semaphore(%arg59 : memref<!tpu.dma_semaphore, #tpu.memory_space<semaphore_mem>>)
    } else {
    }
    %eq3A_144 = arith.constant 1 : i32
    %eq3A_145 = arith.cmpi eq, %get3A_132, %eq3A_144 : i32
    %and3A_146 = arith.andi %ne3A_133, %eq3A_145 : i1
    %convert_element_type3A_147 = arith.extui %and3A_146 : i1 to i32
    %cond3A_148 = arith.constant 0 : i32
    %cond3A_149 = arith.cmpi ne, %convert_element_type3A_147, %cond3A_148 : i32
    scf.if %cond3A_149 {
      %dma_start3A = arith.constant 5 : i32
      %dma_start3A_609 = arith.constant 0 : i32
      %dma_start3A_610 = arith.constant 0 : i32
      %dma_start3A_611 = arith.constant 0 : i32
      %dma_start3A_612 = tpu.memref_slice %arg0[%dma_start3A_609, %dma_start3A, %dma_start3A_610, %dma_start3A_611] : memref<8x192x128x128xf32, #tpu.memory_space<any>> -> memref<8x1x128x128xf32, #tpu.memory_space<any>>
      %dma_start3A_613 = tpu.memref_squeeze %dma_start3A_612 : memref<8x1x128x128xf32, #tpu.memory_space<any>> -> memref<8x128x128xf32, #tpu.memory_space<any>>
      tpu.enqueue_dma source(%dma_start3A_613 : memref<8x128x128xf32, #tpu.memory_space<any>>) target(%arg35 : memref<8x128x128xf32, #tpu.memory_space<vmem>>) target_semaphore(%arg83 : memref<!tpu.dma_semaphore, #tpu.memory_space<semaphore_mem>>)
    } else {
    }
    %eq3A_150 = arith.constant 0 : i32
    %eq3A_151 = arith.cmpi eq, %get3A_132, %eq3A_150 : i32
    %and3A_152 = arith.andi %ne3A_133, %eq3A_151 : i1
    %convert_element_type3A_153 = arith.extui %and3A_152 : i1 to i32
    %cond3A_154 = arith.constant 0 : i32
    %cond3A_155 = arith.cmpi ne, %convert_element_type3A_153, %cond3A_154 : i32
    scf.if %cond3A_155 {
      %dma_start3A = arith.constant 5 : i32
      %dma_start3A_609 = arith.constant 0 : i32
      %dma_start3A_610 = arith.constant 0 : i32
      %dma_start3A_611 = arith.constant 0 : i32
      %dma_start3A_612 = tpu.memref_slice %arg1[%dma_start3A_609, %dma_start3A, %dma_start3A_610, %dma_start3A_611] : memref<8x192x128x128xf32, #tpu.memory_space<any>> -> memref<8x1x128x128xf32, #tpu.memory_space<any>>
      %dma_start3A_613 = tpu.memref_squeeze %dma_start3A_612 : memref<8x1x128x128xf32, #tpu.memory_space<any>> -> memref<8x128x128xf32, #tpu.memory_space<any>>
      tpu.enqueue_dma source(%dma_start3A_613 : memref<8x128x128xf32, #tpu.memory_space<any>>) target(%arg35 : memref<8x128x128xf32, #tpu.memory_space<vmem>>) target_semaphore(%arg83 : memref<!tpu.dma_semaphore, #tpu.memory_space<semaphore_mem>>)
    } else {
    }
    %get3A_156 = arith.constant 6 : index
    %get3A_157 = memref.load %arg2[%get3A_156] : memref<192xi32, #tpu.memory_space<smem>>
    %get3A_158 = arith.constant 6 : index
    %get3A_159 = memref.load %arg3[%get3A_158] : memref<192xi32, #tpu.memory_space<smem>>
    %ne3A_160 = arith.cmpi ne, %get3A_157, %get3A_159 : i32
    %eq3A_161 = arith.constant 1 : i32
    %eq3A_162 = arith.cmpi eq, %get3A_157, %eq3A_161 : i32
    %convert_element_type3A_163 = arith.extui %eq3A_162 : i1 to i32
    %cond3A_164 = arith.constant 0 : i32
    %cond3A_165 = arith.cmpi ne, %convert_element_type3A_163, %cond3A_164 : i32
    scf.if %cond3A_165 {
      %dma_start3A = arith.constant 6 : i32
      %dma_start3A_609 = arith.constant 0 : i32
      %dma_start3A_610 = arith.constant 0 : i32
      %dma_start3A_611 = arith.constant 0 : i32
      %dma_start3A_612 = tpu.memref_slice %arg0[%dma_start3A_609, %dma_start3A, %dma_start3A_610, %dma_start3A_611] : memref<8x192x128x128xf32, #tpu.memory_space<any>> -> memref<8x1x128x128xf32, #tpu.memory_space<any>>
      %dma_start3A_613 = tpu.memref_squeeze %dma_start3A_612 : memref<8x1x128x128xf32, #tpu.memory_space<any>> -> memref<8x128x128xf32, #tpu.memory_space<any>>
      tpu.enqueue_dma source(%dma_start3A_613 : memref<8x128x128xf32, #tpu.memory_space<any>>) target(%arg12 : memref<8x128x128xf32, #tpu.memory_space<vmem>>) target_semaphore(%arg60 : memref<!tpu.dma_semaphore, #tpu.memory_space<semaphore_mem>>)
    } else {
    }
    %eq3A_166 = arith.constant 0 : i32
    %eq3A_167 = arith.cmpi eq, %get3A_157, %eq3A_166 : i32
    %convert_element_type3A_168 = arith.extui %eq3A_167 : i1 to i32
    %cond3A_169 = arith.constant 0 : i32
    %cond3A_170 = arith.cmpi ne, %convert_element_type3A_168, %cond3A_169 : i32
    scf.if %cond3A_170 {
      %dma_start3A = arith.constant 6 : i32
      %dma_start3A_609 = arith.constant 0 : i32
      %dma_start3A_610 = arith.constant 0 : i32
      %dma_start3A_611 = arith.constant 0 : i32
      %dma_start3A_612 = tpu.memref_slice %arg1[%dma_start3A_609, %dma_start3A, %dma_start3A_610, %dma_start3A_611] : memref<8x192x128x128xf32, #tpu.memory_space<any>> -> memref<8x1x128x128xf32, #tpu.memory_space<any>>
      %dma_start3A_613 = tpu.memref_squeeze %dma_start3A_612 : memref<8x1x128x128xf32, #tpu.memory_space<any>> -> memref<8x128x128xf32, #tpu.memory_space<any>>
      tpu.enqueue_dma source(%dma_start3A_613 : memref<8x128x128xf32, #tpu.memory_space<any>>) target(%arg12 : memref<8x128x128xf32, #tpu.memory_space<vmem>>) target_semaphore(%arg60 : memref<!tpu.dma_semaphore, #tpu.memory_space<semaphore_mem>>)
    } else {
    }
    %eq3A_171 = arith.constant 1 : i32
    %eq3A_172 = arith.cmpi eq, %get3A_159, %eq3A_171 : i32
    %and3A_173 = arith.andi %ne3A_160, %eq3A_172 : i1
    %convert_element_type3A_174 = arith.extui %and3A_173 : i1 to i32
    %cond3A_175 = arith.constant 0 : i32
    %cond3A_176 = arith.cmpi ne, %convert_element_type3A_174, %cond3A_175 : i32
    scf.if %cond3A_176 {
      %dma_start3A = arith.constant 6 : i32
      %dma_start3A_609 = arith.constant 0 : i32
      %dma_start3A_610 = arith.constant 0 : i32
      %dma_start3A_611 = arith.constant 0 : i32
      %dma_start3A_612 = tpu.memref_slice %arg0[%dma_start3A_609, %dma_start3A, %dma_start3A_610, %dma_start3A_611] : memref<8x192x128x128xf32, #tpu.memory_space<any>> -> memref<8x1x128x128xf32, #tpu.memory_space<any>>
      %dma_start3A_613 = tpu.memref_squeeze %dma_start3A_612 : memref<8x1x128x128xf32, #tpu.memory_space<any>> -> memref<8x128x128xf32, #tpu.memory_space<any>>
      tpu.enqueue_dma source(%dma_start3A_613 : memref<8x128x128xf32, #tpu.memory_space<any>>) target(%arg36 : memref<8x128x128xf32, #tpu.memory_space<vmem>>) target_semaphore(%arg84 : memref<!tpu.dma_semaphore, #tpu.memory_space<semaphore_mem>>)
    } else {
    }
    %eq3A_177 = arith.constant 0 : i32
    %eq3A_178 = arith.cmpi eq, %get3A_159, %eq3A_177 : i32
    %and3A_179 = arith.andi %ne3A_160, %eq3A_178 : i1
    %convert_element_type3A_180 = arith.extui %and3A_179 : i1 to i32
    %cond3A_181 = arith.constant 0 : i32
    %cond3A_182 = arith.cmpi ne, %convert_element_type3A_180, %cond3A_181 : i32
    scf.if %cond3A_182 {
      %dma_start3A = arith.constant 6 : i32
      %dma_start3A_609 = arith.constant 0 : i32
      %dma_start3A_610 = arith.constant 0 : i32
      %dma_start3A_611 = arith.constant 0 : i32
      %dma_start3A_612 = tpu.memref_slice %arg1[%dma_start3A_609, %dma_start3A, %dma_start3A_610, %dma_start3A_611] : memref<8x192x128x128xf32, #tpu.memory_space<any>> -> memref<8x1x128x128xf32, #tpu.memory_space<any>>
      %dma_start3A_613 = tpu.memref_squeeze %dma_start3A_612 : memref<8x1x128x128xf32, #tpu.memory_space<any>> -> memref<8x128x128xf32, #tpu.memory_space<any>>
      tpu.enqueue_dma source(%dma_start3A_613 : memref<8x128x128xf32, #tpu.memory_space<any>>) target(%arg36 : memref<8x128x128xf32, #tpu.memory_space<vmem>>) target_semaphore(%arg84 : memref<!tpu.dma_semaphore, #tpu.memory_space<semaphore_mem>>)
    } else {
    }
    %get3A_183 = arith.constant 7 : index
    %get3A_184 = memref.load %arg2[%get3A_183] : memref<192xi32, #tpu.memory_space<smem>>
    %get3A_185 = arith.constant 7 : index
    %get3A_186 = memref.load %arg3[%get3A_185] : memref<192xi32, #tpu.memory_space<smem>>
    %ne3A_187 = arith.cmpi ne, %get3A_184, %get3A_186 : i32
    %eq3A_188 = arith.constant 1 : i32
    %eq3A_189 = arith.cmpi eq, %get3A_184, %eq3A_188 : i32
    %convert_element_type3A_190 = arith.extui %eq3A_189 : i1 to i32
    %cond3A_191 = arith.constant 0 : i32
    %cond3A_192 = arith.cmpi ne, %convert_element_type3A_190, %cond3A_191 : i32
    scf.if %cond3A_192 {
      %dma_start3A = arith.constant 7 : i32
      %dma_start3A_609 = arith.constant 0 : i32
      %dma_start3A_610 = arith.constant 0 : i32
      %dma_start3A_611 = arith.constant 0 : i32
      %dma_start3A_612 = tpu.memref_slice %arg0[%dma_start3A_609, %dma_start3A, %dma_start3A_610, %dma_start3A_611] : memref<8x192x128x128xf32, #tpu.memory_space<any>> -> memref<8x1x128x128xf32, #tpu.memory_space<any>>
      %dma_start3A_613 = tpu.memref_squeeze %dma_start3A_612 : memref<8x1x128x128xf32, #tpu.memory_space<any>> -> memref<8x128x128xf32, #tpu.memory_space<any>>
      tpu.enqueue_dma source(%dma_start3A_613 : memref<8x128x128xf32, #tpu.memory_space<any>>) target(%arg13 : memref<8x128x128xf32, #tpu.memory_space<vmem>>) target_semaphore(%arg61 : memref<!tpu.dma_semaphore, #tpu.memory_space<semaphore_mem>>)
    } else {
    }
    %eq3A_193 = arith.constant 0 : i32
    %eq3A_194 = arith.cmpi eq, %get3A_184, %eq3A_193 : i32
    %convert_element_type3A_195 = arith.extui %eq3A_194 : i1 to i32
    %cond3A_196 = arith.constant 0 : i32
    %cond3A_197 = arith.cmpi ne, %convert_element_type3A_195, %cond3A_196 : i32
    scf.if %cond3A_197 {
      %dma_start3A = arith.constant 7 : i32
      %dma_start3A_609 = arith.constant 0 : i32
      %dma_start3A_610 = arith.constant 0 : i32
      %dma_start3A_611 = arith.constant 0 : i32
      %dma_start3A_612 = tpu.memref_slice %arg1[%dma_start3A_609, %dma_start3A, %dma_start3A_610, %dma_start3A_611] : memref<8x192x128x128xf32, #tpu.memory_space<any>> -> memref<8x1x128x128xf32, #tpu.memory_space<any>>
      %dma_start3A_613 = tpu.memref_squeeze %dma_start3A_612 : memref<8x1x128x128xf32, #tpu.memory_space<any>> -> memref<8x128x128xf32, #tpu.memory_space<any>>
      tpu.enqueue_dma source(%dma_start3A_613 : memref<8x128x128xf32, #tpu.memory_space<any>>) target(%arg13 : memref<8x128x128xf32, #tpu.memory_space<vmem>>) target_semaphore(%arg61 : memref<!tpu.dma_semaphore, #tpu.memory_space<semaphore_mem>>)
    } else {
    }
    %eq3A_198 = arith.constant 1 : i32
    %eq3A_199 = arith.cmpi eq, %get3A_186, %eq3A_198 : i32
    %and3A_200 = arith.andi %ne3A_187, %eq3A_199 : i1
    %convert_element_type3A_201 = arith.extui %and3A_200 : i1 to i32
    %cond3A_202 = arith.constant 0 : i32
    %cond3A_203 = arith.cmpi ne, %convert_element_type3A_201, %cond3A_202 : i32
    scf.if %cond3A_203 {
      %dma_start3A = arith.constant 7 : i32
      %dma_start3A_609 = arith.constant 0 : i32
      %dma_start3A_610 = arith.constant 0 : i32
      %dma_start3A_611 = arith.constant 0 : i32
      %dma_start3A_612 = tpu.memref_slice %arg0[%dma_start3A_609, %dma_start3A, %dma_start3A_610, %dma_start3A_611] : memref<8x192x128x128xf32, #tpu.memory_space<any>> -> memref<8x1x128x128xf32, #tpu.memory_space<any>>
      %dma_start3A_613 = tpu.memref_squeeze %dma_start3A_612 : memref<8x1x128x128xf32, #tpu.memory_space<any>> -> memref<8x128x128xf32, #tpu.memory_space<any>>
      tpu.enqueue_dma source(%dma_start3A_613 : memref<8x128x128xf32, #tpu.memory_space<any>>) target(%arg37 : memref<8x128x128xf32, #tpu.memory_space<vmem>>) target_semaphore(%arg85 : memref<!tpu.dma_semaphore, #tpu.memory_space<semaphore_mem>>)
    } else {
    }
    %eq3A_204 = arith.constant 0 : i32
    %eq3A_205 = arith.cmpi eq, %get3A_186, %eq3A_204 : i32
    %and3A_206 = arith.andi %ne3A_187, %eq3A_205 : i1
    %convert_element_type3A_207 = arith.extui %and3A_206 : i1 to i32
    %cond3A_208 = arith.constant 0 : i32
    %cond3A_209 = arith.cmpi ne, %convert_element_type3A_207, %cond3A_208 : i32
    scf.if %cond3A_209 {
      %dma_start3A = arith.constant 7 : i32
      %dma_start3A_609 = arith.constant 0 : i32
      %dma_start3A_610 = arith.constant 0 : i32
      %dma_start3A_611 = arith.constant 0 : i32
      %dma_start3A_612 = tpu.memref_slice %arg1[%dma_start3A_609, %dma_start3A, %dma_start3A_610, %dma_start3A_611] : memref<8x192x128x128xf32, #tpu.memory_space<any>> -> memref<8x1x128x128xf32, #tpu.memory_space<any>>
      %dma_start3A_613 = tpu.memref_squeeze %dma_start3A_612 : memref<8x1x128x128xf32, #tpu.memory_space<any>> -> memref<8x128x128xf32, #tpu.memory_space<any>>
      tpu.enqueue_dma source(%dma_start3A_613 : memref<8x128x128xf32, #tpu.memory_space<any>>) target(%arg37 : memref<8x128x128xf32, #tpu.memory_space<vmem>>) target_semaphore(%arg85 : memref<!tpu.dma_semaphore, #tpu.memory_space<semaphore_mem>>)
    } else {
    }
    %get3A_210 = arith.constant 8 : index
    %get3A_211 = memref.load %arg2[%get3A_210] : memref<192xi32, #tpu.memory_space<smem>>
    %get3A_212 = arith.constant 8 : index
    %get3A_213 = memref.load %arg3[%get3A_212] : memref<192xi32, #tpu.memory_space<smem>>
    %ne3A_214 = arith.cmpi ne, %get3A_211, %get3A_213 : i32
    %eq3A_215 = arith.constant 1 : i32
    %eq3A_216 = arith.cmpi eq, %get3A_211, %eq3A_215 : i32
    %convert_element_type3A_217 = arith.extui %eq3A_216 : i1 to i32
    %cond3A_218 = arith.constant 0 : i32
    %cond3A_219 = arith.cmpi ne, %convert_element_type3A_217, %cond3A_218 : i32
    scf.if %cond3A_219 {
      %dma_start3A = arith.constant 8 : i32
      %dma_start3A_609 = arith.constant 0 : i32
      %dma_start3A_610 = arith.constant 0 : i32
      %dma_start3A_611 = arith.constant 0 : i32
      %dma_start3A_612 = tpu.memref_slice %arg0[%dma_start3A_609, %dma_start3A, %dma_start3A_610, %dma_start3A_611] : memref<8x192x128x128xf32, #tpu.memory_space<any>> -> memref<8x1x128x128xf32, #tpu.memory_space<any>>
      %dma_start3A_613 = tpu.memref_squeeze %dma_start3A_612 : memref<8x1x128x128xf32, #tpu.memory_space<any>> -> memref<8x128x128xf32, #tpu.memory_space<any>>
      tpu.enqueue_dma source(%dma_start3A_613 : memref<8x128x128xf32, #tpu.memory_space<any>>) target(%arg14 : memref<8x128x128xf32, #tpu.memory_space<vmem>>) target_semaphore(%arg62 : memref<!tpu.dma_semaphore, #tpu.memory_space<semaphore_mem>>)
    } else {
    }
    %eq3A_220 = arith.constant 0 : i32
    %eq3A_221 = arith.cmpi eq, %get3A_211, %eq3A_220 : i32
    %convert_element_type3A_222 = arith.extui %eq3A_221 : i1 to i32
    %cond3A_223 = arith.constant 0 : i32
    %cond3A_224 = arith.cmpi ne, %convert_element_type3A_222, %cond3A_223 : i32
    scf.if %cond3A_224 {
      %dma_start3A = arith.constant 8 : i32
      %dma_start3A_609 = arith.constant 0 : i32
      %dma_start3A_610 = arith.constant 0 : i32
      %dma_start3A_611 = arith.constant 0 : i32
      %dma_start3A_612 = tpu.memref_slice %arg1[%dma_start3A_609, %dma_start3A, %dma_start3A_610, %dma_start3A_611] : memref<8x192x128x128xf32, #tpu.memory_space<any>> -> memref<8x1x128x128xf32, #tpu.memory_space<any>>
      %dma_start3A_613 = tpu.memref_squeeze %dma_start3A_612 : memref<8x1x128x128xf32, #tpu.memory_space<any>> -> memref<8x128x128xf32, #tpu.memory_space<any>>
      tpu.enqueue_dma source(%dma_start3A_613 : memref<8x128x128xf32, #tpu.memory_space<any>>) target(%arg14 : memref<8x128x128xf32, #tpu.memory_space<vmem>>) target_semaphore(%arg62 : memref<!tpu.dma_semaphore, #tpu.memory_space<semaphore_mem>>)
    } else {
    }
    %eq3A_225 = arith.constant 1 : i32
    %eq3A_226 = arith.cmpi eq, %get3A_213, %eq3A_225 : i32
    %and3A_227 = arith.andi %ne3A_214, %eq3A_226 : i1
    %convert_element_type3A_228 = arith.extui %and3A_227 : i1 to i32
    %cond3A_229 = arith.constant 0 : i32
    %cond3A_230 = arith.cmpi ne, %convert_element_type3A_228, %cond3A_229 : i32
    scf.if %cond3A_230 {
      %dma_start3A = arith.constant 8 : i32
      %dma_start3A_609 = arith.constant 0 : i32
      %dma_start3A_610 = arith.constant 0 : i32
      %dma_start3A_611 = arith.constant 0 : i32
      %dma_start3A_612 = tpu.memref_slice %arg0[%dma_start3A_609, %dma_start3A, %dma_start3A_610, %dma_start3A_611] : memref<8x192x128x128xf32, #tpu.memory_space<any>> -> memref<8x1x128x128xf32, #tpu.memory_space<any>>
      %dma_start3A_613 = tpu.memref_squeeze %dma_start3A_612 : memref<8x1x128x128xf32, #tpu.memory_space<any>> -> memref<8x128x128xf32, #tpu.memory_space<any>>
      tpu.enqueue_dma source(%dma_start3A_613 : memref<8x128x128xf32, #tpu.memory_space<any>>) target(%arg38 : memref<8x128x128xf32, #tpu.memory_space<vmem>>) target_semaphore(%arg86 : memref<!tpu.dma_semaphore, #tpu.memory_space<semaphore_mem>>)
    } else {
    }
    %eq3A_231 = arith.constant 0 : i32
    %eq3A_232 = arith.cmpi eq, %get3A_213, %eq3A_231 : i32
    %and3A_233 = arith.andi %ne3A_214, %eq3A_232 : i1
    %convert_element_type3A_234 = arith.extui %and3A_233 : i1 to i32
    %cond3A_235 = arith.constant 0 : i32
    %cond3A_236 = arith.cmpi ne, %convert_element_type3A_234, %cond3A_235 : i32
    scf.if %cond3A_236 {
      %dma_start3A = arith.constant 8 : i32
      %dma_start3A_609 = arith.constant 0 : i32
      %dma_start3A_610 = arith.constant 0 : i32
      %dma_start3A_611 = arith.constant 0 : i32
      %dma_start3A_612 = tpu.memref_slice %arg1[%dma_start3A_609, %dma_start3A, %dma_start3A_610, %dma_start3A_611] : memref<8x192x128x128xf32, #tpu.memory_space<any>> -> memref<8x1x128x128xf32, #tpu.memory_space<any>>
      %dma_start3A_613 = tpu.memref_squeeze %dma_start3A_612 : memref<8x1x128x128xf32, #tpu.memory_space<any>> -> memref<8x128x128xf32, #tpu.memory_space<any>>
      tpu.enqueue_dma source(%dma_start3A_613 : memref<8x128x128xf32, #tpu.memory_space<any>>) target(%arg38 : memref<8x128x128xf32, #tpu.memory_space<vmem>>) target_semaphore(%arg86 : memref<!tpu.dma_semaphore, #tpu.memory_space<semaphore_mem>>)
    } else {
    }
    %get3A_237 = arith.constant 9 : index
    %get3A_238 = memref.load %arg2[%get3A_237] : memref<192xi32, #tpu.memory_space<smem>>
    %get3A_239 = arith.constant 9 : index
    %get3A_240 = memref.load %arg3[%get3A_239] : memref<192xi32, #tpu.memory_space<smem>>
    %ne3A_241 = arith.cmpi ne, %get3A_238, %get3A_240 : i32
    %eq3A_242 = arith.constant 1 : i32
    %eq3A_243 = arith.cmpi eq, %get3A_238, %eq3A_242 : i32
    %convert_element_type3A_244 = arith.extui %eq3A_243 : i1 to i32
    %cond3A_245 = arith.constant 0 : i32
    %cond3A_246 = arith.cmpi ne, %convert_element_type3A_244, %cond3A_245 : i32
    scf.if %cond3A_246 {
      %dma_start3A = arith.constant 9 : i32
      %dma_start3A_609 = arith.constant 0 : i32
      %dma_start3A_610 = arith.constant 0 : i32
      %dma_start3A_611 = arith.constant 0 : i32
      %dma_start3A_612 = tpu.memref_slice %arg0[%dma_start3A_609, %dma_start3A, %dma_start3A_610, %dma_start3A_611] : memref<8x192x128x128xf32, #tpu.memory_space<any>> -> memref<8x1x128x128xf32, #tpu.memory_space<any>>
      %dma_start3A_613 = tpu.memref_squeeze %dma_start3A_612 : memref<8x1x128x128xf32, #tpu.memory_space<any>> -> memref<8x128x128xf32, #tpu.memory_space<any>>
      tpu.enqueue_dma source(%dma_start3A_613 : memref<8x128x128xf32, #tpu.memory_space<any>>) target(%arg15 : memref<8x128x128xf32, #tpu.memory_space<vmem>>) target_semaphore(%arg63 : memref<!tpu.dma_semaphore, #tpu.memory_space<semaphore_mem>>)
    } else {
    }
    %eq3A_247 = arith.constant 0 : i32
    %eq3A_248 = arith.cmpi eq, %get3A_238, %eq3A_247 : i32
    %convert_element_type3A_249 = arith.extui %eq3A_248 : i1 to i32
    %cond3A_250 = arith.constant 0 : i32
    %cond3A_251 = arith.cmpi ne, %convert_element_type3A_249, %cond3A_250 : i32
    scf.if %cond3A_251 {
      %dma_start3A = arith.constant 9 : i32
      %dma_start3A_609 = arith.constant 0 : i32
      %dma_start3A_610 = arith.constant 0 : i32
      %dma_start3A_611 = arith.constant 0 : i32
      %dma_start3A_612 = tpu.memref_slice %arg1[%dma_start3A_609, %dma_start3A, %dma_start3A_610, %dma_start3A_611] : memref<8x192x128x128xf32, #tpu.memory_space<any>> -> memref<8x1x128x128xf32, #tpu.memory_space<any>>
      %dma_start3A_613 = tpu.memref_squeeze %dma_start3A_612 : memref<8x1x128x128xf32, #tpu.memory_space<any>> -> memref<8x128x128xf32, #tpu.memory_space<any>>
      tpu.enqueue_dma source(%dma_start3A_613 : memref<8x128x128xf32, #tpu.memory_space<any>>) target(%arg15 : memref<8x128x128xf32, #tpu.memory_space<vmem>>) target_semaphore(%arg63 : memref<!tpu.dma_semaphore, #tpu.memory_space<semaphore_mem>>)
    } else {
    }
    %eq3A_252 = arith.constant 1 : i32
    %eq3A_253 = arith.cmpi eq, %get3A_240, %eq3A_252 : i32
    %and3A_254 = arith.andi %ne3A_241, %eq3A_253 : i1
    %convert_element_type3A_255 = arith.extui %and3A_254 : i1 to i32
    %cond3A_256 = arith.constant 0 : i32
    %cond3A_257 = arith.cmpi ne, %convert_element_type3A_255, %cond3A_256 : i32
    scf.if %cond3A_257 {
      %dma_start3A = arith.constant 9 : i32
      %dma_start3A_609 = arith.constant 0 : i32
      %dma_start3A_610 = arith.constant 0 : i32
      %dma_start3A_611 = arith.constant 0 : i32
      %dma_start3A_612 = tpu.memref_slice %arg0[%dma_start3A_609, %dma_start3A, %dma_start3A_610, %dma_start3A_611] : memref<8x192x128x128xf32, #tpu.memory_space<any>> -> memref<8x1x128x128xf32, #tpu.memory_space<any>>
      %dma_start3A_613 = tpu.memref_squeeze %dma_start3A_612 : memref<8x1x128x128xf32, #tpu.memory_space<any>> -> memref<8x128x128xf32, #tpu.memory_space<any>>
      tpu.enqueue_dma source(%dma_start3A_613 : memref<8x128x128xf32, #tpu.memory_space<any>>) target(%arg39 : memref<8x128x128xf32, #tpu.memory_space<vmem>>) target_semaphore(%arg87 : memref<!tpu.dma_semaphore, #tpu.memory_space<semaphore_mem>>)
    } else {
    }
    %eq3A_258 = arith.constant 0 : i32
    %eq3A_259 = arith.cmpi eq, %get3A_240, %eq3A_258 : i32
    %and3A_260 = arith.andi %ne3A_241, %eq3A_259 : i1
    %convert_element_type3A_261 = arith.extui %and3A_260 : i1 to i32
    %cond3A_262 = arith.constant 0 : i32
    %cond3A_263 = arith.cmpi ne, %convert_element_type3A_261, %cond3A_262 : i32
    scf.if %cond3A_263 {
      %dma_start3A = arith.constant 9 : i32
      %dma_start3A_609 = arith.constant 0 : i32
      %dma_start3A_610 = arith.constant 0 : i32
      %dma_start3A_611 = arith.constant 0 : i32
      %dma_start3A_612 = tpu.memref_slice %arg1[%dma_start3A_609, %dma_start3A, %dma_start3A_610, %dma_start3A_611] : memref<8x192x128x128xf32, #tpu.memory_space<any>> -> memref<8x1x128x128xf32, #tpu.memory_space<any>>
      %dma_start3A_613 = tpu.memref_squeeze %dma_start3A_612 : memref<8x1x128x128xf32, #tpu.memory_space<any>> -> memref<8x128x128xf32, #tpu.memory_space<any>>
      tpu.enqueue_dma source(%dma_start3A_613 : memref<8x128x128xf32, #tpu.memory_space<any>>) target(%arg39 : memref<8x128x128xf32, #tpu.memory_space<vmem>>) target_semaphore(%arg87 : memref<!tpu.dma_semaphore, #tpu.memory_space<semaphore_mem>>)
    } else {
    }
    %get3A_264 = arith.constant 10 : index
    %get3A_265 = memref.load %arg2[%get3A_264] : memref<192xi32, #tpu.memory_space<smem>>
    %get3A_266 = arith.constant 10 : index
    %get3A_267 = memref.load %arg3[%get3A_266] : memref<192xi32, #tpu.memory_space<smem>>
    %ne3A_268 = arith.cmpi ne, %get3A_265, %get3A_267 : i32
    %eq3A_269 = arith.constant 1 : i32
    %eq3A_270 = arith.cmpi eq, %get3A_265, %eq3A_269 : i32
    %convert_element_type3A_271 = arith.extui %eq3A_270 : i1 to i32
    %cond3A_272 = arith.constant 0 : i32
    %cond3A_273 = arith.cmpi ne, %convert_element_type3A_271, %cond3A_272 : i32
    scf.if %cond3A_273 {
      %dma_start3A = arith.constant 10 : i32
      %dma_start3A_609 = arith.constant 0 : i32
      %dma_start3A_610 = arith.constant 0 : i32
      %dma_start3A_611 = arith.constant 0 : i32
      %dma_start3A_612 = tpu.memref_slice %arg0[%dma_start3A_609, %dma_start3A, %dma_start3A_610, %dma_start3A_611] : memref<8x192x128x128xf32, #tpu.memory_space<any>> -> memref<8x1x128x128xf32, #tpu.memory_space<any>>
      %dma_start3A_613 = tpu.memref_squeeze %dma_start3A_612 : memref<8x1x128x128xf32, #tpu.memory_space<any>> -> memref<8x128x128xf32, #tpu.memory_space<any>>
      tpu.enqueue_dma source(%dma_start3A_613 : memref<8x128x128xf32, #tpu.memory_space<any>>) target(%arg16 : memref<8x128x128xf32, #tpu.memory_space<vmem>>) target_semaphore(%arg64 : memref<!tpu.dma_semaphore, #tpu.memory_space<semaphore_mem>>)
    } else {
    }
    %eq3A_274 = arith.constant 0 : i32
    %eq3A_275 = arith.cmpi eq, %get3A_265, %eq3A_274 : i32
    %convert_element_type3A_276 = arith.extui %eq3A_275 : i1 to i32
    %cond3A_277 = arith.constant 0 : i32
    %cond3A_278 = arith.cmpi ne, %convert_element_type3A_276, %cond3A_277 : i32
    scf.if %cond3A_278 {
      %dma_start3A = arith.constant 10 : i32
      %dma_start3A_609 = arith.constant 0 : i32
      %dma_start3A_610 = arith.constant 0 : i32
      %dma_start3A_611 = arith.constant 0 : i32
      %dma_start3A_612 = tpu.memref_slice %arg1[%dma_start3A_609, %dma_start3A, %dma_start3A_610, %dma_start3A_611] : memref<8x192x128x128xf32, #tpu.memory_space<any>> -> memref<8x1x128x128xf32, #tpu.memory_space<any>>
      %dma_start3A_613 = tpu.memref_squeeze %dma_start3A_612 : memref<8x1x128x128xf32, #tpu.memory_space<any>> -> memref<8x128x128xf32, #tpu.memory_space<any>>
      tpu.enqueue_dma source(%dma_start3A_613 : memref<8x128x128xf32, #tpu.memory_space<any>>) target(%arg16 : memref<8x128x128xf32, #tpu.memory_space<vmem>>) target_semaphore(%arg64 : memref<!tpu.dma_semaphore, #tpu.memory_space<semaphore_mem>>)
    } else {
    }
    %eq3A_279 = arith.constant 1 : i32
    %eq3A_280 = arith.cmpi eq, %get3A_267, %eq3A_279 : i32
    %and3A_281 = arith.andi %ne3A_268, %eq3A_280 : i1
    %convert_element_type3A_282 = arith.extui %and3A_281 : i1 to i32
    %cond3A_283 = arith.constant 0 : i32
    %cond3A_284 = arith.cmpi ne, %convert_element_type3A_282, %cond3A_283 : i32
    scf.if %cond3A_284 {
      %dma_start3A = arith.constant 10 : i32
      %dma_start3A_609 = arith.constant 0 : i32
      %dma_start3A_610 = arith.constant 0 : i32
      %dma_start3A_611 = arith.constant 0 : i32
      %dma_start3A_612 = tpu.memref_slice %arg0[%dma_start3A_609, %dma_start3A, %dma_start3A_610, %dma_start3A_611] : memref<8x192x128x128xf32, #tpu.memory_space<any>> -> memref<8x1x128x128xf32, #tpu.memory_space<any>>
      %dma_start3A_613 = tpu.memref_squeeze %dma_start3A_612 : memref<8x1x128x128xf32, #tpu.memory_space<any>> -> memref<8x128x128xf32, #tpu.memory_space<any>>
      tpu.enqueue_dma source(%dma_start3A_613 : memref<8x128x128xf32, #tpu.memory_space<any>>) target(%arg40 : memref<8x128x128xf32, #tpu.memory_space<vmem>>) target_semaphore(%arg88 : memref<!tpu.dma_semaphore, #tpu.memory_space<semaphore_mem>>)
    } else {
    }
    %eq3A_285 = arith.constant 0 : i32
    %eq3A_286 = arith.cmpi eq, %get3A_267, %eq3A_285 : i32
    %and3A_287 = arith.andi %ne3A_268, %eq3A_286 : i1
    %convert_element_type3A_288 = arith.extui %and3A_287 : i1 to i32
    %cond3A_289 = arith.constant 0 : i32
    %cond3A_290 = arith.cmpi ne, %convert_element_type3A_288, %cond3A_289 : i32
    scf.if %cond3A_290 {
      %dma_start3A = arith.constant 10 : i32
      %dma_start3A_609 = arith.constant 0 : i32
      %dma_start3A_610 = arith.constant 0 : i32
      %dma_start3A_611 = arith.constant 0 : i32
      %dma_start3A_612 = tpu.memref_slice %arg1[%dma_start3A_609, %dma_start3A, %dma_start3A_610, %dma_start3A_611] : memref<8x192x128x128xf32, #tpu.memory_space<any>> -> memref<8x1x128x128xf32, #tpu.memory_space<any>>
      %dma_start3A_613 = tpu.memref_squeeze %dma_start3A_612 : memref<8x1x128x128xf32, #tpu.memory_space<any>> -> memref<8x128x128xf32, #tpu.memory_space<any>>
      tpu.enqueue_dma source(%dma_start3A_613 : memref<8x128x128xf32, #tpu.memory_space<any>>) target(%arg40 : memref<8x128x128xf32, #tpu.memory_space<vmem>>) target_semaphore(%arg88 : memref<!tpu.dma_semaphore, #tpu.memory_space<semaphore_mem>>)
    } else {
    }
    %get3A_291 = arith.constant 11 : index
    %get3A_292 = memref.load %arg2[%get3A_291] : memref<192xi32, #tpu.memory_space<smem>>
    %get3A_293 = arith.constant 11 : index
    %get3A_294 = memref.load %arg3[%get3A_293] : memref<192xi32, #tpu.memory_space<smem>>
    %ne3A_295 = arith.cmpi ne, %get3A_292, %get3A_294 : i32
    %eq3A_296 = arith.constant 1 : i32
    %eq3A_297 = arith.cmpi eq, %get3A_292, %eq3A_296 : i32
    %convert_element_type3A_298 = arith.extui %eq3A_297 : i1 to i32
    %cond3A_299 = arith.constant 0 : i32
    %cond3A_300 = arith.cmpi ne, %convert_element_type3A_298, %cond3A_299 : i32
    scf.if %cond3A_300 {
      %dma_start3A = arith.constant 11 : i32
      %dma_start3A_609 = arith.constant 0 : i32
      %dma_start3A_610 = arith.constant 0 : i32
      %dma_start3A_611 = arith.constant 0 : i32
      %dma_start3A_612 = tpu.memref_slice %arg0[%dma_start3A_609, %dma_start3A, %dma_start3A_610, %dma_start3A_611] : memref<8x192x128x128xf32, #tpu.memory_space<any>> -> memref<8x1x128x128xf32, #tpu.memory_space<any>>
      %dma_start3A_613 = tpu.memref_squeeze %dma_start3A_612 : memref<8x1x128x128xf32, #tpu.memory_space<any>> -> memref<8x128x128xf32, #tpu.memory_space<any>>
      tpu.enqueue_dma source(%dma_start3A_613 : memref<8x128x128xf32, #tpu.memory_space<any>>) target(%arg17 : memref<8x128x128xf32, #tpu.memory_space<vmem>>) target_semaphore(%arg65 : memref<!tpu.dma_semaphore, #tpu.memory_space<semaphore_mem>>)
    } else {
    }
    %eq3A_301 = arith.constant 0 : i32
    %eq3A_302 = arith.cmpi eq, %get3A_292, %eq3A_301 : i32
    %convert_element_type3A_303 = arith.extui %eq3A_302 : i1 to i32
    %cond3A_304 = arith.constant 0 : i32
    %cond3A_305 = arith.cmpi ne, %convert_element_type3A_303, %cond3A_304 : i32
    scf.if %cond3A_305 {
      %dma_start3A = arith.constant 11 : i32
      %dma_start3A_609 = arith.constant 0 : i32
      %dma_start3A_610 = arith.constant 0 : i32
      %dma_start3A_611 = arith.constant 0 : i32
      %dma_start3A_612 = tpu.memref_slice %arg1[%dma_start3A_609, %dma_start3A, %dma_start3A_610, %dma_start3A_611] : memref<8x192x128x128xf32, #tpu.memory_space<any>> -> memref<8x1x128x128xf32, #tpu.memory_space<any>>
      %dma_start3A_613 = tpu.memref_squeeze %dma_start3A_612 : memref<8x1x128x128xf32, #tpu.memory_space<any>> -> memref<8x128x128xf32, #tpu.memory_space<any>>
      tpu.enqueue_dma source(%dma_start3A_613 : memref<8x128x128xf32, #tpu.memory_space<any>>) target(%arg17 : memref<8x128x128xf32, #tpu.memory_space<vmem>>) target_semaphore(%arg65 : memref<!tpu.dma_semaphore, #tpu.memory_space<semaphore_mem>>)
    } else {
    }
    %eq3A_306 = arith.constant 1 : i32
    %eq3A_307 = arith.cmpi eq, %get3A_294, %eq3A_306 : i32
    %and3A_308 = arith.andi %ne3A_295, %eq3A_307 : i1
    %convert_element_type3A_309 = arith.extui %and3A_308 : i1 to i32
    %cond3A_310 = arith.constant 0 : i32
    %cond3A_311 = arith.cmpi ne, %convert_element_type3A_309, %cond3A_310 : i32
    scf.if %cond3A_311 {
      %dma_start3A = arith.constant 11 : i32
      %dma_start3A_609 = arith.constant 0 : i32
      %dma_start3A_610 = arith.constant 0 : i32
      %dma_start3A_611 = arith.constant 0 : i32
      %dma_start3A_612 = tpu.memref_slice %arg0[%dma_start3A_609, %dma_start3A, %dma_start3A_610, %dma_start3A_611] : memref<8x192x128x128xf32, #tpu.memory_space<any>> -> memref<8x1x128x128xf32, #tpu.memory_space<any>>
      %dma_start3A_613 = tpu.memref_squeeze %dma_start3A_612 : memref<8x1x128x128xf32, #tpu.memory_space<any>> -> memref<8x128x128xf32, #tpu.memory_space<any>>
      tpu.enqueue_dma source(%dma_start3A_613 : memref<8x128x128xf32, #tpu.memory_space<any>>) target(%arg41 : memref<8x128x128xf32, #tpu.memory_space<vmem>>) target_semaphore(%arg89 : memref<!tpu.dma_semaphore, #tpu.memory_space<semaphore_mem>>)
    } else {
    }
    %eq3A_312 = arith.constant 0 : i32
    %eq3A_313 = arith.cmpi eq, %get3A_294, %eq3A_312 : i32
    %and3A_314 = arith.andi %ne3A_295, %eq3A_313 : i1
    %convert_element_type3A_315 = arith.extui %and3A_314 : i1 to i32
    %cond3A_316 = arith.constant 0 : i32
    %cond3A_317 = arith.cmpi ne, %convert_element_type3A_315, %cond3A_316 : i32
    scf.if %cond3A_317 {
      %dma_start3A = arith.constant 11 : i32
      %dma_start3A_609 = arith.constant 0 : i32
      %dma_start3A_610 = arith.constant 0 : i32
      %dma_start3A_611 = arith.constant 0 : i32
      %dma_start3A_612 = tpu.memref_slice %arg1[%dma_start3A_609, %dma_start3A, %dma_start3A_610, %dma_start3A_611] : memref<8x192x128x128xf32, #tpu.memory_space<any>> -> memref<8x1x128x128xf32, #tpu.memory_space<any>>
      %dma_start3A_613 = tpu.memref_squeeze %dma_start3A_612 : memref<8x1x128x128xf32, #tpu.memory_space<any>> -> memref<8x128x128xf32, #tpu.memory_space<any>>
      tpu.enqueue_dma source(%dma_start3A_613 : memref<8x128x128xf32, #tpu.memory_space<any>>) target(%arg41 : memref<8x128x128xf32, #tpu.memory_space<vmem>>) target_semaphore(%arg89 : memref<!tpu.dma_semaphore, #tpu.memory_space<semaphore_mem>>)
    } else {
    }
    %scan3A = arith.constant 0 : i32
    %scan3A_318 = arith.constant 8 : i32
    %scan3A_319 = arith.addi %scan3A, %scan3A_318 : i32
    %scan3A_320 = arith.constant 1 : i32
    scf.for %scan3A_609 = %scan3A to %scan3A_319 step %scan3A_320  : i32 {
      %mul3A = arith.constant 1 : i32
      %mul3A_610 = arith.muli %scan3A_609, %mul3A : i32
      %add3A = arith.constant 0 : i32
      %add3A_611 = arith.addi %add3A, %mul3A_610 : i32
      %mul3A_612 = arith.constant 24 : i32
      %mul3A_613 = arith.muli %mul3A_612, %add3A_611 : i32
      %add3A_614 = arith.constant 0 : i32
      %add3A_615 = arith.addi %mul3A_613, %add3A_614 : i32
      %get3A_616 = arith.index_cast %add3A_615 : i32 to index
      %get3A_617 = memref.load %arg2[%get3A_616] : memref<192xi32, #tpu.memory_space<smem>>
      %get3A_618 = arith.index_cast %add3A_615 : i32 to index
      %get3A_619 = memref.load %arg3[%get3A_618] : memref<192xi32, #tpu.memory_space<smem>>
      %eq3A_620 = arith.cmpi eq, %get3A_617, %get3A_619 : i32
      %dma_wait3A_621 = arith.constant 0 : i32
      %dma_wait3A_622 = arith.constant 0 : i32
      %dma_wait3A_623 = arith.constant 0 : i32
      %dma_wait3A_624 = arith.constant 0 : i32
      %dma_wait3A_625 = tpu.memref_slice %arg0[%dma_wait3A_622, %dma_wait3A_621, %dma_wait3A_623, %dma_wait3A_624] : memref<8x192x128x128xf32, #tpu.memory_space<any>> -> memref<8x1x128x128xf32, #tpu.memory_space<any>>
      %dma_wait3A_626 = tpu.memref_squeeze %dma_wait3A_625 : memref<8x1x128x128xf32, #tpu.memory_space<any>> -> memref<8x128x128xf32, #tpu.memory_space<any>>
      tpu.wait_dma2 semaphore(%arg54 : memref<!tpu.dma_semaphore, #tpu.memory_space<semaphore_mem>>) src(%dma_wait3A_626 : memref<8x128x128xf32, #tpu.memory_space<any>>) dst(%arg6 : memref<8x128x128xf32, #tpu.memory_space<vmem>>)
      %dma_start3A = arith.constant 0 : i32
      %dma_start3A_627 = arith.constant 0 : i32
      %dma_start3A_628 = arith.constant 0 : i32
      %dma_start3A_629 = tpu.memref_slice %arg4[%dma_start3A, %add3A_615, %dma_start3A_627, %dma_start3A_628] : memref<8x192x128x128xf32, #tpu.memory_space<any>> -> memref<8x1x128x128xf32, #tpu.memory_space<any>>
      %dma_start3A_630 = tpu.memref_squeeze %dma_start3A_629 : memref<8x1x128x128xf32, #tpu.memory_space<any>> -> memref<8x128x128xf32, #tpu.memory_space<any>>
      tpu.enqueue_dma source(%arg6 : memref<8x128x128xf32, #tpu.memory_space<vmem>>) target(%dma_start3A_630 : memref<8x128x128xf32, #tpu.memory_space<any>>) target_semaphore(%arg102 : memref<!tpu.dma_semaphore, #tpu.memory_space<semaphore_mem>>)
      %convert_element_type3A_631 = arith.extui %eq3A_620 : i1 to i32
      %cond3A_632 = arith.constant 0 : i32
      %cond3A_633 = arith.cmpi ne, %convert_element_type3A_631, %cond3A_632 : i32
      scf.if %cond3A_633 {
        %dma_start3A_1449 = arith.constant 0 : i32
        %dma_start3A_1450 = arith.constant 0 : i32
        %dma_start3A_1451 = arith.constant 0 : i32
        %dma_start3A_1452 = tpu.memref_slice %arg5[%dma_start3A_1449, %add3A_615, %dma_start3A_1450, %dma_start3A_1451] : memref<8x192x128x128xf32, #tpu.memory_space<any>> -> memref<8x1x128x128xf32, #tpu.memory_space<any>>
        %dma_start3A_1453 = tpu.memref_squeeze %dma_start3A_1452 : memref<8x1x128x128xf32, #tpu.memory_space<any>> -> memref<8x128x128xf32, #tpu.memory_space<any>>
        tpu.enqueue_dma source(%arg6 : memref<8x128x128xf32, #tpu.memory_space<vmem>>) target(%dma_start3A_1453 : memref<8x128x128xf32, #tpu.memory_space<any>>) target_semaphore(%arg126 : memref<!tpu.dma_semaphore, #tpu.memory_space<semaphore_mem>>)
      } else {
      }
      %not3A = arith.constant true
      %not3A_634 = arith.xori %eq3A_620, %not3A : i1
      %convert_element_type3A_635 = arith.extui %not3A_634 : i1 to i32
      %cond3A_636 = arith.constant 0 : i32
      %cond3A_637 = arith.cmpi ne, %convert_element_type3A_635, %cond3A_636 : i32
      scf.if %cond3A_637 {
        %dma_wait3A_1449 = arith.constant 0 : i32
        %dma_wait3A_1450 = arith.constant 0 : i32
        %dma_wait3A_1451 = arith.constant 0 : i32
        %dma_wait3A_1452 = arith.constant 0 : i32
        %dma_wait3A_1453 = tpu.memref_slice %arg0[%dma_wait3A_1450, %dma_wait3A_1449, %dma_wait3A_1451, %dma_wait3A_1452] : memref<8x192x128x128xf32, #tpu.memory_space<any>> -> memref<8x1x128x128xf32, #tpu.memory_space<any>>
        %dma_wait3A_1454 = tpu.memref_squeeze %dma_wait3A_1453 : memref<8x1x128x128xf32, #tpu.memory_space<any>> -> memref<8x128x128xf32, #tpu.memory_space<any>>
        tpu.wait_dma2 semaphore(%arg78 : memref<!tpu.dma_semaphore, #tpu.memory_space<semaphore_mem>>) src(%dma_wait3A_1454 : memref<8x128x128xf32, #tpu.memory_space<any>>) dst(%arg30 : memref<8x128x128xf32, #tpu.memory_space<vmem>>)
        %dma_start3A_1455 = arith.constant 0 : i32
        %dma_start3A_1456 = arith.constant 0 : i32
        %dma_start3A_1457 = arith.constant 0 : i32
        %dma_start3A_1458 = tpu.memref_slice %arg5[%dma_start3A_1455, %add3A_615, %dma_start3A_1456, %dma_start3A_1457] : memref<8x192x128x128xf32, #tpu.memory_space<any>> -> memref<8x1x128x128xf32, #tpu.memory_space<any>>
        %dma_start3A_1459 = tpu.memref_squeeze %dma_start3A_1458 : memref<8x1x128x128xf32, #tpu.memory_space<any>> -> memref<8x128x128xf32, #tpu.memory_space<any>>
        tpu.enqueue_dma source(%arg30 : memref<8x128x128xf32, #tpu.memory_space<vmem>>) target(%dma_start3A_1459 : memref<8x128x128xf32, #tpu.memory_space<any>>) target_semaphore(%arg126 : memref<!tpu.dma_semaphore, #tpu.memory_space<semaphore_mem>>)
      } else {
      }
      %add3A_638 = arith.constant 12 : i32
      %add3A_639 = arith.addi %add3A_615, %add3A_638 : i32
      %lt3A = arith.constant 192 : i32
      %lt3A_640 = arith.cmpi slt, %add3A_639, %lt3A : i32
      %convert_element_type3A_641 = arith.extui %lt3A_640 : i1 to i32
      %cond3A_642 = arith.constant 0 : i32
      %cond3A_643 = arith.cmpi ne, %convert_element_type3A_641, %cond3A_642 : i32
      scf.if %cond3A_643 {
        %ge3A = arith.constant 24 : i32
        %ge3A_1449 = arith.cmpi sge, %add3A_639, %ge3A : i32
        %convert_element_type3A_1450 = arith.extui %ge3A_1449 : i1 to i32
        %cond3A_1451 = arith.constant 0 : i32
        %cond3A_1452 = arith.cmpi ne, %convert_element_type3A_1450, %cond3A_1451 : i32
        scf.if %cond3A_1452 {
          %dma_wait3A_1480 = arith.constant 0 : i32
          %dma_wait3A_1481 = arith.constant 0 : i32
          %dma_wait3A_1482 = arith.constant 0 : i32
          %dma_wait3A_1483 = arith.constant 0 : i32
          %dma_wait3A_1484 = tpu.memref_slice %arg0[%dma_wait3A_1481, %dma_wait3A_1480, %dma_wait3A_1482, %dma_wait3A_1483] : memref<8x192x128x128xf32, #tpu.memory_space<any>> -> memref<8x1x128x128xf32, #tpu.memory_space<any>>
          %dma_wait3A_1485 = tpu.memref_squeeze %dma_wait3A_1484 : memref<8x1x128x128xf32, #tpu.memory_space<any>> -> memref<8x128x128xf32, #tpu.memory_space<any>>
          tpu.wait_dma2 semaphore(%arg114 : memref<!tpu.dma_semaphore, #tpu.memory_space<semaphore_mem>>) src(%dma_wait3A_1485 : memref<8x128x128xf32, #tpu.memory_space<any>>) dst(%arg18 : memref<8x128x128xf32, #tpu.memory_space<vmem>>)
          %dma_wait3A_1486 = arith.constant 0 : i32
          %dma_wait3A_1487 = arith.constant 0 : i32
          %dma_wait3A_1488 = arith.constant 0 : i32
          %dma_wait3A_1489 = arith.constant 0 : i32
          %dma_wait3A_1490 = tpu.memref_slice %arg0[%dma_wait3A_1487, %dma_wait3A_1486, %dma_wait3A_1488, %dma_wait3A_1489] : memref<8x192x128x128xf32, #tpu.memory_space<any>> -> memref<8x1x128x128xf32, #tpu.memory_space<any>>
          %dma_wait3A_1491 = tpu.memref_squeeze %dma_wait3A_1490 : memref<8x1x128x128xf32, #tpu.memory_space<any>> -> memref<8x128x128xf32, #tpu.memory_space<any>>
          tpu.wait_dma2 semaphore(%arg138 : memref<!tpu.dma_semaphore, #tpu.memory_space<semaphore_mem>>) src(%dma_wait3A_1491 : memref<8x128x128xf32, #tpu.memory_space<any>>) dst(%arg18 : memref<8x128x128xf32, #tpu.memory_space<vmem>>)
        } else {
        }
        %get3A_1453 = arith.index_cast %add3A_639 : i32 to index
        %get3A_1454 = memref.load %arg2[%get3A_1453] : memref<192xi32, #tpu.memory_space<smem>>
        %get3A_1455 = arith.index_cast %add3A_639 : i32 to index
        %get3A_1456 = memref.load %arg3[%get3A_1455] : memref<192xi32, #tpu.memory_space<smem>>
        %ne3A_1457 = arith.cmpi ne, %get3A_1454, %get3A_1456 : i32
        %eq3A_1458 = arith.constant 1 : i32
        %eq3A_1459 = arith.cmpi eq, %get3A_1454, %eq3A_1458 : i32
        %convert_element_type3A_1460 = arith.extui %eq3A_1459 : i1 to i32
        %cond3A_1461 = arith.constant 0 : i32
        %cond3A_1462 = arith.cmpi ne, %convert_element_type3A_1460, %cond3A_1461 : i32
        scf.if %cond3A_1462 {
          %dma_start3A_1480 = arith.constant 0 : i32
          %dma_start3A_1481 = arith.constant 0 : i32
          %dma_start3A_1482 = arith.constant 0 : i32
          %dma_start3A_1483 = tpu.memref_slice %arg0[%dma_start3A_1480, %add3A_639, %dma_start3A_1481, %dma_start3A_1482] : memref<8x192x128x128xf32, #tpu.memory_space<any>> -> memref<8x1x128x128xf32, #tpu.memory_space<any>>
          %dma_start3A_1484 = tpu.memref_squeeze %dma_start3A_1483 : memref<8x1x128x128xf32, #tpu.memory_space<any>> -> memref<8x128x128xf32, #tpu.memory_space<any>>
          tpu.enqueue_dma source(%dma_start3A_1484 : memref<8x128x128xf32, #tpu.memory_space<any>>) target(%arg18 : memref<8x128x128xf32, #tpu.memory_space<vmem>>) target_semaphore(%arg66 : memref<!tpu.dma_semaphore, #tpu.memory_space<semaphore_mem>>)
        } else {
        }
        %eq3A_1463 = arith.constant 0 : i32
        %eq3A_1464 = arith.cmpi eq, %get3A_1454, %eq3A_1463 : i32
        %convert_element_type3A_1465 = arith.extui %eq3A_1464 : i1 to i32
        %cond3A_1466 = arith.constant 0 : i32
        %cond3A_1467 = arith.cmpi ne, %convert_element_type3A_1465, %cond3A_1466 : i32
        scf.if %cond3A_1467 {
          %dma_start3A_1480 = arith.constant 0 : i32
          %dma_start3A_1481 = arith.constant 0 : i32
          %dma_start3A_1482 = arith.constant 0 : i32
          %dma_start3A_1483 = tpu.memref_slice %arg1[%dma_start3A_1480, %add3A_639, %dma_start3A_1481, %dma_start3A_1482] : memref<8x192x128x128xf32, #tpu.memory_space<any>> -> memref<8x1x128x128xf32, #tpu.memory_space<any>>
          %dma_start3A_1484 = tpu.memref_squeeze %dma_start3A_1483 : memref<8x1x128x128xf32, #tpu.memory_space<any>> -> memref<8x128x128xf32, #tpu.memory_space<any>>
          tpu.enqueue_dma source(%dma_start3A_1484 : memref<8x128x128xf32, #tpu.memory_space<any>>) target(%arg18 : memref<8x128x128xf32, #tpu.memory_space<vmem>>) target_semaphore(%arg66 : memref<!tpu.dma_semaphore, #tpu.memory_space<semaphore_mem>>)
        } else {
        }
        %eq3A_1468 = arith.constant 1 : i32
        %eq3A_1469 = arith.cmpi eq, %get3A_1456, %eq3A_1468 : i32
        %and3A_1470 = arith.andi %ne3A_1457, %eq3A_1469 : i1
        %convert_element_type3A_1471 = arith.extui %and3A_1470 : i1 to i32
        %cond3A_1472 = arith.constant 0 : i32
        %cond3A_1473 = arith.cmpi ne, %convert_element_type3A_1471, %cond3A_1472 : i32
        scf.if %cond3A_1473 {
          %dma_start3A_1480 = arith.constant 0 : i32
          %dma_start3A_1481 = arith.constant 0 : i32
          %dma_start3A_1482 = arith.constant 0 : i32
          %dma_start3A_1483 = tpu.memref_slice %arg0[%dma_start3A_1480, %add3A_639, %dma_start3A_1481, %dma_start3A_1482] : memref<8x192x128x128xf32, #tpu.memory_space<any>> -> memref<8x1x128x128xf32, #tpu.memory_space<any>>
          %dma_start3A_1484 = tpu.memref_squeeze %dma_start3A_1483 : memref<8x1x128x128xf32, #tpu.memory_space<any>> -> memref<8x128x128xf32, #tpu.memory_space<any>>
          tpu.enqueue_dma source(%dma_start3A_1484 : memref<8x128x128xf32, #tpu.memory_space<any>>) target(%arg42 : memref<8x128x128xf32, #tpu.memory_space<vmem>>) target_semaphore(%arg90 : memref<!tpu.dma_semaphore, #tpu.memory_space<semaphore_mem>>)
        } else {
        }
        %eq3A_1474 = arith.constant 0 : i32
        %eq3A_1475 = arith.cmpi eq, %get3A_1456, %eq3A_1474 : i32
        %and3A_1476 = arith.andi %ne3A_1457, %eq3A_1475 : i1
        %convert_element_type3A_1477 = arith.extui %and3A_1476 : i1 to i32
        %cond3A_1478 = arith.constant 0 : i32
        %cond3A_1479 = arith.cmpi ne, %convert_element_type3A_1477, %cond3A_1478 : i32
        scf.if %cond3A_1479 {
          %dma_start3A_1480 = arith.constant 0 : i32
          %dma_start3A_1481 = arith.constant 0 : i32
          %dma_start3A_1482 = arith.constant 0 : i32
          %dma_start3A_1483 = tpu.memref_slice %arg1[%dma_start3A_1480, %add3A_639, %dma_start3A_1481, %dma_start3A_1482] : memref<8x192x128x128xf32, #tpu.memory_space<any>> -> memref<8x1x128x128xf32, #tpu.memory_space<any>>
          %dma_start3A_1484 = tpu.memref_squeeze %dma_start3A_1483 : memref<8x1x128x128xf32, #tpu.memory_space<any>> -> memref<8x128x128xf32, #tpu.memory_space<any>>
          tpu.enqueue_dma source(%dma_start3A_1484 : memref<8x128x128xf32, #tpu.memory_space<any>>) target(%arg42 : memref<8x128x128xf32, #tpu.memory_space<vmem>>) target_semaphore(%arg90 : memref<!tpu.dma_semaphore, #tpu.memory_space<semaphore_mem>>)
        } else {
        }
      } else {
      }
      %mul3A_644 = arith.constant 24 : i32
      %mul3A_645 = arith.muli %mul3A_644, %add3A_611 : i32
      %add3A_646 = arith.constant 1 : i32
      %add3A_647 = arith.addi %mul3A_645, %add3A_646 : i32
      %get3A_648 = arith.index_cast %add3A_647 : i32 to index
      %get3A_649 = memref.load %arg2[%get3A_648] : memref<192xi32, #tpu.memory_space<smem>>
      %get3A_650 = arith.index_cast %add3A_647 : i32 to index
      %get3A_651 = memref.load %arg3[%get3A_650] : memref<192xi32, #tpu.memory_space<smem>>
      %eq3A_652 = arith.cmpi eq, %get3A_649, %get3A_651 : i32
      %dma_wait3A_653 = arith.constant 0 : i32
      %dma_wait3A_654 = arith.constant 0 : i32
      %dma_wait3A_655 = arith.constant 0 : i32
      %dma_wait3A_656 = arith.constant 0 : i32
      %dma_wait3A_657 = tpu.memref_slice %arg0[%dma_wait3A_654, %dma_wait3A_653, %dma_wait3A_655, %dma_wait3A_656] : memref<8x192x128x128xf32, #tpu.memory_space<any>> -> memref<8x1x128x128xf32, #tpu.memory_space<any>>
      %dma_wait3A_658 = tpu.memref_squeeze %dma_wait3A_657 : memref<8x1x128x128xf32, #tpu.memory_space<any>> -> memref<8x128x128xf32, #tpu.memory_space<any>>
      tpu.wait_dma2 semaphore(%arg55 : memref<!tpu.dma_semaphore, #tpu.memory_space<semaphore_mem>>) src(%dma_wait3A_658 : memref<8x128x128xf32, #tpu.memory_space<any>>) dst(%arg7 : memref<8x128x128xf32, #tpu.memory_space<vmem>>)
      %dma_start3A_659 = arith.constant 0 : i32
      %dma_start3A_660 = arith.constant 0 : i32
      %dma_start3A_661 = arith.constant 0 : i32
      %dma_start3A_662 = tpu.memref_slice %arg4[%dma_start3A_659, %add3A_647, %dma_start3A_660, %dma_start3A_661] : memref<8x192x128x128xf32, #tpu.memory_space<any>> -> memref<8x1x128x128xf32, #tpu.memory_space<any>>
      %dma_start3A_663 = tpu.memref_squeeze %dma_start3A_662 : memref<8x1x128x128xf32, #tpu.memory_space<any>> -> memref<8x128x128xf32, #tpu.memory_space<any>>
      tpu.enqueue_dma source(%arg7 : memref<8x128x128xf32, #tpu.memory_space<vmem>>) target(%dma_start3A_663 : memref<8x128x128xf32, #tpu.memory_space<any>>) target_semaphore(%arg103 : memref<!tpu.dma_semaphore, #tpu.memory_space<semaphore_mem>>)
      %convert_element_type3A_664 = arith.extui %eq3A_652 : i1 to i32
      %cond3A_665 = arith.constant 0 : i32
      %cond3A_666 = arith.cmpi ne, %convert_element_type3A_664, %cond3A_665 : i32
      scf.if %cond3A_666 {
        %dma_start3A_1449 = arith.constant 0 : i32
        %dma_start3A_1450 = arith.constant 0 : i32
        %dma_start3A_1451 = arith.constant 0 : i32
        %dma_start3A_1452 = tpu.memref_slice %arg5[%dma_start3A_1449, %add3A_647, %dma_start3A_1450, %dma_start3A_1451] : memref<8x192x128x128xf32, #tpu.memory_space<any>> -> memref<8x1x128x128xf32, #tpu.memory_space<any>>
        %dma_start3A_1453 = tpu.memref_squeeze %dma_start3A_1452 : memref<8x1x128x128xf32, #tpu.memory_space<any>> -> memref<8x128x128xf32, #tpu.memory_space<any>>
        tpu.enqueue_dma source(%arg7 : memref<8x128x128xf32, #tpu.memory_space<vmem>>) target(%dma_start3A_1453 : memref<8x128x128xf32, #tpu.memory_space<any>>) target_semaphore(%arg127 : memref<!tpu.dma_semaphore, #tpu.memory_space<semaphore_mem>>)
      } else {
      }
      %not3A_667 = arith.constant true
      %not3A_668 = arith.xori %eq3A_652, %not3A_667 : i1
      %convert_element_type3A_669 = arith.extui %not3A_668 : i1 to i32
      %cond3A_670 = arith.constant 0 : i32
      %cond3A_671 = arith.cmpi ne, %convert_element_type3A_669, %cond3A_670 : i32
      scf.if %cond3A_671 {
        %dma_wait3A_1449 = arith.constant 0 : i32
        %dma_wait3A_1450 = arith.constant 0 : i32
        %dma_wait3A_1451 = arith.constant 0 : i32
        %dma_wait3A_1452 = arith.constant 0 : i32
        %dma_wait3A_1453 = tpu.memref_slice %arg0[%dma_wait3A_1450, %dma_wait3A_1449, %dma_wait3A_1451, %dma_wait3A_1452] : memref<8x192x128x128xf32, #tpu.memory_space<any>> -> memref<8x1x128x128xf32, #tpu.memory_space<any>>
        %dma_wait3A_1454 = tpu.memref_squeeze %dma_wait3A_1453 : memref<8x1x128x128xf32, #tpu.memory_space<any>> -> memref<8x128x128xf32, #tpu.memory_space<any>>
        tpu.wait_dma2 semaphore(%arg79 : memref<!tpu.dma_semaphore, #tpu.memory_space<semaphore_mem>>) src(%dma_wait3A_1454 : memref<8x128x128xf32, #tpu.memory_space<any>>) dst(%arg31 : memref<8x128x128xf32, #tpu.memory_space<vmem>>)
        %dma_start3A_1455 = arith.constant 0 : i32
        %dma_start3A_1456 = arith.constant 0 : i32
        %dma_start3A_1457 = arith.constant 0 : i32
        %dma_start3A_1458 = tpu.memref_slice %arg5[%dma_start3A_1455, %add3A_647, %dma_start3A_1456, %dma_start3A_1457] : memref<8x192x128x128xf32, #tpu.memory_space<any>> -> memref<8x1x128x128xf32, #tpu.memory_space<any>>
        %dma_start3A_1459 = tpu.memref_squeeze %dma_start3A_1458 : memref<8x1x128x128xf32, #tpu.memory_space<any>> -> memref<8x128x128xf32, #tpu.memory_space<any>>
        tpu.enqueue_dma source(%arg31 : memref<8x128x128xf32, #tpu.memory_space<vmem>>) target(%dma_start3A_1459 : memref<8x128x128xf32, #tpu.memory_space<any>>) target_semaphore(%arg127 : memref<!tpu.dma_semaphore, #tpu.memory_space<semaphore_mem>>)
      } else {
      }
      %add3A_672 = arith.constant 12 : i32
      %add3A_673 = arith.addi %add3A_647, %add3A_672 : i32
      %lt3A_674 = arith.constant 192 : i32
      %lt3A_675 = arith.cmpi slt, %add3A_673, %lt3A_674 : i32
      %convert_element_type3A_676 = arith.extui %lt3A_675 : i1 to i32
      %cond3A_677 = arith.constant 0 : i32
      %cond3A_678 = arith.cmpi ne, %convert_element_type3A_676, %cond3A_677 : i32
      scf.if %cond3A_678 {
        %ge3A = arith.constant 24 : i32
        %ge3A_1449 = arith.cmpi sge, %add3A_673, %ge3A : i32
        %convert_element_type3A_1450 = arith.extui %ge3A_1449 : i1 to i32
        %cond3A_1451 = arith.constant 0 : i32
        %cond3A_1452 = arith.cmpi ne, %convert_element_type3A_1450, %cond3A_1451 : i32
        scf.if %cond3A_1452 {
          %dma_wait3A_1480 = arith.constant 0 : i32
          %dma_wait3A_1481 = arith.constant 0 : i32
          %dma_wait3A_1482 = arith.constant 0 : i32
          %dma_wait3A_1483 = arith.constant 0 : i32
          %dma_wait3A_1484 = tpu.memref_slice %arg0[%dma_wait3A_1481, %dma_wait3A_1480, %dma_wait3A_1482, %dma_wait3A_1483] : memref<8x192x128x128xf32, #tpu.memory_space<any>> -> memref<8x1x128x128xf32, #tpu.memory_space<any>>
          %dma_wait3A_1485 = tpu.memref_squeeze %dma_wait3A_1484 : memref<8x1x128x128xf32, #tpu.memory_space<any>> -> memref<8x128x128xf32, #tpu.memory_space<any>>
          tpu.wait_dma2 semaphore(%arg115 : memref<!tpu.dma_semaphore, #tpu.memory_space<semaphore_mem>>) src(%dma_wait3A_1485 : memref<8x128x128xf32, #tpu.memory_space<any>>) dst(%arg19 : memref<8x128x128xf32, #tpu.memory_space<vmem>>)
          %dma_wait3A_1486 = arith.constant 0 : i32
          %dma_wait3A_1487 = arith.constant 0 : i32
          %dma_wait3A_1488 = arith.constant 0 : i32
          %dma_wait3A_1489 = arith.constant 0 : i32
          %dma_wait3A_1490 = tpu.memref_slice %arg0[%dma_wait3A_1487, %dma_wait3A_1486, %dma_wait3A_1488, %dma_wait3A_1489] : memref<8x192x128x128xf32, #tpu.memory_space<any>> -> memref<8x1x128x128xf32, #tpu.memory_space<any>>
          %dma_wait3A_1491 = tpu.memref_squeeze %dma_wait3A_1490 : memref<8x1x128x128xf32, #tpu.memory_space<any>> -> memref<8x128x128xf32, #tpu.memory_space<any>>
          tpu.wait_dma2 semaphore(%arg139 : memref<!tpu.dma_semaphore, #tpu.memory_space<semaphore_mem>>) src(%dma_wait3A_1491 : memref<8x128x128xf32, #tpu.memory_space<any>>) dst(%arg19 : memref<8x128x128xf32, #tpu.memory_space<vmem>>)
        } else {
        }
        %get3A_1453 = arith.index_cast %add3A_673 : i32 to index
        %get3A_1454 = memref.load %arg2[%get3A_1453] : memref<192xi32, #tpu.memory_space<smem>>
        %get3A_1455 = arith.index_cast %add3A_673 : i32 to index
        %get3A_1456 = memref.load %arg3[%get3A_1455] : memref<192xi32, #tpu.memory_space<smem>>
        %ne3A_1457 = arith.cmpi ne, %get3A_1454, %get3A_1456 : i32
        %eq3A_1458 = arith.constant 1 : i32
        %eq3A_1459 = arith.cmpi eq, %get3A_1454, %eq3A_1458 : i32
        %convert_element_type3A_1460 = arith.extui %eq3A_1459 : i1 to i32
        %cond3A_1461 = arith.constant 0 : i32
        %cond3A_1462 = arith.cmpi ne, %convert_element_type3A_1460, %cond3A_1461 : i32
        scf.if %cond3A_1462 {
          %dma_start3A_1480 = arith.constant 0 : i32
          %dma_start3A_1481 = arith.constant 0 : i32
          %dma_start3A_1482 = arith.constant 0 : i32
          %dma_start3A_1483 = tpu.memref_slice %arg0[%dma_start3A_1480, %add3A_673, %dma_start3A_1481, %dma_start3A_1482] : memref<8x192x128x128xf32, #tpu.memory_space<any>> -> memref<8x1x128x128xf32, #tpu.memory_space<any>>
          %dma_start3A_1484 = tpu.memref_squeeze %dma_start3A_1483 : memref<8x1x128x128xf32, #tpu.memory_space<any>> -> memref<8x128x128xf32, #tpu.memory_space<any>>
          tpu.enqueue_dma source(%dma_start3A_1484 : memref<8x128x128xf32, #tpu.memory_space<any>>) target(%arg19 : memref<8x128x128xf32, #tpu.memory_space<vmem>>) target_semaphore(%arg67 : memref<!tpu.dma_semaphore, #tpu.memory_space<semaphore_mem>>)
        } else {
        }
        %eq3A_1463 = arith.constant 0 : i32
        %eq3A_1464 = arith.cmpi eq, %get3A_1454, %eq3A_1463 : i32
        %convert_element_type3A_1465 = arith.extui %eq3A_1464 : i1 to i32
        %cond3A_1466 = arith.constant 0 : i32
        %cond3A_1467 = arith.cmpi ne, %convert_element_type3A_1465, %cond3A_1466 : i32
        scf.if %cond3A_1467 {
          %dma_start3A_1480 = arith.constant 0 : i32
          %dma_start3A_1481 = arith.constant 0 : i32
          %dma_start3A_1482 = arith.constant 0 : i32
          %dma_start3A_1483 = tpu.memref_slice %arg1[%dma_start3A_1480, %add3A_673, %dma_start3A_1481, %dma_start3A_1482] : memref<8x192x128x128xf32, #tpu.memory_space<any>> -> memref<8x1x128x128xf32, #tpu.memory_space<any>>
          %dma_start3A_1484 = tpu.memref_squeeze %dma_start3A_1483 : memref<8x1x128x128xf32, #tpu.memory_space<any>> -> memref<8x128x128xf32, #tpu.memory_space<any>>
          tpu.enqueue_dma source(%dma_start3A_1484 : memref<8x128x128xf32, #tpu.memory_space<any>>) target(%arg19 : memref<8x128x128xf32, #tpu.memory_space<vmem>>) target_semaphore(%arg67 : memref<!tpu.dma_semaphore, #tpu.memory_space<semaphore_mem>>)
        } else {
        }
        %eq3A_1468 = arith.constant 1 : i32
        %eq3A_1469 = arith.cmpi eq, %get3A_1456, %eq3A_1468 : i32
        %and3A_1470 = arith.andi %ne3A_1457, %eq3A_1469 : i1
        %convert_element_type3A_1471 = arith.extui %and3A_1470 : i1 to i32
        %cond3A_1472 = arith.constant 0 : i32
        %cond3A_1473 = arith.cmpi ne, %convert_element_type3A_1471, %cond3A_1472 : i32
        scf.if %cond3A_1473 {
          %dma_start3A_1480 = arith.constant 0 : i32
          %dma_start3A_1481 = arith.constant 0 : i32
          %dma_start3A_1482 = arith.constant 0 : i32
          %dma_start3A_1483 = tpu.memref_slice %arg0[%dma_start3A_1480, %add3A_673, %dma_start3A_1481, %dma_start3A_1482] : memref<8x192x128x128xf32, #tpu.memory_space<any>> -> memref<8x1x128x128xf32, #tpu.memory_space<any>>
          %dma_start3A_1484 = tpu.memref_squeeze %dma_start3A_1483 : memref<8x1x128x128xf32, #tpu.memory_space<any>> -> memref<8x128x128xf32, #tpu.memory_space<any>>
          tpu.enqueue_dma source(%dma_start3A_1484 : memref<8x128x128xf32, #tpu.memory_space<any>>) target(%arg43 : memref<8x128x128xf32, #tpu.memory_space<vmem>>) target_semaphore(%arg91 : memref<!tpu.dma_semaphore, #tpu.memory_space<semaphore_mem>>)
        } else {
        }
        %eq3A_1474 = arith.constant 0 : i32
        %eq3A_1475 = arith.cmpi eq, %get3A_1456, %eq3A_1474 : i32
        %and3A_1476 = arith.andi %ne3A_1457, %eq3A_1475 : i1
        %convert_element_type3A_1477 = arith.extui %and3A_1476 : i1 to i32
        %cond3A_1478 = arith.constant 0 : i32
        %cond3A_1479 = arith.cmpi ne, %convert_element_type3A_1477, %cond3A_1478 : i32
        scf.if %cond3A_1479 {
          %dma_start3A_1480 = arith.constant 0 : i32
          %dma_start3A_1481 = arith.constant 0 : i32
          %dma_start3A_1482 = arith.constant 0 : i32
          %dma_start3A_1483 = tpu.memref_slice %arg1[%dma_start3A_1480, %add3A_673, %dma_start3A_1481, %dma_start3A_1482] : memref<8x192x128x128xf32, #tpu.memory_space<any>> -> memref<8x1x128x128xf32, #tpu.memory_space<any>>
          %dma_start3A_1484 = tpu.memref_squeeze %dma_start3A_1483 : memref<8x1x128x128xf32, #tpu.memory_space<any>> -> memref<8x128x128xf32, #tpu.memory_space<any>>
          tpu.enqueue_dma source(%dma_start3A_1484 : memref<8x128x128xf32, #tpu.memory_space<any>>) target(%arg43 : memref<8x128x128xf32, #tpu.memory_space<vmem>>) target_semaphore(%arg91 : memref<!tpu.dma_semaphore, #tpu.memory_space<semaphore_mem>>)
        } else {
        }
      } else {
      }
      %mul3A_679 = arith.constant 24 : i32
      %mul3A_680 = arith.muli %mul3A_679, %add3A_611 : i32
      %add3A_681 = arith.constant 2 : i32
      %add3A_682 = arith.addi %mul3A_680, %add3A_681 : i32
      %get3A_683 = arith.index_cast %add3A_682 : i32 to index
      %get3A_684 = memref.load %arg2[%get3A_683] : memref<192xi32, #tpu.memory_space<smem>>
      %get3A_685 = arith.index_cast %add3A_682 : i32 to index
      %get3A_686 = memref.load %arg3[%get3A_685] : memref<192xi32, #tpu.memory_space<smem>>
      %eq3A_687 = arith.cmpi eq, %get3A_684, %get3A_686 : i32
      %dma_wait3A_688 = arith.constant 0 : i32
      %dma_wait3A_689 = arith.constant 0 : i32
      %dma_wait3A_690 = arith.constant 0 : i32
      %dma_wait3A_691 = arith.constant 0 : i32
      %dma_wait3A_692 = tpu.memref_slice %arg0[%dma_wait3A_689, %dma_wait3A_688, %dma_wait3A_690, %dma_wait3A_691] : memref<8x192x128x128xf32, #tpu.memory_space<any>> -> memref<8x1x128x128xf32, #tpu.memory_space<any>>
      %dma_wait3A_693 = tpu.memref_squeeze %dma_wait3A_692 : memref<8x1x128x128xf32, #tpu.memory_space<any>> -> memref<8x128x128xf32, #tpu.memory_space<any>>
      tpu.wait_dma2 semaphore(%arg56 : memref<!tpu.dma_semaphore, #tpu.memory_space<semaphore_mem>>) src(%dma_wait3A_693 : memref<8x128x128xf32, #tpu.memory_space<any>>) dst(%arg8 : memref<8x128x128xf32, #tpu.memory_space<vmem>>)
      %dma_start3A_694 = arith.constant 0 : i32
      %dma_start3A_695 = arith.constant 0 : i32
      %dma_start3A_696 = arith.constant 0 : i32
      %dma_start3A_697 = tpu.memref_slice %arg4[%dma_start3A_694, %add3A_682, %dma_start3A_695, %dma_start3A_696] : memref<8x192x128x128xf32, #tpu.memory_space<any>> -> memref<8x1x128x128xf32, #tpu.memory_space<any>>
      %dma_start3A_698 = tpu.memref_squeeze %dma_start3A_697 : memref<8x1x128x128xf32, #tpu.memory_space<any>> -> memref<8x128x128xf32, #tpu.memory_space<any>>
      tpu.enqueue_dma source(%arg8 : memref<8x128x128xf32, #tpu.memory_space<vmem>>) target(%dma_start3A_698 : memref<8x128x128xf32, #tpu.memory_space<any>>) target_semaphore(%arg104 : memref<!tpu.dma_semaphore, #tpu.memory_space<semaphore_mem>>)
      %convert_element_type3A_699 = arith.extui %eq3A_687 : i1 to i32
      %cond3A_700 = arith.constant 0 : i32
      %cond3A_701 = arith.cmpi ne, %convert_element_type3A_699, %cond3A_700 : i32
      scf.if %cond3A_701 {
        %dma_start3A_1449 = arith.constant 0 : i32
        %dma_start3A_1450 = arith.constant 0 : i32
        %dma_start3A_1451 = arith.constant 0 : i32
        %dma_start3A_1452 = tpu.memref_slice %arg5[%dma_start3A_1449, %add3A_682, %dma_start3A_1450, %dma_start3A_1451] : memref<8x192x128x128xf32, #tpu.memory_space<any>> -> memref<8x1x128x128xf32, #tpu.memory_space<any>>
        %dma_start3A_1453 = tpu.memref_squeeze %dma_start3A_1452 : memref<8x1x128x128xf32, #tpu.memory_space<any>> -> memref<8x128x128xf32, #tpu.memory_space<any>>
        tpu.enqueue_dma source(%arg8 : memref<8x128x128xf32, #tpu.memory_space<vmem>>) target(%dma_start3A_1453 : memref<8x128x128xf32, #tpu.memory_space<any>>) target_semaphore(%arg128 : memref<!tpu.dma_semaphore, #tpu.memory_space<semaphore_mem>>)
      } else {
      }
      %not3A_702 = arith.constant true
      %not3A_703 = arith.xori %eq3A_687, %not3A_702 : i1
      %convert_element_type3A_704 = arith.extui %not3A_703 : i1 to i32
      %cond3A_705 = arith.constant 0 : i32
      %cond3A_706 = arith.cmpi ne, %convert_element_type3A_704, %cond3A_705 : i32
      scf.if %cond3A_706 {
        %dma_wait3A_1449 = arith.constant 0 : i32
        %dma_wait3A_1450 = arith.constant 0 : i32
        %dma_wait3A_1451 = arith.constant 0 : i32
        %dma_wait3A_1452 = arith.constant 0 : i32
        %dma_wait3A_1453 = tpu.memref_slice %arg0[%dma_wait3A_1450, %dma_wait3A_1449, %dma_wait3A_1451, %dma_wait3A_1452] : memref<8x192x128x128xf32, #tpu.memory_space<any>> -> memref<8x1x128x128xf32, #tpu.memory_space<any>>
        %dma_wait3A_1454 = tpu.memref_squeeze %dma_wait3A_1453 : memref<8x1x128x128xf32, #tpu.memory_space<any>> -> memref<8x128x128xf32, #tpu.memory_space<any>>
        tpu.wait_dma2 semaphore(%arg80 : memref<!tpu.dma_semaphore, #tpu.memory_space<semaphore_mem>>) src(%dma_wait3A_1454 : memref<8x128x128xf32, #tpu.memory_space<any>>) dst(%arg32 : memref<8x128x128xf32, #tpu.memory_space<vmem>>)
        %dma_start3A_1455 = arith.constant 0 : i32
        %dma_start3A_1456 = arith.constant 0 : i32
        %dma_start3A_1457 = arith.constant 0 : i32
        %dma_start3A_1458 = tpu.memref_slice %arg5[%dma_start3A_1455, %add3A_682, %dma_start3A_1456, %dma_start3A_1457] : memref<8x192x128x128xf32, #tpu.memory_space<any>> -> memref<8x1x128x128xf32, #tpu.memory_space<any>>
        %dma_start3A_1459 = tpu.memref_squeeze %dma_start3A_1458 : memref<8x1x128x128xf32, #tpu.memory_space<any>> -> memref<8x128x128xf32, #tpu.memory_space<any>>
        tpu.enqueue_dma source(%arg32 : memref<8x128x128xf32, #tpu.memory_space<vmem>>) target(%dma_start3A_1459 : memref<8x128x128xf32, #tpu.memory_space<any>>) target_semaphore(%arg128 : memref<!tpu.dma_semaphore, #tpu.memory_space<semaphore_mem>>)
      } else {
      }
      %add3A_707 = arith.constant 12 : i32
      %add3A_708 = arith.addi %add3A_682, %add3A_707 : i32
      %lt3A_709 = arith.constant 192 : i32
      %lt3A_710 = arith.cmpi slt, %add3A_708, %lt3A_709 : i32
      %convert_element_type3A_711 = arith.extui %lt3A_710 : i1 to i32
      %cond3A_712 = arith.constant 0 : i32
      %cond3A_713 = arith.cmpi ne, %convert_element_type3A_711, %cond3A_712 : i32
      scf.if %cond3A_713 {
        %ge3A = arith.constant 24 : i32
        %ge3A_1449 = arith.cmpi sge, %add3A_708, %ge3A : i32
        %convert_element_type3A_1450 = arith.extui %ge3A_1449 : i1 to i32
        %cond3A_1451 = arith.constant 0 : i32
        %cond3A_1452 = arith.cmpi ne, %convert_element_type3A_1450, %cond3A_1451 : i32
        scf.if %cond3A_1452 {
          %dma_wait3A_1480 = arith.constant 0 : i32
          %dma_wait3A_1481 = arith.constant 0 : i32
          %dma_wait3A_1482 = arith.constant 0 : i32
          %dma_wait3A_1483 = arith.constant 0 : i32
          %dma_wait3A_1484 = tpu.memref_slice %arg0[%dma_wait3A_1481, %dma_wait3A_1480, %dma_wait3A_1482, %dma_wait3A_1483] : memref<8x192x128x128xf32, #tpu.memory_space<any>> -> memref<8x1x128x128xf32, #tpu.memory_space<any>>
          %dma_wait3A_1485 = tpu.memref_squeeze %dma_wait3A_1484 : memref<8x1x128x128xf32, #tpu.memory_space<any>> -> memref<8x128x128xf32, #tpu.memory_space<any>>
          tpu.wait_dma2 semaphore(%arg116 : memref<!tpu.dma_semaphore, #tpu.memory_space<semaphore_mem>>) src(%dma_wait3A_1485 : memref<8x128x128xf32, #tpu.memory_space<any>>) dst(%arg20 : memref<8x128x128xf32, #tpu.memory_space<vmem>>)
          %dma_wait3A_1486 = arith.constant 0 : i32
          %dma_wait3A_1487 = arith.constant 0 : i32
          %dma_wait3A_1488 = arith.constant 0 : i32
          %dma_wait3A_1489 = arith.constant 0 : i32
          %dma_wait3A_1490 = tpu.memref_slice %arg0[%dma_wait3A_1487, %dma_wait3A_1486, %dma_wait3A_1488, %dma_wait3A_1489] : memref<8x192x128x128xf32, #tpu.memory_space<any>> -> memref<8x1x128x128xf32, #tpu.memory_space<any>>
          %dma_wait3A_1491 = tpu.memref_squeeze %dma_wait3A_1490 : memref<8x1x128x128xf32, #tpu.memory_space<any>> -> memref<8x128x128xf32, #tpu.memory_space<any>>
          tpu.wait_dma2 semaphore(%arg140 : memref<!tpu.dma_semaphore, #tpu.memory_space<semaphore_mem>>) src(%dma_wait3A_1491 : memref<8x128x128xf32, #tpu.memory_space<any>>) dst(%arg20 : memref<8x128x128xf32, #tpu.memory_space<vmem>>)
        } else {
        }
        %get3A_1453 = arith.index_cast %add3A_708 : i32 to index
        %get3A_1454 = memref.load %arg2[%get3A_1453] : memref<192xi32, #tpu.memory_space<smem>>
        %get3A_1455 = arith.index_cast %add3A_708 : i32 to index
        %get3A_1456 = memref.load %arg3[%get3A_1455] : memref<192xi32, #tpu.memory_space<smem>>
        %ne3A_1457 = arith.cmpi ne, %get3A_1454, %get3A_1456 : i32
        %eq3A_1458 = arith.constant 1 : i32
        %eq3A_1459 = arith.cmpi eq, %get3A_1454, %eq3A_1458 : i32
        %convert_element_type3A_1460 = arith.extui %eq3A_1459 : i1 to i32
        %cond3A_1461 = arith.constant 0 : i32
        %cond3A_1462 = arith.cmpi ne, %convert_element_type3A_1460, %cond3A_1461 : i32
        scf.if %cond3A_1462 {
          %dma_start3A_1480 = arith.constant 0 : i32
          %dma_start3A_1481 = arith.constant 0 : i32
          %dma_start3A_1482 = arith.constant 0 : i32
          %dma_start3A_1483 = tpu.memref_slice %arg0[%dma_start3A_1480, %add3A_708, %dma_start3A_1481, %dma_start3A_1482] : memref<8x192x128x128xf32, #tpu.memory_space<any>> -> memref<8x1x128x128xf32, #tpu.memory_space<any>>
          %dma_start3A_1484 = tpu.memref_squeeze %dma_start3A_1483 : memref<8x1x128x128xf32, #tpu.memory_space<any>> -> memref<8x128x128xf32, #tpu.memory_space<any>>
          tpu.enqueue_dma source(%dma_start3A_1484 : memref<8x128x128xf32, #tpu.memory_space<any>>) target(%arg20 : memref<8x128x128xf32, #tpu.memory_space<vmem>>) target_semaphore(%arg68 : memref<!tpu.dma_semaphore, #tpu.memory_space<semaphore_mem>>)
        } else {
        }
        %eq3A_1463 = arith.constant 0 : i32
        %eq3A_1464 = arith.cmpi eq, %get3A_1454, %eq3A_1463 : i32
        %convert_element_type3A_1465 = arith.extui %eq3A_1464 : i1 to i32
        %cond3A_1466 = arith.constant 0 : i32
        %cond3A_1467 = arith.cmpi ne, %convert_element_type3A_1465, %cond3A_1466 : i32
        scf.if %cond3A_1467 {
          %dma_start3A_1480 = arith.constant 0 : i32
          %dma_start3A_1481 = arith.constant 0 : i32
          %dma_start3A_1482 = arith.constant 0 : i32
          %dma_start3A_1483 = tpu.memref_slice %arg1[%dma_start3A_1480, %add3A_708, %dma_start3A_1481, %dma_start3A_1482] : memref<8x192x128x128xf32, #tpu.memory_space<any>> -> memref<8x1x128x128xf32, #tpu.memory_space<any>>
          %dma_start3A_1484 = tpu.memref_squeeze %dma_start3A_1483 : memref<8x1x128x128xf32, #tpu.memory_space<any>> -> memref<8x128x128xf32, #tpu.memory_space<any>>
          tpu.enqueue_dma source(%dma_start3A_1484 : memref<8x128x128xf32, #tpu.memory_space<any>>) target(%arg20 : memref<8x128x128xf32, #tpu.memory_space<vmem>>) target_semaphore(%arg68 : memref<!tpu.dma_semaphore, #tpu.memory_space<semaphore_mem>>)
        } else {
        }
        %eq3A_1468 = arith.constant 1 : i32
        %eq3A_1469 = arith.cmpi eq, %get3A_1456, %eq3A_1468 : i32
        %and3A_1470 = arith.andi %ne3A_1457, %eq3A_1469 : i1
        %convert_element_type3A_1471 = arith.extui %and3A_1470 : i1 to i32
        %cond3A_1472 = arith.constant 0 : i32
        %cond3A_1473 = arith.cmpi ne, %convert_element_type3A_1471, %cond3A_1472 : i32
        scf.if %cond3A_1473 {
          %dma_start3A_1480 = arith.constant 0 : i32
          %dma_start3A_1481 = arith.constant 0 : i32
          %dma_start3A_1482 = arith.constant 0 : i32
          %dma_start3A_1483 = tpu.memref_slice %arg0[%dma_start3A_1480, %add3A_708, %dma_start3A_1481, %dma_start3A_1482] : memref<8x192x128x128xf32, #tpu.memory_space<any>> -> memref<8x1x128x128xf32, #tpu.memory_space<any>>
          %dma_start3A_1484 = tpu.memref_squeeze %dma_start3A_1483 : memref<8x1x128x128xf32, #tpu.memory_space<any>> -> memref<8x128x128xf32, #tpu.memory_space<any>>
          tpu.enqueue_dma source(%dma_start3A_1484 : memref<8x128x128xf32, #tpu.memory_space<any>>) target(%arg44 : memref<8x128x128xf32, #tpu.memory_space<vmem>>) target_semaphore(%arg92 : memref<!tpu.dma_semaphore, #tpu.memory_space<semaphore_mem>>)
        } else {
        }
        %eq3A_1474 = arith.constant 0 : i32
        %eq3A_1475 = arith.cmpi eq, %get3A_1456, %eq3A_1474 : i32
        %and3A_1476 = arith.andi %ne3A_1457, %eq3A_1475 : i1
        %convert_element_type3A_1477 = arith.extui %and3A_1476 : i1 to i32
        %cond3A_1478 = arith.constant 0 : i32
        %cond3A_1479 = arith.cmpi ne, %convert_element_type3A_1477, %cond3A_1478 : i32
        scf.if %cond3A_1479 {
          %dma_start3A_1480 = arith.constant 0 : i32
          %dma_start3A_1481 = arith.constant 0 : i32
          %dma_start3A_1482 = arith.constant 0 : i32
          %dma_start3A_1483 = tpu.memref_slice %arg1[%dma_start3A_1480, %add3A_708, %dma_start3A_1481, %dma_start3A_1482] : memref<8x192x128x128xf32, #tpu.memory_space<any>> -> memref<8x1x128x128xf32, #tpu.memory_space<any>>
          %dma_start3A_1484 = tpu.memref_squeeze %dma_start3A_1483 : memref<8x1x128x128xf32, #tpu.memory_space<any>> -> memref<8x128x128xf32, #tpu.memory_space<any>>
          tpu.enqueue_dma source(%dma_start3A_1484 : memref<8x128x128xf32, #tpu.memory_space<any>>) target(%arg44 : memref<8x128x128xf32, #tpu.memory_space<vmem>>) target_semaphore(%arg92 : memref<!tpu.dma_semaphore, #tpu.memory_space<semaphore_mem>>)
        } else {
        }
      } else {
      }
      %mul3A_714 = arith.constant 24 : i32
      %mul3A_715 = arith.muli %mul3A_714, %add3A_611 : i32
      %add3A_716 = arith.constant 3 : i32
      %add3A_717 = arith.addi %mul3A_715, %add3A_716 : i32
      %get3A_718 = arith.index_cast %add3A_717 : i32 to index
      %get3A_719 = memref.load %arg2[%get3A_718] : memref<192xi32, #tpu.memory_space<smem>>
      %get3A_720 = arith.index_cast %add3A_717 : i32 to index
      %get3A_721 = memref.load %arg3[%get3A_720] : memref<192xi32, #tpu.memory_space<smem>>
      %eq3A_722 = arith.cmpi eq, %get3A_719, %get3A_721 : i32
      %dma_wait3A_723 = arith.constant 0 : i32
      %dma_wait3A_724 = arith.constant 0 : i32
      %dma_wait3A_725 = arith.constant 0 : i32
      %dma_wait3A_726 = arith.constant 0 : i32
      %dma_wait3A_727 = tpu.memref_slice %arg0[%dma_wait3A_724, %dma_wait3A_723, %dma_wait3A_725, %dma_wait3A_726] : memref<8x192x128x128xf32, #tpu.memory_space<any>> -> memref<8x1x128x128xf32, #tpu.memory_space<any>>
      %dma_wait3A_728 = tpu.memref_squeeze %dma_wait3A_727 : memref<8x1x128x128xf32, #tpu.memory_space<any>> -> memref<8x128x128xf32, #tpu.memory_space<any>>
      tpu.wait_dma2 semaphore(%arg57 : memref<!tpu.dma_semaphore, #tpu.memory_space<semaphore_mem>>) src(%dma_wait3A_728 : memref<8x128x128xf32, #tpu.memory_space<any>>) dst(%arg9 : memref<8x128x128xf32, #tpu.memory_space<vmem>>)
      %dma_start3A_729 = arith.constant 0 : i32
      %dma_start3A_730 = arith.constant 0 : i32
      %dma_start3A_731 = arith.constant 0 : i32
      %dma_start3A_732 = tpu.memref_slice %arg4[%dma_start3A_729, %add3A_717, %dma_start3A_730, %dma_start3A_731] : memref<8x192x128x128xf32, #tpu.memory_space<any>> -> memref<8x1x128x128xf32, #tpu.memory_space<any>>
      %dma_start3A_733 = tpu.memref_squeeze %dma_start3A_732 : memref<8x1x128x128xf32, #tpu.memory_space<any>> -> memref<8x128x128xf32, #tpu.memory_space<any>>
      tpu.enqueue_dma source(%arg9 : memref<8x128x128xf32, #tpu.memory_space<vmem>>) target(%dma_start3A_733 : memref<8x128x128xf32, #tpu.memory_space<any>>) target_semaphore(%arg105 : memref<!tpu.dma_semaphore, #tpu.memory_space<semaphore_mem>>)
      %convert_element_type3A_734 = arith.extui %eq3A_722 : i1 to i32
      %cond3A_735 = arith.constant 0 : i32
      %cond3A_736 = arith.cmpi ne, %convert_element_type3A_734, %cond3A_735 : i32
      scf.if %cond3A_736 {
        %dma_start3A_1449 = arith.constant 0 : i32
        %dma_start3A_1450 = arith.constant 0 : i32
        %dma_start3A_1451 = arith.constant 0 : i32
        %dma_start3A_1452 = tpu.memref_slice %arg5[%dma_start3A_1449, %add3A_717, %dma_start3A_1450, %dma_start3A_1451] : memref<8x192x128x128xf32, #tpu.memory_space<any>> -> memref<8x1x128x128xf32, #tpu.memory_space<any>>
        %dma_start3A_1453 = tpu.memref_squeeze %dma_start3A_1452 : memref<8x1x128x128xf32, #tpu.memory_space<any>> -> memref<8x128x128xf32, #tpu.memory_space<any>>
        tpu.enqueue_dma source(%arg9 : memref<8x128x128xf32, #tpu.memory_space<vmem>>) target(%dma_start3A_1453 : memref<8x128x128xf32, #tpu.memory_space<any>>) target_semaphore(%arg129 : memref<!tpu.dma_semaphore, #tpu.memory_space<semaphore_mem>>)
      } else {
      }
      %not3A_737 = arith.constant true
      %not3A_738 = arith.xori %eq3A_722, %not3A_737 : i1
      %convert_element_type3A_739 = arith.extui %not3A_738 : i1 to i32
      %cond3A_740 = arith.constant 0 : i32
      %cond3A_741 = arith.cmpi ne, %convert_element_type3A_739, %cond3A_740 : i32
      scf.if %cond3A_741 {
        %dma_wait3A_1449 = arith.constant 0 : i32
        %dma_wait3A_1450 = arith.constant 0 : i32
        %dma_wait3A_1451 = arith.constant 0 : i32
        %dma_wait3A_1452 = arith.constant 0 : i32
        %dma_wait3A_1453 = tpu.memref_slice %arg0[%dma_wait3A_1450, %dma_wait3A_1449, %dma_wait3A_1451, %dma_wait3A_1452] : memref<8x192x128x128xf32, #tpu.memory_space<any>> -> memref<8x1x128x128xf32, #tpu.memory_space<any>>
        %dma_wait3A_1454 = tpu.memref_squeeze %dma_wait3A_1453 : memref<8x1x128x128xf32, #tpu.memory_space<any>> -> memref<8x128x128xf32, #tpu.memory_space<any>>
        tpu.wait_dma2 semaphore(%arg81 : memref<!tpu.dma_semaphore, #tpu.memory_space<semaphore_mem>>) src(%dma_wait3A_1454 : memref<8x128x128xf32, #tpu.memory_space<any>>) dst(%arg33 : memref<8x128x128xf32, #tpu.memory_space<vmem>>)
        %dma_start3A_1455 = arith.constant 0 : i32
        %dma_start3A_1456 = arith.constant 0 : i32
        %dma_start3A_1457 = arith.constant 0 : i32
        %dma_start3A_1458 = tpu.memref_slice %arg5[%dma_start3A_1455, %add3A_717, %dma_start3A_1456, %dma_start3A_1457] : memref<8x192x128x128xf32, #tpu.memory_space<any>> -> memref<8x1x128x128xf32, #tpu.memory_space<any>>
        %dma_start3A_1459 = tpu.memref_squeeze %dma_start3A_1458 : memref<8x1x128x128xf32, #tpu.memory_space<any>> -> memref<8x128x128xf32, #tpu.memory_space<any>>
        tpu.enqueue_dma source(%arg33 : memref<8x128x128xf32, #tpu.memory_space<vmem>>) target(%dma_start3A_1459 : memref<8x128x128xf32, #tpu.memory_space<any>>) target_semaphore(%arg129 : memref<!tpu.dma_semaphore, #tpu.memory_space<semaphore_mem>>)
      } else {
      }
      %add3A_742 = arith.constant 12 : i32
      %add3A_743 = arith.addi %add3A_717, %add3A_742 : i32
      %lt3A_744 = arith.constant 192 : i32
      %lt3A_745 = arith.cmpi slt, %add3A_743, %lt3A_744 : i32
      %convert_element_type3A_746 = arith.extui %lt3A_745 : i1 to i32
      %cond3A_747 = arith.constant 0 : i32
      %cond3A_748 = arith.cmpi ne, %convert_element_type3A_746, %cond3A_747 : i32
      scf.if %cond3A_748 {
        %ge3A = arith.constant 24 : i32
        %ge3A_1449 = arith.cmpi sge, %add3A_743, %ge3A : i32
        %convert_element_type3A_1450 = arith.extui %ge3A_1449 : i1 to i32
        %cond3A_1451 = arith.constant 0 : i32
        %cond3A_1452 = arith.cmpi ne, %convert_element_type3A_1450, %cond3A_1451 : i32
        scf.if %cond3A_1452 {
          %dma_wait3A_1480 = arith.constant 0 : i32
          %dma_wait3A_1481 = arith.constant 0 : i32
          %dma_wait3A_1482 = arith.constant 0 : i32
          %dma_wait3A_1483 = arith.constant 0 : i32
          %dma_wait3A_1484 = tpu.memref_slice %arg0[%dma_wait3A_1481, %dma_wait3A_1480, %dma_wait3A_1482, %dma_wait3A_1483] : memref<8x192x128x128xf32, #tpu.memory_space<any>> -> memref<8x1x128x128xf32, #tpu.memory_space<any>>
          %dma_wait3A_1485 = tpu.memref_squeeze %dma_wait3A_1484 : memref<8x1x128x128xf32, #tpu.memory_space<any>> -> memref<8x128x128xf32, #tpu.memory_space<any>>
          tpu.wait_dma2 semaphore(%arg117 : memref<!tpu.dma_semaphore, #tpu.memory_space<semaphore_mem>>) src(%dma_wait3A_1485 : memref<8x128x128xf32, #tpu.memory_space<any>>) dst(%arg21 : memref<8x128x128xf32, #tpu.memory_space<vmem>>)
          %dma_wait3A_1486 = arith.constant 0 : i32
          %dma_wait3A_1487 = arith.constant 0 : i32
          %dma_wait3A_1488 = arith.constant 0 : i32
          %dma_wait3A_1489 = arith.constant 0 : i32
          %dma_wait3A_1490 = tpu.memref_slice %arg0[%dma_wait3A_1487, %dma_wait3A_1486, %dma_wait3A_1488, %dma_wait3A_1489] : memref<8x192x128x128xf32, #tpu.memory_space<any>> -> memref<8x1x128x128xf32, #tpu.memory_space<any>>
          %dma_wait3A_1491 = tpu.memref_squeeze %dma_wait3A_1490 : memref<8x1x128x128xf32, #tpu.memory_space<any>> -> memref<8x128x128xf32, #tpu.memory_space<any>>
          tpu.wait_dma2 semaphore(%arg141 : memref<!tpu.dma_semaphore, #tpu.memory_space<semaphore_mem>>) src(%dma_wait3A_1491 : memref<8x128x128xf32, #tpu.memory_space<any>>) dst(%arg21 : memref<8x128x128xf32, #tpu.memory_space<vmem>>)
        } else {
        }
        %get3A_1453 = arith.index_cast %add3A_743 : i32 to index
        %get3A_1454 = memref.load %arg2[%get3A_1453] : memref<192xi32, #tpu.memory_space<smem>>
        %get3A_1455 = arith.index_cast %add3A_743 : i32 to index
        %get3A_1456 = memref.load %arg3[%get3A_1455] : memref<192xi32, #tpu.memory_space<smem>>
        %ne3A_1457 = arith.cmpi ne, %get3A_1454, %get3A_1456 : i32
        %eq3A_1458 = arith.constant 1 : i32
        %eq3A_1459 = arith.cmpi eq, %get3A_1454, %eq3A_1458 : i32
        %convert_element_type3A_1460 = arith.extui %eq3A_1459 : i1 to i32
        %cond3A_1461 = arith.constant 0 : i32
        %cond3A_1462 = arith.cmpi ne, %convert_element_type3A_1460, %cond3A_1461 : i32
        scf.if %cond3A_1462 {
          %dma_start3A_1480 = arith.constant 0 : i32
          %dma_start3A_1481 = arith.constant 0 : i32
          %dma_start3A_1482 = arith.constant 0 : i32
          %dma_start3A_1483 = tpu.memref_slice %arg0[%dma_start3A_1480, %add3A_743, %dma_start3A_1481, %dma_start3A_1482] : memref<8x192x128x128xf32, #tpu.memory_space<any>> -> memref<8x1x128x128xf32, #tpu.memory_space<any>>
          %dma_start3A_1484 = tpu.memref_squeeze %dma_start3A_1483 : memref<8x1x128x128xf32, #tpu.memory_space<any>> -> memref<8x128x128xf32, #tpu.memory_space<any>>
          tpu.enqueue_dma source(%dma_start3A_1484 : memref<8x128x128xf32, #tpu.memory_space<any>>) target(%arg21 : memref<8x128x128xf32, #tpu.memory_space<vmem>>) target_semaphore(%arg69 : memref<!tpu.dma_semaphore, #tpu.memory_space<semaphore_mem>>)
        } else {
        }
        %eq3A_1463 = arith.constant 0 : i32
        %eq3A_1464 = arith.cmpi eq, %get3A_1454, %eq3A_1463 : i32
        %convert_element_type3A_1465 = arith.extui %eq3A_1464 : i1 to i32
        %cond3A_1466 = arith.constant 0 : i32
        %cond3A_1467 = arith.cmpi ne, %convert_element_type3A_1465, %cond3A_1466 : i32
        scf.if %cond3A_1467 {
          %dma_start3A_1480 = arith.constant 0 : i32
          %dma_start3A_1481 = arith.constant 0 : i32
          %dma_start3A_1482 = arith.constant 0 : i32
          %dma_start3A_1483 = tpu.memref_slice %arg1[%dma_start3A_1480, %add3A_743, %dma_start3A_1481, %dma_start3A_1482] : memref<8x192x128x128xf32, #tpu.memory_space<any>> -> memref<8x1x128x128xf32, #tpu.memory_space<any>>
          %dma_start3A_1484 = tpu.memref_squeeze %dma_start3A_1483 : memref<8x1x128x128xf32, #tpu.memory_space<any>> -> memref<8x128x128xf32, #tpu.memory_space<any>>
          tpu.enqueue_dma source(%dma_start3A_1484 : memref<8x128x128xf32, #tpu.memory_space<any>>) target(%arg21 : memref<8x128x128xf32, #tpu.memory_space<vmem>>) target_semaphore(%arg69 : memref<!tpu.dma_semaphore, #tpu.memory_space<semaphore_mem>>)
        } else {
        }
        %eq3A_1468 = arith.constant 1 : i32
        %eq3A_1469 = arith.cmpi eq, %get3A_1456, %eq3A_1468 : i32
        %and3A_1470 = arith.andi %ne3A_1457, %eq3A_1469 : i1
        %convert_element_type3A_1471 = arith.extui %and3A_1470 : i1 to i32
        %cond3A_1472 = arith.constant 0 : i32
        %cond3A_1473 = arith.cmpi ne, %convert_element_type3A_1471, %cond3A_1472 : i32
        scf.if %cond3A_1473 {
          %dma_start3A_1480 = arith.constant 0 : i32
          %dma_start3A_1481 = arith.constant 0 : i32
          %dma_start3A_1482 = arith.constant 0 : i32
          %dma_start3A_1483 = tpu.memref_slice %arg0[%dma_start3A_1480, %add3A_743, %dma_start3A_1481, %dma_start3A_1482] : memref<8x192x128x128xf32, #tpu.memory_space<any>> -> memref<8x1x128x128xf32, #tpu.memory_space<any>>
          %dma_start3A_1484 = tpu.memref_squeeze %dma_start3A_1483 : memref<8x1x128x128xf32, #tpu.memory_space<any>> -> memref<8x128x128xf32, #tpu.memory_space<any>>
          tpu.enqueue_dma source(%dma_start3A_1484 : memref<8x128x128xf32, #tpu.memory_space<any>>) target(%arg45 : memref<8x128x128xf32, #tpu.memory_space<vmem>>) target_semaphore(%arg93 : memref<!tpu.dma_semaphore, #tpu.memory_space<semaphore_mem>>)
        } else {
        }
        %eq3A_1474 = arith.constant 0 : i32
        %eq3A_1475 = arith.cmpi eq, %get3A_1456, %eq3A_1474 : i32
        %and3A_1476 = arith.andi %ne3A_1457, %eq3A_1475 : i1
        %convert_element_type3A_1477 = arith.extui %and3A_1476 : i1 to i32
        %cond3A_1478 = arith.constant 0 : i32
        %cond3A_1479 = arith.cmpi ne, %convert_element_type3A_1477, %cond3A_1478 : i32
        scf.if %cond3A_1479 {
          %dma_start3A_1480 = arith.constant 0 : i32
          %dma_start3A_1481 = arith.constant 0 : i32
          %dma_start3A_1482 = arith.constant 0 : i32
          %dma_start3A_1483 = tpu.memref_slice %arg1[%dma_start3A_1480, %add3A_743, %dma_start3A_1481, %dma_start3A_1482] : memref<8x192x128x128xf32, #tpu.memory_space<any>> -> memref<8x1x128x128xf32, #tpu.memory_space<any>>
          %dma_start3A_1484 = tpu.memref_squeeze %dma_start3A_1483 : memref<8x1x128x128xf32, #tpu.memory_space<any>> -> memref<8x128x128xf32, #tpu.memory_space<any>>
          tpu.enqueue_dma source(%dma_start3A_1484 : memref<8x128x128xf32, #tpu.memory_space<any>>) target(%arg45 : memref<8x128x128xf32, #tpu.memory_space<vmem>>) target_semaphore(%arg93 : memref<!tpu.dma_semaphore, #tpu.memory_space<semaphore_mem>>)
        } else {
        }
      } else {
      }
      %mul3A_749 = arith.constant 24 : i32
      %mul3A_750 = arith.muli %mul3A_749, %add3A_611 : i32
      %add3A_751 = arith.constant 4 : i32
      %add3A_752 = arith.addi %mul3A_750, %add3A_751 : i32
      %get3A_753 = arith.index_cast %add3A_752 : i32 to index
      %get3A_754 = memref.load %arg2[%get3A_753] : memref<192xi32, #tpu.memory_space<smem>>
      %get3A_755 = arith.index_cast %add3A_752 : i32 to index
      %get3A_756 = memref.load %arg3[%get3A_755] : memref<192xi32, #tpu.memory_space<smem>>
      %eq3A_757 = arith.cmpi eq, %get3A_754, %get3A_756 : i32
      %dma_wait3A_758 = arith.constant 0 : i32
      %dma_wait3A_759 = arith.constant 0 : i32
      %dma_wait3A_760 = arith.constant 0 : i32
      %dma_wait3A_761 = arith.constant 0 : i32
      %dma_wait3A_762 = tpu.memref_slice %arg0[%dma_wait3A_759, %dma_wait3A_758, %dma_wait3A_760, %dma_wait3A_761] : memref<8x192x128x128xf32, #tpu.memory_space<any>> -> memref<8x1x128x128xf32, #tpu.memory_space<any>>
      %dma_wait3A_763 = tpu.memref_squeeze %dma_wait3A_762 : memref<8x1x128x128xf32, #tpu.memory_space<any>> -> memref<8x128x128xf32, #tpu.memory_space<any>>
      tpu.wait_dma2 semaphore(%arg58 : memref<!tpu.dma_semaphore, #tpu.memory_space<semaphore_mem>>) src(%dma_wait3A_763 : memref<8x128x128xf32, #tpu.memory_space<any>>) dst(%arg10 : memref<8x128x128xf32, #tpu.memory_space<vmem>>)
      %dma_start3A_764 = arith.constant 0 : i32
      %dma_start3A_765 = arith.constant 0 : i32
      %dma_start3A_766 = arith.constant 0 : i32
      %dma_start3A_767 = tpu.memref_slice %arg4[%dma_start3A_764, %add3A_752, %dma_start3A_765, %dma_start3A_766] : memref<8x192x128x128xf32, #tpu.memory_space<any>> -> memref<8x1x128x128xf32, #tpu.memory_space<any>>
      %dma_start3A_768 = tpu.memref_squeeze %dma_start3A_767 : memref<8x1x128x128xf32, #tpu.memory_space<any>> -> memref<8x128x128xf32, #tpu.memory_space<any>>
      tpu.enqueue_dma source(%arg10 : memref<8x128x128xf32, #tpu.memory_space<vmem>>) target(%dma_start3A_768 : memref<8x128x128xf32, #tpu.memory_space<any>>) target_semaphore(%arg106 : memref<!tpu.dma_semaphore, #tpu.memory_space<semaphore_mem>>)
      %convert_element_type3A_769 = arith.extui %eq3A_757 : i1 to i32
      %cond3A_770 = arith.constant 0 : i32
      %cond3A_771 = arith.cmpi ne, %convert_element_type3A_769, %cond3A_770 : i32
      scf.if %cond3A_771 {
        %dma_start3A_1449 = arith.constant 0 : i32
        %dma_start3A_1450 = arith.constant 0 : i32
        %dma_start3A_1451 = arith.constant 0 : i32
        %dma_start3A_1452 = tpu.memref_slice %arg5[%dma_start3A_1449, %add3A_752, %dma_start3A_1450, %dma_start3A_1451] : memref<8x192x128x128xf32, #tpu.memory_space<any>> -> memref<8x1x128x128xf32, #tpu.memory_space<any>>
        %dma_start3A_1453 = tpu.memref_squeeze %dma_start3A_1452 : memref<8x1x128x128xf32, #tpu.memory_space<any>> -> memref<8x128x128xf32, #tpu.memory_space<any>>
        tpu.enqueue_dma source(%arg10 : memref<8x128x128xf32, #tpu.memory_space<vmem>>) target(%dma_start3A_1453 : memref<8x128x128xf32, #tpu.memory_space<any>>) target_semaphore(%arg130 : memref<!tpu.dma_semaphore, #tpu.memory_space<semaphore_mem>>)
      } else {
      }
      %not3A_772 = arith.constant true
      %not3A_773 = arith.xori %eq3A_757, %not3A_772 : i1
      %convert_element_type3A_774 = arith.extui %not3A_773 : i1 to i32
      %cond3A_775 = arith.constant 0 : i32
      %cond3A_776 = arith.cmpi ne, %convert_element_type3A_774, %cond3A_775 : i32
      scf.if %cond3A_776 {
        %dma_wait3A_1449 = arith.constant 0 : i32
        %dma_wait3A_1450 = arith.constant 0 : i32
        %dma_wait3A_1451 = arith.constant 0 : i32
        %dma_wait3A_1452 = arith.constant 0 : i32
        %dma_wait3A_1453 = tpu.memref_slice %arg0[%dma_wait3A_1450, %dma_wait3A_1449, %dma_wait3A_1451, %dma_wait3A_1452] : memref<8x192x128x128xf32, #tpu.memory_space<any>> -> memref<8x1x128x128xf32, #tpu.memory_space<any>>
        %dma_wait3A_1454 = tpu.memref_squeeze %dma_wait3A_1453 : memref<8x1x128x128xf32, #tpu.memory_space<any>> -> memref<8x128x128xf32, #tpu.memory_space<any>>
        tpu.wait_dma2 semaphore(%arg82 : memref<!tpu.dma_semaphore, #tpu.memory_space<semaphore_mem>>) src(%dma_wait3A_1454 : memref<8x128x128xf32, #tpu.memory_space<any>>) dst(%arg34 : memref<8x128x128xf32, #tpu.memory_space<vmem>>)
        %dma_start3A_1455 = arith.constant 0 : i32
        %dma_start3A_1456 = arith.constant 0 : i32
        %dma_start3A_1457 = arith.constant 0 : i32
        %dma_start3A_1458 = tpu.memref_slice %arg5[%dma_start3A_1455, %add3A_752, %dma_start3A_1456, %dma_start3A_1457] : memref<8x192x128x128xf32, #tpu.memory_space<any>> -> memref<8x1x128x128xf32, #tpu.memory_space<any>>
        %dma_start3A_1459 = tpu.memref_squeeze %dma_start3A_1458 : memref<8x1x128x128xf32, #tpu.memory_space<any>> -> memref<8x128x128xf32, #tpu.memory_space<any>>
        tpu.enqueue_dma source(%arg34 : memref<8x128x128xf32, #tpu.memory_space<vmem>>) target(%dma_start3A_1459 : memref<8x128x128xf32, #tpu.memory_space<any>>) target_semaphore(%arg130 : memref<!tpu.dma_semaphore, #tpu.memory_space<semaphore_mem>>)
      } else {
      }
      %add3A_777 = arith.constant 12 : i32
      %add3A_778 = arith.addi %add3A_752, %add3A_777 : i32
      %lt3A_779 = arith.constant 192 : i32
      %lt3A_780 = arith.cmpi slt, %add3A_778, %lt3A_779 : i32
      %convert_element_type3A_781 = arith.extui %lt3A_780 : i1 to i32
      %cond3A_782 = arith.constant 0 : i32
      %cond3A_783 = arith.cmpi ne, %convert_element_type3A_781, %cond3A_782 : i32
      scf.if %cond3A_783 {
        %ge3A = arith.constant 24 : i32
        %ge3A_1449 = arith.cmpi sge, %add3A_778, %ge3A : i32
        %convert_element_type3A_1450 = arith.extui %ge3A_1449 : i1 to i32
        %cond3A_1451 = arith.constant 0 : i32
        %cond3A_1452 = arith.cmpi ne, %convert_element_type3A_1450, %cond3A_1451 : i32
        scf.if %cond3A_1452 {
          %dma_wait3A_1480 = arith.constant 0 : i32
          %dma_wait3A_1481 = arith.constant 0 : i32
          %dma_wait3A_1482 = arith.constant 0 : i32
          %dma_wait3A_1483 = arith.constant 0 : i32
          %dma_wait3A_1484 = tpu.memref_slice %arg0[%dma_wait3A_1481, %dma_wait3A_1480, %dma_wait3A_1482, %dma_wait3A_1483] : memref<8x192x128x128xf32, #tpu.memory_space<any>> -> memref<8x1x128x128xf32, #tpu.memory_space<any>>
          %dma_wait3A_1485 = tpu.memref_squeeze %dma_wait3A_1484 : memref<8x1x128x128xf32, #tpu.memory_space<any>> -> memref<8x128x128xf32, #tpu.memory_space<any>>
          tpu.wait_dma2 semaphore(%arg118 : memref<!tpu.dma_semaphore, #tpu.memory_space<semaphore_mem>>) src(%dma_wait3A_1485 : memref<8x128x128xf32, #tpu.memory_space<any>>) dst(%arg22 : memref<8x128x128xf32, #tpu.memory_space<vmem>>)
          %dma_wait3A_1486 = arith.constant 0 : i32
          %dma_wait3A_1487 = arith.constant 0 : i32
          %dma_wait3A_1488 = arith.constant 0 : i32
          %dma_wait3A_1489 = arith.constant 0 : i32
          %dma_wait3A_1490 = tpu.memref_slice %arg0[%dma_wait3A_1487, %dma_wait3A_1486, %dma_wait3A_1488, %dma_wait3A_1489] : memref<8x192x128x128xf32, #tpu.memory_space<any>> -> memref<8x1x128x128xf32, #tpu.memory_space<any>>
          %dma_wait3A_1491 = tpu.memref_squeeze %dma_wait3A_1490 : memref<8x1x128x128xf32, #tpu.memory_space<any>> -> memref<8x128x128xf32, #tpu.memory_space<any>>
          tpu.wait_dma2 semaphore(%arg142 : memref<!tpu.dma_semaphore, #tpu.memory_space<semaphore_mem>>) src(%dma_wait3A_1491 : memref<8x128x128xf32, #tpu.memory_space<any>>) dst(%arg22 : memref<8x128x128xf32, #tpu.memory_space<vmem>>)
        } else {
        }
        %get3A_1453 = arith.index_cast %add3A_778 : i32 to index
        %get3A_1454 = memref.load %arg2[%get3A_1453] : memref<192xi32, #tpu.memory_space<smem>>
        %get3A_1455 = arith.index_cast %add3A_778 : i32 to index
        %get3A_1456 = memref.load %arg3[%get3A_1455] : memref<192xi32, #tpu.memory_space<smem>>
        %ne3A_1457 = arith.cmpi ne, %get3A_1454, %get3A_1456 : i32
        %eq3A_1458 = arith.constant 1 : i32
        %eq3A_1459 = arith.cmpi eq, %get3A_1454, %eq3A_1458 : i32
        %convert_element_type3A_1460 = arith.extui %eq3A_1459 : i1 to i32
        %cond3A_1461 = arith.constant 0 : i32
        %cond3A_1462 = arith.cmpi ne, %convert_element_type3A_1460, %cond3A_1461 : i32
        scf.if %cond3A_1462 {
          %dma_start3A_1480 = arith.constant 0 : i32
          %dma_start3A_1481 = arith.constant 0 : i32
          %dma_start3A_1482 = arith.constant 0 : i32
          %dma_start3A_1483 = tpu.memref_slice %arg0[%dma_start3A_1480, %add3A_778, %dma_start3A_1481, %dma_start3A_1482] : memref<8x192x128x128xf32, #tpu.memory_space<any>> -> memref<8x1x128x128xf32, #tpu.memory_space<any>>
          %dma_start3A_1484 = tpu.memref_squeeze %dma_start3A_1483 : memref<8x1x128x128xf32, #tpu.memory_space<any>> -> memref<8x128x128xf32, #tpu.memory_space<any>>
          tpu.enqueue_dma source(%dma_start3A_1484 : memref<8x128x128xf32, #tpu.memory_space<any>>) target(%arg22 : memref<8x128x128xf32, #tpu.memory_space<vmem>>) target_semaphore(%arg70 : memref<!tpu.dma_semaphore, #tpu.memory_space<semaphore_mem>>)
        } else {
        }
        %eq3A_1463 = arith.constant 0 : i32
        %eq3A_1464 = arith.cmpi eq, %get3A_1454, %eq3A_1463 : i32
        %convert_element_type3A_1465 = arith.extui %eq3A_1464 : i1 to i32
        %cond3A_1466 = arith.constant 0 : i32
        %cond3A_1467 = arith.cmpi ne, %convert_element_type3A_1465, %cond3A_1466 : i32
        scf.if %cond3A_1467 {
          %dma_start3A_1480 = arith.constant 0 : i32
          %dma_start3A_1481 = arith.constant 0 : i32
          %dma_start3A_1482 = arith.constant 0 : i32
          %dma_start3A_1483 = tpu.memref_slice %arg1[%dma_start3A_1480, %add3A_778, %dma_start3A_1481, %dma_start3A_1482] : memref<8x192x128x128xf32, #tpu.memory_space<any>> -> memref<8x1x128x128xf32, #tpu.memory_space<any>>
          %dma_start3A_1484 = tpu.memref_squeeze %dma_start3A_1483 : memref<8x1x128x128xf32, #tpu.memory_space<any>> -> memref<8x128x128xf32, #tpu.memory_space<any>>
          tpu.enqueue_dma source(%dma_start3A_1484 : memref<8x128x128xf32, #tpu.memory_space<any>>) target(%arg22 : memref<8x128x128xf32, #tpu.memory_space<vmem>>) target_semaphore(%arg70 : memref<!tpu.dma_semaphore, #tpu.memory_space<semaphore_mem>>)
        } else {
        }
        %eq3A_1468 = arith.constant 1 : i32
        %eq3A_1469 = arith.cmpi eq, %get3A_1456, %eq3A_1468 : i32
        %and3A_1470 = arith.andi %ne3A_1457, %eq3A_1469 : i1
        %convert_element_type3A_1471 = arith.extui %and3A_1470 : i1 to i32
        %cond3A_1472 = arith.constant 0 : i32
        %cond3A_1473 = arith.cmpi ne, %convert_element_type3A_1471, %cond3A_1472 : i32
        scf.if %cond3A_1473 {
          %dma_start3A_1480 = arith.constant 0 : i32
          %dma_start3A_1481 = arith.constant 0 : i32
          %dma_start3A_1482 = arith.constant 0 : i32
          %dma_start3A_1483 = tpu.memref_slice %arg0[%dma_start3A_1480, %add3A_778, %dma_start3A_1481, %dma_start3A_1482] : memref<8x192x128x128xf32, #tpu.memory_space<any>> -> memref<8x1x128x128xf32, #tpu.memory_space<any>>
          %dma_start3A_1484 = tpu.memref_squeeze %dma_start3A_1483 : memref<8x1x128x128xf32, #tpu.memory_space<any>> -> memref<8x128x128xf32, #tpu.memory_space<any>>
          tpu.enqueue_dma source(%dma_start3A_1484 : memref<8x128x128xf32, #tpu.memory_space<any>>) target(%arg46 : memref<8x128x128xf32, #tpu.memory_space<vmem>>) target_semaphore(%arg94 : memref<!tpu.dma_semaphore, #tpu.memory_space<semaphore_mem>>)
        } else {
        }
        %eq3A_1474 = arith.constant 0 : i32
        %eq3A_1475 = arith.cmpi eq, %get3A_1456, %eq3A_1474 : i32
        %and3A_1476 = arith.andi %ne3A_1457, %eq3A_1475 : i1
        %convert_element_type3A_1477 = arith.extui %and3A_1476 : i1 to i32
        %cond3A_1478 = arith.constant 0 : i32
        %cond3A_1479 = arith.cmpi ne, %convert_element_type3A_1477, %cond3A_1478 : i32
        scf.if %cond3A_1479 {
          %dma_start3A_1480 = arith.constant 0 : i32
          %dma_start3A_1481 = arith.constant 0 : i32
          %dma_start3A_1482 = arith.constant 0 : i32
          %dma_start3A_1483 = tpu.memref_slice %arg1[%dma_start3A_1480, %add3A_778, %dma_start3A_1481, %dma_start3A_1482] : memref<8x192x128x128xf32, #tpu.memory_space<any>> -> memref<8x1x128x128xf32, #tpu.memory_space<any>>
          %dma_start3A_1484 = tpu.memref_squeeze %dma_start3A_1483 : memref<8x1x128x128xf32, #tpu.memory_space<any>> -> memref<8x128x128xf32, #tpu.memory_space<any>>
          tpu.enqueue_dma source(%dma_start3A_1484 : memref<8x128x128xf32, #tpu.memory_space<any>>) target(%arg46 : memref<8x128x128xf32, #tpu.memory_space<vmem>>) target_semaphore(%arg94 : memref<!tpu.dma_semaphore, #tpu.memory_space<semaphore_mem>>)
        } else {
        }
      } else {
      }
      %mul3A_784 = arith.constant 24 : i32
      %mul3A_785 = arith.muli %mul3A_784, %add3A_611 : i32
      %add3A_786 = arith.constant 5 : i32
      %add3A_787 = arith.addi %mul3A_785, %add3A_786 : i32
      %get3A_788 = arith.index_cast %add3A_787 : i32 to index
      %get3A_789 = memref.load %arg2[%get3A_788] : memref<192xi32, #tpu.memory_space<smem>>
      %get3A_790 = arith.index_cast %add3A_787 : i32 to index
      %get3A_791 = memref.load %arg3[%get3A_790] : memref<192xi32, #tpu.memory_space<smem>>
      %eq3A_792 = arith.cmpi eq, %get3A_789, %get3A_791 : i32
      %dma_wait3A_793 = arith.constant 0 : i32
      %dma_wait3A_794 = arith.constant 0 : i32
      %dma_wait3A_795 = arith.constant 0 : i32
      %dma_wait3A_796 = arith.constant 0 : i32
      %dma_wait3A_797 = tpu.memref_slice %arg0[%dma_wait3A_794, %dma_wait3A_793, %dma_wait3A_795, %dma_wait3A_796] : memref<8x192x128x128xf32, #tpu.memory_space<any>> -> memref<8x1x128x128xf32, #tpu.memory_space<any>>
      %dma_wait3A_798 = tpu.memref_squeeze %dma_wait3A_797 : memref<8x1x128x128xf32, #tpu.memory_space<any>> -> memref<8x128x128xf32, #tpu.memory_space<any>>
      tpu.wait_dma2 semaphore(%arg59 : memref<!tpu.dma_semaphore, #tpu.memory_space<semaphore_mem>>) src(%dma_wait3A_798 : memref<8x128x128xf32, #tpu.memory_space<any>>) dst(%arg11 : memref<8x128x128xf32, #tpu.memory_space<vmem>>)
      %dma_start3A_799 = arith.constant 0 : i32
      %dma_start3A_800 = arith.constant 0 : i32
      %dma_start3A_801 = arith.constant 0 : i32
      %dma_start3A_802 = tpu.memref_slice %arg4[%dma_start3A_799, %add3A_787, %dma_start3A_800, %dma_start3A_801] : memref<8x192x128x128xf32, #tpu.memory_space<any>> -> memref<8x1x128x128xf32, #tpu.memory_space<any>>
      %dma_start3A_803 = tpu.memref_squeeze %dma_start3A_802 : memref<8x1x128x128xf32, #tpu.memory_space<any>> -> memref<8x128x128xf32, #tpu.memory_space<any>>
      tpu.enqueue_dma source(%arg11 : memref<8x128x128xf32, #tpu.memory_space<vmem>>) target(%dma_start3A_803 : memref<8x128x128xf32, #tpu.memory_space<any>>) target_semaphore(%arg107 : memref<!tpu.dma_semaphore, #tpu.memory_space<semaphore_mem>>)
      %convert_element_type3A_804 = arith.extui %eq3A_792 : i1 to i32
      %cond3A_805 = arith.constant 0 : i32
      %cond3A_806 = arith.cmpi ne, %convert_element_type3A_804, %cond3A_805 : i32
      scf.if %cond3A_806 {
        %dma_start3A_1449 = arith.constant 0 : i32
        %dma_start3A_1450 = arith.constant 0 : i32
        %dma_start3A_1451 = arith.constant 0 : i32
        %dma_start3A_1452 = tpu.memref_slice %arg5[%dma_start3A_1449, %add3A_787, %dma_start3A_1450, %dma_start3A_1451] : memref<8x192x128x128xf32, #tpu.memory_space<any>> -> memref<8x1x128x128xf32, #tpu.memory_space<any>>
        %dma_start3A_1453 = tpu.memref_squeeze %dma_start3A_1452 : memref<8x1x128x128xf32, #tpu.memory_space<any>> -> memref<8x128x128xf32, #tpu.memory_space<any>>
        tpu.enqueue_dma source(%arg11 : memref<8x128x128xf32, #tpu.memory_space<vmem>>) target(%dma_start3A_1453 : memref<8x128x128xf32, #tpu.memory_space<any>>) target_semaphore(%arg131 : memref<!tpu.dma_semaphore, #tpu.memory_space<semaphore_mem>>)
      } else {
      }
      %not3A_807 = arith.constant true
      %not3A_808 = arith.xori %eq3A_792, %not3A_807 : i1
      %convert_element_type3A_809 = arith.extui %not3A_808 : i1 to i32
      %cond3A_810 = arith.constant 0 : i32
      %cond3A_811 = arith.cmpi ne, %convert_element_type3A_809, %cond3A_810 : i32
      scf.if %cond3A_811 {
        %dma_wait3A_1449 = arith.constant 0 : i32
        %dma_wait3A_1450 = arith.constant 0 : i32
        %dma_wait3A_1451 = arith.constant 0 : i32
        %dma_wait3A_1452 = arith.constant 0 : i32
        %dma_wait3A_1453 = tpu.memref_slice %arg0[%dma_wait3A_1450, %dma_wait3A_1449, %dma_wait3A_1451, %dma_wait3A_1452] : memref<8x192x128x128xf32, #tpu.memory_space<any>> -> memref<8x1x128x128xf32, #tpu.memory_space<any>>
        %dma_wait3A_1454 = tpu.memref_squeeze %dma_wait3A_1453 : memref<8x1x128x128xf32, #tpu.memory_space<any>> -> memref<8x128x128xf32, #tpu.memory_space<any>>
        tpu.wait_dma2 semaphore(%arg83 : memref<!tpu.dma_semaphore, #tpu.memory_space<semaphore_mem>>) src(%dma_wait3A_1454 : memref<8x128x128xf32, #tpu.memory_space<any>>) dst(%arg35 : memref<8x128x128xf32, #tpu.memory_space<vmem>>)
        %dma_start3A_1455 = arith.constant 0 : i32
        %dma_start3A_1456 = arith.constant 0 : i32
        %dma_start3A_1457 = arith.constant 0 : i32
        %dma_start3A_1458 = tpu.memref_slice %arg5[%dma_start3A_1455, %add3A_787, %dma_start3A_1456, %dma_start3A_1457] : memref<8x192x128x128xf32, #tpu.memory_space<any>> -> memref<8x1x128x128xf32, #tpu.memory_space<any>>
        %dma_start3A_1459 = tpu.memref_squeeze %dma_start3A_1458 : memref<8x1x128x128xf32, #tpu.memory_space<any>> -> memref<8x128x128xf32, #tpu.memory_space<any>>
        tpu.enqueue_dma source(%arg35 : memref<8x128x128xf32, #tpu.memory_space<vmem>>) target(%dma_start3A_1459 : memref<8x128x128xf32, #tpu.memory_space<any>>) target_semaphore(%arg131 : memref<!tpu.dma_semaphore, #tpu.memory_space<semaphore_mem>>)
      } else {
      }
      %add3A_812 = arith.constant 12 : i32
      %add3A_813 = arith.addi %add3A_787, %add3A_812 : i32
      %lt3A_814 = arith.constant 192 : i32
      %lt3A_815 = arith.cmpi slt, %add3A_813, %lt3A_814 : i32
      %convert_element_type3A_816 = arith.extui %lt3A_815 : i1 to i32
      %cond3A_817 = arith.constant 0 : i32
      %cond3A_818 = arith.cmpi ne, %convert_element_type3A_816, %cond3A_817 : i32
      scf.if %cond3A_818 {
        %ge3A = arith.constant 24 : i32
        %ge3A_1449 = arith.cmpi sge, %add3A_813, %ge3A : i32
        %convert_element_type3A_1450 = arith.extui %ge3A_1449 : i1 to i32
        %cond3A_1451 = arith.constant 0 : i32
        %cond3A_1452 = arith.cmpi ne, %convert_element_type3A_1450, %cond3A_1451 : i32
        scf.if %cond3A_1452 {
          %dma_wait3A_1480 = arith.constant 0 : i32
          %dma_wait3A_1481 = arith.constant 0 : i32
          %dma_wait3A_1482 = arith.constant 0 : i32
          %dma_wait3A_1483 = arith.constant 0 : i32
          %dma_wait3A_1484 = tpu.memref_slice %arg0[%dma_wait3A_1481, %dma_wait3A_1480, %dma_wait3A_1482, %dma_wait3A_1483] : memref<8x192x128x128xf32, #tpu.memory_space<any>> -> memref<8x1x128x128xf32, #tpu.memory_space<any>>
          %dma_wait3A_1485 = tpu.memref_squeeze %dma_wait3A_1484 : memref<8x1x128x128xf32, #tpu.memory_space<any>> -> memref<8x128x128xf32, #tpu.memory_space<any>>
          tpu.wait_dma2 semaphore(%arg119 : memref<!tpu.dma_semaphore, #tpu.memory_space<semaphore_mem>>) src(%dma_wait3A_1485 : memref<8x128x128xf32, #tpu.memory_space<any>>) dst(%arg23 : memref<8x128x128xf32, #tpu.memory_space<vmem>>)
          %dma_wait3A_1486 = arith.constant 0 : i32
          %dma_wait3A_1487 = arith.constant 0 : i32
          %dma_wait3A_1488 = arith.constant 0 : i32
          %dma_wait3A_1489 = arith.constant 0 : i32
          %dma_wait3A_1490 = tpu.memref_slice %arg0[%dma_wait3A_1487, %dma_wait3A_1486, %dma_wait3A_1488, %dma_wait3A_1489] : memref<8x192x128x128xf32, #tpu.memory_space<any>> -> memref<8x1x128x128xf32, #tpu.memory_space<any>>
          %dma_wait3A_1491 = tpu.memref_squeeze %dma_wait3A_1490 : memref<8x1x128x128xf32, #tpu.memory_space<any>> -> memref<8x128x128xf32, #tpu.memory_space<any>>
          tpu.wait_dma2 semaphore(%arg143 : memref<!tpu.dma_semaphore, #tpu.memory_space<semaphore_mem>>) src(%dma_wait3A_1491 : memref<8x128x128xf32, #tpu.memory_space<any>>) dst(%arg23 : memref<8x128x128xf32, #tpu.memory_space<vmem>>)
        } else {
        }
        %get3A_1453 = arith.index_cast %add3A_813 : i32 to index
        %get3A_1454 = memref.load %arg2[%get3A_1453] : memref<192xi32, #tpu.memory_space<smem>>
        %get3A_1455 = arith.index_cast %add3A_813 : i32 to index
        %get3A_1456 = memref.load %arg3[%get3A_1455] : memref<192xi32, #tpu.memory_space<smem>>
        %ne3A_1457 = arith.cmpi ne, %get3A_1454, %get3A_1456 : i32
        %eq3A_1458 = arith.constant 1 : i32
        %eq3A_1459 = arith.cmpi eq, %get3A_1454, %eq3A_1458 : i32
        %convert_element_type3A_1460 = arith.extui %eq3A_1459 : i1 to i32
        %cond3A_1461 = arith.constant 0 : i32
        %cond3A_1462 = arith.cmpi ne, %convert_element_type3A_1460, %cond3A_1461 : i32
        scf.if %cond3A_1462 {
          %dma_start3A_1480 = arith.constant 0 : i32
          %dma_start3A_1481 = arith.constant 0 : i32
          %dma_start3A_1482 = arith.constant 0 : i32
          %dma_start3A_1483 = tpu.memref_slice %arg0[%dma_start3A_1480, %add3A_813, %dma_start3A_1481, %dma_start3A_1482] : memref<8x192x128x128xf32, #tpu.memory_space<any>> -> memref<8x1x128x128xf32, #tpu.memory_space<any>>
          %dma_start3A_1484 = tpu.memref_squeeze %dma_start3A_1483 : memref<8x1x128x128xf32, #tpu.memory_space<any>> -> memref<8x128x128xf32, #tpu.memory_space<any>>
          tpu.enqueue_dma source(%dma_start3A_1484 : memref<8x128x128xf32, #tpu.memory_space<any>>) target(%arg23 : memref<8x128x128xf32, #tpu.memory_space<vmem>>) target_semaphore(%arg71 : memref<!tpu.dma_semaphore, #tpu.memory_space<semaphore_mem>>)
        } else {
        }
        %eq3A_1463 = arith.constant 0 : i32
        %eq3A_1464 = arith.cmpi eq, %get3A_1454, %eq3A_1463 : i32
        %convert_element_type3A_1465 = arith.extui %eq3A_1464 : i1 to i32
        %cond3A_1466 = arith.constant 0 : i32
        %cond3A_1467 = arith.cmpi ne, %convert_element_type3A_1465, %cond3A_1466 : i32
        scf.if %cond3A_1467 {
          %dma_start3A_1480 = arith.constant 0 : i32
          %dma_start3A_1481 = arith.constant 0 : i32
          %dma_start3A_1482 = arith.constant 0 : i32
          %dma_start3A_1483 = tpu.memref_slice %arg1[%dma_start3A_1480, %add3A_813, %dma_start3A_1481, %dma_start3A_1482] : memref<8x192x128x128xf32, #tpu.memory_space<any>> -> memref<8x1x128x128xf32, #tpu.memory_space<any>>
          %dma_start3A_1484 = tpu.memref_squeeze %dma_start3A_1483 : memref<8x1x128x128xf32, #tpu.memory_space<any>> -> memref<8x128x128xf32, #tpu.memory_space<any>>
          tpu.enqueue_dma source(%dma_start3A_1484 : memref<8x128x128xf32, #tpu.memory_space<any>>) target(%arg23 : memref<8x128x128xf32, #tpu.memory_space<vmem>>) target_semaphore(%arg71 : memref<!tpu.dma_semaphore, #tpu.memory_space<semaphore_mem>>)
        } else {
        }
        %eq3A_1468 = arith.constant 1 : i32
        %eq3A_1469 = arith.cmpi eq, %get3A_1456, %eq3A_1468 : i32
        %and3A_1470 = arith.andi %ne3A_1457, %eq3A_1469 : i1
        %convert_element_type3A_1471 = arith.extui %and3A_1470 : i1 to i32
        %cond3A_1472 = arith.constant 0 : i32
        %cond3A_1473 = arith.cmpi ne, %convert_element_type3A_1471, %cond3A_1472 : i32
        scf.if %cond3A_1473 {
          %dma_start3A_1480 = arith.constant 0 : i32
          %dma_start3A_1481 = arith.constant 0 : i32
          %dma_start3A_1482 = arith.constant 0 : i32
          %dma_start3A_1483 = tpu.memref_slice %arg0[%dma_start3A_1480, %add3A_813, %dma_start3A_1481, %dma_start3A_1482] : memref<8x192x128x128xf32, #tpu.memory_space<any>> -> memref<8x1x128x128xf32, #tpu.memory_space<any>>
          %dma_start3A_1484 = tpu.memref_squeeze %dma_start3A_1483 : memref<8x1x128x128xf32, #tpu.memory_space<any>> -> memref<8x128x128xf32, #tpu.memory_space<any>>
          tpu.enqueue_dma source(%dma_start3A_1484 : memref<8x128x128xf32, #tpu.memory_space<any>>) target(%arg47 : memref<8x128x128xf32, #tpu.memory_space<vmem>>) target_semaphore(%arg95 : memref<!tpu.dma_semaphore, #tpu.memory_space<semaphore_mem>>)
        } else {
        }
        %eq3A_1474 = arith.constant 0 : i32
        %eq3A_1475 = arith.cmpi eq, %get3A_1456, %eq3A_1474 : i32
        %and3A_1476 = arith.andi %ne3A_1457, %eq3A_1475 : i1
        %convert_element_type3A_1477 = arith.extui %and3A_1476 : i1 to i32
        %cond3A_1478 = arith.constant 0 : i32
        %cond3A_1479 = arith.cmpi ne, %convert_element_type3A_1477, %cond3A_1478 : i32
        scf.if %cond3A_1479 {
          %dma_start3A_1480 = arith.constant 0 : i32
          %dma_start3A_1481 = arith.constant 0 : i32
          %dma_start3A_1482 = arith.constant 0 : i32
          %dma_start3A_1483 = tpu.memref_slice %arg1[%dma_start3A_1480, %add3A_813, %dma_start3A_1481, %dma_start3A_1482] : memref<8x192x128x128xf32, #tpu.memory_space<any>> -> memref<8x1x128x128xf32, #tpu.memory_space<any>>
          %dma_start3A_1484 = tpu.memref_squeeze %dma_start3A_1483 : memref<8x1x128x128xf32, #tpu.memory_space<any>> -> memref<8x128x128xf32, #tpu.memory_space<any>>
          tpu.enqueue_dma source(%dma_start3A_1484 : memref<8x128x128xf32, #tpu.memory_space<any>>) target(%arg47 : memref<8x128x128xf32, #tpu.memory_space<vmem>>) target_semaphore(%arg95 : memref<!tpu.dma_semaphore, #tpu.memory_space<semaphore_mem>>)
        } else {
        }
      } else {
      }
      %mul3A_819 = arith.constant 24 : i32
      %mul3A_820 = arith.muli %mul3A_819, %add3A_611 : i32
      %add3A_821 = arith.constant 6 : i32
      %add3A_822 = arith.addi %mul3A_820, %add3A_821 : i32
      %get3A_823 = arith.index_cast %add3A_822 : i32 to index
      %get3A_824 = memref.load %arg2[%get3A_823] : memref<192xi32, #tpu.memory_space<smem>>
      %get3A_825 = arith.index_cast %add3A_822 : i32 to index
      %get3A_826 = memref.load %arg3[%get3A_825] : memref<192xi32, #tpu.memory_space<smem>>
      %eq3A_827 = arith.cmpi eq, %get3A_824, %get3A_826 : i32
      %dma_wait3A_828 = arith.constant 0 : i32
      %dma_wait3A_829 = arith.constant 0 : i32
      %dma_wait3A_830 = arith.constant 0 : i32
      %dma_wait3A_831 = arith.constant 0 : i32
      %dma_wait3A_832 = tpu.memref_slice %arg0[%dma_wait3A_829, %dma_wait3A_828, %dma_wait3A_830, %dma_wait3A_831] : memref<8x192x128x128xf32, #tpu.memory_space<any>> -> memref<8x1x128x128xf32, #tpu.memory_space<any>>
      %dma_wait3A_833 = tpu.memref_squeeze %dma_wait3A_832 : memref<8x1x128x128xf32, #tpu.memory_space<any>> -> memref<8x128x128xf32, #tpu.memory_space<any>>
      tpu.wait_dma2 semaphore(%arg60 : memref<!tpu.dma_semaphore, #tpu.memory_space<semaphore_mem>>) src(%dma_wait3A_833 : memref<8x128x128xf32, #tpu.memory_space<any>>) dst(%arg12 : memref<8x128x128xf32, #tpu.memory_space<vmem>>)
      %dma_start3A_834 = arith.constant 0 : i32
      %dma_start3A_835 = arith.constant 0 : i32
      %dma_start3A_836 = arith.constant 0 : i32
      %dma_start3A_837 = tpu.memref_slice %arg4[%dma_start3A_834, %add3A_822, %dma_start3A_835, %dma_start3A_836] : memref<8x192x128x128xf32, #tpu.memory_space<any>> -> memref<8x1x128x128xf32, #tpu.memory_space<any>>
      %dma_start3A_838 = tpu.memref_squeeze %dma_start3A_837 : memref<8x1x128x128xf32, #tpu.memory_space<any>> -> memref<8x128x128xf32, #tpu.memory_space<any>>
      tpu.enqueue_dma source(%arg12 : memref<8x128x128xf32, #tpu.memory_space<vmem>>) target(%dma_start3A_838 : memref<8x128x128xf32, #tpu.memory_space<any>>) target_semaphore(%arg108 : memref<!tpu.dma_semaphore, #tpu.memory_space<semaphore_mem>>)
      %convert_element_type3A_839 = arith.extui %eq3A_827 : i1 to i32
      %cond3A_840 = arith.constant 0 : i32
      %cond3A_841 = arith.cmpi ne, %convert_element_type3A_839, %cond3A_840 : i32
      scf.if %cond3A_841 {
        %dma_start3A_1449 = arith.constant 0 : i32
        %dma_start3A_1450 = arith.constant 0 : i32
        %dma_start3A_1451 = arith.constant 0 : i32
        %dma_start3A_1452 = tpu.memref_slice %arg5[%dma_start3A_1449, %add3A_822, %dma_start3A_1450, %dma_start3A_1451] : memref<8x192x128x128xf32, #tpu.memory_space<any>> -> memref<8x1x128x128xf32, #tpu.memory_space<any>>
        %dma_start3A_1453 = tpu.memref_squeeze %dma_start3A_1452 : memref<8x1x128x128xf32, #tpu.memory_space<any>> -> memref<8x128x128xf32, #tpu.memory_space<any>>
        tpu.enqueue_dma source(%arg12 : memref<8x128x128xf32, #tpu.memory_space<vmem>>) target(%dma_start3A_1453 : memref<8x128x128xf32, #tpu.memory_space<any>>) target_semaphore(%arg132 : memref<!tpu.dma_semaphore, #tpu.memory_space<semaphore_mem>>)
      } else {
      }
      %not3A_842 = arith.constant true
      %not3A_843 = arith.xori %eq3A_827, %not3A_842 : i1
      %convert_element_type3A_844 = arith.extui %not3A_843 : i1 to i32
      %cond3A_845 = arith.constant 0 : i32
      %cond3A_846 = arith.cmpi ne, %convert_element_type3A_844, %cond3A_845 : i32
      scf.if %cond3A_846 {
        %dma_wait3A_1449 = arith.constant 0 : i32
        %dma_wait3A_1450 = arith.constant 0 : i32
        %dma_wait3A_1451 = arith.constant 0 : i32
        %dma_wait3A_1452 = arith.constant 0 : i32
        %dma_wait3A_1453 = tpu.memref_slice %arg0[%dma_wait3A_1450, %dma_wait3A_1449, %dma_wait3A_1451, %dma_wait3A_1452] : memref<8x192x128x128xf32, #tpu.memory_space<any>> -> memref<8x1x128x128xf32, #tpu.memory_space<any>>
        %dma_wait3A_1454 = tpu.memref_squeeze %dma_wait3A_1453 : memref<8x1x128x128xf32, #tpu.memory_space<any>> -> memref<8x128x128xf32, #tpu.memory_space<any>>
        tpu.wait_dma2 semaphore(%arg84 : memref<!tpu.dma_semaphore, #tpu.memory_space<semaphore_mem>>) src(%dma_wait3A_1454 : memref<8x128x128xf32, #tpu.memory_space<any>>) dst(%arg36 : memref<8x128x128xf32, #tpu.memory_space<vmem>>)
        %dma_start3A_1455 = arith.constant 0 : i32
        %dma_start3A_1456 = arith.constant 0 : i32
        %dma_start3A_1457 = arith.constant 0 : i32
        %dma_start3A_1458 = tpu.memref_slice %arg5[%dma_start3A_1455, %add3A_822, %dma_start3A_1456, %dma_start3A_1457] : memref<8x192x128x128xf32, #tpu.memory_space<any>> -> memref<8x1x128x128xf32, #tpu.memory_space<any>>
        %dma_start3A_1459 = tpu.memref_squeeze %dma_start3A_1458 : memref<8x1x128x128xf32, #tpu.memory_space<any>> -> memref<8x128x128xf32, #tpu.memory_space<any>>
        tpu.enqueue_dma source(%arg36 : memref<8x128x128xf32, #tpu.memory_space<vmem>>) target(%dma_start3A_1459 : memref<8x128x128xf32, #tpu.memory_space<any>>) target_semaphore(%arg132 : memref<!tpu.dma_semaphore, #tpu.memory_space<semaphore_mem>>)
      } else {
      }
      %add3A_847 = arith.constant 12 : i32
      %add3A_848 = arith.addi %add3A_822, %add3A_847 : i32
      %lt3A_849 = arith.constant 192 : i32
      %lt3A_850 = arith.cmpi slt, %add3A_848, %lt3A_849 : i32
      %convert_element_type3A_851 = arith.extui %lt3A_850 : i1 to i32
      %cond3A_852 = arith.constant 0 : i32
      %cond3A_853 = arith.cmpi ne, %convert_element_type3A_851, %cond3A_852 : i32
      scf.if %cond3A_853 {
        %ge3A = arith.constant 24 : i32
        %ge3A_1449 = arith.cmpi sge, %add3A_848, %ge3A : i32
        %convert_element_type3A_1450 = arith.extui %ge3A_1449 : i1 to i32
        %cond3A_1451 = arith.constant 0 : i32
        %cond3A_1452 = arith.cmpi ne, %convert_element_type3A_1450, %cond3A_1451 : i32
        scf.if %cond3A_1452 {
          %dma_wait3A_1480 = arith.constant 0 : i32
          %dma_wait3A_1481 = arith.constant 0 : i32
          %dma_wait3A_1482 = arith.constant 0 : i32
          %dma_wait3A_1483 = arith.constant 0 : i32
          %dma_wait3A_1484 = tpu.memref_slice %arg0[%dma_wait3A_1481, %dma_wait3A_1480, %dma_wait3A_1482, %dma_wait3A_1483] : memref<8x192x128x128xf32, #tpu.memory_space<any>> -> memref<8x1x128x128xf32, #tpu.memory_space<any>>
          %dma_wait3A_1485 = tpu.memref_squeeze %dma_wait3A_1484 : memref<8x1x128x128xf32, #tpu.memory_space<any>> -> memref<8x128x128xf32, #tpu.memory_space<any>>
          tpu.wait_dma2 semaphore(%arg120 : memref<!tpu.dma_semaphore, #tpu.memory_space<semaphore_mem>>) src(%dma_wait3A_1485 : memref<8x128x128xf32, #tpu.memory_space<any>>) dst(%arg24 : memref<8x128x128xf32, #tpu.memory_space<vmem>>)
          %dma_wait3A_1486 = arith.constant 0 : i32
          %dma_wait3A_1487 = arith.constant 0 : i32
          %dma_wait3A_1488 = arith.constant 0 : i32
          %dma_wait3A_1489 = arith.constant 0 : i32
          %dma_wait3A_1490 = tpu.memref_slice %arg0[%dma_wait3A_1487, %dma_wait3A_1486, %dma_wait3A_1488, %dma_wait3A_1489] : memref<8x192x128x128xf32, #tpu.memory_space<any>> -> memref<8x1x128x128xf32, #tpu.memory_space<any>>
          %dma_wait3A_1491 = tpu.memref_squeeze %dma_wait3A_1490 : memref<8x1x128x128xf32, #tpu.memory_space<any>> -> memref<8x128x128xf32, #tpu.memory_space<any>>
          tpu.wait_dma2 semaphore(%arg144 : memref<!tpu.dma_semaphore, #tpu.memory_space<semaphore_mem>>) src(%dma_wait3A_1491 : memref<8x128x128xf32, #tpu.memory_space<any>>) dst(%arg24 : memref<8x128x128xf32, #tpu.memory_space<vmem>>)
        } else {
        }
        %get3A_1453 = arith.index_cast %add3A_848 : i32 to index
        %get3A_1454 = memref.load %arg2[%get3A_1453] : memref<192xi32, #tpu.memory_space<smem>>
        %get3A_1455 = arith.index_cast %add3A_848 : i32 to index
        %get3A_1456 = memref.load %arg3[%get3A_1455] : memref<192xi32, #tpu.memory_space<smem>>
        %ne3A_1457 = arith.cmpi ne, %get3A_1454, %get3A_1456 : i32
        %eq3A_1458 = arith.constant 1 : i32
        %eq3A_1459 = arith.cmpi eq, %get3A_1454, %eq3A_1458 : i32
        %convert_element_type3A_1460 = arith.extui %eq3A_1459 : i1 to i32
        %cond3A_1461 = arith.constant 0 : i32
        %cond3A_1462 = arith.cmpi ne, %convert_element_type3A_1460, %cond3A_1461 : i32
        scf.if %cond3A_1462 {
          %dma_start3A_1480 = arith.constant 0 : i32
          %dma_start3A_1481 = arith.constant 0 : i32
          %dma_start3A_1482 = arith.constant 0 : i32
          %dma_start3A_1483 = tpu.memref_slice %arg0[%dma_start3A_1480, %add3A_848, %dma_start3A_1481, %dma_start3A_1482] : memref<8x192x128x128xf32, #tpu.memory_space<any>> -> memref<8x1x128x128xf32, #tpu.memory_space<any>>
          %dma_start3A_1484 = tpu.memref_squeeze %dma_start3A_1483 : memref<8x1x128x128xf32, #tpu.memory_space<any>> -> memref<8x128x128xf32, #tpu.memory_space<any>>
          tpu.enqueue_dma source(%dma_start3A_1484 : memref<8x128x128xf32, #tpu.memory_space<any>>) target(%arg24 : memref<8x128x128xf32, #tpu.memory_space<vmem>>) target_semaphore(%arg72 : memref<!tpu.dma_semaphore, #tpu.memory_space<semaphore_mem>>)
        } else {
        }
        %eq3A_1463 = arith.constant 0 : i32
        %eq3A_1464 = arith.cmpi eq, %get3A_1454, %eq3A_1463 : i32
        %convert_element_type3A_1465 = arith.extui %eq3A_1464 : i1 to i32
        %cond3A_1466 = arith.constant 0 : i32
        %cond3A_1467 = arith.cmpi ne, %convert_element_type3A_1465, %cond3A_1466 : i32
        scf.if %cond3A_1467 {
          %dma_start3A_1480 = arith.constant 0 : i32
          %dma_start3A_1481 = arith.constant 0 : i32
          %dma_start3A_1482 = arith.constant 0 : i32
          %dma_start3A_1483 = tpu.memref_slice %arg1[%dma_start3A_1480, %add3A_848, %dma_start3A_1481, %dma_start3A_1482] : memref<8x192x128x128xf32, #tpu.memory_space<any>> -> memref<8x1x128x128xf32, #tpu.memory_space<any>>
          %dma_start3A_1484 = tpu.memref_squeeze %dma_start3A_1483 : memref<8x1x128x128xf32, #tpu.memory_space<any>> -> memref<8x128x128xf32, #tpu.memory_space<any>>
          tpu.enqueue_dma source(%dma_start3A_1484 : memref<8x128x128xf32, #tpu.memory_space<any>>) target(%arg24 : memref<8x128x128xf32, #tpu.memory_space<vmem>>) target_semaphore(%arg72 : memref<!tpu.dma_semaphore, #tpu.memory_space<semaphore_mem>>)
        } else {
        }
        %eq3A_1468 = arith.constant 1 : i32
        %eq3A_1469 = arith.cmpi eq, %get3A_1456, %eq3A_1468 : i32
        %and3A_1470 = arith.andi %ne3A_1457, %eq3A_1469 : i1
        %convert_element_type3A_1471 = arith.extui %and3A_1470 : i1 to i32
        %cond3A_1472 = arith.constant 0 : i32
        %cond3A_1473 = arith.cmpi ne, %convert_element_type3A_1471, %cond3A_1472 : i32
        scf.if %cond3A_1473 {
          %dma_start3A_1480 = arith.constant 0 : i32
          %dma_start3A_1481 = arith.constant 0 : i32
          %dma_start3A_1482 = arith.constant 0 : i32
          %dma_start3A_1483 = tpu.memref_slice %arg0[%dma_start3A_1480, %add3A_848, %dma_start3A_1481, %dma_start3A_1482] : memref<8x192x128x128xf32, #tpu.memory_space<any>> -> memref<8x1x128x128xf32, #tpu.memory_space<any>>
          %dma_start3A_1484 = tpu.memref_squeeze %dma_start3A_1483 : memref<8x1x128x128xf32, #tpu.memory_space<any>> -> memref<8x128x128xf32, #tpu.memory_space<any>>
          tpu.enqueue_dma source(%dma_start3A_1484 : memref<8x128x128xf32, #tpu.memory_space<any>>) target(%arg48 : memref<8x128x128xf32, #tpu.memory_space<vmem>>) target_semaphore(%arg96 : memref<!tpu.dma_semaphore, #tpu.memory_space<semaphore_mem>>)
        } else {
        }
        %eq3A_1474 = arith.constant 0 : i32
        %eq3A_1475 = arith.cmpi eq, %get3A_1456, %eq3A_1474 : i32
        %and3A_1476 = arith.andi %ne3A_1457, %eq3A_1475 : i1
        %convert_element_type3A_1477 = arith.extui %and3A_1476 : i1 to i32
        %cond3A_1478 = arith.constant 0 : i32
        %cond3A_1479 = arith.cmpi ne, %convert_element_type3A_1477, %cond3A_1478 : i32
        scf.if %cond3A_1479 {
          %dma_start3A_1480 = arith.constant 0 : i32
          %dma_start3A_1481 = arith.constant 0 : i32
          %dma_start3A_1482 = arith.constant 0 : i32
          %dma_start3A_1483 = tpu.memref_slice %arg1[%dma_start3A_1480, %add3A_848, %dma_start3A_1481, %dma_start3A_1482] : memref<8x192x128x128xf32, #tpu.memory_space<any>> -> memref<8x1x128x128xf32, #tpu.memory_space<any>>
          %dma_start3A_1484 = tpu.memref_squeeze %dma_start3A_1483 : memref<8x1x128x128xf32, #tpu.memory_space<any>> -> memref<8x128x128xf32, #tpu.memory_space<any>>
          tpu.enqueue_dma source(%dma_start3A_1484 : memref<8x128x128xf32, #tpu.memory_space<any>>) target(%arg48 : memref<8x128x128xf32, #tpu.memory_space<vmem>>) target_semaphore(%arg96 : memref<!tpu.dma_semaphore, #tpu.memory_space<semaphore_mem>>)
        } else {
        }
      } else {
      }
      %mul3A_854 = arith.constant 24 : i32
      %mul3A_855 = arith.muli %mul3A_854, %add3A_611 : i32
      %add3A_856 = arith.constant 7 : i32
      %add3A_857 = arith.addi %mul3A_855, %add3A_856 : i32
      %get3A_858 = arith.index_cast %add3A_857 : i32 to index
      %get3A_859 = memref.load %arg2[%get3A_858] : memref<192xi32, #tpu.memory_space<smem>>
      %get3A_860 = arith.index_cast %add3A_857 : i32 to index
      %get3A_861 = memref.load %arg3[%get3A_860] : memref<192xi32, #tpu.memory_space<smem>>
      %eq3A_862 = arith.cmpi eq, %get3A_859, %get3A_861 : i32
      %dma_wait3A_863 = arith.constant 0 : i32
      %dma_wait3A_864 = arith.constant 0 : i32
      %dma_wait3A_865 = arith.constant 0 : i32
      %dma_wait3A_866 = arith.constant 0 : i32
      %dma_wait3A_867 = tpu.memref_slice %arg0[%dma_wait3A_864, %dma_wait3A_863, %dma_wait3A_865, %dma_wait3A_866] : memref<8x192x128x128xf32, #tpu.memory_space<any>> -> memref<8x1x128x128xf32, #tpu.memory_space<any>>
      %dma_wait3A_868 = tpu.memref_squeeze %dma_wait3A_867 : memref<8x1x128x128xf32, #tpu.memory_space<any>> -> memref<8x128x128xf32, #tpu.memory_space<any>>
      tpu.wait_dma2 semaphore(%arg61 : memref<!tpu.dma_semaphore, #tpu.memory_space<semaphore_mem>>) src(%dma_wait3A_868 : memref<8x128x128xf32, #tpu.memory_space<any>>) dst(%arg13 : memref<8x128x128xf32, #tpu.memory_space<vmem>>)
      %dma_start3A_869 = arith.constant 0 : i32
      %dma_start3A_870 = arith.constant 0 : i32
      %dma_start3A_871 = arith.constant 0 : i32
      %dma_start3A_872 = tpu.memref_slice %arg4[%dma_start3A_869, %add3A_857, %dma_start3A_870, %dma_start3A_871] : memref<8x192x128x128xf32, #tpu.memory_space<any>> -> memref<8x1x128x128xf32, #tpu.memory_space<any>>
      %dma_start3A_873 = tpu.memref_squeeze %dma_start3A_872 : memref<8x1x128x128xf32, #tpu.memory_space<any>> -> memref<8x128x128xf32, #tpu.memory_space<any>>
      tpu.enqueue_dma source(%arg13 : memref<8x128x128xf32, #tpu.memory_space<vmem>>) target(%dma_start3A_873 : memref<8x128x128xf32, #tpu.memory_space<any>>) target_semaphore(%arg109 : memref<!tpu.dma_semaphore, #tpu.memory_space<semaphore_mem>>)
      %convert_element_type3A_874 = arith.extui %eq3A_862 : i1 to i32
      %cond3A_875 = arith.constant 0 : i32
      %cond3A_876 = arith.cmpi ne, %convert_element_type3A_874, %cond3A_875 : i32
      scf.if %cond3A_876 {
        %dma_start3A_1449 = arith.constant 0 : i32
        %dma_start3A_1450 = arith.constant 0 : i32
        %dma_start3A_1451 = arith.constant 0 : i32
        %dma_start3A_1452 = tpu.memref_slice %arg5[%dma_start3A_1449, %add3A_857, %dma_start3A_1450, %dma_start3A_1451] : memref<8x192x128x128xf32, #tpu.memory_space<any>> -> memref<8x1x128x128xf32, #tpu.memory_space<any>>
        %dma_start3A_1453 = tpu.memref_squeeze %dma_start3A_1452 : memref<8x1x128x128xf32, #tpu.memory_space<any>> -> memref<8x128x128xf32, #tpu.memory_space<any>>
        tpu.enqueue_dma source(%arg13 : memref<8x128x128xf32, #tpu.memory_space<vmem>>) target(%dma_start3A_1453 : memref<8x128x128xf32, #tpu.memory_space<any>>) target_semaphore(%arg133 : memref<!tpu.dma_semaphore, #tpu.memory_space<semaphore_mem>>)
      } else {
      }
      %not3A_877 = arith.constant true
      %not3A_878 = arith.xori %eq3A_862, %not3A_877 : i1
      %convert_element_type3A_879 = arith.extui %not3A_878 : i1 to i32
      %cond3A_880 = arith.constant 0 : i32
      %cond3A_881 = arith.cmpi ne, %convert_element_type3A_879, %cond3A_880 : i32
      scf.if %cond3A_881 {
        %dma_wait3A_1449 = arith.constant 0 : i32
        %dma_wait3A_1450 = arith.constant 0 : i32
        %dma_wait3A_1451 = arith.constant 0 : i32
        %dma_wait3A_1452 = arith.constant 0 : i32
        %dma_wait3A_1453 = tpu.memref_slice %arg0[%dma_wait3A_1450, %dma_wait3A_1449, %dma_wait3A_1451, %dma_wait3A_1452] : memref<8x192x128x128xf32, #tpu.memory_space<any>> -> memref<8x1x128x128xf32, #tpu.memory_space<any>>
        %dma_wait3A_1454 = tpu.memref_squeeze %dma_wait3A_1453 : memref<8x1x128x128xf32, #tpu.memory_space<any>> -> memref<8x128x128xf32, #tpu.memory_space<any>>
        tpu.wait_dma2 semaphore(%arg85 : memref<!tpu.dma_semaphore, #tpu.memory_space<semaphore_mem>>) src(%dma_wait3A_1454 : memref<8x128x128xf32, #tpu.memory_space<any>>) dst(%arg37 : memref<8x128x128xf32, #tpu.memory_space<vmem>>)
        %dma_start3A_1455 = arith.constant 0 : i32
        %dma_start3A_1456 = arith.constant 0 : i32
        %dma_start3A_1457 = arith.constant 0 : i32
        %dma_start3A_1458 = tpu.memref_slice %arg5[%dma_start3A_1455, %add3A_857, %dma_start3A_1456, %dma_start3A_1457] : memref<8x192x128x128xf32, #tpu.memory_space<any>> -> memref<8x1x128x128xf32, #tpu.memory_space<any>>
        %dma_start3A_1459 = tpu.memref_squeeze %dma_start3A_1458 : memref<8x1x128x128xf32, #tpu.memory_space<any>> -> memref<8x128x128xf32, #tpu.memory_space<any>>
        tpu.enqueue_dma source(%arg37 : memref<8x128x128xf32, #tpu.memory_space<vmem>>) target(%dma_start3A_1459 : memref<8x128x128xf32, #tpu.memory_space<any>>) target_semaphore(%arg133 : memref<!tpu.dma_semaphore, #tpu.memory_space<semaphore_mem>>)
      } else {
      }
      %add3A_882 = arith.constant 12 : i32
      %add3A_883 = arith.addi %add3A_857, %add3A_882 : i32
      %lt3A_884 = arith.constant 192 : i32
      %lt3A_885 = arith.cmpi slt, %add3A_883, %lt3A_884 : i32
      %convert_element_type3A_886 = arith.extui %lt3A_885 : i1 to i32
      %cond3A_887 = arith.constant 0 : i32
      %cond3A_888 = arith.cmpi ne, %convert_element_type3A_886, %cond3A_887 : i32
      scf.if %cond3A_888 {
        %ge3A = arith.constant 24 : i32
        %ge3A_1449 = arith.cmpi sge, %add3A_883, %ge3A : i32
        %convert_element_type3A_1450 = arith.extui %ge3A_1449 : i1 to i32
        %cond3A_1451 = arith.constant 0 : i32
        %cond3A_1452 = arith.cmpi ne, %convert_element_type3A_1450, %cond3A_1451 : i32
        scf.if %cond3A_1452 {
          %dma_wait3A_1480 = arith.constant 0 : i32
          %dma_wait3A_1481 = arith.constant 0 : i32
          %dma_wait3A_1482 = arith.constant 0 : i32
          %dma_wait3A_1483 = arith.constant 0 : i32
          %dma_wait3A_1484 = tpu.memref_slice %arg0[%dma_wait3A_1481, %dma_wait3A_1480, %dma_wait3A_1482, %dma_wait3A_1483] : memref<8x192x128x128xf32, #tpu.memory_space<any>> -> memref<8x1x128x128xf32, #tpu.memory_space<any>>
          %dma_wait3A_1485 = tpu.memref_squeeze %dma_wait3A_1484 : memref<8x1x128x128xf32, #tpu.memory_space<any>> -> memref<8x128x128xf32, #tpu.memory_space<any>>
          tpu.wait_dma2 semaphore(%arg121 : memref<!tpu.dma_semaphore, #tpu.memory_space<semaphore_mem>>) src(%dma_wait3A_1485 : memref<8x128x128xf32, #tpu.memory_space<any>>) dst(%arg25 : memref<8x128x128xf32, #tpu.memory_space<vmem>>)
          %dma_wait3A_1486 = arith.constant 0 : i32
          %dma_wait3A_1487 = arith.constant 0 : i32
          %dma_wait3A_1488 = arith.constant 0 : i32
          %dma_wait3A_1489 = arith.constant 0 : i32
          %dma_wait3A_1490 = tpu.memref_slice %arg0[%dma_wait3A_1487, %dma_wait3A_1486, %dma_wait3A_1488, %dma_wait3A_1489] : memref<8x192x128x128xf32, #tpu.memory_space<any>> -> memref<8x1x128x128xf32, #tpu.memory_space<any>>
          %dma_wait3A_1491 = tpu.memref_squeeze %dma_wait3A_1490 : memref<8x1x128x128xf32, #tpu.memory_space<any>> -> memref<8x128x128xf32, #tpu.memory_space<any>>
          tpu.wait_dma2 semaphore(%arg145 : memref<!tpu.dma_semaphore, #tpu.memory_space<semaphore_mem>>) src(%dma_wait3A_1491 : memref<8x128x128xf32, #tpu.memory_space<any>>) dst(%arg25 : memref<8x128x128xf32, #tpu.memory_space<vmem>>)
        } else {
        }
        %get3A_1453 = arith.index_cast %add3A_883 : i32 to index
        %get3A_1454 = memref.load %arg2[%get3A_1453] : memref<192xi32, #tpu.memory_space<smem>>
        %get3A_1455 = arith.index_cast %add3A_883 : i32 to index
        %get3A_1456 = memref.load %arg3[%get3A_1455] : memref<192xi32, #tpu.memory_space<smem>>
        %ne3A_1457 = arith.cmpi ne, %get3A_1454, %get3A_1456 : i32
        %eq3A_1458 = arith.constant 1 : i32
        %eq3A_1459 = arith.cmpi eq, %get3A_1454, %eq3A_1458 : i32
        %convert_element_type3A_1460 = arith.extui %eq3A_1459 : i1 to i32
        %cond3A_1461 = arith.constant 0 : i32
        %cond3A_1462 = arith.cmpi ne, %convert_element_type3A_1460, %cond3A_1461 : i32
        scf.if %cond3A_1462 {
          %dma_start3A_1480 = arith.constant 0 : i32
          %dma_start3A_1481 = arith.constant 0 : i32
          %dma_start3A_1482 = arith.constant 0 : i32
          %dma_start3A_1483 = tpu.memref_slice %arg0[%dma_start3A_1480, %add3A_883, %dma_start3A_1481, %dma_start3A_1482] : memref<8x192x128x128xf32, #tpu.memory_space<any>> -> memref<8x1x128x128xf32, #tpu.memory_space<any>>
          %dma_start3A_1484 = tpu.memref_squeeze %dma_start3A_1483 : memref<8x1x128x128xf32, #tpu.memory_space<any>> -> memref<8x128x128xf32, #tpu.memory_space<any>>
          tpu.enqueue_dma source(%dma_start3A_1484 : memref<8x128x128xf32, #tpu.memory_space<any>>) target(%arg25 : memref<8x128x128xf32, #tpu.memory_space<vmem>>) target_semaphore(%arg73 : memref<!tpu.dma_semaphore, #tpu.memory_space<semaphore_mem>>)
        } else {
        }
        %eq3A_1463 = arith.constant 0 : i32
        %eq3A_1464 = arith.cmpi eq, %get3A_1454, %eq3A_1463 : i32
        %convert_element_type3A_1465 = arith.extui %eq3A_1464 : i1 to i32
        %cond3A_1466 = arith.constant 0 : i32
        %cond3A_1467 = arith.cmpi ne, %convert_element_type3A_1465, %cond3A_1466 : i32
        scf.if %cond3A_1467 {
          %dma_start3A_1480 = arith.constant 0 : i32
          %dma_start3A_1481 = arith.constant 0 : i32
          %dma_start3A_1482 = arith.constant 0 : i32
          %dma_start3A_1483 = tpu.memref_slice %arg1[%dma_start3A_1480, %add3A_883, %dma_start3A_1481, %dma_start3A_1482] : memref<8x192x128x128xf32, #tpu.memory_space<any>> -> memref<8x1x128x128xf32, #tpu.memory_space<any>>
          %dma_start3A_1484 = tpu.memref_squeeze %dma_start3A_1483 : memref<8x1x128x128xf32, #tpu.memory_space<any>> -> memref<8x128x128xf32, #tpu.memory_space<any>>
          tpu.enqueue_dma source(%dma_start3A_1484 : memref<8x128x128xf32, #tpu.memory_space<any>>) target(%arg25 : memref<8x128x128xf32, #tpu.memory_space<vmem>>) target_semaphore(%arg73 : memref<!tpu.dma_semaphore, #tpu.memory_space<semaphore_mem>>)
        } else {
        }
        %eq3A_1468 = arith.constant 1 : i32
        %eq3A_1469 = arith.cmpi eq, %get3A_1456, %eq3A_1468 : i32
        %and3A_1470 = arith.andi %ne3A_1457, %eq3A_1469 : i1
        %convert_element_type3A_1471 = arith.extui %and3A_1470 : i1 to i32
        %cond3A_1472 = arith.constant 0 : i32
        %cond3A_1473 = arith.cmpi ne, %convert_element_type3A_1471, %cond3A_1472 : i32
        scf.if %cond3A_1473 {
          %dma_start3A_1480 = arith.constant 0 : i32
          %dma_start3A_1481 = arith.constant 0 : i32
          %dma_start3A_1482 = arith.constant 0 : i32
          %dma_start3A_1483 = tpu.memref_slice %arg0[%dma_start3A_1480, %add3A_883, %dma_start3A_1481, %dma_start3A_1482] : memref<8x192x128x128xf32, #tpu.memory_space<any>> -> memref<8x1x128x128xf32, #tpu.memory_space<any>>
          %dma_start3A_1484 = tpu.memref_squeeze %dma_start3A_1483 : memref<8x1x128x128xf32, #tpu.memory_space<any>> -> memref<8x128x128xf32, #tpu.memory_space<any>>
          tpu.enqueue_dma source(%dma_start3A_1484 : memref<8x128x128xf32, #tpu.memory_space<any>>) target(%arg49 : memref<8x128x128xf32, #tpu.memory_space<vmem>>) target_semaphore(%arg97 : memref<!tpu.dma_semaphore, #tpu.memory_space<semaphore_mem>>)
        } else {
        }
        %eq3A_1474 = arith.constant 0 : i32
        %eq3A_1475 = arith.cmpi eq, %get3A_1456, %eq3A_1474 : i32
        %and3A_1476 = arith.andi %ne3A_1457, %eq3A_1475 : i1
        %convert_element_type3A_1477 = arith.extui %and3A_1476 : i1 to i32
        %cond3A_1478 = arith.constant 0 : i32
        %cond3A_1479 = arith.cmpi ne, %convert_element_type3A_1477, %cond3A_1478 : i32
        scf.if %cond3A_1479 {
          %dma_start3A_1480 = arith.constant 0 : i32
          %dma_start3A_1481 = arith.constant 0 : i32
          %dma_start3A_1482 = arith.constant 0 : i32
          %dma_start3A_1483 = tpu.memref_slice %arg1[%dma_start3A_1480, %add3A_883, %dma_start3A_1481, %dma_start3A_1482] : memref<8x192x128x128xf32, #tpu.memory_space<any>> -> memref<8x1x128x128xf32, #tpu.memory_space<any>>
          %dma_start3A_1484 = tpu.memref_squeeze %dma_start3A_1483 : memref<8x1x128x128xf32, #tpu.memory_space<any>> -> memref<8x128x128xf32, #tpu.memory_space<any>>
          tpu.enqueue_dma source(%dma_start3A_1484 : memref<8x128x128xf32, #tpu.memory_space<any>>) target(%arg49 : memref<8x128x128xf32, #tpu.memory_space<vmem>>) target_semaphore(%arg97 : memref<!tpu.dma_semaphore, #tpu.memory_space<semaphore_mem>>)
        } else {
        }
      } else {
      }
      %mul3A_889 = arith.constant 24 : i32
      %mul3A_890 = arith.muli %mul3A_889, %add3A_611 : i32
      %add3A_891 = arith.constant 8 : i32
      %add3A_892 = arith.addi %mul3A_890, %add3A_891 : i32
      %get3A_893 = arith.index_cast %add3A_892 : i32 to index
      %get3A_894 = memref.load %arg2[%get3A_893] : memref<192xi32, #tpu.memory_space<smem>>
      %get3A_895 = arith.index_cast %add3A_892 : i32 to index
      %get3A_896 = memref.load %arg3[%get3A_895] : memref<192xi32, #tpu.memory_space<smem>>
      %eq3A_897 = arith.cmpi eq, %get3A_894, %get3A_896 : i32
      %dma_wait3A_898 = arith.constant 0 : i32
      %dma_wait3A_899 = arith.constant 0 : i32
      %dma_wait3A_900 = arith.constant 0 : i32
      %dma_wait3A_901 = arith.constant 0 : i32
      %dma_wait3A_902 = tpu.memref_slice %arg0[%dma_wait3A_899, %dma_wait3A_898, %dma_wait3A_900, %dma_wait3A_901] : memref<8x192x128x128xf32, #tpu.memory_space<any>> -> memref<8x1x128x128xf32, #tpu.memory_space<any>>
      %dma_wait3A_903 = tpu.memref_squeeze %dma_wait3A_902 : memref<8x1x128x128xf32, #tpu.memory_space<any>> -> memref<8x128x128xf32, #tpu.memory_space<any>>
      tpu.wait_dma2 semaphore(%arg62 : memref<!tpu.dma_semaphore, #tpu.memory_space<semaphore_mem>>) src(%dma_wait3A_903 : memref<8x128x128xf32, #tpu.memory_space<any>>) dst(%arg14 : memref<8x128x128xf32, #tpu.memory_space<vmem>>)
      %dma_start3A_904 = arith.constant 0 : i32
      %dma_start3A_905 = arith.constant 0 : i32
      %dma_start3A_906 = arith.constant 0 : i32
      %dma_start3A_907 = tpu.memref_slice %arg4[%dma_start3A_904, %add3A_892, %dma_start3A_905, %dma_start3A_906] : memref<8x192x128x128xf32, #tpu.memory_space<any>> -> memref<8x1x128x128xf32, #tpu.memory_space<any>>
      %dma_start3A_908 = tpu.memref_squeeze %dma_start3A_907 : memref<8x1x128x128xf32, #tpu.memory_space<any>> -> memref<8x128x128xf32, #tpu.memory_space<any>>
      tpu.enqueue_dma source(%arg14 : memref<8x128x128xf32, #tpu.memory_space<vmem>>) target(%dma_start3A_908 : memref<8x128x128xf32, #tpu.memory_space<any>>) target_semaphore(%arg110 : memref<!tpu.dma_semaphore, #tpu.memory_space<semaphore_mem>>)
      %convert_element_type3A_909 = arith.extui %eq3A_897 : i1 to i32
      %cond3A_910 = arith.constant 0 : i32
      %cond3A_911 = arith.cmpi ne, %convert_element_type3A_909, %cond3A_910 : i32
      scf.if %cond3A_911 {
        %dma_start3A_1449 = arith.constant 0 : i32
        %dma_start3A_1450 = arith.constant 0 : i32
        %dma_start3A_1451 = arith.constant 0 : i32
        %dma_start3A_1452 = tpu.memref_slice %arg5[%dma_start3A_1449, %add3A_892, %dma_start3A_1450, %dma_start3A_1451] : memref<8x192x128x128xf32, #tpu.memory_space<any>> -> memref<8x1x128x128xf32, #tpu.memory_space<any>>
        %dma_start3A_1453 = tpu.memref_squeeze %dma_start3A_1452 : memref<8x1x128x128xf32, #tpu.memory_space<any>> -> memref<8x128x128xf32, #tpu.memory_space<any>>
        tpu.enqueue_dma source(%arg14 : memref<8x128x128xf32, #tpu.memory_space<vmem>>) target(%dma_start3A_1453 : memref<8x128x128xf32, #tpu.memory_space<any>>) target_semaphore(%arg134 : memref<!tpu.dma_semaphore, #tpu.memory_space<semaphore_mem>>)
      } else {
      }
      %not3A_912 = arith.constant true
      %not3A_913 = arith.xori %eq3A_897, %not3A_912 : i1
      %convert_element_type3A_914 = arith.extui %not3A_913 : i1 to i32
      %cond3A_915 = arith.constant 0 : i32
      %cond3A_916 = arith.cmpi ne, %convert_element_type3A_914, %cond3A_915 : i32
      scf.if %cond3A_916 {
        %dma_wait3A_1449 = arith.constant 0 : i32
        %dma_wait3A_1450 = arith.constant 0 : i32
        %dma_wait3A_1451 = arith.constant 0 : i32
        %dma_wait3A_1452 = arith.constant 0 : i32
        %dma_wait3A_1453 = tpu.memref_slice %arg0[%dma_wait3A_1450, %dma_wait3A_1449, %dma_wait3A_1451, %dma_wait3A_1452] : memref<8x192x128x128xf32, #tpu.memory_space<any>> -> memref<8x1x128x128xf32, #tpu.memory_space<any>>
        %dma_wait3A_1454 = tpu.memref_squeeze %dma_wait3A_1453 : memref<8x1x128x128xf32, #tpu.memory_space<any>> -> memref<8x128x128xf32, #tpu.memory_space<any>>
        tpu.wait_dma2 semaphore(%arg86 : memref<!tpu.dma_semaphore, #tpu.memory_space<semaphore_mem>>) src(%dma_wait3A_1454 : memref<8x128x128xf32, #tpu.memory_space<any>>) dst(%arg38 : memref<8x128x128xf32, #tpu.memory_space<vmem>>)
        %dma_start3A_1455 = arith.constant 0 : i32
        %dma_start3A_1456 = arith.constant 0 : i32
        %dma_start3A_1457 = arith.constant 0 : i32
        %dma_start3A_1458 = tpu.memref_slice %arg5[%dma_start3A_1455, %add3A_892, %dma_start3A_1456, %dma_start3A_1457] : memref<8x192x128x128xf32, #tpu.memory_space<any>> -> memref<8x1x128x128xf32, #tpu.memory_space<any>>
        %dma_start3A_1459 = tpu.memref_squeeze %dma_start3A_1458 : memref<8x1x128x128xf32, #tpu.memory_space<any>> -> memref<8x128x128xf32, #tpu.memory_space<any>>
        tpu.enqueue_dma source(%arg38 : memref<8x128x128xf32, #tpu.memory_space<vmem>>) target(%dma_start3A_1459 : memref<8x128x128xf32, #tpu.memory_space<any>>) target_semaphore(%arg134 : memref<!tpu.dma_semaphore, #tpu.memory_space<semaphore_mem>>)
      } else {
      }
      %add3A_917 = arith.constant 12 : i32
      %add3A_918 = arith.addi %add3A_892, %add3A_917 : i32
      %lt3A_919 = arith.constant 192 : i32
      %lt3A_920 = arith.cmpi slt, %add3A_918, %lt3A_919 : i32
      %convert_element_type3A_921 = arith.extui %lt3A_920 : i1 to i32
      %cond3A_922 = arith.constant 0 : i32
      %cond3A_923 = arith.cmpi ne, %convert_element_type3A_921, %cond3A_922 : i32
      scf.if %cond3A_923 {
        %ge3A = arith.constant 24 : i32
        %ge3A_1449 = arith.cmpi sge, %add3A_918, %ge3A : i32
        %convert_element_type3A_1450 = arith.extui %ge3A_1449 : i1 to i32
        %cond3A_1451 = arith.constant 0 : i32
        %cond3A_1452 = arith.cmpi ne, %convert_element_type3A_1450, %cond3A_1451 : i32
        scf.if %cond3A_1452 {
          %dma_wait3A_1480 = arith.constant 0 : i32
          %dma_wait3A_1481 = arith.constant 0 : i32
          %dma_wait3A_1482 = arith.constant 0 : i32
          %dma_wait3A_1483 = arith.constant 0 : i32
          %dma_wait3A_1484 = tpu.memref_slice %arg0[%dma_wait3A_1481, %dma_wait3A_1480, %dma_wait3A_1482, %dma_wait3A_1483] : memref<8x192x128x128xf32, #tpu.memory_space<any>> -> memref<8x1x128x128xf32, #tpu.memory_space<any>>
          %dma_wait3A_1485 = tpu.memref_squeeze %dma_wait3A_1484 : memref<8x1x128x128xf32, #tpu.memory_space<any>> -> memref<8x128x128xf32, #tpu.memory_space<any>>
          tpu.wait_dma2 semaphore(%arg122 : memref<!tpu.dma_semaphore, #tpu.memory_space<semaphore_mem>>) src(%dma_wait3A_1485 : memref<8x128x128xf32, #tpu.memory_space<any>>) dst(%arg26 : memref<8x128x128xf32, #tpu.memory_space<vmem>>)
          %dma_wait3A_1486 = arith.constant 0 : i32
          %dma_wait3A_1487 = arith.constant 0 : i32
          %dma_wait3A_1488 = arith.constant 0 : i32
          %dma_wait3A_1489 = arith.constant 0 : i32
          %dma_wait3A_1490 = tpu.memref_slice %arg0[%dma_wait3A_1487, %dma_wait3A_1486, %dma_wait3A_1488, %dma_wait3A_1489] : memref<8x192x128x128xf32, #tpu.memory_space<any>> -> memref<8x1x128x128xf32, #tpu.memory_space<any>>
          %dma_wait3A_1491 = tpu.memref_squeeze %dma_wait3A_1490 : memref<8x1x128x128xf32, #tpu.memory_space<any>> -> memref<8x128x128xf32, #tpu.memory_space<any>>
          tpu.wait_dma2 semaphore(%arg146 : memref<!tpu.dma_semaphore, #tpu.memory_space<semaphore_mem>>) src(%dma_wait3A_1491 : memref<8x128x128xf32, #tpu.memory_space<any>>) dst(%arg26 : memref<8x128x128xf32, #tpu.memory_space<vmem>>)
        } else {
        }
        %get3A_1453 = arith.index_cast %add3A_918 : i32 to index
        %get3A_1454 = memref.load %arg2[%get3A_1453] : memref<192xi32, #tpu.memory_space<smem>>
        %get3A_1455 = arith.index_cast %add3A_918 : i32 to index
        %get3A_1456 = memref.load %arg3[%get3A_1455] : memref<192xi32, #tpu.memory_space<smem>>
        %ne3A_1457 = arith.cmpi ne, %get3A_1454, %get3A_1456 : i32
        %eq3A_1458 = arith.constant 1 : i32
        %eq3A_1459 = arith.cmpi eq, %get3A_1454, %eq3A_1458 : i32
        %convert_element_type3A_1460 = arith.extui %eq3A_1459 : i1 to i32
        %cond3A_1461 = arith.constant 0 : i32
        %cond3A_1462 = arith.cmpi ne, %convert_element_type3A_1460, %cond3A_1461 : i32
        scf.if %cond3A_1462 {
          %dma_start3A_1480 = arith.constant 0 : i32
          %dma_start3A_1481 = arith.constant 0 : i32
          %dma_start3A_1482 = arith.constant 0 : i32
          %dma_start3A_1483 = tpu.memref_slice %arg0[%dma_start3A_1480, %add3A_918, %dma_start3A_1481, %dma_start3A_1482] : memref<8x192x128x128xf32, #tpu.memory_space<any>> -> memref<8x1x128x128xf32, #tpu.memory_space<any>>
          %dma_start3A_1484 = tpu.memref_squeeze %dma_start3A_1483 : memref<8x1x128x128xf32, #tpu.memory_space<any>> -> memref<8x128x128xf32, #tpu.memory_space<any>>
          tpu.enqueue_dma source(%dma_start3A_1484 : memref<8x128x128xf32, #tpu.memory_space<any>>) target(%arg26 : memref<8x128x128xf32, #tpu.memory_space<vmem>>) target_semaphore(%arg74 : memref<!tpu.dma_semaphore, #tpu.memory_space<semaphore_mem>>)
        } else {
        }
        %eq3A_1463 = arith.constant 0 : i32
        %eq3A_1464 = arith.cmpi eq, %get3A_1454, %eq3A_1463 : i32
        %convert_element_type3A_1465 = arith.extui %eq3A_1464 : i1 to i32
        %cond3A_1466 = arith.constant 0 : i32
        %cond3A_1467 = arith.cmpi ne, %convert_element_type3A_1465, %cond3A_1466 : i32
        scf.if %cond3A_1467 {
          %dma_start3A_1480 = arith.constant 0 : i32
          %dma_start3A_1481 = arith.constant 0 : i32
          %dma_start3A_1482 = arith.constant 0 : i32
          %dma_start3A_1483 = tpu.memref_slice %arg1[%dma_start3A_1480, %add3A_918, %dma_start3A_1481, %dma_start3A_1482] : memref<8x192x128x128xf32, #tpu.memory_space<any>> -> memref<8x1x128x128xf32, #tpu.memory_space<any>>
          %dma_start3A_1484 = tpu.memref_squeeze %dma_start3A_1483 : memref<8x1x128x128xf32, #tpu.memory_space<any>> -> memref<8x128x128xf32, #tpu.memory_space<any>>
          tpu.enqueue_dma source(%dma_start3A_1484 : memref<8x128x128xf32, #tpu.memory_space<any>>) target(%arg26 : memref<8x128x128xf32, #tpu.memory_space<vmem>>) target_semaphore(%arg74 : memref<!tpu.dma_semaphore, #tpu.memory_space<semaphore_mem>>)
        } else {
        }
        %eq3A_1468 = arith.constant 1 : i32
        %eq3A_1469 = arith.cmpi eq, %get3A_1456, %eq3A_1468 : i32
        %and3A_1470 = arith.andi %ne3A_1457, %eq3A_1469 : i1
        %convert_element_type3A_1471 = arith.extui %and3A_1470 : i1 to i32
        %cond3A_1472 = arith.constant 0 : i32
        %cond3A_1473 = arith.cmpi ne, %convert_element_type3A_1471, %cond3A_1472 : i32
        scf.if %cond3A_1473 {
          %dma_start3A_1480 = arith.constant 0 : i32
          %dma_start3A_1481 = arith.constant 0 : i32
          %dma_start3A_1482 = arith.constant 0 : i32
          %dma_start3A_1483 = tpu.memref_slice %arg0[%dma_start3A_1480, %add3A_918, %dma_start3A_1481, %dma_start3A_1482] : memref<8x192x128x128xf32, #tpu.memory_space<any>> -> memref<8x1x128x128xf32, #tpu.memory_space<any>>
          %dma_start3A_1484 = tpu.memref_squeeze %dma_start3A_1483 : memref<8x1x128x128xf32, #tpu.memory_space<any>> -> memref<8x128x128xf32, #tpu.memory_space<any>>
          tpu.enqueue_dma source(%dma_start3A_1484 : memref<8x128x128xf32, #tpu.memory_space<any>>) target(%arg50 : memref<8x128x128xf32, #tpu.memory_space<vmem>>) target_semaphore(%arg98 : memref<!tpu.dma_semaphore, #tpu.memory_space<semaphore_mem>>)
        } else {
        }
        %eq3A_1474 = arith.constant 0 : i32
        %eq3A_1475 = arith.cmpi eq, %get3A_1456, %eq3A_1474 : i32
        %and3A_1476 = arith.andi %ne3A_1457, %eq3A_1475 : i1
        %convert_element_type3A_1477 = arith.extui %and3A_1476 : i1 to i32
        %cond3A_1478 = arith.constant 0 : i32
        %cond3A_1479 = arith.cmpi ne, %convert_element_type3A_1477, %cond3A_1478 : i32
        scf.if %cond3A_1479 {
          %dma_start3A_1480 = arith.constant 0 : i32
          %dma_start3A_1481 = arith.constant 0 : i32
          %dma_start3A_1482 = arith.constant 0 : i32
          %dma_start3A_1483 = tpu.memref_slice %arg1[%dma_start3A_1480, %add3A_918, %dma_start3A_1481, %dma_start3A_1482] : memref<8x192x128x128xf32, #tpu.memory_space<any>> -> memref<8x1x128x128xf32, #tpu.memory_space<any>>
          %dma_start3A_1484 = tpu.memref_squeeze %dma_start3A_1483 : memref<8x1x128x128xf32, #tpu.memory_space<any>> -> memref<8x128x128xf32, #tpu.memory_space<any>>
          tpu.enqueue_dma source(%dma_start3A_1484 : memref<8x128x128xf32, #tpu.memory_space<any>>) target(%arg50 : memref<8x128x128xf32, #tpu.memory_space<vmem>>) target_semaphore(%arg98 : memref<!tpu.dma_semaphore, #tpu.memory_space<semaphore_mem>>)
        } else {
        }
      } else {
      }
      %mul3A_924 = arith.constant 24 : i32
      %mul3A_925 = arith.muli %mul3A_924, %add3A_611 : i32
      %add3A_926 = arith.constant 9 : i32
      %add3A_927 = arith.addi %mul3A_925, %add3A_926 : i32
      %get3A_928 = arith.index_cast %add3A_927 : i32 to index
      %get3A_929 = memref.load %arg2[%get3A_928] : memref<192xi32, #tpu.memory_space<smem>>
      %get3A_930 = arith.index_cast %add3A_927 : i32 to index
      %get3A_931 = memref.load %arg3[%get3A_930] : memref<192xi32, #tpu.memory_space<smem>>
      %eq3A_932 = arith.cmpi eq, %get3A_929, %get3A_931 : i32
      %dma_wait3A_933 = arith.constant 0 : i32
      %dma_wait3A_934 = arith.constant 0 : i32
      %dma_wait3A_935 = arith.constant 0 : i32
      %dma_wait3A_936 = arith.constant 0 : i32
      %dma_wait3A_937 = tpu.memref_slice %arg0[%dma_wait3A_934, %dma_wait3A_933, %dma_wait3A_935, %dma_wait3A_936] : memref<8x192x128x128xf32, #tpu.memory_space<any>> -> memref<8x1x128x128xf32, #tpu.memory_space<any>>
      %dma_wait3A_938 = tpu.memref_squeeze %dma_wait3A_937 : memref<8x1x128x128xf32, #tpu.memory_space<any>> -> memref<8x128x128xf32, #tpu.memory_space<any>>
      tpu.wait_dma2 semaphore(%arg63 : memref<!tpu.dma_semaphore, #tpu.memory_space<semaphore_mem>>) src(%dma_wait3A_938 : memref<8x128x128xf32, #tpu.memory_space<any>>) dst(%arg15 : memref<8x128x128xf32, #tpu.memory_space<vmem>>)
      %dma_start3A_939 = arith.constant 0 : i32
      %dma_start3A_940 = arith.constant 0 : i32
      %dma_start3A_941 = arith.constant 0 : i32
      %dma_start3A_942 = tpu.memref_slice %arg4[%dma_start3A_939, %add3A_927, %dma_start3A_940, %dma_start3A_941] : memref<8x192x128x128xf32, #tpu.memory_space<any>> -> memref<8x1x128x128xf32, #tpu.memory_space<any>>
      %dma_start3A_943 = tpu.memref_squeeze %dma_start3A_942 : memref<8x1x128x128xf32, #tpu.memory_space<any>> -> memref<8x128x128xf32, #tpu.memory_space<any>>
      tpu.enqueue_dma source(%arg15 : memref<8x128x128xf32, #tpu.memory_space<vmem>>) target(%dma_start3A_943 : memref<8x128x128xf32, #tpu.memory_space<any>>) target_semaphore(%arg111 : memref<!tpu.dma_semaphore, #tpu.memory_space<semaphore_mem>>)
      %convert_element_type3A_944 = arith.extui %eq3A_932 : i1 to i32
      %cond3A_945 = arith.constant 0 : i32
      %cond3A_946 = arith.cmpi ne, %convert_element_type3A_944, %cond3A_945 : i32
      scf.if %cond3A_946 {
        %dma_start3A_1449 = arith.constant 0 : i32
        %dma_start3A_1450 = arith.constant 0 : i32
        %dma_start3A_1451 = arith.constant 0 : i32
        %dma_start3A_1452 = tpu.memref_slice %arg5[%dma_start3A_1449, %add3A_927, %dma_start3A_1450, %dma_start3A_1451] : memref<8x192x128x128xf32, #tpu.memory_space<any>> -> memref<8x1x128x128xf32, #tpu.memory_space<any>>
        %dma_start3A_1453 = tpu.memref_squeeze %dma_start3A_1452 : memref<8x1x128x128xf32, #tpu.memory_space<any>> -> memref<8x128x128xf32, #tpu.memory_space<any>>
        tpu.enqueue_dma source(%arg15 : memref<8x128x128xf32, #tpu.memory_space<vmem>>) target(%dma_start3A_1453 : memref<8x128x128xf32, #tpu.memory_space<any>>) target_semaphore(%arg135 : memref<!tpu.dma_semaphore, #tpu.memory_space<semaphore_mem>>)
      } else {
      }
      %not3A_947 = arith.constant true
      %not3A_948 = arith.xori %eq3A_932, %not3A_947 : i1
      %convert_element_type3A_949 = arith.extui %not3A_948 : i1 to i32
      %cond3A_950 = arith.constant 0 : i32
      %cond3A_951 = arith.cmpi ne, %convert_element_type3A_949, %cond3A_950 : i32
      scf.if %cond3A_951 {
        %dma_wait3A_1449 = arith.constant 0 : i32
        %dma_wait3A_1450 = arith.constant 0 : i32
        %dma_wait3A_1451 = arith.constant 0 : i32
        %dma_wait3A_1452 = arith.constant 0 : i32
        %dma_wait3A_1453 = tpu.memref_slice %arg0[%dma_wait3A_1450, %dma_wait3A_1449, %dma_wait3A_1451, %dma_wait3A_1452] : memref<8x192x128x128xf32, #tpu.memory_space<any>> -> memref<8x1x128x128xf32, #tpu.memory_space<any>>
        %dma_wait3A_1454 = tpu.memref_squeeze %dma_wait3A_1453 : memref<8x1x128x128xf32, #tpu.memory_space<any>> -> memref<8x128x128xf32, #tpu.memory_space<any>>
        tpu.wait_dma2 semaphore(%arg87 : memref<!tpu.dma_semaphore, #tpu.memory_space<semaphore_mem>>) src(%dma_wait3A_1454 : memref<8x128x128xf32, #tpu.memory_space<any>>) dst(%arg39 : memref<8x128x128xf32, #tpu.memory_space<vmem>>)
        %dma_start3A_1455 = arith.constant 0 : i32
        %dma_start3A_1456 = arith.constant 0 : i32
        %dma_start3A_1457 = arith.constant 0 : i32
        %dma_start3A_1458 = tpu.memref_slice %arg5[%dma_start3A_1455, %add3A_927, %dma_start3A_1456, %dma_start3A_1457] : memref<8x192x128x128xf32, #tpu.memory_space<any>> -> memref<8x1x128x128xf32, #tpu.memory_space<any>>
        %dma_start3A_1459 = tpu.memref_squeeze %dma_start3A_1458 : memref<8x1x128x128xf32, #tpu.memory_space<any>> -> memref<8x128x128xf32, #tpu.memory_space<any>>
        tpu.enqueue_dma source(%arg39 : memref<8x128x128xf32, #tpu.memory_space<vmem>>) target(%dma_start3A_1459 : memref<8x128x128xf32, #tpu.memory_space<any>>) target_semaphore(%arg135 : memref<!tpu.dma_semaphore, #tpu.memory_space<semaphore_mem>>)
      } else {
      }
      %add3A_952 = arith.constant 12 : i32
      %add3A_953 = arith.addi %add3A_927, %add3A_952 : i32
      %lt3A_954 = arith.constant 192 : i32
      %lt3A_955 = arith.cmpi slt, %add3A_953, %lt3A_954 : i32
      %convert_element_type3A_956 = arith.extui %lt3A_955 : i1 to i32
      %cond3A_957 = arith.constant 0 : i32
      %cond3A_958 = arith.cmpi ne, %convert_element_type3A_956, %cond3A_957 : i32
      scf.if %cond3A_958 {
        %ge3A = arith.constant 24 : i32
        %ge3A_1449 = arith.cmpi sge, %add3A_953, %ge3A : i32
        %convert_element_type3A_1450 = arith.extui %ge3A_1449 : i1 to i32
        %cond3A_1451 = arith.constant 0 : i32
        %cond3A_1452 = arith.cmpi ne, %convert_element_type3A_1450, %cond3A_1451 : i32
        scf.if %cond3A_1452 {
          %dma_wait3A_1480 = arith.constant 0 : i32
          %dma_wait3A_1481 = arith.constant 0 : i32
          %dma_wait3A_1482 = arith.constant 0 : i32
          %dma_wait3A_1483 = arith.constant 0 : i32
          %dma_wait3A_1484 = tpu.memref_slice %arg0[%dma_wait3A_1481, %dma_wait3A_1480, %dma_wait3A_1482, %dma_wait3A_1483] : memref<8x192x128x128xf32, #tpu.memory_space<any>> -> memref<8x1x128x128xf32, #tpu.memory_space<any>>
          %dma_wait3A_1485 = tpu.memref_squeeze %dma_wait3A_1484 : memref<8x1x128x128xf32, #tpu.memory_space<any>> -> memref<8x128x128xf32, #tpu.memory_space<any>>
          tpu.wait_dma2 semaphore(%arg123 : memref<!tpu.dma_semaphore, #tpu.memory_space<semaphore_mem>>) src(%dma_wait3A_1485 : memref<8x128x128xf32, #tpu.memory_space<any>>) dst(%arg27 : memref<8x128x128xf32, #tpu.memory_space<vmem>>)
          %dma_wait3A_1486 = arith.constant 0 : i32
          %dma_wait3A_1487 = arith.constant 0 : i32
          %dma_wait3A_1488 = arith.constant 0 : i32
          %dma_wait3A_1489 = arith.constant 0 : i32
          %dma_wait3A_1490 = tpu.memref_slice %arg0[%dma_wait3A_1487, %dma_wait3A_1486, %dma_wait3A_1488, %dma_wait3A_1489] : memref<8x192x128x128xf32, #tpu.memory_space<any>> -> memref<8x1x128x128xf32, #tpu.memory_space<any>>
          %dma_wait3A_1491 = tpu.memref_squeeze %dma_wait3A_1490 : memref<8x1x128x128xf32, #tpu.memory_space<any>> -> memref<8x128x128xf32, #tpu.memory_space<any>>
          tpu.wait_dma2 semaphore(%arg147 : memref<!tpu.dma_semaphore, #tpu.memory_space<semaphore_mem>>) src(%dma_wait3A_1491 : memref<8x128x128xf32, #tpu.memory_space<any>>) dst(%arg27 : memref<8x128x128xf32, #tpu.memory_space<vmem>>)
        } else {
        }
        %get3A_1453 = arith.index_cast %add3A_953 : i32 to index
        %get3A_1454 = memref.load %arg2[%get3A_1453] : memref<192xi32, #tpu.memory_space<smem>>
        %get3A_1455 = arith.index_cast %add3A_953 : i32 to index
        %get3A_1456 = memref.load %arg3[%get3A_1455] : memref<192xi32, #tpu.memory_space<smem>>
        %ne3A_1457 = arith.cmpi ne, %get3A_1454, %get3A_1456 : i32
        %eq3A_1458 = arith.constant 1 : i32
        %eq3A_1459 = arith.cmpi eq, %get3A_1454, %eq3A_1458 : i32
        %convert_element_type3A_1460 = arith.extui %eq3A_1459 : i1 to i32
        %cond3A_1461 = arith.constant 0 : i32
        %cond3A_1462 = arith.cmpi ne, %convert_element_type3A_1460, %cond3A_1461 : i32
        scf.if %cond3A_1462 {
          %dma_start3A_1480 = arith.constant 0 : i32
          %dma_start3A_1481 = arith.constant 0 : i32
          %dma_start3A_1482 = arith.constant 0 : i32
          %dma_start3A_1483 = tpu.memref_slice %arg0[%dma_start3A_1480, %add3A_953, %dma_start3A_1481, %dma_start3A_1482] : memref<8x192x128x128xf32, #tpu.memory_space<any>> -> memref<8x1x128x128xf32, #tpu.memory_space<any>>
          %dma_start3A_1484 = tpu.memref_squeeze %dma_start3A_1483 : memref<8x1x128x128xf32, #tpu.memory_space<any>> -> memref<8x128x128xf32, #tpu.memory_space<any>>
          tpu.enqueue_dma source(%dma_start3A_1484 : memref<8x128x128xf32, #tpu.memory_space<any>>) target(%arg27 : memref<8x128x128xf32, #tpu.memory_space<vmem>>) target_semaphore(%arg75 : memref<!tpu.dma_semaphore, #tpu.memory_space<semaphore_mem>>)
        } else {
        }
        %eq3A_1463 = arith.constant 0 : i32
        %eq3A_1464 = arith.cmpi eq, %get3A_1454, %eq3A_1463 : i32
        %convert_element_type3A_1465 = arith.extui %eq3A_1464 : i1 to i32
        %cond3A_1466 = arith.constant 0 : i32
        %cond3A_1467 = arith.cmpi ne, %convert_element_type3A_1465, %cond3A_1466 : i32
        scf.if %cond3A_1467 {
          %dma_start3A_1480 = arith.constant 0 : i32
          %dma_start3A_1481 = arith.constant 0 : i32
          %dma_start3A_1482 = arith.constant 0 : i32
          %dma_start3A_1483 = tpu.memref_slice %arg1[%dma_start3A_1480, %add3A_953, %dma_start3A_1481, %dma_start3A_1482] : memref<8x192x128x128xf32, #tpu.memory_space<any>> -> memref<8x1x128x128xf32, #tpu.memory_space<any>>
          %dma_start3A_1484 = tpu.memref_squeeze %dma_start3A_1483 : memref<8x1x128x128xf32, #tpu.memory_space<any>> -> memref<8x128x128xf32, #tpu.memory_space<any>>
          tpu.enqueue_dma source(%dma_start3A_1484 : memref<8x128x128xf32, #tpu.memory_space<any>>) target(%arg27 : memref<8x128x128xf32, #tpu.memory_space<vmem>>) target_semaphore(%arg75 : memref<!tpu.dma_semaphore, #tpu.memory_space<semaphore_mem>>)
        } else {
        }
        %eq3A_1468 = arith.constant 1 : i32
        %eq3A_1469 = arith.cmpi eq, %get3A_1456, %eq3A_1468 : i32
        %and3A_1470 = arith.andi %ne3A_1457, %eq3A_1469 : i1
        %convert_element_type3A_1471 = arith.extui %and3A_1470 : i1 to i32
        %cond3A_1472 = arith.constant 0 : i32
        %cond3A_1473 = arith.cmpi ne, %convert_element_type3A_1471, %cond3A_1472 : i32
        scf.if %cond3A_1473 {
          %dma_start3A_1480 = arith.constant 0 : i32
          %dma_start3A_1481 = arith.constant 0 : i32
          %dma_start3A_1482 = arith.constant 0 : i32
          %dma_start3A_1483 = tpu.memref_slice %arg0[%dma_start3A_1480, %add3A_953, %dma_start3A_1481, %dma_start3A_1482] : memref<8x192x128x128xf32, #tpu.memory_space<any>> -> memref<8x1x128x128xf32, #tpu.memory_space<any>>
          %dma_start3A_1484 = tpu.memref_squeeze %dma_start3A_1483 : memref<8x1x128x128xf32, #tpu.memory_space<any>> -> memref<8x128x128xf32, #tpu.memory_space<any>>
          tpu.enqueue_dma source(%dma_start3A_1484 : memref<8x128x128xf32, #tpu.memory_space<any>>) target(%arg51 : memref<8x128x128xf32, #tpu.memory_space<vmem>>) target_semaphore(%arg99 : memref<!tpu.dma_semaphore, #tpu.memory_space<semaphore_mem>>)
        } else {
        }
        %eq3A_1474 = arith.constant 0 : i32
        %eq3A_1475 = arith.cmpi eq, %get3A_1456, %eq3A_1474 : i32
        %and3A_1476 = arith.andi %ne3A_1457, %eq3A_1475 : i1
        %convert_element_type3A_1477 = arith.extui %and3A_1476 : i1 to i32
        %cond3A_1478 = arith.constant 0 : i32
        %cond3A_1479 = arith.cmpi ne, %convert_element_type3A_1477, %cond3A_1478 : i32
        scf.if %cond3A_1479 {
          %dma_start3A_1480 = arith.constant 0 : i32
          %dma_start3A_1481 = arith.constant 0 : i32
          %dma_start3A_1482 = arith.constant 0 : i32
          %dma_start3A_1483 = tpu.memref_slice %arg1[%dma_start3A_1480, %add3A_953, %dma_start3A_1481, %dma_start3A_1482] : memref<8x192x128x128xf32, #tpu.memory_space<any>> -> memref<8x1x128x128xf32, #tpu.memory_space<any>>
          %dma_start3A_1484 = tpu.memref_squeeze %dma_start3A_1483 : memref<8x1x128x128xf32, #tpu.memory_space<any>> -> memref<8x128x128xf32, #tpu.memory_space<any>>
          tpu.enqueue_dma source(%dma_start3A_1484 : memref<8x128x128xf32, #tpu.memory_space<any>>) target(%arg51 : memref<8x128x128xf32, #tpu.memory_space<vmem>>) target_semaphore(%arg99 : memref<!tpu.dma_semaphore, #tpu.memory_space<semaphore_mem>>)
        } else {
        }
      } else {
      }
      %mul3A_959 = arith.constant 24 : i32
      %mul3A_960 = arith.muli %mul3A_959, %add3A_611 : i32
      %add3A_961 = arith.constant 10 : i32
      %add3A_962 = arith.addi %mul3A_960, %add3A_961 : i32
      %get3A_963 = arith.index_cast %add3A_962 : i32 to index
      %get3A_964 = memref.load %arg2[%get3A_963] : memref<192xi32, #tpu.memory_space<smem>>
      %get3A_965 = arith.index_cast %add3A_962 : i32 to index
      %get3A_966 = memref.load %arg3[%get3A_965] : memref<192xi32, #tpu.memory_space<smem>>
      %eq3A_967 = arith.cmpi eq, %get3A_964, %get3A_966 : i32
      %dma_wait3A_968 = arith.constant 0 : i32
      %dma_wait3A_969 = arith.constant 0 : i32
      %dma_wait3A_970 = arith.constant 0 : i32
      %dma_wait3A_971 = arith.constant 0 : i32
      %dma_wait3A_972 = tpu.memref_slice %arg0[%dma_wait3A_969, %dma_wait3A_968, %dma_wait3A_970, %dma_wait3A_971] : memref<8x192x128x128xf32, #tpu.memory_space<any>> -> memref<8x1x128x128xf32, #tpu.memory_space<any>>
      %dma_wait3A_973 = tpu.memref_squeeze %dma_wait3A_972 : memref<8x1x128x128xf32, #tpu.memory_space<any>> -> memref<8x128x128xf32, #tpu.memory_space<any>>
      tpu.wait_dma2 semaphore(%arg64 : memref<!tpu.dma_semaphore, #tpu.memory_space<semaphore_mem>>) src(%dma_wait3A_973 : memref<8x128x128xf32, #tpu.memory_space<any>>) dst(%arg16 : memref<8x128x128xf32, #tpu.memory_space<vmem>>)
      %dma_start3A_974 = arith.constant 0 : i32
      %dma_start3A_975 = arith.constant 0 : i32
      %dma_start3A_976 = arith.constant 0 : i32
      %dma_start3A_977 = tpu.memref_slice %arg4[%dma_start3A_974, %add3A_962, %dma_start3A_975, %dma_start3A_976] : memref<8x192x128x128xf32, #tpu.memory_space<any>> -> memref<8x1x128x128xf32, #tpu.memory_space<any>>
      %dma_start3A_978 = tpu.memref_squeeze %dma_start3A_977 : memref<8x1x128x128xf32, #tpu.memory_space<any>> -> memref<8x128x128xf32, #tpu.memory_space<any>>
      tpu.enqueue_dma source(%arg16 : memref<8x128x128xf32, #tpu.memory_space<vmem>>) target(%dma_start3A_978 : memref<8x128x128xf32, #tpu.memory_space<any>>) target_semaphore(%arg112 : memref<!tpu.dma_semaphore, #tpu.memory_space<semaphore_mem>>)
      %convert_element_type3A_979 = arith.extui %eq3A_967 : i1 to i32
      %cond3A_980 = arith.constant 0 : i32
      %cond3A_981 = arith.cmpi ne, %convert_element_type3A_979, %cond3A_980 : i32
      scf.if %cond3A_981 {
        %dma_start3A_1449 = arith.constant 0 : i32
        %dma_start3A_1450 = arith.constant 0 : i32
        %dma_start3A_1451 = arith.constant 0 : i32
        %dma_start3A_1452 = tpu.memref_slice %arg5[%dma_start3A_1449, %add3A_962, %dma_start3A_1450, %dma_start3A_1451] : memref<8x192x128x128xf32, #tpu.memory_space<any>> -> memref<8x1x128x128xf32, #tpu.memory_space<any>>
        %dma_start3A_1453 = tpu.memref_squeeze %dma_start3A_1452 : memref<8x1x128x128xf32, #tpu.memory_space<any>> -> memref<8x128x128xf32, #tpu.memory_space<any>>
        tpu.enqueue_dma source(%arg16 : memref<8x128x128xf32, #tpu.memory_space<vmem>>) target(%dma_start3A_1453 : memref<8x128x128xf32, #tpu.memory_space<any>>) target_semaphore(%arg136 : memref<!tpu.dma_semaphore, #tpu.memory_space<semaphore_mem>>)
      } else {
      }
      %not3A_982 = arith.constant true
      %not3A_983 = arith.xori %eq3A_967, %not3A_982 : i1
      %convert_element_type3A_984 = arith.extui %not3A_983 : i1 to i32
      %cond3A_985 = arith.constant 0 : i32
      %cond3A_986 = arith.cmpi ne, %convert_element_type3A_984, %cond3A_985 : i32
      scf.if %cond3A_986 {
        %dma_wait3A_1449 = arith.constant 0 : i32
        %dma_wait3A_1450 = arith.constant 0 : i32
        %dma_wait3A_1451 = arith.constant 0 : i32
        %dma_wait3A_1452 = arith.constant 0 : i32
        %dma_wait3A_1453 = tpu.memref_slice %arg0[%dma_wait3A_1450, %dma_wait3A_1449, %dma_wait3A_1451, %dma_wait3A_1452] : memref<8x192x128x128xf32, #tpu.memory_space<any>> -> memref<8x1x128x128xf32, #tpu.memory_space<any>>
        %dma_wait3A_1454 = tpu.memref_squeeze %dma_wait3A_1453 : memref<8x1x128x128xf32, #tpu.memory_space<any>> -> memref<8x128x128xf32, #tpu.memory_space<any>>
        tpu.wait_dma2 semaphore(%arg88 : memref<!tpu.dma_semaphore, #tpu.memory_space<semaphore_mem>>) src(%dma_wait3A_1454 : memref<8x128x128xf32, #tpu.memory_space<any>>) dst(%arg40 : memref<8x128x128xf32, #tpu.memory_space<vmem>>)
        %dma_start3A_1455 = arith.constant 0 : i32
        %dma_start3A_1456 = arith.constant 0 : i32
        %dma_start3A_1457 = arith.constant 0 : i32
        %dma_start3A_1458 = tpu.memref_slice %arg5[%dma_start3A_1455, %add3A_962, %dma_start3A_1456, %dma_start3A_1457] : memref<8x192x128x128xf32, #tpu.memory_space<any>> -> memref<8x1x128x128xf32, #tpu.memory_space<any>>
        %dma_start3A_1459 = tpu.memref_squeeze %dma_start3A_1458 : memref<8x1x128x128xf32, #tpu.memory_space<any>> -> memref<8x128x128xf32, #tpu.memory_space<any>>
        tpu.enqueue_dma source(%arg40 : memref<8x128x128xf32, #tpu.memory_space<vmem>>) target(%dma_start3A_1459 : memref<8x128x128xf32, #tpu.memory_space<any>>) target_semaphore(%arg136 : memref<!tpu.dma_semaphore, #tpu.memory_space<semaphore_mem>>)
      } else {
      }
      %add3A_987 = arith.constant 12 : i32
      %add3A_988 = arith.addi %add3A_962, %add3A_987 : i32
      %lt3A_989 = arith.constant 192 : i32
      %lt3A_990 = arith.cmpi slt, %add3A_988, %lt3A_989 : i32
      %convert_element_type3A_991 = arith.extui %lt3A_990 : i1 to i32
      %cond3A_992 = arith.constant 0 : i32
      %cond3A_993 = arith.cmpi ne, %convert_element_type3A_991, %cond3A_992 : i32
      scf.if %cond3A_993 {
        %ge3A = arith.constant 24 : i32
        %ge3A_1449 = arith.cmpi sge, %add3A_988, %ge3A : i32
        %convert_element_type3A_1450 = arith.extui %ge3A_1449 : i1 to i32
        %cond3A_1451 = arith.constant 0 : i32
        %cond3A_1452 = arith.cmpi ne, %convert_element_type3A_1450, %cond3A_1451 : i32
        scf.if %cond3A_1452 {
          %dma_wait3A_1480 = arith.constant 0 : i32
          %dma_wait3A_1481 = arith.constant 0 : i32
          %dma_wait3A_1482 = arith.constant 0 : i32
          %dma_wait3A_1483 = arith.constant 0 : i32
          %dma_wait3A_1484 = tpu.memref_slice %arg0[%dma_wait3A_1481, %dma_wait3A_1480, %dma_wait3A_1482, %dma_wait3A_1483] : memref<8x192x128x128xf32, #tpu.memory_space<any>> -> memref<8x1x128x128xf32, #tpu.memory_space<any>>
          %dma_wait3A_1485 = tpu.memref_squeeze %dma_wait3A_1484 : memref<8x1x128x128xf32, #tpu.memory_space<any>> -> memref<8x128x128xf32, #tpu.memory_space<any>>
          tpu.wait_dma2 semaphore(%arg124 : memref<!tpu.dma_semaphore, #tpu.memory_space<semaphore_mem>>) src(%dma_wait3A_1485 : memref<8x128x128xf32, #tpu.memory_space<any>>) dst(%arg28 : memref<8x128x128xf32, #tpu.memory_space<vmem>>)
          %dma_wait3A_1486 = arith.constant 0 : i32
          %dma_wait3A_1487 = arith.constant 0 : i32
          %dma_wait3A_1488 = arith.constant 0 : i32
          %dma_wait3A_1489 = arith.constant 0 : i32
          %dma_wait3A_1490 = tpu.memref_slice %arg0[%dma_wait3A_1487, %dma_wait3A_1486, %dma_wait3A_1488, %dma_wait3A_1489] : memref<8x192x128x128xf32, #tpu.memory_space<any>> -> memref<8x1x128x128xf32, #tpu.memory_space<any>>
          %dma_wait3A_1491 = tpu.memref_squeeze %dma_wait3A_1490 : memref<8x1x128x128xf32, #tpu.memory_space<any>> -> memref<8x128x128xf32, #tpu.memory_space<any>>
          tpu.wait_dma2 semaphore(%arg148 : memref<!tpu.dma_semaphore, #tpu.memory_space<semaphore_mem>>) src(%dma_wait3A_1491 : memref<8x128x128xf32, #tpu.memory_space<any>>) dst(%arg28 : memref<8x128x128xf32, #tpu.memory_space<vmem>>)
        } else {
        }
        %get3A_1453 = arith.index_cast %add3A_988 : i32 to index
        %get3A_1454 = memref.load %arg2[%get3A_1453] : memref<192xi32, #tpu.memory_space<smem>>
        %get3A_1455 = arith.index_cast %add3A_988 : i32 to index
        %get3A_1456 = memref.load %arg3[%get3A_1455] : memref<192xi32, #tpu.memory_space<smem>>
        %ne3A_1457 = arith.cmpi ne, %get3A_1454, %get3A_1456 : i32
        %eq3A_1458 = arith.constant 1 : i32
        %eq3A_1459 = arith.cmpi eq, %get3A_1454, %eq3A_1458 : i32
        %convert_element_type3A_1460 = arith.extui %eq3A_1459 : i1 to i32
        %cond3A_1461 = arith.constant 0 : i32
        %cond3A_1462 = arith.cmpi ne, %convert_element_type3A_1460, %cond3A_1461 : i32
        scf.if %cond3A_1462 {
          %dma_start3A_1480 = arith.constant 0 : i32
          %dma_start3A_1481 = arith.constant 0 : i32
          %dma_start3A_1482 = arith.constant 0 : i32
          %dma_start3A_1483 = tpu.memref_slice %arg0[%dma_start3A_1480, %add3A_988, %dma_start3A_1481, %dma_start3A_1482] : memref<8x192x128x128xf32, #tpu.memory_space<any>> -> memref<8x1x128x128xf32, #tpu.memory_space<any>>
          %dma_start3A_1484 = tpu.memref_squeeze %dma_start3A_1483 : memref<8x1x128x128xf32, #tpu.memory_space<any>> -> memref<8x128x128xf32, #tpu.memory_space<any>>
          tpu.enqueue_dma source(%dma_start3A_1484 : memref<8x128x128xf32, #tpu.memory_space<any>>) target(%arg28 : memref<8x128x128xf32, #tpu.memory_space<vmem>>) target_semaphore(%arg76 : memref<!tpu.dma_semaphore, #tpu.memory_space<semaphore_mem>>)
        } else {
        }
        %eq3A_1463 = arith.constant 0 : i32
        %eq3A_1464 = arith.cmpi eq, %get3A_1454, %eq3A_1463 : i32
        %convert_element_type3A_1465 = arith.extui %eq3A_1464 : i1 to i32
        %cond3A_1466 = arith.constant 0 : i32
        %cond3A_1467 = arith.cmpi ne, %convert_element_type3A_1465, %cond3A_1466 : i32
        scf.if %cond3A_1467 {
          %dma_start3A_1480 = arith.constant 0 : i32
          %dma_start3A_1481 = arith.constant 0 : i32
          %dma_start3A_1482 = arith.constant 0 : i32
          %dma_start3A_1483 = tpu.memref_slice %arg1[%dma_start3A_1480, %add3A_988, %dma_start3A_1481, %dma_start3A_1482] : memref<8x192x128x128xf32, #tpu.memory_space<any>> -> memref<8x1x128x128xf32, #tpu.memory_space<any>>
          %dma_start3A_1484 = tpu.memref_squeeze %dma_start3A_1483 : memref<8x1x128x128xf32, #tpu.memory_space<any>> -> memref<8x128x128xf32, #tpu.memory_space<any>>
          tpu.enqueue_dma source(%dma_start3A_1484 : memref<8x128x128xf32, #tpu.memory_space<any>>) target(%arg28 : memref<8x128x128xf32, #tpu.memory_space<vmem>>) target_semaphore(%arg76 : memref<!tpu.dma_semaphore, #tpu.memory_space<semaphore_mem>>)
        } else {
        }
        %eq3A_1468 = arith.constant 1 : i32
        %eq3A_1469 = arith.cmpi eq, %get3A_1456, %eq3A_1468 : i32
        %and3A_1470 = arith.andi %ne3A_1457, %eq3A_1469 : i1
        %convert_element_type3A_1471 = arith.extui %and3A_1470 : i1 to i32
        %cond3A_1472 = arith.constant 0 : i32
        %cond3A_1473 = arith.cmpi ne, %convert_element_type3A_1471, %cond3A_1472 : i32
        scf.if %cond3A_1473 {
          %dma_start3A_1480 = arith.constant 0 : i32
          %dma_start3A_1481 = arith.constant 0 : i32
          %dma_start3A_1482 = arith.constant 0 : i32
          %dma_start3A_1483 = tpu.memref_slice %arg0[%dma_start3A_1480, %add3A_988, %dma_start3A_1481, %dma_start3A_1482] : memref<8x192x128x128xf32, #tpu.memory_space<any>> -> memref<8x1x128x128xf32, #tpu.memory_space<any>>
          %dma_start3A_1484 = tpu.memref_squeeze %dma_start3A_1483 : memref<8x1x128x128xf32, #tpu.memory_space<any>> -> memref<8x128x128xf32, #tpu.memory_space<any>>
          tpu.enqueue_dma source(%dma_start3A_1484 : memref<8x128x128xf32, #tpu.memory_space<any>>) target(%arg52 : memref<8x128x128xf32, #tpu.memory_space<vmem>>) target_semaphore(%arg100 : memref<!tpu.dma_semaphore, #tpu.memory_space<semaphore_mem>>)
        } else {
        }
        %eq3A_1474 = arith.constant 0 : i32
        %eq3A_1475 = arith.cmpi eq, %get3A_1456, %eq3A_1474 : i32
        %and3A_1476 = arith.andi %ne3A_1457, %eq3A_1475 : i1
        %convert_element_type3A_1477 = arith.extui %and3A_1476 : i1 to i32
        %cond3A_1478 = arith.constant 0 : i32
        %cond3A_1479 = arith.cmpi ne, %convert_element_type3A_1477, %cond3A_1478 : i32
        scf.if %cond3A_1479 {
          %dma_start3A_1480 = arith.constant 0 : i32
          %dma_start3A_1481 = arith.constant 0 : i32
          %dma_start3A_1482 = arith.constant 0 : i32
          %dma_start3A_1483 = tpu.memref_slice %arg1[%dma_start3A_1480, %add3A_988, %dma_start3A_1481, %dma_start3A_1482] : memref<8x192x128x128xf32, #tpu.memory_space<any>> -> memref<8x1x128x128xf32, #tpu.memory_space<any>>
          %dma_start3A_1484 = tpu.memref_squeeze %dma_start3A_1483 : memref<8x1x128x128xf32, #tpu.memory_space<any>> -> memref<8x128x128xf32, #tpu.memory_space<any>>
          tpu.enqueue_dma source(%dma_start3A_1484 : memref<8x128x128xf32, #tpu.memory_space<any>>) target(%arg52 : memref<8x128x128xf32, #tpu.memory_space<vmem>>) target_semaphore(%arg100 : memref<!tpu.dma_semaphore, #tpu.memory_space<semaphore_mem>>)
        } else {
        }
      } else {
      }
      %mul3A_994 = arith.constant 24 : i32
      %mul3A_995 = arith.muli %mul3A_994, %add3A_611 : i32
      %add3A_996 = arith.constant 11 : i32
      %add3A_997 = arith.addi %mul3A_995, %add3A_996 : i32
      %get3A_998 = arith.index_cast %add3A_997 : i32 to index
      %get3A_999 = memref.load %arg2[%get3A_998] : memref<192xi32, #tpu.memory_space<smem>>
      %get3A_1000 = arith.index_cast %add3A_997 : i32 to index
      %get3A_1001 = memref.load %arg3[%get3A_1000] : memref<192xi32, #tpu.memory_space<smem>>
      %eq3A_1002 = arith.cmpi eq, %get3A_999, %get3A_1001 : i32
      %dma_wait3A_1003 = arith.constant 0 : i32
      %dma_wait3A_1004 = arith.constant 0 : i32
      %dma_wait3A_1005 = arith.constant 0 : i32
      %dma_wait3A_1006 = arith.constant 0 : i32
      %dma_wait3A_1007 = tpu.memref_slice %arg0[%dma_wait3A_1004, %dma_wait3A_1003, %dma_wait3A_1005, %dma_wait3A_1006] : memref<8x192x128x128xf32, #tpu.memory_space<any>> -> memref<8x1x128x128xf32, #tpu.memory_space<any>>
      %dma_wait3A_1008 = tpu.memref_squeeze %dma_wait3A_1007 : memref<8x1x128x128xf32, #tpu.memory_space<any>> -> memref<8x128x128xf32, #tpu.memory_space<any>>
      tpu.wait_dma2 semaphore(%arg65 : memref<!tpu.dma_semaphore, #tpu.memory_space<semaphore_mem>>) src(%dma_wait3A_1008 : memref<8x128x128xf32, #tpu.memory_space<any>>) dst(%arg17 : memref<8x128x128xf32, #tpu.memory_space<vmem>>)
      %dma_start3A_1009 = arith.constant 0 : i32
      %dma_start3A_1010 = arith.constant 0 : i32
      %dma_start3A_1011 = arith.constant 0 : i32
      %dma_start3A_1012 = tpu.memref_slice %arg4[%dma_start3A_1009, %add3A_997, %dma_start3A_1010, %dma_start3A_1011] : memref<8x192x128x128xf32, #tpu.memory_space<any>> -> memref<8x1x128x128xf32, #tpu.memory_space<any>>
      %dma_start3A_1013 = tpu.memref_squeeze %dma_start3A_1012 : memref<8x1x128x128xf32, #tpu.memory_space<any>> -> memref<8x128x128xf32, #tpu.memory_space<any>>
      tpu.enqueue_dma source(%arg17 : memref<8x128x128xf32, #tpu.memory_space<vmem>>) target(%dma_start3A_1013 : memref<8x128x128xf32, #tpu.memory_space<any>>) target_semaphore(%arg113 : memref<!tpu.dma_semaphore, #tpu.memory_space<semaphore_mem>>)
      %convert_element_type3A_1014 = arith.extui %eq3A_1002 : i1 to i32
      %cond3A_1015 = arith.constant 0 : i32
      %cond3A_1016 = arith.cmpi ne, %convert_element_type3A_1014, %cond3A_1015 : i32
      scf.if %cond3A_1016 {
        %dma_start3A_1449 = arith.constant 0 : i32
        %dma_start3A_1450 = arith.constant 0 : i32
        %dma_start3A_1451 = arith.constant 0 : i32
        %dma_start3A_1452 = tpu.memref_slice %arg5[%dma_start3A_1449, %add3A_997, %dma_start3A_1450, %dma_start3A_1451] : memref<8x192x128x128xf32, #tpu.memory_space<any>> -> memref<8x1x128x128xf32, #tpu.memory_space<any>>
        %dma_start3A_1453 = tpu.memref_squeeze %dma_start3A_1452 : memref<8x1x128x128xf32, #tpu.memory_space<any>> -> memref<8x128x128xf32, #tpu.memory_space<any>>
        tpu.enqueue_dma source(%arg17 : memref<8x128x128xf32, #tpu.memory_space<vmem>>) target(%dma_start3A_1453 : memref<8x128x128xf32, #tpu.memory_space<any>>) target_semaphore(%arg137 : memref<!tpu.dma_semaphore, #tpu.memory_space<semaphore_mem>>)
      } else {
      }
      %not3A_1017 = arith.constant true
      %not3A_1018 = arith.xori %eq3A_1002, %not3A_1017 : i1
      %convert_element_type3A_1019 = arith.extui %not3A_1018 : i1 to i32
      %cond3A_1020 = arith.constant 0 : i32
      %cond3A_1021 = arith.cmpi ne, %convert_element_type3A_1019, %cond3A_1020 : i32
      scf.if %cond3A_1021 {
        %dma_wait3A_1449 = arith.constant 0 : i32
        %dma_wait3A_1450 = arith.constant 0 : i32
        %dma_wait3A_1451 = arith.constant 0 : i32
        %dma_wait3A_1452 = arith.constant 0 : i32
        %dma_wait3A_1453 = tpu.memref_slice %arg0[%dma_wait3A_1450, %dma_wait3A_1449, %dma_wait3A_1451, %dma_wait3A_1452] : memref<8x192x128x128xf32, #tpu.memory_space<any>> -> memref<8x1x128x128xf32, #tpu.memory_space<any>>
        %dma_wait3A_1454 = tpu.memref_squeeze %dma_wait3A_1453 : memref<8x1x128x128xf32, #tpu.memory_space<any>> -> memref<8x128x128xf32, #tpu.memory_space<any>>
        tpu.wait_dma2 semaphore(%arg89 : memref<!tpu.dma_semaphore, #tpu.memory_space<semaphore_mem>>) src(%dma_wait3A_1454 : memref<8x128x128xf32, #tpu.memory_space<any>>) dst(%arg41 : memref<8x128x128xf32, #tpu.memory_space<vmem>>)
        %dma_start3A_1455 = arith.constant 0 : i32
        %dma_start3A_1456 = arith.constant 0 : i32
        %dma_start3A_1457 = arith.constant 0 : i32
        %dma_start3A_1458 = tpu.memref_slice %arg5[%dma_start3A_1455, %add3A_997, %dma_start3A_1456, %dma_start3A_1457] : memref<8x192x128x128xf32, #tpu.memory_space<any>> -> memref<8x1x128x128xf32, #tpu.memory_space<any>>
        %dma_start3A_1459 = tpu.memref_squeeze %dma_start3A_1458 : memref<8x1x128x128xf32, #tpu.memory_space<any>> -> memref<8x128x128xf32, #tpu.memory_space<any>>
        tpu.enqueue_dma source(%arg41 : memref<8x128x128xf32, #tpu.memory_space<vmem>>) target(%dma_start3A_1459 : memref<8x128x128xf32, #tpu.memory_space<any>>) target_semaphore(%arg137 : memref<!tpu.dma_semaphore, #tpu.memory_space<semaphore_mem>>)
      } else {
      }
      %add3A_1022 = arith.constant 12 : i32
      %add3A_1023 = arith.addi %add3A_997, %add3A_1022 : i32
      %lt3A_1024 = arith.constant 192 : i32
      %lt3A_1025 = arith.cmpi slt, %add3A_1023, %lt3A_1024 : i32
      %convert_element_type3A_1026 = arith.extui %lt3A_1025 : i1 to i32
      %cond3A_1027 = arith.constant 0 : i32
      %cond3A_1028 = arith.cmpi ne, %convert_element_type3A_1026, %cond3A_1027 : i32
      scf.if %cond3A_1028 {
        %ge3A = arith.constant 24 : i32
        %ge3A_1449 = arith.cmpi sge, %add3A_1023, %ge3A : i32
        %convert_element_type3A_1450 = arith.extui %ge3A_1449 : i1 to i32
        %cond3A_1451 = arith.constant 0 : i32
        %cond3A_1452 = arith.cmpi ne, %convert_element_type3A_1450, %cond3A_1451 : i32
        scf.if %cond3A_1452 {
          %dma_wait3A_1480 = arith.constant 0 : i32
          %dma_wait3A_1481 = arith.constant 0 : i32
          %dma_wait3A_1482 = arith.constant 0 : i32
          %dma_wait3A_1483 = arith.constant 0 : i32
          %dma_wait3A_1484 = tpu.memref_slice %arg0[%dma_wait3A_1481, %dma_wait3A_1480, %dma_wait3A_1482, %dma_wait3A_1483] : memref<8x192x128x128xf32, #tpu.memory_space<any>> -> memref<8x1x128x128xf32, #tpu.memory_space<any>>
          %dma_wait3A_1485 = tpu.memref_squeeze %dma_wait3A_1484 : memref<8x1x128x128xf32, #tpu.memory_space<any>> -> memref<8x128x128xf32, #tpu.memory_space<any>>
          tpu.wait_dma2 semaphore(%arg125 : memref<!tpu.dma_semaphore, #tpu.memory_space<semaphore_mem>>) src(%dma_wait3A_1485 : memref<8x128x128xf32, #tpu.memory_space<any>>) dst(%arg29 : memref<8x128x128xf32, #tpu.memory_space<vmem>>)
          %dma_wait3A_1486 = arith.constant 0 : i32
          %dma_wait3A_1487 = arith.constant 0 : i32
          %dma_wait3A_1488 = arith.constant 0 : i32
          %dma_wait3A_1489 = arith.constant 0 : i32
          %dma_wait3A_1490 = tpu.memref_slice %arg0[%dma_wait3A_1487, %dma_wait3A_1486, %dma_wait3A_1488, %dma_wait3A_1489] : memref<8x192x128x128xf32, #tpu.memory_space<any>> -> memref<8x1x128x128xf32, #tpu.memory_space<any>>
          %dma_wait3A_1491 = tpu.memref_squeeze %dma_wait3A_1490 : memref<8x1x128x128xf32, #tpu.memory_space<any>> -> memref<8x128x128xf32, #tpu.memory_space<any>>
          tpu.wait_dma2 semaphore(%arg149 : memref<!tpu.dma_semaphore, #tpu.memory_space<semaphore_mem>>) src(%dma_wait3A_1491 : memref<8x128x128xf32, #tpu.memory_space<any>>) dst(%arg29 : memref<8x128x128xf32, #tpu.memory_space<vmem>>)
        } else {
        }
        %get3A_1453 = arith.index_cast %add3A_1023 : i32 to index
        %get3A_1454 = memref.load %arg2[%get3A_1453] : memref<192xi32, #tpu.memory_space<smem>>
        %get3A_1455 = arith.index_cast %add3A_1023 : i32 to index
        %get3A_1456 = memref.load %arg3[%get3A_1455] : memref<192xi32, #tpu.memory_space<smem>>
        %ne3A_1457 = arith.cmpi ne, %get3A_1454, %get3A_1456 : i32
        %eq3A_1458 = arith.constant 1 : i32
        %eq3A_1459 = arith.cmpi eq, %get3A_1454, %eq3A_1458 : i32
        %convert_element_type3A_1460 = arith.extui %eq3A_1459 : i1 to i32
        %cond3A_1461 = arith.constant 0 : i32
        %cond3A_1462 = arith.cmpi ne, %convert_element_type3A_1460, %cond3A_1461 : i32
        scf.if %cond3A_1462 {
          %dma_start3A_1480 = arith.constant 0 : i32
          %dma_start3A_1481 = arith.constant 0 : i32
          %dma_start3A_1482 = arith.constant 0 : i32
          %dma_start3A_1483 = tpu.memref_slice %arg0[%dma_start3A_1480, %add3A_1023, %dma_start3A_1481, %dma_start3A_1482] : memref<8x192x128x128xf32, #tpu.memory_space<any>> -> memref<8x1x128x128xf32, #tpu.memory_space<any>>
          %dma_start3A_1484 = tpu.memref_squeeze %dma_start3A_1483 : memref<8x1x128x128xf32, #tpu.memory_space<any>> -> memref<8x128x128xf32, #tpu.memory_space<any>>
          tpu.enqueue_dma source(%dma_start3A_1484 : memref<8x128x128xf32, #tpu.memory_space<any>>) target(%arg29 : memref<8x128x128xf32, #tpu.memory_space<vmem>>) target_semaphore(%arg77 : memref<!tpu.dma_semaphore, #tpu.memory_space<semaphore_mem>>)
        } else {
        }
        %eq3A_1463 = arith.constant 0 : i32
        %eq3A_1464 = arith.cmpi eq, %get3A_1454, %eq3A_1463 : i32
        %convert_element_type3A_1465 = arith.extui %eq3A_1464 : i1 to i32
        %cond3A_1466 = arith.constant 0 : i32
        %cond3A_1467 = arith.cmpi ne, %convert_element_type3A_1465, %cond3A_1466 : i32
        scf.if %cond3A_1467 {
          %dma_start3A_1480 = arith.constant 0 : i32
          %dma_start3A_1481 = arith.constant 0 : i32
          %dma_start3A_1482 = arith.constant 0 : i32
          %dma_start3A_1483 = tpu.memref_slice %arg1[%dma_start3A_1480, %add3A_1023, %dma_start3A_1481, %dma_start3A_1482] : memref<8x192x128x128xf32, #tpu.memory_space<any>> -> memref<8x1x128x128xf32, #tpu.memory_space<any>>
          %dma_start3A_1484 = tpu.memref_squeeze %dma_start3A_1483 : memref<8x1x128x128xf32, #tpu.memory_space<any>> -> memref<8x128x128xf32, #tpu.memory_space<any>>
          tpu.enqueue_dma source(%dma_start3A_1484 : memref<8x128x128xf32, #tpu.memory_space<any>>) target(%arg29 : memref<8x128x128xf32, #tpu.memory_space<vmem>>) target_semaphore(%arg77 : memref<!tpu.dma_semaphore, #tpu.memory_space<semaphore_mem>>)
        } else {
        }
        %eq3A_1468 = arith.constant 1 : i32
        %eq3A_1469 = arith.cmpi eq, %get3A_1456, %eq3A_1468 : i32
        %and3A_1470 = arith.andi %ne3A_1457, %eq3A_1469 : i1
        %convert_element_type3A_1471 = arith.extui %and3A_1470 : i1 to i32
        %cond3A_1472 = arith.constant 0 : i32
        %cond3A_1473 = arith.cmpi ne, %convert_element_type3A_1471, %cond3A_1472 : i32
        scf.if %cond3A_1473 {
          %dma_start3A_1480 = arith.constant 0 : i32
          %dma_start3A_1481 = arith.constant 0 : i32
          %dma_start3A_1482 = arith.constant 0 : i32
          %dma_start3A_1483 = tpu.memref_slice %arg0[%dma_start3A_1480, %add3A_1023, %dma_start3A_1481, %dma_start3A_1482] : memref<8x192x128x128xf32, #tpu.memory_space<any>> -> memref<8x1x128x128xf32, #tpu.memory_space<any>>
          %dma_start3A_1484 = tpu.memref_squeeze %dma_start3A_1483 : memref<8x1x128x128xf32, #tpu.memory_space<any>> -> memref<8x128x128xf32, #tpu.memory_space<any>>
          tpu.enqueue_dma source(%dma_start3A_1484 : memref<8x128x128xf32, #tpu.memory_space<any>>) target(%arg53 : memref<8x128x128xf32, #tpu.memory_space<vmem>>) target_semaphore(%arg101 : memref<!tpu.dma_semaphore, #tpu.memory_space<semaphore_mem>>)
        } else {
        }
        %eq3A_1474 = arith.constant 0 : i32
        %eq3A_1475 = arith.cmpi eq, %get3A_1456, %eq3A_1474 : i32
        %and3A_1476 = arith.andi %ne3A_1457, %eq3A_1475 : i1
        %convert_element_type3A_1477 = arith.extui %and3A_1476 : i1 to i32
        %cond3A_1478 = arith.constant 0 : i32
        %cond3A_1479 = arith.cmpi ne, %convert_element_type3A_1477, %cond3A_1478 : i32
        scf.if %cond3A_1479 {
          %dma_start3A_1480 = arith.constant 0 : i32
          %dma_start3A_1481 = arith.constant 0 : i32
          %dma_start3A_1482 = arith.constant 0 : i32
          %dma_start3A_1483 = tpu.memref_slice %arg1[%dma_start3A_1480, %add3A_1023, %dma_start3A_1481, %dma_start3A_1482] : memref<8x192x128x128xf32, #tpu.memory_space<any>> -> memref<8x1x128x128xf32, #tpu.memory_space<any>>
          %dma_start3A_1484 = tpu.memref_squeeze %dma_start3A_1483 : memref<8x1x128x128xf32, #tpu.memory_space<any>> -> memref<8x128x128xf32, #tpu.memory_space<any>>
          tpu.enqueue_dma source(%dma_start3A_1484 : memref<8x128x128xf32, #tpu.memory_space<any>>) target(%arg53 : memref<8x128x128xf32, #tpu.memory_space<vmem>>) target_semaphore(%arg101 : memref<!tpu.dma_semaphore, #tpu.memory_space<semaphore_mem>>)
        } else {
        }
      } else {
      }
      %mul3A_1029 = arith.constant 24 : i32
      %mul3A_1030 = arith.muli %mul3A_1029, %add3A_611 : i32
      %add3A_1031 = arith.constant 12 : i32
      %add3A_1032 = arith.addi %mul3A_1030, %add3A_1031 : i32
      %get3A_1033 = arith.index_cast %add3A_1032 : i32 to index
      %get3A_1034 = memref.load %arg2[%get3A_1033] : memref<192xi32, #tpu.memory_space<smem>>
      %get3A_1035 = arith.index_cast %add3A_1032 : i32 to index
      %get3A_1036 = memref.load %arg3[%get3A_1035] : memref<192xi32, #tpu.memory_space<smem>>
      %eq3A_1037 = arith.cmpi eq, %get3A_1034, %get3A_1036 : i32
      %dma_wait3A_1038 = arith.constant 0 : i32
      %dma_wait3A_1039 = arith.constant 0 : i32
      %dma_wait3A_1040 = arith.constant 0 : i32
      %dma_wait3A_1041 = arith.constant 0 : i32
      %dma_wait3A_1042 = tpu.memref_slice %arg0[%dma_wait3A_1039, %dma_wait3A_1038, %dma_wait3A_1040, %dma_wait3A_1041] : memref<8x192x128x128xf32, #tpu.memory_space<any>> -> memref<8x1x128x128xf32, #tpu.memory_space<any>>
      %dma_wait3A_1043 = tpu.memref_squeeze %dma_wait3A_1042 : memref<8x1x128x128xf32, #tpu.memory_space<any>> -> memref<8x128x128xf32, #tpu.memory_space<any>>
      tpu.wait_dma2 semaphore(%arg66 : memref<!tpu.dma_semaphore, #tpu.memory_space<semaphore_mem>>) src(%dma_wait3A_1043 : memref<8x128x128xf32, #tpu.memory_space<any>>) dst(%arg18 : memref<8x128x128xf32, #tpu.memory_space<vmem>>)
      %dma_start3A_1044 = arith.constant 0 : i32
      %dma_start3A_1045 = arith.constant 0 : i32
      %dma_start3A_1046 = arith.constant 0 : i32
      %dma_start3A_1047 = tpu.memref_slice %arg4[%dma_start3A_1044, %add3A_1032, %dma_start3A_1045, %dma_start3A_1046] : memref<8x192x128x128xf32, #tpu.memory_space<any>> -> memref<8x1x128x128xf32, #tpu.memory_space<any>>
      %dma_start3A_1048 = tpu.memref_squeeze %dma_start3A_1047 : memref<8x1x128x128xf32, #tpu.memory_space<any>> -> memref<8x128x128xf32, #tpu.memory_space<any>>
      tpu.enqueue_dma source(%arg18 : memref<8x128x128xf32, #tpu.memory_space<vmem>>) target(%dma_start3A_1048 : memref<8x128x128xf32, #tpu.memory_space<any>>) target_semaphore(%arg114 : memref<!tpu.dma_semaphore, #tpu.memory_space<semaphore_mem>>)
      %convert_element_type3A_1049 = arith.extui %eq3A_1037 : i1 to i32
      %cond3A_1050 = arith.constant 0 : i32
      %cond3A_1051 = arith.cmpi ne, %convert_element_type3A_1049, %cond3A_1050 : i32
      scf.if %cond3A_1051 {
        %dma_start3A_1449 = arith.constant 0 : i32
        %dma_start3A_1450 = arith.constant 0 : i32
        %dma_start3A_1451 = arith.constant 0 : i32
        %dma_start3A_1452 = tpu.memref_slice %arg5[%dma_start3A_1449, %add3A_1032, %dma_start3A_1450, %dma_start3A_1451] : memref<8x192x128x128xf32, #tpu.memory_space<any>> -> memref<8x1x128x128xf32, #tpu.memory_space<any>>
        %dma_start3A_1453 = tpu.memref_squeeze %dma_start3A_1452 : memref<8x1x128x128xf32, #tpu.memory_space<any>> -> memref<8x128x128xf32, #tpu.memory_space<any>>
        tpu.enqueue_dma source(%arg18 : memref<8x128x128xf32, #tpu.memory_space<vmem>>) target(%dma_start3A_1453 : memref<8x128x128xf32, #tpu.memory_space<any>>) target_semaphore(%arg138 : memref<!tpu.dma_semaphore, #tpu.memory_space<semaphore_mem>>)
      } else {
      }
      %not3A_1052 = arith.constant true
      %not3A_1053 = arith.xori %eq3A_1037, %not3A_1052 : i1
      %convert_element_type3A_1054 = arith.extui %not3A_1053 : i1 to i32
      %cond3A_1055 = arith.constant 0 : i32
      %cond3A_1056 = arith.cmpi ne, %convert_element_type3A_1054, %cond3A_1055 : i32
      scf.if %cond3A_1056 {
        %dma_wait3A_1449 = arith.constant 0 : i32
        %dma_wait3A_1450 = arith.constant 0 : i32
        %dma_wait3A_1451 = arith.constant 0 : i32
        %dma_wait3A_1452 = arith.constant 0 : i32
        %dma_wait3A_1453 = tpu.memref_slice %arg0[%dma_wait3A_1450, %dma_wait3A_1449, %dma_wait3A_1451, %dma_wait3A_1452] : memref<8x192x128x128xf32, #tpu.memory_space<any>> -> memref<8x1x128x128xf32, #tpu.memory_space<any>>
        %dma_wait3A_1454 = tpu.memref_squeeze %dma_wait3A_1453 : memref<8x1x128x128xf32, #tpu.memory_space<any>> -> memref<8x128x128xf32, #tpu.memory_space<any>>
        tpu.wait_dma2 semaphore(%arg90 : memref<!tpu.dma_semaphore, #tpu.memory_space<semaphore_mem>>) src(%dma_wait3A_1454 : memref<8x128x128xf32, #tpu.memory_space<any>>) dst(%arg42 : memref<8x128x128xf32, #tpu.memory_space<vmem>>)
        %dma_start3A_1455 = arith.constant 0 : i32
        %dma_start3A_1456 = arith.constant 0 : i32
        %dma_start3A_1457 = arith.constant 0 : i32
        %dma_start3A_1458 = tpu.memref_slice %arg5[%dma_start3A_1455, %add3A_1032, %dma_start3A_1456, %dma_start3A_1457] : memref<8x192x128x128xf32, #tpu.memory_space<any>> -> memref<8x1x128x128xf32, #tpu.memory_space<any>>
        %dma_start3A_1459 = tpu.memref_squeeze %dma_start3A_1458 : memref<8x1x128x128xf32, #tpu.memory_space<any>> -> memref<8x128x128xf32, #tpu.memory_space<any>>
        tpu.enqueue_dma source(%arg42 : memref<8x128x128xf32, #tpu.memory_space<vmem>>) target(%dma_start3A_1459 : memref<8x128x128xf32, #tpu.memory_space<any>>) target_semaphore(%arg138 : memref<!tpu.dma_semaphore, #tpu.memory_space<semaphore_mem>>)
      } else {
      }
      %add3A_1057 = arith.constant 12 : i32
      %add3A_1058 = arith.addi %add3A_1032, %add3A_1057 : i32
      %lt3A_1059 = arith.constant 192 : i32
      %lt3A_1060 = arith.cmpi slt, %add3A_1058, %lt3A_1059 : i32
      %convert_element_type3A_1061 = arith.extui %lt3A_1060 : i1 to i32
      %cond3A_1062 = arith.constant 0 : i32
      %cond3A_1063 = arith.cmpi ne, %convert_element_type3A_1061, %cond3A_1062 : i32
      scf.if %cond3A_1063 {
        %ge3A = arith.constant 24 : i32
        %ge3A_1449 = arith.cmpi sge, %add3A_1058, %ge3A : i32
        %convert_element_type3A_1450 = arith.extui %ge3A_1449 : i1 to i32
        %cond3A_1451 = arith.constant 0 : i32
        %cond3A_1452 = arith.cmpi ne, %convert_element_type3A_1450, %cond3A_1451 : i32
        scf.if %cond3A_1452 {
          %dma_wait3A_1480 = arith.constant 0 : i32
          %dma_wait3A_1481 = arith.constant 0 : i32
          %dma_wait3A_1482 = arith.constant 0 : i32
          %dma_wait3A_1483 = arith.constant 0 : i32
          %dma_wait3A_1484 = tpu.memref_slice %arg0[%dma_wait3A_1481, %dma_wait3A_1480, %dma_wait3A_1482, %dma_wait3A_1483] : memref<8x192x128x128xf32, #tpu.memory_space<any>> -> memref<8x1x128x128xf32, #tpu.memory_space<any>>
          %dma_wait3A_1485 = tpu.memref_squeeze %dma_wait3A_1484 : memref<8x1x128x128xf32, #tpu.memory_space<any>> -> memref<8x128x128xf32, #tpu.memory_space<any>>
          tpu.wait_dma2 semaphore(%arg102 : memref<!tpu.dma_semaphore, #tpu.memory_space<semaphore_mem>>) src(%dma_wait3A_1485 : memref<8x128x128xf32, #tpu.memory_space<any>>) dst(%arg6 : memref<8x128x128xf32, #tpu.memory_space<vmem>>)
          %dma_wait3A_1486 = arith.constant 0 : i32
          %dma_wait3A_1487 = arith.constant 0 : i32
          %dma_wait3A_1488 = arith.constant 0 : i32
          %dma_wait3A_1489 = arith.constant 0 : i32
          %dma_wait3A_1490 = tpu.memref_slice %arg0[%dma_wait3A_1487, %dma_wait3A_1486, %dma_wait3A_1488, %dma_wait3A_1489] : memref<8x192x128x128xf32, #tpu.memory_space<any>> -> memref<8x1x128x128xf32, #tpu.memory_space<any>>
          %dma_wait3A_1491 = tpu.memref_squeeze %dma_wait3A_1490 : memref<8x1x128x128xf32, #tpu.memory_space<any>> -> memref<8x128x128xf32, #tpu.memory_space<any>>
          tpu.wait_dma2 semaphore(%arg126 : memref<!tpu.dma_semaphore, #tpu.memory_space<semaphore_mem>>) src(%dma_wait3A_1491 : memref<8x128x128xf32, #tpu.memory_space<any>>) dst(%arg6 : memref<8x128x128xf32, #tpu.memory_space<vmem>>)
        } else {
        }
        %get3A_1453 = arith.index_cast %add3A_1058 : i32 to index
        %get3A_1454 = memref.load %arg2[%get3A_1453] : memref<192xi32, #tpu.memory_space<smem>>
        %get3A_1455 = arith.index_cast %add3A_1058 : i32 to index
        %get3A_1456 = memref.load %arg3[%get3A_1455] : memref<192xi32, #tpu.memory_space<smem>>
        %ne3A_1457 = arith.cmpi ne, %get3A_1454, %get3A_1456 : i32
        %eq3A_1458 = arith.constant 1 : i32
        %eq3A_1459 = arith.cmpi eq, %get3A_1454, %eq3A_1458 : i32
        %convert_element_type3A_1460 = arith.extui %eq3A_1459 : i1 to i32
        %cond3A_1461 = arith.constant 0 : i32
        %cond3A_1462 = arith.cmpi ne, %convert_element_type3A_1460, %cond3A_1461 : i32
        scf.if %cond3A_1462 {
          %dma_start3A_1480 = arith.constant 0 : i32
          %dma_start3A_1481 = arith.constant 0 : i32
          %dma_start3A_1482 = arith.constant 0 : i32
          %dma_start3A_1483 = tpu.memref_slice %arg0[%dma_start3A_1480, %add3A_1058, %dma_start3A_1481, %dma_start3A_1482] : memref<8x192x128x128xf32, #tpu.memory_space<any>> -> memref<8x1x128x128xf32, #tpu.memory_space<any>>
          %dma_start3A_1484 = tpu.memref_squeeze %dma_start3A_1483 : memref<8x1x128x128xf32, #tpu.memory_space<any>> -> memref<8x128x128xf32, #tpu.memory_space<any>>
          tpu.enqueue_dma source(%dma_start3A_1484 : memref<8x128x128xf32, #tpu.memory_space<any>>) target(%arg6 : memref<8x128x128xf32, #tpu.memory_space<vmem>>) target_semaphore(%arg54 : memref<!tpu.dma_semaphore, #tpu.memory_space<semaphore_mem>>)
        } else {
        }
        %eq3A_1463 = arith.constant 0 : i32
        %eq3A_1464 = arith.cmpi eq, %get3A_1454, %eq3A_1463 : i32
        %convert_element_type3A_1465 = arith.extui %eq3A_1464 : i1 to i32
        %cond3A_1466 = arith.constant 0 : i32
        %cond3A_1467 = arith.cmpi ne, %convert_element_type3A_1465, %cond3A_1466 : i32
        scf.if %cond3A_1467 {
          %dma_start3A_1480 = arith.constant 0 : i32
          %dma_start3A_1481 = arith.constant 0 : i32
          %dma_start3A_1482 = arith.constant 0 : i32
          %dma_start3A_1483 = tpu.memref_slice %arg1[%dma_start3A_1480, %add3A_1058, %dma_start3A_1481, %dma_start3A_1482] : memref<8x192x128x128xf32, #tpu.memory_space<any>> -> memref<8x1x128x128xf32, #tpu.memory_space<any>>
          %dma_start3A_1484 = tpu.memref_squeeze %dma_start3A_1483 : memref<8x1x128x128xf32, #tpu.memory_space<any>> -> memref<8x128x128xf32, #tpu.memory_space<any>>
          tpu.enqueue_dma source(%dma_start3A_1484 : memref<8x128x128xf32, #tpu.memory_space<any>>) target(%arg6 : memref<8x128x128xf32, #tpu.memory_space<vmem>>) target_semaphore(%arg54 : memref<!tpu.dma_semaphore, #tpu.memory_space<semaphore_mem>>)
        } else {
        }
        %eq3A_1468 = arith.constant 1 : i32
        %eq3A_1469 = arith.cmpi eq, %get3A_1456, %eq3A_1468 : i32
        %and3A_1470 = arith.andi %ne3A_1457, %eq3A_1469 : i1
        %convert_element_type3A_1471 = arith.extui %and3A_1470 : i1 to i32
        %cond3A_1472 = arith.constant 0 : i32
        %cond3A_1473 = arith.cmpi ne, %convert_element_type3A_1471, %cond3A_1472 : i32
        scf.if %cond3A_1473 {
          %dma_start3A_1480 = arith.constant 0 : i32
          %dma_start3A_1481 = arith.constant 0 : i32
          %dma_start3A_1482 = arith.constant 0 : i32
          %dma_start3A_1483 = tpu.memref_slice %arg0[%dma_start3A_1480, %add3A_1058, %dma_start3A_1481, %dma_start3A_1482] : memref<8x192x128x128xf32, #tpu.memory_space<any>> -> memref<8x1x128x128xf32, #tpu.memory_space<any>>
          %dma_start3A_1484 = tpu.memref_squeeze %dma_start3A_1483 : memref<8x1x128x128xf32, #tpu.memory_space<any>> -> memref<8x128x128xf32, #tpu.memory_space<any>>
          tpu.enqueue_dma source(%dma_start3A_1484 : memref<8x128x128xf32, #tpu.memory_space<any>>) target(%arg30 : memref<8x128x128xf32, #tpu.memory_space<vmem>>) target_semaphore(%arg78 : memref<!tpu.dma_semaphore, #tpu.memory_space<semaphore_mem>>)
        } else {
        }
        %eq3A_1474 = arith.constant 0 : i32
        %eq3A_1475 = arith.cmpi eq, %get3A_1456, %eq3A_1474 : i32
        %and3A_1476 = arith.andi %ne3A_1457, %eq3A_1475 : i1
        %convert_element_type3A_1477 = arith.extui %and3A_1476 : i1 to i32
        %cond3A_1478 = arith.constant 0 : i32
        %cond3A_1479 = arith.cmpi ne, %convert_element_type3A_1477, %cond3A_1478 : i32
        scf.if %cond3A_1479 {
          %dma_start3A_1480 = arith.constant 0 : i32
          %dma_start3A_1481 = arith.constant 0 : i32
          %dma_start3A_1482 = arith.constant 0 : i32
          %dma_start3A_1483 = tpu.memref_slice %arg1[%dma_start3A_1480, %add3A_1058, %dma_start3A_1481, %dma_start3A_1482] : memref<8x192x128x128xf32, #tpu.memory_space<any>> -> memref<8x1x128x128xf32, #tpu.memory_space<any>>
          %dma_start3A_1484 = tpu.memref_squeeze %dma_start3A_1483 : memref<8x1x128x128xf32, #tpu.memory_space<any>> -> memref<8x128x128xf32, #tpu.memory_space<any>>
          tpu.enqueue_dma source(%dma_start3A_1484 : memref<8x128x128xf32, #tpu.memory_space<any>>) target(%arg30 : memref<8x128x128xf32, #tpu.memory_space<vmem>>) target_semaphore(%arg78 : memref<!tpu.dma_semaphore, #tpu.memory_space<semaphore_mem>>)
        } else {
        }
      } else {
      }
      %mul3A_1064 = arith.constant 24 : i32
      %mul3A_1065 = arith.muli %mul3A_1064, %add3A_611 : i32
      %add3A_1066 = arith.constant 13 : i32
      %add3A_1067 = arith.addi %mul3A_1065, %add3A_1066 : i32
      %get3A_1068 = arith.index_cast %add3A_1067 : i32 to index
      %get3A_1069 = memref.load %arg2[%get3A_1068] : memref<192xi32, #tpu.memory_space<smem>>
      %get3A_1070 = arith.index_cast %add3A_1067 : i32 to index
      %get3A_1071 = memref.load %arg3[%get3A_1070] : memref<192xi32, #tpu.memory_space<smem>>
      %eq3A_1072 = arith.cmpi eq, %get3A_1069, %get3A_1071 : i32
      %dma_wait3A_1073 = arith.constant 0 : i32
      %dma_wait3A_1074 = arith.constant 0 : i32
      %dma_wait3A_1075 = arith.constant 0 : i32
      %dma_wait3A_1076 = arith.constant 0 : i32
      %dma_wait3A_1077 = tpu.memref_slice %arg0[%dma_wait3A_1074, %dma_wait3A_1073, %dma_wait3A_1075, %dma_wait3A_1076] : memref<8x192x128x128xf32, #tpu.memory_space<any>> -> memref<8x1x128x128xf32, #tpu.memory_space<any>>
      %dma_wait3A_1078 = tpu.memref_squeeze %dma_wait3A_1077 : memref<8x1x128x128xf32, #tpu.memory_space<any>> -> memref<8x128x128xf32, #tpu.memory_space<any>>
      tpu.wait_dma2 semaphore(%arg67 : memref<!tpu.dma_semaphore, #tpu.memory_space<semaphore_mem>>) src(%dma_wait3A_1078 : memref<8x128x128xf32, #tpu.memory_space<any>>) dst(%arg19 : memref<8x128x128xf32, #tpu.memory_space<vmem>>)
      %dma_start3A_1079 = arith.constant 0 : i32
      %dma_start3A_1080 = arith.constant 0 : i32
      %dma_start3A_1081 = arith.constant 0 : i32
      %dma_start3A_1082 = tpu.memref_slice %arg4[%dma_start3A_1079, %add3A_1067, %dma_start3A_1080, %dma_start3A_1081] : memref<8x192x128x128xf32, #tpu.memory_space<any>> -> memref<8x1x128x128xf32, #tpu.memory_space<any>>
      %dma_start3A_1083 = tpu.memref_squeeze %dma_start3A_1082 : memref<8x1x128x128xf32, #tpu.memory_space<any>> -> memref<8x128x128xf32, #tpu.memory_space<any>>
      tpu.enqueue_dma source(%arg19 : memref<8x128x128xf32, #tpu.memory_space<vmem>>) target(%dma_start3A_1083 : memref<8x128x128xf32, #tpu.memory_space<any>>) target_semaphore(%arg115 : memref<!tpu.dma_semaphore, #tpu.memory_space<semaphore_mem>>)
      %convert_element_type3A_1084 = arith.extui %eq3A_1072 : i1 to i32
      %cond3A_1085 = arith.constant 0 : i32
      %cond3A_1086 = arith.cmpi ne, %convert_element_type3A_1084, %cond3A_1085 : i32
      scf.if %cond3A_1086 {
        %dma_start3A_1449 = arith.constant 0 : i32
        %dma_start3A_1450 = arith.constant 0 : i32
        %dma_start3A_1451 = arith.constant 0 : i32
        %dma_start3A_1452 = tpu.memref_slice %arg5[%dma_start3A_1449, %add3A_1067, %dma_start3A_1450, %dma_start3A_1451] : memref<8x192x128x128xf32, #tpu.memory_space<any>> -> memref<8x1x128x128xf32, #tpu.memory_space<any>>
        %dma_start3A_1453 = tpu.memref_squeeze %dma_start3A_1452 : memref<8x1x128x128xf32, #tpu.memory_space<any>> -> memref<8x128x128xf32, #tpu.memory_space<any>>
        tpu.enqueue_dma source(%arg19 : memref<8x128x128xf32, #tpu.memory_space<vmem>>) target(%dma_start3A_1453 : memref<8x128x128xf32, #tpu.memory_space<any>>) target_semaphore(%arg139 : memref<!tpu.dma_semaphore, #tpu.memory_space<semaphore_mem>>)
      } else {
      }
      %not3A_1087 = arith.constant true
      %not3A_1088 = arith.xori %eq3A_1072, %not3A_1087 : i1
      %convert_element_type3A_1089 = arith.extui %not3A_1088 : i1 to i32
      %cond3A_1090 = arith.constant 0 : i32
      %cond3A_1091 = arith.cmpi ne, %convert_element_type3A_1089, %cond3A_1090 : i32
      scf.if %cond3A_1091 {
        %dma_wait3A_1449 = arith.constant 0 : i32
        %dma_wait3A_1450 = arith.constant 0 : i32
        %dma_wait3A_1451 = arith.constant 0 : i32
        %dma_wait3A_1452 = arith.constant 0 : i32
        %dma_wait3A_1453 = tpu.memref_slice %arg0[%dma_wait3A_1450, %dma_wait3A_1449, %dma_wait3A_1451, %dma_wait3A_1452] : memref<8x192x128x128xf32, #tpu.memory_space<any>> -> memref<8x1x128x128xf32, #tpu.memory_space<any>>
        %dma_wait3A_1454 = tpu.memref_squeeze %dma_wait3A_1453 : memref<8x1x128x128xf32, #tpu.memory_space<any>> -> memref<8x128x128xf32, #tpu.memory_space<any>>
        tpu.wait_dma2 semaphore(%arg91 : memref<!tpu.dma_semaphore, #tpu.memory_space<semaphore_mem>>) src(%dma_wait3A_1454 : memref<8x128x128xf32, #tpu.memory_space<any>>) dst(%arg43 : memref<8x128x128xf32, #tpu.memory_space<vmem>>)
        %dma_start3A_1455 = arith.constant 0 : i32
        %dma_start3A_1456 = arith.constant 0 : i32
        %dma_start3A_1457 = arith.constant 0 : i32
        %dma_start3A_1458 = tpu.memref_slice %arg5[%dma_start3A_1455, %add3A_1067, %dma_start3A_1456, %dma_start3A_1457] : memref<8x192x128x128xf32, #tpu.memory_space<any>> -> memref<8x1x128x128xf32, #tpu.memory_space<any>>
        %dma_start3A_1459 = tpu.memref_squeeze %dma_start3A_1458 : memref<8x1x128x128xf32, #tpu.memory_space<any>> -> memref<8x128x128xf32, #tpu.memory_space<any>>
        tpu.enqueue_dma source(%arg43 : memref<8x128x128xf32, #tpu.memory_space<vmem>>) target(%dma_start3A_1459 : memref<8x128x128xf32, #tpu.memory_space<any>>) target_semaphore(%arg139 : memref<!tpu.dma_semaphore, #tpu.memory_space<semaphore_mem>>)
      } else {
      }
      %add3A_1092 = arith.constant 12 : i32
      %add3A_1093 = arith.addi %add3A_1067, %add3A_1092 : i32
      %lt3A_1094 = arith.constant 192 : i32
      %lt3A_1095 = arith.cmpi slt, %add3A_1093, %lt3A_1094 : i32
      %convert_element_type3A_1096 = arith.extui %lt3A_1095 : i1 to i32
      %cond3A_1097 = arith.constant 0 : i32
      %cond3A_1098 = arith.cmpi ne, %convert_element_type3A_1096, %cond3A_1097 : i32
      scf.if %cond3A_1098 {
        %ge3A = arith.constant 24 : i32
        %ge3A_1449 = arith.cmpi sge, %add3A_1093, %ge3A : i32
        %convert_element_type3A_1450 = arith.extui %ge3A_1449 : i1 to i32
        %cond3A_1451 = arith.constant 0 : i32
        %cond3A_1452 = arith.cmpi ne, %convert_element_type3A_1450, %cond3A_1451 : i32
        scf.if %cond3A_1452 {
          %dma_wait3A_1480 = arith.constant 0 : i32
          %dma_wait3A_1481 = arith.constant 0 : i32
          %dma_wait3A_1482 = arith.constant 0 : i32
          %dma_wait3A_1483 = arith.constant 0 : i32
          %dma_wait3A_1484 = tpu.memref_slice %arg0[%dma_wait3A_1481, %dma_wait3A_1480, %dma_wait3A_1482, %dma_wait3A_1483] : memref<8x192x128x128xf32, #tpu.memory_space<any>> -> memref<8x1x128x128xf32, #tpu.memory_space<any>>
          %dma_wait3A_1485 = tpu.memref_squeeze %dma_wait3A_1484 : memref<8x1x128x128xf32, #tpu.memory_space<any>> -> memref<8x128x128xf32, #tpu.memory_space<any>>
          tpu.wait_dma2 semaphore(%arg103 : memref<!tpu.dma_semaphore, #tpu.memory_space<semaphore_mem>>) src(%dma_wait3A_1485 : memref<8x128x128xf32, #tpu.memory_space<any>>) dst(%arg7 : memref<8x128x128xf32, #tpu.memory_space<vmem>>)
          %dma_wait3A_1486 = arith.constant 0 : i32
          %dma_wait3A_1487 = arith.constant 0 : i32
          %dma_wait3A_1488 = arith.constant 0 : i32
          %dma_wait3A_1489 = arith.constant 0 : i32
          %dma_wait3A_1490 = tpu.memref_slice %arg0[%dma_wait3A_1487, %dma_wait3A_1486, %dma_wait3A_1488, %dma_wait3A_1489] : memref<8x192x128x128xf32, #tpu.memory_space<any>> -> memref<8x1x128x128xf32, #tpu.memory_space<any>>
          %dma_wait3A_1491 = tpu.memref_squeeze %dma_wait3A_1490 : memref<8x1x128x128xf32, #tpu.memory_space<any>> -> memref<8x128x128xf32, #tpu.memory_space<any>>
          tpu.wait_dma2 semaphore(%arg127 : memref<!tpu.dma_semaphore, #tpu.memory_space<semaphore_mem>>) src(%dma_wait3A_1491 : memref<8x128x128xf32, #tpu.memory_space<any>>) dst(%arg7 : memref<8x128x128xf32, #tpu.memory_space<vmem>>)
        } else {
        }
        %get3A_1453 = arith.index_cast %add3A_1093 : i32 to index
        %get3A_1454 = memref.load %arg2[%get3A_1453] : memref<192xi32, #tpu.memory_space<smem>>
        %get3A_1455 = arith.index_cast %add3A_1093 : i32 to index
        %get3A_1456 = memref.load %arg3[%get3A_1455] : memref<192xi32, #tpu.memory_space<smem>>
        %ne3A_1457 = arith.cmpi ne, %get3A_1454, %get3A_1456 : i32
        %eq3A_1458 = arith.constant 1 : i32
        %eq3A_1459 = arith.cmpi eq, %get3A_1454, %eq3A_1458 : i32
        %convert_element_type3A_1460 = arith.extui %eq3A_1459 : i1 to i32
        %cond3A_1461 = arith.constant 0 : i32
        %cond3A_1462 = arith.cmpi ne, %convert_element_type3A_1460, %cond3A_1461 : i32
        scf.if %cond3A_1462 {
          %dma_start3A_1480 = arith.constant 0 : i32
          %dma_start3A_1481 = arith.constant 0 : i32
          %dma_start3A_1482 = arith.constant 0 : i32
          %dma_start3A_1483 = tpu.memref_slice %arg0[%dma_start3A_1480, %add3A_1093, %dma_start3A_1481, %dma_start3A_1482] : memref<8x192x128x128xf32, #tpu.memory_space<any>> -> memref<8x1x128x128xf32, #tpu.memory_space<any>>
          %dma_start3A_1484 = tpu.memref_squeeze %dma_start3A_1483 : memref<8x1x128x128xf32, #tpu.memory_space<any>> -> memref<8x128x128xf32, #tpu.memory_space<any>>
          tpu.enqueue_dma source(%dma_start3A_1484 : memref<8x128x128xf32, #tpu.memory_space<any>>) target(%arg7 : memref<8x128x128xf32, #tpu.memory_space<vmem>>) target_semaphore(%arg55 : memref<!tpu.dma_semaphore, #tpu.memory_space<semaphore_mem>>)
        } else {
        }
        %eq3A_1463 = arith.constant 0 : i32
        %eq3A_1464 = arith.cmpi eq, %get3A_1454, %eq3A_1463 : i32
        %convert_element_type3A_1465 = arith.extui %eq3A_1464 : i1 to i32
        %cond3A_1466 = arith.constant 0 : i32
        %cond3A_1467 = arith.cmpi ne, %convert_element_type3A_1465, %cond3A_1466 : i32
        scf.if %cond3A_1467 {
          %dma_start3A_1480 = arith.constant 0 : i32
          %dma_start3A_1481 = arith.constant 0 : i32
          %dma_start3A_1482 = arith.constant 0 : i32
          %dma_start3A_1483 = tpu.memref_slice %arg1[%dma_start3A_1480, %add3A_1093, %dma_start3A_1481, %dma_start3A_1482] : memref<8x192x128x128xf32, #tpu.memory_space<any>> -> memref<8x1x128x128xf32, #tpu.memory_space<any>>
          %dma_start3A_1484 = tpu.memref_squeeze %dma_start3A_1483 : memref<8x1x128x128xf32, #tpu.memory_space<any>> -> memref<8x128x128xf32, #tpu.memory_space<any>>
          tpu.enqueue_dma source(%dma_start3A_1484 : memref<8x128x128xf32, #tpu.memory_space<any>>) target(%arg7 : memref<8x128x128xf32, #tpu.memory_space<vmem>>) target_semaphore(%arg55 : memref<!tpu.dma_semaphore, #tpu.memory_space<semaphore_mem>>)
        } else {
        }
        %eq3A_1468 = arith.constant 1 : i32
        %eq3A_1469 = arith.cmpi eq, %get3A_1456, %eq3A_1468 : i32
        %and3A_1470 = arith.andi %ne3A_1457, %eq3A_1469 : i1
        %convert_element_type3A_1471 = arith.extui %and3A_1470 : i1 to i32
        %cond3A_1472 = arith.constant 0 : i32
        %cond3A_1473 = arith.cmpi ne, %convert_element_type3A_1471, %cond3A_1472 : i32
        scf.if %cond3A_1473 {
          %dma_start3A_1480 = arith.constant 0 : i32
          %dma_start3A_1481 = arith.constant 0 : i32
          %dma_start3A_1482 = arith.constant 0 : i32
          %dma_start3A_1483 = tpu.memref_slice %arg0[%dma_start3A_1480, %add3A_1093, %dma_start3A_1481, %dma_start3A_1482] : memref<8x192x128x128xf32, #tpu.memory_space<any>> -> memref<8x1x128x128xf32, #tpu.memory_space<any>>
          %dma_start3A_1484 = tpu.memref_squeeze %dma_start3A_1483 : memref<8x1x128x128xf32, #tpu.memory_space<any>> -> memref<8x128x128xf32, #tpu.memory_space<any>>
          tpu.enqueue_dma source(%dma_start3A_1484 : memref<8x128x128xf32, #tpu.memory_space<any>>) target(%arg31 : memref<8x128x128xf32, #tpu.memory_space<vmem>>) target_semaphore(%arg79 : memref<!tpu.dma_semaphore, #tpu.memory_space<semaphore_mem>>)
        } else {
        }
        %eq3A_1474 = arith.constant 0 : i32
        %eq3A_1475 = arith.cmpi eq, %get3A_1456, %eq3A_1474 : i32
        %and3A_1476 = arith.andi %ne3A_1457, %eq3A_1475 : i1
        %convert_element_type3A_1477 = arith.extui %and3A_1476 : i1 to i32
        %cond3A_1478 = arith.constant 0 : i32
        %cond3A_1479 = arith.cmpi ne, %convert_element_type3A_1477, %cond3A_1478 : i32
        scf.if %cond3A_1479 {
          %dma_start3A_1480 = arith.constant 0 : i32
          %dma_start3A_1481 = arith.constant 0 : i32
          %dma_start3A_1482 = arith.constant 0 : i32
          %dma_start3A_1483 = tpu.memref_slice %arg1[%dma_start3A_1480, %add3A_1093, %dma_start3A_1481, %dma_start3A_1482] : memref<8x192x128x128xf32, #tpu.memory_space<any>> -> memref<8x1x128x128xf32, #tpu.memory_space<any>>
          %dma_start3A_1484 = tpu.memref_squeeze %dma_start3A_1483 : memref<8x1x128x128xf32, #tpu.memory_space<any>> -> memref<8x128x128xf32, #tpu.memory_space<any>>
          tpu.enqueue_dma source(%dma_start3A_1484 : memref<8x128x128xf32, #tpu.memory_space<any>>) target(%arg31 : memref<8x128x128xf32, #tpu.memory_space<vmem>>) target_semaphore(%arg79 : memref<!tpu.dma_semaphore, #tpu.memory_space<semaphore_mem>>)
        } else {
        }
      } else {
      }
      %mul3A_1099 = arith.constant 24 : i32
      %mul3A_1100 = arith.muli %mul3A_1099, %add3A_611 : i32
      %add3A_1101 = arith.constant 14 : i32
      %add3A_1102 = arith.addi %mul3A_1100, %add3A_1101 : i32
      %get3A_1103 = arith.index_cast %add3A_1102 : i32 to index
      %get3A_1104 = memref.load %arg2[%get3A_1103] : memref<192xi32, #tpu.memory_space<smem>>
      %get3A_1105 = arith.index_cast %add3A_1102 : i32 to index
      %get3A_1106 = memref.load %arg3[%get3A_1105] : memref<192xi32, #tpu.memory_space<smem>>
      %eq3A_1107 = arith.cmpi eq, %get3A_1104, %get3A_1106 : i32
      %dma_wait3A_1108 = arith.constant 0 : i32
      %dma_wait3A_1109 = arith.constant 0 : i32
      %dma_wait3A_1110 = arith.constant 0 : i32
      %dma_wait3A_1111 = arith.constant 0 : i32
      %dma_wait3A_1112 = tpu.memref_slice %arg0[%dma_wait3A_1109, %dma_wait3A_1108, %dma_wait3A_1110, %dma_wait3A_1111] : memref<8x192x128x128xf32, #tpu.memory_space<any>> -> memref<8x1x128x128xf32, #tpu.memory_space<any>>
      %dma_wait3A_1113 = tpu.memref_squeeze %dma_wait3A_1112 : memref<8x1x128x128xf32, #tpu.memory_space<any>> -> memref<8x128x128xf32, #tpu.memory_space<any>>
      tpu.wait_dma2 semaphore(%arg68 : memref<!tpu.dma_semaphore, #tpu.memory_space<semaphore_mem>>) src(%dma_wait3A_1113 : memref<8x128x128xf32, #tpu.memory_space<any>>) dst(%arg20 : memref<8x128x128xf32, #tpu.memory_space<vmem>>)
      %dma_start3A_1114 = arith.constant 0 : i32
      %dma_start3A_1115 = arith.constant 0 : i32
      %dma_start3A_1116 = arith.constant 0 : i32
      %dma_start3A_1117 = tpu.memref_slice %arg4[%dma_start3A_1114, %add3A_1102, %dma_start3A_1115, %dma_start3A_1116] : memref<8x192x128x128xf32, #tpu.memory_space<any>> -> memref<8x1x128x128xf32, #tpu.memory_space<any>>
      %dma_start3A_1118 = tpu.memref_squeeze %dma_start3A_1117 : memref<8x1x128x128xf32, #tpu.memory_space<any>> -> memref<8x128x128xf32, #tpu.memory_space<any>>
      tpu.enqueue_dma source(%arg20 : memref<8x128x128xf32, #tpu.memory_space<vmem>>) target(%dma_start3A_1118 : memref<8x128x128xf32, #tpu.memory_space<any>>) target_semaphore(%arg116 : memref<!tpu.dma_semaphore, #tpu.memory_space<semaphore_mem>>)
      %convert_element_type3A_1119 = arith.extui %eq3A_1107 : i1 to i32
      %cond3A_1120 = arith.constant 0 : i32
      %cond3A_1121 = arith.cmpi ne, %convert_element_type3A_1119, %cond3A_1120 : i32
      scf.if %cond3A_1121 {
        %dma_start3A_1449 = arith.constant 0 : i32
        %dma_start3A_1450 = arith.constant 0 : i32
        %dma_start3A_1451 = arith.constant 0 : i32
        %dma_start3A_1452 = tpu.memref_slice %arg5[%dma_start3A_1449, %add3A_1102, %dma_start3A_1450, %dma_start3A_1451] : memref<8x192x128x128xf32, #tpu.memory_space<any>> -> memref<8x1x128x128xf32, #tpu.memory_space<any>>
        %dma_start3A_1453 = tpu.memref_squeeze %dma_start3A_1452 : memref<8x1x128x128xf32, #tpu.memory_space<any>> -> memref<8x128x128xf32, #tpu.memory_space<any>>
        tpu.enqueue_dma source(%arg20 : memref<8x128x128xf32, #tpu.memory_space<vmem>>) target(%dma_start3A_1453 : memref<8x128x128xf32, #tpu.memory_space<any>>) target_semaphore(%arg140 : memref<!tpu.dma_semaphore, #tpu.memory_space<semaphore_mem>>)
      } else {
      }
      %not3A_1122 = arith.constant true
      %not3A_1123 = arith.xori %eq3A_1107, %not3A_1122 : i1
      %convert_element_type3A_1124 = arith.extui %not3A_1123 : i1 to i32
      %cond3A_1125 = arith.constant 0 : i32
      %cond3A_1126 = arith.cmpi ne, %convert_element_type3A_1124, %cond3A_1125 : i32
      scf.if %cond3A_1126 {
        %dma_wait3A_1449 = arith.constant 0 : i32
        %dma_wait3A_1450 = arith.constant 0 : i32
        %dma_wait3A_1451 = arith.constant 0 : i32
        %dma_wait3A_1452 = arith.constant 0 : i32
        %dma_wait3A_1453 = tpu.memref_slice %arg0[%dma_wait3A_1450, %dma_wait3A_1449, %dma_wait3A_1451, %dma_wait3A_1452] : memref<8x192x128x128xf32, #tpu.memory_space<any>> -> memref<8x1x128x128xf32, #tpu.memory_space<any>>
        %dma_wait3A_1454 = tpu.memref_squeeze %dma_wait3A_1453 : memref<8x1x128x128xf32, #tpu.memory_space<any>> -> memref<8x128x128xf32, #tpu.memory_space<any>>
        tpu.wait_dma2 semaphore(%arg92 : memref<!tpu.dma_semaphore, #tpu.memory_space<semaphore_mem>>) src(%dma_wait3A_1454 : memref<8x128x128xf32, #tpu.memory_space<any>>) dst(%arg44 : memref<8x128x128xf32, #tpu.memory_space<vmem>>)
        %dma_start3A_1455 = arith.constant 0 : i32
        %dma_start3A_1456 = arith.constant 0 : i32
        %dma_start3A_1457 = arith.constant 0 : i32
        %dma_start3A_1458 = tpu.memref_slice %arg5[%dma_start3A_1455, %add3A_1102, %dma_start3A_1456, %dma_start3A_1457] : memref<8x192x128x128xf32, #tpu.memory_space<any>> -> memref<8x1x128x128xf32, #tpu.memory_space<any>>
        %dma_start3A_1459 = tpu.memref_squeeze %dma_start3A_1458 : memref<8x1x128x128xf32, #tpu.memory_space<any>> -> memref<8x128x128xf32, #tpu.memory_space<any>>
        tpu.enqueue_dma source(%arg44 : memref<8x128x128xf32, #tpu.memory_space<vmem>>) target(%dma_start3A_1459 : memref<8x128x128xf32, #tpu.memory_space<any>>) target_semaphore(%arg140 : memref<!tpu.dma_semaphore, #tpu.memory_space<semaphore_mem>>)
      } else {
      }
      %add3A_1127 = arith.constant 12 : i32
      %add3A_1128 = arith.addi %add3A_1102, %add3A_1127 : i32
      %lt3A_1129 = arith.constant 192 : i32
      %lt3A_1130 = arith.cmpi slt, %add3A_1128, %lt3A_1129 : i32
      %convert_element_type3A_1131 = arith.extui %lt3A_1130 : i1 to i32
      %cond3A_1132 = arith.constant 0 : i32
      %cond3A_1133 = arith.cmpi ne, %convert_element_type3A_1131, %cond3A_1132 : i32
      scf.if %cond3A_1133 {
        %ge3A = arith.constant 24 : i32
        %ge3A_1449 = arith.cmpi sge, %add3A_1128, %ge3A : i32
        %convert_element_type3A_1450 = arith.extui %ge3A_1449 : i1 to i32
        %cond3A_1451 = arith.constant 0 : i32
        %cond3A_1452 = arith.cmpi ne, %convert_element_type3A_1450, %cond3A_1451 : i32
        scf.if %cond3A_1452 {
          %dma_wait3A_1480 = arith.constant 0 : i32
          %dma_wait3A_1481 = arith.constant 0 : i32
          %dma_wait3A_1482 = arith.constant 0 : i32
          %dma_wait3A_1483 = arith.constant 0 : i32
          %dma_wait3A_1484 = tpu.memref_slice %arg0[%dma_wait3A_1481, %dma_wait3A_1480, %dma_wait3A_1482, %dma_wait3A_1483] : memref<8x192x128x128xf32, #tpu.memory_space<any>> -> memref<8x1x128x128xf32, #tpu.memory_space<any>>
          %dma_wait3A_1485 = tpu.memref_squeeze %dma_wait3A_1484 : memref<8x1x128x128xf32, #tpu.memory_space<any>> -> memref<8x128x128xf32, #tpu.memory_space<any>>
          tpu.wait_dma2 semaphore(%arg104 : memref<!tpu.dma_semaphore, #tpu.memory_space<semaphore_mem>>) src(%dma_wait3A_1485 : memref<8x128x128xf32, #tpu.memory_space<any>>) dst(%arg8 : memref<8x128x128xf32, #tpu.memory_space<vmem>>)
          %dma_wait3A_1486 = arith.constant 0 : i32
          %dma_wait3A_1487 = arith.constant 0 : i32
          %dma_wait3A_1488 = arith.constant 0 : i32
          %dma_wait3A_1489 = arith.constant 0 : i32
          %dma_wait3A_1490 = tpu.memref_slice %arg0[%dma_wait3A_1487, %dma_wait3A_1486, %dma_wait3A_1488, %dma_wait3A_1489] : memref<8x192x128x128xf32, #tpu.memory_space<any>> -> memref<8x1x128x128xf32, #tpu.memory_space<any>>
          %dma_wait3A_1491 = tpu.memref_squeeze %dma_wait3A_1490 : memref<8x1x128x128xf32, #tpu.memory_space<any>> -> memref<8x128x128xf32, #tpu.memory_space<any>>
          tpu.wait_dma2 semaphore(%arg128 : memref<!tpu.dma_semaphore, #tpu.memory_space<semaphore_mem>>) src(%dma_wait3A_1491 : memref<8x128x128xf32, #tpu.memory_space<any>>) dst(%arg8 : memref<8x128x128xf32, #tpu.memory_space<vmem>>)
        } else {
        }
        %get3A_1453 = arith.index_cast %add3A_1128 : i32 to index
        %get3A_1454 = memref.load %arg2[%get3A_1453] : memref<192xi32, #tpu.memory_space<smem>>
        %get3A_1455 = arith.index_cast %add3A_1128 : i32 to index
        %get3A_1456 = memref.load %arg3[%get3A_1455] : memref<192xi32, #tpu.memory_space<smem>>
        %ne3A_1457 = arith.cmpi ne, %get3A_1454, %get3A_1456 : i32
        %eq3A_1458 = arith.constant 1 : i32
        %eq3A_1459 = arith.cmpi eq, %get3A_1454, %eq3A_1458 : i32
        %convert_element_type3A_1460 = arith.extui %eq3A_1459 : i1 to i32
        %cond3A_1461 = arith.constant 0 : i32
        %cond3A_1462 = arith.cmpi ne, %convert_element_type3A_1460, %cond3A_1461 : i32
        scf.if %cond3A_1462 {
          %dma_start3A_1480 = arith.constant 0 : i32
          %dma_start3A_1481 = arith.constant 0 : i32
          %dma_start3A_1482 = arith.constant 0 : i32
          %dma_start3A_1483 = tpu.memref_slice %arg0[%dma_start3A_1480, %add3A_1128, %dma_start3A_1481, %dma_start3A_1482] : memref<8x192x128x128xf32, #tpu.memory_space<any>> -> memref<8x1x128x128xf32, #tpu.memory_space<any>>
          %dma_start3A_1484 = tpu.memref_squeeze %dma_start3A_1483 : memref<8x1x128x128xf32, #tpu.memory_space<any>> -> memref<8x128x128xf32, #tpu.memory_space<any>>
          tpu.enqueue_dma source(%dma_start3A_1484 : memref<8x128x128xf32, #tpu.memory_space<any>>) target(%arg8 : memref<8x128x128xf32, #tpu.memory_space<vmem>>) target_semaphore(%arg56 : memref<!tpu.dma_semaphore, #tpu.memory_space<semaphore_mem>>)
        } else {
        }
        %eq3A_1463 = arith.constant 0 : i32
        %eq3A_1464 = arith.cmpi eq, %get3A_1454, %eq3A_1463 : i32
        %convert_element_type3A_1465 = arith.extui %eq3A_1464 : i1 to i32
        %cond3A_1466 = arith.constant 0 : i32
        %cond3A_1467 = arith.cmpi ne, %convert_element_type3A_1465, %cond3A_1466 : i32
        scf.if %cond3A_1467 {
          %dma_start3A_1480 = arith.constant 0 : i32
          %dma_start3A_1481 = arith.constant 0 : i32
          %dma_start3A_1482 = arith.constant 0 : i32
          %dma_start3A_1483 = tpu.memref_slice %arg1[%dma_start3A_1480, %add3A_1128, %dma_start3A_1481, %dma_start3A_1482] : memref<8x192x128x128xf32, #tpu.memory_space<any>> -> memref<8x1x128x128xf32, #tpu.memory_space<any>>
          %dma_start3A_1484 = tpu.memref_squeeze %dma_start3A_1483 : memref<8x1x128x128xf32, #tpu.memory_space<any>> -> memref<8x128x128xf32, #tpu.memory_space<any>>
          tpu.enqueue_dma source(%dma_start3A_1484 : memref<8x128x128xf32, #tpu.memory_space<any>>) target(%arg8 : memref<8x128x128xf32, #tpu.memory_space<vmem>>) target_semaphore(%arg56 : memref<!tpu.dma_semaphore, #tpu.memory_space<semaphore_mem>>)
        } else {
        }
        %eq3A_1468 = arith.constant 1 : i32
        %eq3A_1469 = arith.cmpi eq, %get3A_1456, %eq3A_1468 : i32
        %and3A_1470 = arith.andi %ne3A_1457, %eq3A_1469 : i1
        %convert_element_type3A_1471 = arith.extui %and3A_1470 : i1 to i32
        %cond3A_1472 = arith.constant 0 : i32
        %cond3A_1473 = arith.cmpi ne, %convert_element_type3A_1471, %cond3A_1472 : i32
        scf.if %cond3A_1473 {
          %dma_start3A_1480 = arith.constant 0 : i32
          %dma_start3A_1481 = arith.constant 0 : i32
          %dma_start3A_1482 = arith.constant 0 : i32
          %dma_start3A_1483 = tpu.memref_slice %arg0[%dma_start3A_1480, %add3A_1128, %dma_start3A_1481, %dma_start3A_1482] : memref<8x192x128x128xf32, #tpu.memory_space<any>> -> memref<8x1x128x128xf32, #tpu.memory_space<any>>
          %dma_start3A_1484 = tpu.memref_squeeze %dma_start3A_1483 : memref<8x1x128x128xf32, #tpu.memory_space<any>> -> memref<8x128x128xf32, #tpu.memory_space<any>>
          tpu.enqueue_dma source(%dma_start3A_1484 : memref<8x128x128xf32, #tpu.memory_space<any>>) target(%arg32 : memref<8x128x128xf32, #tpu.memory_space<vmem>>) target_semaphore(%arg80 : memref<!tpu.dma_semaphore, #tpu.memory_space<semaphore_mem>>)
        } else {
        }
        %eq3A_1474 = arith.constant 0 : i32
        %eq3A_1475 = arith.cmpi eq, %get3A_1456, %eq3A_1474 : i32
        %and3A_1476 = arith.andi %ne3A_1457, %eq3A_1475 : i1
        %convert_element_type3A_1477 = arith.extui %and3A_1476 : i1 to i32
        %cond3A_1478 = arith.constant 0 : i32
        %cond3A_1479 = arith.cmpi ne, %convert_element_type3A_1477, %cond3A_1478 : i32
        scf.if %cond3A_1479 {
          %dma_start3A_1480 = arith.constant 0 : i32
          %dma_start3A_1481 = arith.constant 0 : i32
          %dma_start3A_1482 = arith.constant 0 : i32
          %dma_start3A_1483 = tpu.memref_slice %arg1[%dma_start3A_1480, %add3A_1128, %dma_start3A_1481, %dma_start3A_1482] : memref<8x192x128x128xf32, #tpu.memory_space<any>> -> memref<8x1x128x128xf32, #tpu.memory_space<any>>
          %dma_start3A_1484 = tpu.memref_squeeze %dma_start3A_1483 : memref<8x1x128x128xf32, #tpu.memory_space<any>> -> memref<8x128x128xf32, #tpu.memory_space<any>>
          tpu.enqueue_dma source(%dma_start3A_1484 : memref<8x128x128xf32, #tpu.memory_space<any>>) target(%arg32 : memref<8x128x128xf32, #tpu.memory_space<vmem>>) target_semaphore(%arg80 : memref<!tpu.dma_semaphore, #tpu.memory_space<semaphore_mem>>)
        } else {
        }
      } else {
      }
      %mul3A_1134 = arith.constant 24 : i32
      %mul3A_1135 = arith.muli %mul3A_1134, %add3A_611 : i32
      %add3A_1136 = arith.constant 15 : i32
      %add3A_1137 = arith.addi %mul3A_1135, %add3A_1136 : i32
      %get3A_1138 = arith.index_cast %add3A_1137 : i32 to index
      %get3A_1139 = memref.load %arg2[%get3A_1138] : memref<192xi32, #tpu.memory_space<smem>>
      %get3A_1140 = arith.index_cast %add3A_1137 : i32 to index
      %get3A_1141 = memref.load %arg3[%get3A_1140] : memref<192xi32, #tpu.memory_space<smem>>
      %eq3A_1142 = arith.cmpi eq, %get3A_1139, %get3A_1141 : i32
      %dma_wait3A_1143 = arith.constant 0 : i32
      %dma_wait3A_1144 = arith.constant 0 : i32
      %dma_wait3A_1145 = arith.constant 0 : i32
      %dma_wait3A_1146 = arith.constant 0 : i32
      %dma_wait3A_1147 = tpu.memref_slice %arg0[%dma_wait3A_1144, %dma_wait3A_1143, %dma_wait3A_1145, %dma_wait3A_1146] : memref<8x192x128x128xf32, #tpu.memory_space<any>> -> memref<8x1x128x128xf32, #tpu.memory_space<any>>
      %dma_wait3A_1148 = tpu.memref_squeeze %dma_wait3A_1147 : memref<8x1x128x128xf32, #tpu.memory_space<any>> -> memref<8x128x128xf32, #tpu.memory_space<any>>
      tpu.wait_dma2 semaphore(%arg69 : memref<!tpu.dma_semaphore, #tpu.memory_space<semaphore_mem>>) src(%dma_wait3A_1148 : memref<8x128x128xf32, #tpu.memory_space<any>>) dst(%arg21 : memref<8x128x128xf32, #tpu.memory_space<vmem>>)
      %dma_start3A_1149 = arith.constant 0 : i32
      %dma_start3A_1150 = arith.constant 0 : i32
      %dma_start3A_1151 = arith.constant 0 : i32
      %dma_start3A_1152 = tpu.memref_slice %arg4[%dma_start3A_1149, %add3A_1137, %dma_start3A_1150, %dma_start3A_1151] : memref<8x192x128x128xf32, #tpu.memory_space<any>> -> memref<8x1x128x128xf32, #tpu.memory_space<any>>
      %dma_start3A_1153 = tpu.memref_squeeze %dma_start3A_1152 : memref<8x1x128x128xf32, #tpu.memory_space<any>> -> memref<8x128x128xf32, #tpu.memory_space<any>>
      tpu.enqueue_dma source(%arg21 : memref<8x128x128xf32, #tpu.memory_space<vmem>>) target(%dma_start3A_1153 : memref<8x128x128xf32, #tpu.memory_space<any>>) target_semaphore(%arg117 : memref<!tpu.dma_semaphore, #tpu.memory_space<semaphore_mem>>)
      %convert_element_type3A_1154 = arith.extui %eq3A_1142 : i1 to i32
      %cond3A_1155 = arith.constant 0 : i32
      %cond3A_1156 = arith.cmpi ne, %convert_element_type3A_1154, %cond3A_1155 : i32
      scf.if %cond3A_1156 {
        %dma_start3A_1449 = arith.constant 0 : i32
        %dma_start3A_1450 = arith.constant 0 : i32
        %dma_start3A_1451 = arith.constant 0 : i32
        %dma_start3A_1452 = tpu.memref_slice %arg5[%dma_start3A_1449, %add3A_1137, %dma_start3A_1450, %dma_start3A_1451] : memref<8x192x128x128xf32, #tpu.memory_space<any>> -> memref<8x1x128x128xf32, #tpu.memory_space<any>>
        %dma_start3A_1453 = tpu.memref_squeeze %dma_start3A_1452 : memref<8x1x128x128xf32, #tpu.memory_space<any>> -> memref<8x128x128xf32, #tpu.memory_space<any>>
        tpu.enqueue_dma source(%arg21 : memref<8x128x128xf32, #tpu.memory_space<vmem>>) target(%dma_start3A_1453 : memref<8x128x128xf32, #tpu.memory_space<any>>) target_semaphore(%arg141 : memref<!tpu.dma_semaphore, #tpu.memory_space<semaphore_mem>>)
      } else {
      }
      %not3A_1157 = arith.constant true
      %not3A_1158 = arith.xori %eq3A_1142, %not3A_1157 : i1
      %convert_element_type3A_1159 = arith.extui %not3A_1158 : i1 to i32
      %cond3A_1160 = arith.constant 0 : i32
      %cond3A_1161 = arith.cmpi ne, %convert_element_type3A_1159, %cond3A_1160 : i32
      scf.if %cond3A_1161 {
        %dma_wait3A_1449 = arith.constant 0 : i32
        %dma_wait3A_1450 = arith.constant 0 : i32
        %dma_wait3A_1451 = arith.constant 0 : i32
        %dma_wait3A_1452 = arith.constant 0 : i32
        %dma_wait3A_1453 = tpu.memref_slice %arg0[%dma_wait3A_1450, %dma_wait3A_1449, %dma_wait3A_1451, %dma_wait3A_1452] : memref<8x192x128x128xf32, #tpu.memory_space<any>> -> memref<8x1x128x128xf32, #tpu.memory_space<any>>
        %dma_wait3A_1454 = tpu.memref_squeeze %dma_wait3A_1453 : memref<8x1x128x128xf32, #tpu.memory_space<any>> -> memref<8x128x128xf32, #tpu.memory_space<any>>
        tpu.wait_dma2 semaphore(%arg93 : memref<!tpu.dma_semaphore, #tpu.memory_space<semaphore_mem>>) src(%dma_wait3A_1454 : memref<8x128x128xf32, #tpu.memory_space<any>>) dst(%arg45 : memref<8x128x128xf32, #tpu.memory_space<vmem>>)
        %dma_start3A_1455 = arith.constant 0 : i32
        %dma_start3A_1456 = arith.constant 0 : i32
        %dma_start3A_1457 = arith.constant 0 : i32
        %dma_start3A_1458 = tpu.memref_slice %arg5[%dma_start3A_1455, %add3A_1137, %dma_start3A_1456, %dma_start3A_1457] : memref<8x192x128x128xf32, #tpu.memory_space<any>> -> memref<8x1x128x128xf32, #tpu.memory_space<any>>
        %dma_start3A_1459 = tpu.memref_squeeze %dma_start3A_1458 : memref<8x1x128x128xf32, #tpu.memory_space<any>> -> memref<8x128x128xf32, #tpu.memory_space<any>>
        tpu.enqueue_dma source(%arg45 : memref<8x128x128xf32, #tpu.memory_space<vmem>>) target(%dma_start3A_1459 : memref<8x128x128xf32, #tpu.memory_space<any>>) target_semaphore(%arg141 : memref<!tpu.dma_semaphore, #tpu.memory_space<semaphore_mem>>)
      } else {
      }
      %add3A_1162 = arith.constant 12 : i32
      %add3A_1163 = arith.addi %add3A_1137, %add3A_1162 : i32
      %lt3A_1164 = arith.constant 192 : i32
      %lt3A_1165 = arith.cmpi slt, %add3A_1163, %lt3A_1164 : i32
      %convert_element_type3A_1166 = arith.extui %lt3A_1165 : i1 to i32
      %cond3A_1167 = arith.constant 0 : i32
      %cond3A_1168 = arith.cmpi ne, %convert_element_type3A_1166, %cond3A_1167 : i32
      scf.if %cond3A_1168 {
        %ge3A = arith.constant 24 : i32
        %ge3A_1449 = arith.cmpi sge, %add3A_1163, %ge3A : i32
        %convert_element_type3A_1450 = arith.extui %ge3A_1449 : i1 to i32
        %cond3A_1451 = arith.constant 0 : i32
        %cond3A_1452 = arith.cmpi ne, %convert_element_type3A_1450, %cond3A_1451 : i32
        scf.if %cond3A_1452 {
          %dma_wait3A_1480 = arith.constant 0 : i32
          %dma_wait3A_1481 = arith.constant 0 : i32
          %dma_wait3A_1482 = arith.constant 0 : i32
          %dma_wait3A_1483 = arith.constant 0 : i32
          %dma_wait3A_1484 = tpu.memref_slice %arg0[%dma_wait3A_1481, %dma_wait3A_1480, %dma_wait3A_1482, %dma_wait3A_1483] : memref<8x192x128x128xf32, #tpu.memory_space<any>> -> memref<8x1x128x128xf32, #tpu.memory_space<any>>
          %dma_wait3A_1485 = tpu.memref_squeeze %dma_wait3A_1484 : memref<8x1x128x128xf32, #tpu.memory_space<any>> -> memref<8x128x128xf32, #tpu.memory_space<any>>
          tpu.wait_dma2 semaphore(%arg105 : memref<!tpu.dma_semaphore, #tpu.memory_space<semaphore_mem>>) src(%dma_wait3A_1485 : memref<8x128x128xf32, #tpu.memory_space<any>>) dst(%arg9 : memref<8x128x128xf32, #tpu.memory_space<vmem>>)
          %dma_wait3A_1486 = arith.constant 0 : i32
          %dma_wait3A_1487 = arith.constant 0 : i32
          %dma_wait3A_1488 = arith.constant 0 : i32
          %dma_wait3A_1489 = arith.constant 0 : i32
          %dma_wait3A_1490 = tpu.memref_slice %arg0[%dma_wait3A_1487, %dma_wait3A_1486, %dma_wait3A_1488, %dma_wait3A_1489] : memref<8x192x128x128xf32, #tpu.memory_space<any>> -> memref<8x1x128x128xf32, #tpu.memory_space<any>>
          %dma_wait3A_1491 = tpu.memref_squeeze %dma_wait3A_1490 : memref<8x1x128x128xf32, #tpu.memory_space<any>> -> memref<8x128x128xf32, #tpu.memory_space<any>>
          tpu.wait_dma2 semaphore(%arg129 : memref<!tpu.dma_semaphore, #tpu.memory_space<semaphore_mem>>) src(%dma_wait3A_1491 : memref<8x128x128xf32, #tpu.memory_space<any>>) dst(%arg9 : memref<8x128x128xf32, #tpu.memory_space<vmem>>)
        } else {
        }
        %get3A_1453 = arith.index_cast %add3A_1163 : i32 to index
        %get3A_1454 = memref.load %arg2[%get3A_1453] : memref<192xi32, #tpu.memory_space<smem>>
        %get3A_1455 = arith.index_cast %add3A_1163 : i32 to index
        %get3A_1456 = memref.load %arg3[%get3A_1455] : memref<192xi32, #tpu.memory_space<smem>>
        %ne3A_1457 = arith.cmpi ne, %get3A_1454, %get3A_1456 : i32
        %eq3A_1458 = arith.constant 1 : i32
        %eq3A_1459 = arith.cmpi eq, %get3A_1454, %eq3A_1458 : i32
        %convert_element_type3A_1460 = arith.extui %eq3A_1459 : i1 to i32
        %cond3A_1461 = arith.constant 0 : i32
        %cond3A_1462 = arith.cmpi ne, %convert_element_type3A_1460, %cond3A_1461 : i32
        scf.if %cond3A_1462 {
          %dma_start3A_1480 = arith.constant 0 : i32
          %dma_start3A_1481 = arith.constant 0 : i32
          %dma_start3A_1482 = arith.constant 0 : i32
          %dma_start3A_1483 = tpu.memref_slice %arg0[%dma_start3A_1480, %add3A_1163, %dma_start3A_1481, %dma_start3A_1482] : memref<8x192x128x128xf32, #tpu.memory_space<any>> -> memref<8x1x128x128xf32, #tpu.memory_space<any>>
          %dma_start3A_1484 = tpu.memref_squeeze %dma_start3A_1483 : memref<8x1x128x128xf32, #tpu.memory_space<any>> -> memref<8x128x128xf32, #tpu.memory_space<any>>
          tpu.enqueue_dma source(%dma_start3A_1484 : memref<8x128x128xf32, #tpu.memory_space<any>>) target(%arg9 : memref<8x128x128xf32, #tpu.memory_space<vmem>>) target_semaphore(%arg57 : memref<!tpu.dma_semaphore, #tpu.memory_space<semaphore_mem>>)
        } else {
        }
        %eq3A_1463 = arith.constant 0 : i32
        %eq3A_1464 = arith.cmpi eq, %get3A_1454, %eq3A_1463 : i32
        %convert_element_type3A_1465 = arith.extui %eq3A_1464 : i1 to i32
        %cond3A_1466 = arith.constant 0 : i32
        %cond3A_1467 = arith.cmpi ne, %convert_element_type3A_1465, %cond3A_1466 : i32
        scf.if %cond3A_1467 {
          %dma_start3A_1480 = arith.constant 0 : i32
          %dma_start3A_1481 = arith.constant 0 : i32
          %dma_start3A_1482 = arith.constant 0 : i32
          %dma_start3A_1483 = tpu.memref_slice %arg1[%dma_start3A_1480, %add3A_1163, %dma_start3A_1481, %dma_start3A_1482] : memref<8x192x128x128xf32, #tpu.memory_space<any>> -> memref<8x1x128x128xf32, #tpu.memory_space<any>>
          %dma_start3A_1484 = tpu.memref_squeeze %dma_start3A_1483 : memref<8x1x128x128xf32, #tpu.memory_space<any>> -> memref<8x128x128xf32, #tpu.memory_space<any>>
          tpu.enqueue_dma source(%dma_start3A_1484 : memref<8x128x128xf32, #tpu.memory_space<any>>) target(%arg9 : memref<8x128x128xf32, #tpu.memory_space<vmem>>) target_semaphore(%arg57 : memref<!tpu.dma_semaphore, #tpu.memory_space<semaphore_mem>>)
        } else {
        }
        %eq3A_1468 = arith.constant 1 : i32
        %eq3A_1469 = arith.cmpi eq, %get3A_1456, %eq3A_1468 : i32
        %and3A_1470 = arith.andi %ne3A_1457, %eq3A_1469 : i1
        %convert_element_type3A_1471 = arith.extui %and3A_1470 : i1 to i32
        %cond3A_1472 = arith.constant 0 : i32
        %cond3A_1473 = arith.cmpi ne, %convert_element_type3A_1471, %cond3A_1472 : i32
        scf.if %cond3A_1473 {
          %dma_start3A_1480 = arith.constant 0 : i32
          %dma_start3A_1481 = arith.constant 0 : i32
          %dma_start3A_1482 = arith.constant 0 : i32
          %dma_start3A_1483 = tpu.memref_slice %arg0[%dma_start3A_1480, %add3A_1163, %dma_start3A_1481, %dma_start3A_1482] : memref<8x192x128x128xf32, #tpu.memory_space<any>> -> memref<8x1x128x128xf32, #tpu.memory_space<any>>
          %dma_start3A_1484 = tpu.memref_squeeze %dma_start3A_1483 : memref<8x1x128x128xf32, #tpu.memory_space<any>> -> memref<8x128x128xf32, #tpu.memory_space<any>>
          tpu.enqueue_dma source(%dma_start3A_1484 : memref<8x128x128xf32, #tpu.memory_space<any>>) target(%arg33 : memref<8x128x128xf32, #tpu.memory_space<vmem>>) target_semaphore(%arg81 : memref<!tpu.dma_semaphore, #tpu.memory_space<semaphore_mem>>)
        } else {
        }
        %eq3A_1474 = arith.constant 0 : i32
        %eq3A_1475 = arith.cmpi eq, %get3A_1456, %eq3A_1474 : i32
        %and3A_1476 = arith.andi %ne3A_1457, %eq3A_1475 : i1
        %convert_element_type3A_1477 = arith.extui %and3A_1476 : i1 to i32
        %cond3A_1478 = arith.constant 0 : i32
        %cond3A_1479 = arith.cmpi ne, %convert_element_type3A_1477, %cond3A_1478 : i32
        scf.if %cond3A_1479 {
          %dma_start3A_1480 = arith.constant 0 : i32
          %dma_start3A_1481 = arith.constant 0 : i32
          %dma_start3A_1482 = arith.constant 0 : i32
          %dma_start3A_1483 = tpu.memref_slice %arg1[%dma_start3A_1480, %add3A_1163, %dma_start3A_1481, %dma_start3A_1482] : memref<8x192x128x128xf32, #tpu.memory_space<any>> -> memref<8x1x128x128xf32, #tpu.memory_space<any>>
          %dma_start3A_1484 = tpu.memref_squeeze %dma_start3A_1483 : memref<8x1x128x128xf32, #tpu.memory_space<any>> -> memref<8x128x128xf32, #tpu.memory_space<any>>
          tpu.enqueue_dma source(%dma_start3A_1484 : memref<8x128x128xf32, #tpu.memory_space<any>>) target(%arg33 : memref<8x128x128xf32, #tpu.memory_space<vmem>>) target_semaphore(%arg81 : memref<!tpu.dma_semaphore, #tpu.memory_space<semaphore_mem>>)
        } else {
        }
      } else {
      }
      %mul3A_1169 = arith.constant 24 : i32
      %mul3A_1170 = arith.muli %mul3A_1169, %add3A_611 : i32
      %add3A_1171 = arith.constant 16 : i32
      %add3A_1172 = arith.addi %mul3A_1170, %add3A_1171 : i32
      %get3A_1173 = arith.index_cast %add3A_1172 : i32 to index
      %get3A_1174 = memref.load %arg2[%get3A_1173] : memref<192xi32, #tpu.memory_space<smem>>
      %get3A_1175 = arith.index_cast %add3A_1172 : i32 to index
      %get3A_1176 = memref.load %arg3[%get3A_1175] : memref<192xi32, #tpu.memory_space<smem>>
      %eq3A_1177 = arith.cmpi eq, %get3A_1174, %get3A_1176 : i32
      %dma_wait3A_1178 = arith.constant 0 : i32
      %dma_wait3A_1179 = arith.constant 0 : i32
      %dma_wait3A_1180 = arith.constant 0 : i32
      %dma_wait3A_1181 = arith.constant 0 : i32
      %dma_wait3A_1182 = tpu.memref_slice %arg0[%dma_wait3A_1179, %dma_wait3A_1178, %dma_wait3A_1180, %dma_wait3A_1181] : memref<8x192x128x128xf32, #tpu.memory_space<any>> -> memref<8x1x128x128xf32, #tpu.memory_space<any>>
      %dma_wait3A_1183 = tpu.memref_squeeze %dma_wait3A_1182 : memref<8x1x128x128xf32, #tpu.memory_space<any>> -> memref<8x128x128xf32, #tpu.memory_space<any>>
      tpu.wait_dma2 semaphore(%arg70 : memref<!tpu.dma_semaphore, #tpu.memory_space<semaphore_mem>>) src(%dma_wait3A_1183 : memref<8x128x128xf32, #tpu.memory_space<any>>) dst(%arg22 : memref<8x128x128xf32, #tpu.memory_space<vmem>>)
      %dma_start3A_1184 = arith.constant 0 : i32
      %dma_start3A_1185 = arith.constant 0 : i32
      %dma_start3A_1186 = arith.constant 0 : i32
      %dma_start3A_1187 = tpu.memref_slice %arg4[%dma_start3A_1184, %add3A_1172, %dma_start3A_1185, %dma_start3A_1186] : memref<8x192x128x128xf32, #tpu.memory_space<any>> -> memref<8x1x128x128xf32, #tpu.memory_space<any>>
      %dma_start3A_1188 = tpu.memref_squeeze %dma_start3A_1187 : memref<8x1x128x128xf32, #tpu.memory_space<any>> -> memref<8x128x128xf32, #tpu.memory_space<any>>
      tpu.enqueue_dma source(%arg22 : memref<8x128x128xf32, #tpu.memory_space<vmem>>) target(%dma_start3A_1188 : memref<8x128x128xf32, #tpu.memory_space<any>>) target_semaphore(%arg118 : memref<!tpu.dma_semaphore, #tpu.memory_space<semaphore_mem>>)
      %convert_element_type3A_1189 = arith.extui %eq3A_1177 : i1 to i32
      %cond3A_1190 = arith.constant 0 : i32
      %cond3A_1191 = arith.cmpi ne, %convert_element_type3A_1189, %cond3A_1190 : i32
      scf.if %cond3A_1191 {
        %dma_start3A_1449 = arith.constant 0 : i32
        %dma_start3A_1450 = arith.constant 0 : i32
        %dma_start3A_1451 = arith.constant 0 : i32
        %dma_start3A_1452 = tpu.memref_slice %arg5[%dma_start3A_1449, %add3A_1172, %dma_start3A_1450, %dma_start3A_1451] : memref<8x192x128x128xf32, #tpu.memory_space<any>> -> memref<8x1x128x128xf32, #tpu.memory_space<any>>
        %dma_start3A_1453 = tpu.memref_squeeze %dma_start3A_1452 : memref<8x1x128x128xf32, #tpu.memory_space<any>> -> memref<8x128x128xf32, #tpu.memory_space<any>>
        tpu.enqueue_dma source(%arg22 : memref<8x128x128xf32, #tpu.memory_space<vmem>>) target(%dma_start3A_1453 : memref<8x128x128xf32, #tpu.memory_space<any>>) target_semaphore(%arg142 : memref<!tpu.dma_semaphore, #tpu.memory_space<semaphore_mem>>)
      } else {
      }
      %not3A_1192 = arith.constant true
      %not3A_1193 = arith.xori %eq3A_1177, %not3A_1192 : i1
      %convert_element_type3A_1194 = arith.extui %not3A_1193 : i1 to i32
      %cond3A_1195 = arith.constant 0 : i32
      %cond3A_1196 = arith.cmpi ne, %convert_element_type3A_1194, %cond3A_1195 : i32
      scf.if %cond3A_1196 {
        %dma_wait3A_1449 = arith.constant 0 : i32
        %dma_wait3A_1450 = arith.constant 0 : i32
        %dma_wait3A_1451 = arith.constant 0 : i32
        %dma_wait3A_1452 = arith.constant 0 : i32
        %dma_wait3A_1453 = tpu.memref_slice %arg0[%dma_wait3A_1450, %dma_wait3A_1449, %dma_wait3A_1451, %dma_wait3A_1452] : memref<8x192x128x128xf32, #tpu.memory_space<any>> -> memref<8x1x128x128xf32, #tpu.memory_space<any>>
        %dma_wait3A_1454 = tpu.memref_squeeze %dma_wait3A_1453 : memref<8x1x128x128xf32, #tpu.memory_space<any>> -> memref<8x128x128xf32, #tpu.memory_space<any>>
        tpu.wait_dma2 semaphore(%arg94 : memref<!tpu.dma_semaphore, #tpu.memory_space<semaphore_mem>>) src(%dma_wait3A_1454 : memref<8x128x128xf32, #tpu.memory_space<any>>) dst(%arg46 : memref<8x128x128xf32, #tpu.memory_space<vmem>>)
        %dma_start3A_1455 = arith.constant 0 : i32
        %dma_start3A_1456 = arith.constant 0 : i32
        %dma_start3A_1457 = arith.constant 0 : i32
        %dma_start3A_1458 = tpu.memref_slice %arg5[%dma_start3A_1455, %add3A_1172, %dma_start3A_1456, %dma_start3A_1457] : memref<8x192x128x128xf32, #tpu.memory_space<any>> -> memref<8x1x128x128xf32, #tpu.memory_space<any>>
        %dma_start3A_1459 = tpu.memref_squeeze %dma_start3A_1458 : memref<8x1x128x128xf32, #tpu.memory_space<any>> -> memref<8x128x128xf32, #tpu.memory_space<any>>
        tpu.enqueue_dma source(%arg46 : memref<8x128x128xf32, #tpu.memory_space<vmem>>) target(%dma_start3A_1459 : memref<8x128x128xf32, #tpu.memory_space<any>>) target_semaphore(%arg142 : memref<!tpu.dma_semaphore, #tpu.memory_space<semaphore_mem>>)
      } else {
      }
      %add3A_1197 = arith.constant 12 : i32
      %add3A_1198 = arith.addi %add3A_1172, %add3A_1197 : i32
      %lt3A_1199 = arith.constant 192 : i32
      %lt3A_1200 = arith.cmpi slt, %add3A_1198, %lt3A_1199 : i32
      %convert_element_type3A_1201 = arith.extui %lt3A_1200 : i1 to i32
      %cond3A_1202 = arith.constant 0 : i32
      %cond3A_1203 = arith.cmpi ne, %convert_element_type3A_1201, %cond3A_1202 : i32
      scf.if %cond3A_1203 {
        %ge3A = arith.constant 24 : i32
        %ge3A_1449 = arith.cmpi sge, %add3A_1198, %ge3A : i32
        %convert_element_type3A_1450 = arith.extui %ge3A_1449 : i1 to i32
        %cond3A_1451 = arith.constant 0 : i32
        %cond3A_1452 = arith.cmpi ne, %convert_element_type3A_1450, %cond3A_1451 : i32
        scf.if %cond3A_1452 {
          %dma_wait3A_1480 = arith.constant 0 : i32
          %dma_wait3A_1481 = arith.constant 0 : i32
          %dma_wait3A_1482 = arith.constant 0 : i32
          %dma_wait3A_1483 = arith.constant 0 : i32
          %dma_wait3A_1484 = tpu.memref_slice %arg0[%dma_wait3A_1481, %dma_wait3A_1480, %dma_wait3A_1482, %dma_wait3A_1483] : memref<8x192x128x128xf32, #tpu.memory_space<any>> -> memref<8x1x128x128xf32, #tpu.memory_space<any>>
          %dma_wait3A_1485 = tpu.memref_squeeze %dma_wait3A_1484 : memref<8x1x128x128xf32, #tpu.memory_space<any>> -> memref<8x128x128xf32, #tpu.memory_space<any>>
          tpu.wait_dma2 semaphore(%arg106 : memref<!tpu.dma_semaphore, #tpu.memory_space<semaphore_mem>>) src(%dma_wait3A_1485 : memref<8x128x128xf32, #tpu.memory_space<any>>) dst(%arg10 : memref<8x128x128xf32, #tpu.memory_space<vmem>>)
          %dma_wait3A_1486 = arith.constant 0 : i32
          %dma_wait3A_1487 = arith.constant 0 : i32
          %dma_wait3A_1488 = arith.constant 0 : i32
          %dma_wait3A_1489 = arith.constant 0 : i32
          %dma_wait3A_1490 = tpu.memref_slice %arg0[%dma_wait3A_1487, %dma_wait3A_1486, %dma_wait3A_1488, %dma_wait3A_1489] : memref<8x192x128x128xf32, #tpu.memory_space<any>> -> memref<8x1x128x128xf32, #tpu.memory_space<any>>
          %dma_wait3A_1491 = tpu.memref_squeeze %dma_wait3A_1490 : memref<8x1x128x128xf32, #tpu.memory_space<any>> -> memref<8x128x128xf32, #tpu.memory_space<any>>
          tpu.wait_dma2 semaphore(%arg130 : memref<!tpu.dma_semaphore, #tpu.memory_space<semaphore_mem>>) src(%dma_wait3A_1491 : memref<8x128x128xf32, #tpu.memory_space<any>>) dst(%arg10 : memref<8x128x128xf32, #tpu.memory_space<vmem>>)
        } else {
        }
        %get3A_1453 = arith.index_cast %add3A_1198 : i32 to index
        %get3A_1454 = memref.load %arg2[%get3A_1453] : memref<192xi32, #tpu.memory_space<smem>>
        %get3A_1455 = arith.index_cast %add3A_1198 : i32 to index
        %get3A_1456 = memref.load %arg3[%get3A_1455] : memref<192xi32, #tpu.memory_space<smem>>
        %ne3A_1457 = arith.cmpi ne, %get3A_1454, %get3A_1456 : i32
        %eq3A_1458 = arith.constant 1 : i32
        %eq3A_1459 = arith.cmpi eq, %get3A_1454, %eq3A_1458 : i32
        %convert_element_type3A_1460 = arith.extui %eq3A_1459 : i1 to i32
        %cond3A_1461 = arith.constant 0 : i32
        %cond3A_1462 = arith.cmpi ne, %convert_element_type3A_1460, %cond3A_1461 : i32
        scf.if %cond3A_1462 {
          %dma_start3A_1480 = arith.constant 0 : i32
          %dma_start3A_1481 = arith.constant 0 : i32
          %dma_start3A_1482 = arith.constant 0 : i32
          %dma_start3A_1483 = tpu.memref_slice %arg0[%dma_start3A_1480, %add3A_1198, %dma_start3A_1481, %dma_start3A_1482] : memref<8x192x128x128xf32, #tpu.memory_space<any>> -> memref<8x1x128x128xf32, #tpu.memory_space<any>>
          %dma_start3A_1484 = tpu.memref_squeeze %dma_start3A_1483 : memref<8x1x128x128xf32, #tpu.memory_space<any>> -> memref<8x128x128xf32, #tpu.memory_space<any>>
          tpu.enqueue_dma source(%dma_start3A_1484 : memref<8x128x128xf32, #tpu.memory_space<any>>) target(%arg10 : memref<8x128x128xf32, #tpu.memory_space<vmem>>) target_semaphore(%arg58 : memref<!tpu.dma_semaphore, #tpu.memory_space<semaphore_mem>>)
        } else {
        }
        %eq3A_1463 = arith.constant 0 : i32
        %eq3A_1464 = arith.cmpi eq, %get3A_1454, %eq3A_1463 : i32
        %convert_element_type3A_1465 = arith.extui %eq3A_1464 : i1 to i32
        %cond3A_1466 = arith.constant 0 : i32
        %cond3A_1467 = arith.cmpi ne, %convert_element_type3A_1465, %cond3A_1466 : i32
        scf.if %cond3A_1467 {
          %dma_start3A_1480 = arith.constant 0 : i32
          %dma_start3A_1481 = arith.constant 0 : i32
          %dma_start3A_1482 = arith.constant 0 : i32
          %dma_start3A_1483 = tpu.memref_slice %arg1[%dma_start3A_1480, %add3A_1198, %dma_start3A_1481, %dma_start3A_1482] : memref<8x192x128x128xf32, #tpu.memory_space<any>> -> memref<8x1x128x128xf32, #tpu.memory_space<any>>
          %dma_start3A_1484 = tpu.memref_squeeze %dma_start3A_1483 : memref<8x1x128x128xf32, #tpu.memory_space<any>> -> memref<8x128x128xf32, #tpu.memory_space<any>>
          tpu.enqueue_dma source(%dma_start3A_1484 : memref<8x128x128xf32, #tpu.memory_space<any>>) target(%arg10 : memref<8x128x128xf32, #tpu.memory_space<vmem>>) target_semaphore(%arg58 : memref<!tpu.dma_semaphore, #tpu.memory_space<semaphore_mem>>)
        } else {
        }
        %eq3A_1468 = arith.constant 1 : i32
        %eq3A_1469 = arith.cmpi eq, %get3A_1456, %eq3A_1468 : i32
        %and3A_1470 = arith.andi %ne3A_1457, %eq3A_1469 : i1
        %convert_element_type3A_1471 = arith.extui %and3A_1470 : i1 to i32
        %cond3A_1472 = arith.constant 0 : i32
        %cond3A_1473 = arith.cmpi ne, %convert_element_type3A_1471, %cond3A_1472 : i32
        scf.if %cond3A_1473 {
          %dma_start3A_1480 = arith.constant 0 : i32
          %dma_start3A_1481 = arith.constant 0 : i32
          %dma_start3A_1482 = arith.constant 0 : i32
          %dma_start3A_1483 = tpu.memref_slice %arg0[%dma_start3A_1480, %add3A_1198, %dma_start3A_1481, %dma_start3A_1482] : memref<8x192x128x128xf32, #tpu.memory_space<any>> -> memref<8x1x128x128xf32, #tpu.memory_space<any>>
          %dma_start3A_1484 = tpu.memref_squeeze %dma_start3A_1483 : memref<8x1x128x128xf32, #tpu.memory_space<any>> -> memref<8x128x128xf32, #tpu.memory_space<any>>
          tpu.enqueue_dma source(%dma_start3A_1484 : memref<8x128x128xf32, #tpu.memory_space<any>>) target(%arg34 : memref<8x128x128xf32, #tpu.memory_space<vmem>>) target_semaphore(%arg82 : memref<!tpu.dma_semaphore, #tpu.memory_space<semaphore_mem>>)
        } else {
        }
        %eq3A_1474 = arith.constant 0 : i32
        %eq3A_1475 = arith.cmpi eq, %get3A_1456, %eq3A_1474 : i32
        %and3A_1476 = arith.andi %ne3A_1457, %eq3A_1475 : i1
        %convert_element_type3A_1477 = arith.extui %and3A_1476 : i1 to i32
        %cond3A_1478 = arith.constant 0 : i32
        %cond3A_1479 = arith.cmpi ne, %convert_element_type3A_1477, %cond3A_1478 : i32
        scf.if %cond3A_1479 {
          %dma_start3A_1480 = arith.constant 0 : i32
          %dma_start3A_1481 = arith.constant 0 : i32
          %dma_start3A_1482 = arith.constant 0 : i32
          %dma_start3A_1483 = tpu.memref_slice %arg1[%dma_start3A_1480, %add3A_1198, %dma_start3A_1481, %dma_start3A_1482] : memref<8x192x128x128xf32, #tpu.memory_space<any>> -> memref<8x1x128x128xf32, #tpu.memory_space<any>>
          %dma_start3A_1484 = tpu.memref_squeeze %dma_start3A_1483 : memref<8x1x128x128xf32, #tpu.memory_space<any>> -> memref<8x128x128xf32, #tpu.memory_space<any>>
          tpu.enqueue_dma source(%dma_start3A_1484 : memref<8x128x128xf32, #tpu.memory_space<any>>) target(%arg34 : memref<8x128x128xf32, #tpu.memory_space<vmem>>) target_semaphore(%arg82 : memref<!tpu.dma_semaphore, #tpu.memory_space<semaphore_mem>>)
        } else {
        }
      } else {
      }
      %mul3A_1204 = arith.constant 24 : i32
      %mul3A_1205 = arith.muli %mul3A_1204, %add3A_611 : i32
      %add3A_1206 = arith.constant 17 : i32
      %add3A_1207 = arith.addi %mul3A_1205, %add3A_1206 : i32
      %get3A_1208 = arith.index_cast %add3A_1207 : i32 to index
      %get3A_1209 = memref.load %arg2[%get3A_1208] : memref<192xi32, #tpu.memory_space<smem>>
      %get3A_1210 = arith.index_cast %add3A_1207 : i32 to index
      %get3A_1211 = memref.load %arg3[%get3A_1210] : memref<192xi32, #tpu.memory_space<smem>>
      %eq3A_1212 = arith.cmpi eq, %get3A_1209, %get3A_1211 : i32
      %dma_wait3A_1213 = arith.constant 0 : i32
      %dma_wait3A_1214 = arith.constant 0 : i32
      %dma_wait3A_1215 = arith.constant 0 : i32
      %dma_wait3A_1216 = arith.constant 0 : i32
      %dma_wait3A_1217 = tpu.memref_slice %arg0[%dma_wait3A_1214, %dma_wait3A_1213, %dma_wait3A_1215, %dma_wait3A_1216] : memref<8x192x128x128xf32, #tpu.memory_space<any>> -> memref<8x1x128x128xf32, #tpu.memory_space<any>>
      %dma_wait3A_1218 = tpu.memref_squeeze %dma_wait3A_1217 : memref<8x1x128x128xf32, #tpu.memory_space<any>> -> memref<8x128x128xf32, #tpu.memory_space<any>>
      tpu.wait_dma2 semaphore(%arg71 : memref<!tpu.dma_semaphore, #tpu.memory_space<semaphore_mem>>) src(%dma_wait3A_1218 : memref<8x128x128xf32, #tpu.memory_space<any>>) dst(%arg23 : memref<8x128x128xf32, #tpu.memory_space<vmem>>)
      %dma_start3A_1219 = arith.constant 0 : i32
      %dma_start3A_1220 = arith.constant 0 : i32
      %dma_start3A_1221 = arith.constant 0 : i32
      %dma_start3A_1222 = tpu.memref_slice %arg4[%dma_start3A_1219, %add3A_1207, %dma_start3A_1220, %dma_start3A_1221] : memref<8x192x128x128xf32, #tpu.memory_space<any>> -> memref<8x1x128x128xf32, #tpu.memory_space<any>>
      %dma_start3A_1223 = tpu.memref_squeeze %dma_start3A_1222 : memref<8x1x128x128xf32, #tpu.memory_space<any>> -> memref<8x128x128xf32, #tpu.memory_space<any>>
      tpu.enqueue_dma source(%arg23 : memref<8x128x128xf32, #tpu.memory_space<vmem>>) target(%dma_start3A_1223 : memref<8x128x128xf32, #tpu.memory_space<any>>) target_semaphore(%arg119 : memref<!tpu.dma_semaphore, #tpu.memory_space<semaphore_mem>>)
      %convert_element_type3A_1224 = arith.extui %eq3A_1212 : i1 to i32
      %cond3A_1225 = arith.constant 0 : i32
      %cond3A_1226 = arith.cmpi ne, %convert_element_type3A_1224, %cond3A_1225 : i32
      scf.if %cond3A_1226 {
        %dma_start3A_1449 = arith.constant 0 : i32
        %dma_start3A_1450 = arith.constant 0 : i32
        %dma_start3A_1451 = arith.constant 0 : i32
        %dma_start3A_1452 = tpu.memref_slice %arg5[%dma_start3A_1449, %add3A_1207, %dma_start3A_1450, %dma_start3A_1451] : memref<8x192x128x128xf32, #tpu.memory_space<any>> -> memref<8x1x128x128xf32, #tpu.memory_space<any>>
        %dma_start3A_1453 = tpu.memref_squeeze %dma_start3A_1452 : memref<8x1x128x128xf32, #tpu.memory_space<any>> -> memref<8x128x128xf32, #tpu.memory_space<any>>
        tpu.enqueue_dma source(%arg23 : memref<8x128x128xf32, #tpu.memory_space<vmem>>) target(%dma_start3A_1453 : memref<8x128x128xf32, #tpu.memory_space<any>>) target_semaphore(%arg143 : memref<!tpu.dma_semaphore, #tpu.memory_space<semaphore_mem>>)
      } else {
      }
      %not3A_1227 = arith.constant true
      %not3A_1228 = arith.xori %eq3A_1212, %not3A_1227 : i1
      %convert_element_type3A_1229 = arith.extui %not3A_1228 : i1 to i32
      %cond3A_1230 = arith.constant 0 : i32
      %cond3A_1231 = arith.cmpi ne, %convert_element_type3A_1229, %cond3A_1230 : i32
      scf.if %cond3A_1231 {
        %dma_wait3A_1449 = arith.constant 0 : i32
        %dma_wait3A_1450 = arith.constant 0 : i32
        %dma_wait3A_1451 = arith.constant 0 : i32
        %dma_wait3A_1452 = arith.constant 0 : i32
        %dma_wait3A_1453 = tpu.memref_slice %arg0[%dma_wait3A_1450, %dma_wait3A_1449, %dma_wait3A_1451, %dma_wait3A_1452] : memref<8x192x128x128xf32, #tpu.memory_space<any>> -> memref<8x1x128x128xf32, #tpu.memory_space<any>>
        %dma_wait3A_1454 = tpu.memref_squeeze %dma_wait3A_1453 : memref<8x1x128x128xf32, #tpu.memory_space<any>> -> memref<8x128x128xf32, #tpu.memory_space<any>>
        tpu.wait_dma2 semaphore(%arg95 : memref<!tpu.dma_semaphore, #tpu.memory_space<semaphore_mem>>) src(%dma_wait3A_1454 : memref<8x128x128xf32, #tpu.memory_space<any>>) dst(%arg47 : memref<8x128x128xf32, #tpu.memory_space<vmem>>)
        %dma_start3A_1455 = arith.constant 0 : i32
        %dma_start3A_1456 = arith.constant 0 : i32
        %dma_start3A_1457 = arith.constant 0 : i32
        %dma_start3A_1458 = tpu.memref_slice %arg5[%dma_start3A_1455, %add3A_1207, %dma_start3A_1456, %dma_start3A_1457] : memref<8x192x128x128xf32, #tpu.memory_space<any>> -> memref<8x1x128x128xf32, #tpu.memory_space<any>>
        %dma_start3A_1459 = tpu.memref_squeeze %dma_start3A_1458 : memref<8x1x128x128xf32, #tpu.memory_space<any>> -> memref<8x128x128xf32, #tpu.memory_space<any>>
        tpu.enqueue_dma source(%arg47 : memref<8x128x128xf32, #tpu.memory_space<vmem>>) target(%dma_start3A_1459 : memref<8x128x128xf32, #tpu.memory_space<any>>) target_semaphore(%arg143 : memref<!tpu.dma_semaphore, #tpu.memory_space<semaphore_mem>>)
      } else {
      }
      %add3A_1232 = arith.constant 12 : i32
      %add3A_1233 = arith.addi %add3A_1207, %add3A_1232 : i32
      %lt3A_1234 = arith.constant 192 : i32
      %lt3A_1235 = arith.cmpi slt, %add3A_1233, %lt3A_1234 : i32
      %convert_element_type3A_1236 = arith.extui %lt3A_1235 : i1 to i32
      %cond3A_1237 = arith.constant 0 : i32
      %cond3A_1238 = arith.cmpi ne, %convert_element_type3A_1236, %cond3A_1237 : i32
      scf.if %cond3A_1238 {
        %ge3A = arith.constant 24 : i32
        %ge3A_1449 = arith.cmpi sge, %add3A_1233, %ge3A : i32
        %convert_element_type3A_1450 = arith.extui %ge3A_1449 : i1 to i32
        %cond3A_1451 = arith.constant 0 : i32
        %cond3A_1452 = arith.cmpi ne, %convert_element_type3A_1450, %cond3A_1451 : i32
        scf.if %cond3A_1452 {
          %dma_wait3A_1480 = arith.constant 0 : i32
          %dma_wait3A_1481 = arith.constant 0 : i32
          %dma_wait3A_1482 = arith.constant 0 : i32
          %dma_wait3A_1483 = arith.constant 0 : i32
          %dma_wait3A_1484 = tpu.memref_slice %arg0[%dma_wait3A_1481, %dma_wait3A_1480, %dma_wait3A_1482, %dma_wait3A_1483] : memref<8x192x128x128xf32, #tpu.memory_space<any>> -> memref<8x1x128x128xf32, #tpu.memory_space<any>>
          %dma_wait3A_1485 = tpu.memref_squeeze %dma_wait3A_1484 : memref<8x1x128x128xf32, #tpu.memory_space<any>> -> memref<8x128x128xf32, #tpu.memory_space<any>>
          tpu.wait_dma2 semaphore(%arg107 : memref<!tpu.dma_semaphore, #tpu.memory_space<semaphore_mem>>) src(%dma_wait3A_1485 : memref<8x128x128xf32, #tpu.memory_space<any>>) dst(%arg11 : memref<8x128x128xf32, #tpu.memory_space<vmem>>)
          %dma_wait3A_1486 = arith.constant 0 : i32
          %dma_wait3A_1487 = arith.constant 0 : i32
          %dma_wait3A_1488 = arith.constant 0 : i32
          %dma_wait3A_1489 = arith.constant 0 : i32
          %dma_wait3A_1490 = tpu.memref_slice %arg0[%dma_wait3A_1487, %dma_wait3A_1486, %dma_wait3A_1488, %dma_wait3A_1489] : memref<8x192x128x128xf32, #tpu.memory_space<any>> -> memref<8x1x128x128xf32, #tpu.memory_space<any>>
          %dma_wait3A_1491 = tpu.memref_squeeze %dma_wait3A_1490 : memref<8x1x128x128xf32, #tpu.memory_space<any>> -> memref<8x128x128xf32, #tpu.memory_space<any>>
          tpu.wait_dma2 semaphore(%arg131 : memref<!tpu.dma_semaphore, #tpu.memory_space<semaphore_mem>>) src(%dma_wait3A_1491 : memref<8x128x128xf32, #tpu.memory_space<any>>) dst(%arg11 : memref<8x128x128xf32, #tpu.memory_space<vmem>>)
        } else {
        }
        %get3A_1453 = arith.index_cast %add3A_1233 : i32 to index
        %get3A_1454 = memref.load %arg2[%get3A_1453] : memref<192xi32, #tpu.memory_space<smem>>
        %get3A_1455 = arith.index_cast %add3A_1233 : i32 to index
        %get3A_1456 = memref.load %arg3[%get3A_1455] : memref<192xi32, #tpu.memory_space<smem>>
        %ne3A_1457 = arith.cmpi ne, %get3A_1454, %get3A_1456 : i32
        %eq3A_1458 = arith.constant 1 : i32
        %eq3A_1459 = arith.cmpi eq, %get3A_1454, %eq3A_1458 : i32
        %convert_element_type3A_1460 = arith.extui %eq3A_1459 : i1 to i32
        %cond3A_1461 = arith.constant 0 : i32
        %cond3A_1462 = arith.cmpi ne, %convert_element_type3A_1460, %cond3A_1461 : i32
        scf.if %cond3A_1462 {
          %dma_start3A_1480 = arith.constant 0 : i32
          %dma_start3A_1481 = arith.constant 0 : i32
          %dma_start3A_1482 = arith.constant 0 : i32
          %dma_start3A_1483 = tpu.memref_slice %arg0[%dma_start3A_1480, %add3A_1233, %dma_start3A_1481, %dma_start3A_1482] : memref<8x192x128x128xf32, #tpu.memory_space<any>> -> memref<8x1x128x128xf32, #tpu.memory_space<any>>
          %dma_start3A_1484 = tpu.memref_squeeze %dma_start3A_1483 : memref<8x1x128x128xf32, #tpu.memory_space<any>> -> memref<8x128x128xf32, #tpu.memory_space<any>>
          tpu.enqueue_dma source(%dma_start3A_1484 : memref<8x128x128xf32, #tpu.memory_space<any>>) target(%arg11 : memref<8x128x128xf32, #tpu.memory_space<vmem>>) target_semaphore(%arg59 : memref<!tpu.dma_semaphore, #tpu.memory_space<semaphore_mem>>)
        } else {
        }
        %eq3A_1463 = arith.constant 0 : i32
        %eq3A_1464 = arith.cmpi eq, %get3A_1454, %eq3A_1463 : i32
        %convert_element_type3A_1465 = arith.extui %eq3A_1464 : i1 to i32
        %cond3A_1466 = arith.constant 0 : i32
        %cond3A_1467 = arith.cmpi ne, %convert_element_type3A_1465, %cond3A_1466 : i32
        scf.if %cond3A_1467 {
          %dma_start3A_1480 = arith.constant 0 : i32
          %dma_start3A_1481 = arith.constant 0 : i32
          %dma_start3A_1482 = arith.constant 0 : i32
          %dma_start3A_1483 = tpu.memref_slice %arg1[%dma_start3A_1480, %add3A_1233, %dma_start3A_1481, %dma_start3A_1482] : memref<8x192x128x128xf32, #tpu.memory_space<any>> -> memref<8x1x128x128xf32, #tpu.memory_space<any>>
          %dma_start3A_1484 = tpu.memref_squeeze %dma_start3A_1483 : memref<8x1x128x128xf32, #tpu.memory_space<any>> -> memref<8x128x128xf32, #tpu.memory_space<any>>
          tpu.enqueue_dma source(%dma_start3A_1484 : memref<8x128x128xf32, #tpu.memory_space<any>>) target(%arg11 : memref<8x128x128xf32, #tpu.memory_space<vmem>>) target_semaphore(%arg59 : memref<!tpu.dma_semaphore, #tpu.memory_space<semaphore_mem>>)
        } else {
        }
        %eq3A_1468 = arith.constant 1 : i32
        %eq3A_1469 = arith.cmpi eq, %get3A_1456, %eq3A_1468 : i32
        %and3A_1470 = arith.andi %ne3A_1457, %eq3A_1469 : i1
        %convert_element_type3A_1471 = arith.extui %and3A_1470 : i1 to i32
        %cond3A_1472 = arith.constant 0 : i32
        %cond3A_1473 = arith.cmpi ne, %convert_element_type3A_1471, %cond3A_1472 : i32
        scf.if %cond3A_1473 {
          %dma_start3A_1480 = arith.constant 0 : i32
          %dma_start3A_1481 = arith.constant 0 : i32
          %dma_start3A_1482 = arith.constant 0 : i32
          %dma_start3A_1483 = tpu.memref_slice %arg0[%dma_start3A_1480, %add3A_1233, %dma_start3A_1481, %dma_start3A_1482] : memref<8x192x128x128xf32, #tpu.memory_space<any>> -> memref<8x1x128x128xf32, #tpu.memory_space<any>>
          %dma_start3A_1484 = tpu.memref_squeeze %dma_start3A_1483 : memref<8x1x128x128xf32, #tpu.memory_space<any>> -> memref<8x128x128xf32, #tpu.memory_space<any>>
          tpu.enqueue_dma source(%dma_start3A_1484 : memref<8x128x128xf32, #tpu.memory_space<any>>) target(%arg35 : memref<8x128x128xf32, #tpu.memory_space<vmem>>) target_semaphore(%arg83 : memref<!tpu.dma_semaphore, #tpu.memory_space<semaphore_mem>>)
        } else {
        }
        %eq3A_1474 = arith.constant 0 : i32
        %eq3A_1475 = arith.cmpi eq, %get3A_1456, %eq3A_1474 : i32
        %and3A_1476 = arith.andi %ne3A_1457, %eq3A_1475 : i1
        %convert_element_type3A_1477 = arith.extui %and3A_1476 : i1 to i32
        %cond3A_1478 = arith.constant 0 : i32
        %cond3A_1479 = arith.cmpi ne, %convert_element_type3A_1477, %cond3A_1478 : i32
        scf.if %cond3A_1479 {
          %dma_start3A_1480 = arith.constant 0 : i32
          %dma_start3A_1481 = arith.constant 0 : i32
          %dma_start3A_1482 = arith.constant 0 : i32
          %dma_start3A_1483 = tpu.memref_slice %arg1[%dma_start3A_1480, %add3A_1233, %dma_start3A_1481, %dma_start3A_1482] : memref<8x192x128x128xf32, #tpu.memory_space<any>> -> memref<8x1x128x128xf32, #tpu.memory_space<any>>
          %dma_start3A_1484 = tpu.memref_squeeze %dma_start3A_1483 : memref<8x1x128x128xf32, #tpu.memory_space<any>> -> memref<8x128x128xf32, #tpu.memory_space<any>>
          tpu.enqueue_dma source(%dma_start3A_1484 : memref<8x128x128xf32, #tpu.memory_space<any>>) target(%arg35 : memref<8x128x128xf32, #tpu.memory_space<vmem>>) target_semaphore(%arg83 : memref<!tpu.dma_semaphore, #tpu.memory_space<semaphore_mem>>)
        } else {
        }
      } else {
      }
      %mul3A_1239 = arith.constant 24 : i32
      %mul3A_1240 = arith.muli %mul3A_1239, %add3A_611 : i32
      %add3A_1241 = arith.constant 18 : i32
      %add3A_1242 = arith.addi %mul3A_1240, %add3A_1241 : i32
      %get3A_1243 = arith.index_cast %add3A_1242 : i32 to index
      %get3A_1244 = memref.load %arg2[%get3A_1243] : memref<192xi32, #tpu.memory_space<smem>>
      %get3A_1245 = arith.index_cast %add3A_1242 : i32 to index
      %get3A_1246 = memref.load %arg3[%get3A_1245] : memref<192xi32, #tpu.memory_space<smem>>
      %eq3A_1247 = arith.cmpi eq, %get3A_1244, %get3A_1246 : i32
      %dma_wait3A_1248 = arith.constant 0 : i32
      %dma_wait3A_1249 = arith.constant 0 : i32
      %dma_wait3A_1250 = arith.constant 0 : i32
      %dma_wait3A_1251 = arith.constant 0 : i32
      %dma_wait3A_1252 = tpu.memref_slice %arg0[%dma_wait3A_1249, %dma_wait3A_1248, %dma_wait3A_1250, %dma_wait3A_1251] : memref<8x192x128x128xf32, #tpu.memory_space<any>> -> memref<8x1x128x128xf32, #tpu.memory_space<any>>
      %dma_wait3A_1253 = tpu.memref_squeeze %dma_wait3A_1252 : memref<8x1x128x128xf32, #tpu.memory_space<any>> -> memref<8x128x128xf32, #tpu.memory_space<any>>
      tpu.wait_dma2 semaphore(%arg72 : memref<!tpu.dma_semaphore, #tpu.memory_space<semaphore_mem>>) src(%dma_wait3A_1253 : memref<8x128x128xf32, #tpu.memory_space<any>>) dst(%arg24 : memref<8x128x128xf32, #tpu.memory_space<vmem>>)
      %dma_start3A_1254 = arith.constant 0 : i32
      %dma_start3A_1255 = arith.constant 0 : i32
      %dma_start3A_1256 = arith.constant 0 : i32
      %dma_start3A_1257 = tpu.memref_slice %arg4[%dma_start3A_1254, %add3A_1242, %dma_start3A_1255, %dma_start3A_1256] : memref<8x192x128x128xf32, #tpu.memory_space<any>> -> memref<8x1x128x128xf32, #tpu.memory_space<any>>
      %dma_start3A_1258 = tpu.memref_squeeze %dma_start3A_1257 : memref<8x1x128x128xf32, #tpu.memory_space<any>> -> memref<8x128x128xf32, #tpu.memory_space<any>>
      tpu.enqueue_dma source(%arg24 : memref<8x128x128xf32, #tpu.memory_space<vmem>>) target(%dma_start3A_1258 : memref<8x128x128xf32, #tpu.memory_space<any>>) target_semaphore(%arg120 : memref<!tpu.dma_semaphore, #tpu.memory_space<semaphore_mem>>)
      %convert_element_type3A_1259 = arith.extui %eq3A_1247 : i1 to i32
      %cond3A_1260 = arith.constant 0 : i32
      %cond3A_1261 = arith.cmpi ne, %convert_element_type3A_1259, %cond3A_1260 : i32
      scf.if %cond3A_1261 {
        %dma_start3A_1449 = arith.constant 0 : i32
        %dma_start3A_1450 = arith.constant 0 : i32
        %dma_start3A_1451 = arith.constant 0 : i32
        %dma_start3A_1452 = tpu.memref_slice %arg5[%dma_start3A_1449, %add3A_1242, %dma_start3A_1450, %dma_start3A_1451] : memref<8x192x128x128xf32, #tpu.memory_space<any>> -> memref<8x1x128x128xf32, #tpu.memory_space<any>>
        %dma_start3A_1453 = tpu.memref_squeeze %dma_start3A_1452 : memref<8x1x128x128xf32, #tpu.memory_space<any>> -> memref<8x128x128xf32, #tpu.memory_space<any>>
        tpu.enqueue_dma source(%arg24 : memref<8x128x128xf32, #tpu.memory_space<vmem>>) target(%dma_start3A_1453 : memref<8x128x128xf32, #tpu.memory_space<any>>) target_semaphore(%arg144 : memref<!tpu.dma_semaphore, #tpu.memory_space<semaphore_mem>>)
      } else {
      }
      %not3A_1262 = arith.constant true
      %not3A_1263 = arith.xori %eq3A_1247, %not3A_1262 : i1
      %convert_element_type3A_1264 = arith.extui %not3A_1263 : i1 to i32
      %cond3A_1265 = arith.constant 0 : i32
      %cond3A_1266 = arith.cmpi ne, %convert_element_type3A_1264, %cond3A_1265 : i32
      scf.if %cond3A_1266 {
        %dma_wait3A_1449 = arith.constant 0 : i32
        %dma_wait3A_1450 = arith.constant 0 : i32
        %dma_wait3A_1451 = arith.constant 0 : i32
        %dma_wait3A_1452 = arith.constant 0 : i32
        %dma_wait3A_1453 = tpu.memref_slice %arg0[%dma_wait3A_1450, %dma_wait3A_1449, %dma_wait3A_1451, %dma_wait3A_1452] : memref<8x192x128x128xf32, #tpu.memory_space<any>> -> memref<8x1x128x128xf32, #tpu.memory_space<any>>
        %dma_wait3A_1454 = tpu.memref_squeeze %dma_wait3A_1453 : memref<8x1x128x128xf32, #tpu.memory_space<any>> -> memref<8x128x128xf32, #tpu.memory_space<any>>
        tpu.wait_dma2 semaphore(%arg96 : memref<!tpu.dma_semaphore, #tpu.memory_space<semaphore_mem>>) src(%dma_wait3A_1454 : memref<8x128x128xf32, #tpu.memory_space<any>>) dst(%arg48 : memref<8x128x128xf32, #tpu.memory_space<vmem>>)
        %dma_start3A_1455 = arith.constant 0 : i32
        %dma_start3A_1456 = arith.constant 0 : i32
        %dma_start3A_1457 = arith.constant 0 : i32
        %dma_start3A_1458 = tpu.memref_slice %arg5[%dma_start3A_1455, %add3A_1242, %dma_start3A_1456, %dma_start3A_1457] : memref<8x192x128x128xf32, #tpu.memory_space<any>> -> memref<8x1x128x128xf32, #tpu.memory_space<any>>
        %dma_start3A_1459 = tpu.memref_squeeze %dma_start3A_1458 : memref<8x1x128x128xf32, #tpu.memory_space<any>> -> memref<8x128x128xf32, #tpu.memory_space<any>>
        tpu.enqueue_dma source(%arg48 : memref<8x128x128xf32, #tpu.memory_space<vmem>>) target(%dma_start3A_1459 : memref<8x128x128xf32, #tpu.memory_space<any>>) target_semaphore(%arg144 : memref<!tpu.dma_semaphore, #tpu.memory_space<semaphore_mem>>)
      } else {
      }
      %add3A_1267 = arith.constant 12 : i32
      %add3A_1268 = arith.addi %add3A_1242, %add3A_1267 : i32
      %lt3A_1269 = arith.constant 192 : i32
      %lt3A_1270 = arith.cmpi slt, %add3A_1268, %lt3A_1269 : i32
      %convert_element_type3A_1271 = arith.extui %lt3A_1270 : i1 to i32
      %cond3A_1272 = arith.constant 0 : i32
      %cond3A_1273 = arith.cmpi ne, %convert_element_type3A_1271, %cond3A_1272 : i32
      scf.if %cond3A_1273 {
        %ge3A = arith.constant 24 : i32
        %ge3A_1449 = arith.cmpi sge, %add3A_1268, %ge3A : i32
        %convert_element_type3A_1450 = arith.extui %ge3A_1449 : i1 to i32
        %cond3A_1451 = arith.constant 0 : i32
        %cond3A_1452 = arith.cmpi ne, %convert_element_type3A_1450, %cond3A_1451 : i32
        scf.if %cond3A_1452 {
          %dma_wait3A_1480 = arith.constant 0 : i32
          %dma_wait3A_1481 = arith.constant 0 : i32
          %dma_wait3A_1482 = arith.constant 0 : i32
          %dma_wait3A_1483 = arith.constant 0 : i32
          %dma_wait3A_1484 = tpu.memref_slice %arg0[%dma_wait3A_1481, %dma_wait3A_1480, %dma_wait3A_1482, %dma_wait3A_1483] : memref<8x192x128x128xf32, #tpu.memory_space<any>> -> memref<8x1x128x128xf32, #tpu.memory_space<any>>
          %dma_wait3A_1485 = tpu.memref_squeeze %dma_wait3A_1484 : memref<8x1x128x128xf32, #tpu.memory_space<any>> -> memref<8x128x128xf32, #tpu.memory_space<any>>
          tpu.wait_dma2 semaphore(%arg108 : memref<!tpu.dma_semaphore, #tpu.memory_space<semaphore_mem>>) src(%dma_wait3A_1485 : memref<8x128x128xf32, #tpu.memory_space<any>>) dst(%arg12 : memref<8x128x128xf32, #tpu.memory_space<vmem>>)
          %dma_wait3A_1486 = arith.constant 0 : i32
          %dma_wait3A_1487 = arith.constant 0 : i32
          %dma_wait3A_1488 = arith.constant 0 : i32
          %dma_wait3A_1489 = arith.constant 0 : i32
          %dma_wait3A_1490 = tpu.memref_slice %arg0[%dma_wait3A_1487, %dma_wait3A_1486, %dma_wait3A_1488, %dma_wait3A_1489] : memref<8x192x128x128xf32, #tpu.memory_space<any>> -> memref<8x1x128x128xf32, #tpu.memory_space<any>>
          %dma_wait3A_1491 = tpu.memref_squeeze %dma_wait3A_1490 : memref<8x1x128x128xf32, #tpu.memory_space<any>> -> memref<8x128x128xf32, #tpu.memory_space<any>>
          tpu.wait_dma2 semaphore(%arg132 : memref<!tpu.dma_semaphore, #tpu.memory_space<semaphore_mem>>) src(%dma_wait3A_1491 : memref<8x128x128xf32, #tpu.memory_space<any>>) dst(%arg12 : memref<8x128x128xf32, #tpu.memory_space<vmem>>)
        } else {
        }
        %get3A_1453 = arith.index_cast %add3A_1268 : i32 to index
        %get3A_1454 = memref.load %arg2[%get3A_1453] : memref<192xi32, #tpu.memory_space<smem>>
        %get3A_1455 = arith.index_cast %add3A_1268 : i32 to index
        %get3A_1456 = memref.load %arg3[%get3A_1455] : memref<192xi32, #tpu.memory_space<smem>>
        %ne3A_1457 = arith.cmpi ne, %get3A_1454, %get3A_1456 : i32
        %eq3A_1458 = arith.constant 1 : i32
        %eq3A_1459 = arith.cmpi eq, %get3A_1454, %eq3A_1458 : i32
        %convert_element_type3A_1460 = arith.extui %eq3A_1459 : i1 to i32
        %cond3A_1461 = arith.constant 0 : i32
        %cond3A_1462 = arith.cmpi ne, %convert_element_type3A_1460, %cond3A_1461 : i32
        scf.if %cond3A_1462 {
          %dma_start3A_1480 = arith.constant 0 : i32
          %dma_start3A_1481 = arith.constant 0 : i32
          %dma_start3A_1482 = arith.constant 0 : i32
          %dma_start3A_1483 = tpu.memref_slice %arg0[%dma_start3A_1480, %add3A_1268, %dma_start3A_1481, %dma_start3A_1482] : memref<8x192x128x128xf32, #tpu.memory_space<any>> -> memref<8x1x128x128xf32, #tpu.memory_space<any>>
          %dma_start3A_1484 = tpu.memref_squeeze %dma_start3A_1483 : memref<8x1x128x128xf32, #tpu.memory_space<any>> -> memref<8x128x128xf32, #tpu.memory_space<any>>
          tpu.enqueue_dma source(%dma_start3A_1484 : memref<8x128x128xf32, #tpu.memory_space<any>>) target(%arg12 : memref<8x128x128xf32, #tpu.memory_space<vmem>>) target_semaphore(%arg60 : memref<!tpu.dma_semaphore, #tpu.memory_space<semaphore_mem>>)
        } else {
        }
        %eq3A_1463 = arith.constant 0 : i32
        %eq3A_1464 = arith.cmpi eq, %get3A_1454, %eq3A_1463 : i32
        %convert_element_type3A_1465 = arith.extui %eq3A_1464 : i1 to i32
        %cond3A_1466 = arith.constant 0 : i32
        %cond3A_1467 = arith.cmpi ne, %convert_element_type3A_1465, %cond3A_1466 : i32
        scf.if %cond3A_1467 {
          %dma_start3A_1480 = arith.constant 0 : i32
          %dma_start3A_1481 = arith.constant 0 : i32
          %dma_start3A_1482 = arith.constant 0 : i32
          %dma_start3A_1483 = tpu.memref_slice %arg1[%dma_start3A_1480, %add3A_1268, %dma_start3A_1481, %dma_start3A_1482] : memref<8x192x128x128xf32, #tpu.memory_space<any>> -> memref<8x1x128x128xf32, #tpu.memory_space<any>>
          %dma_start3A_1484 = tpu.memref_squeeze %dma_start3A_1483 : memref<8x1x128x128xf32, #tpu.memory_space<any>> -> memref<8x128x128xf32, #tpu.memory_space<any>>
          tpu.enqueue_dma source(%dma_start3A_1484 : memref<8x128x128xf32, #tpu.memory_space<any>>) target(%arg12 : memref<8x128x128xf32, #tpu.memory_space<vmem>>) target_semaphore(%arg60 : memref<!tpu.dma_semaphore, #tpu.memory_space<semaphore_mem>>)
        } else {
        }
        %eq3A_1468 = arith.constant 1 : i32
        %eq3A_1469 = arith.cmpi eq, %get3A_1456, %eq3A_1468 : i32
        %and3A_1470 = arith.andi %ne3A_1457, %eq3A_1469 : i1
        %convert_element_type3A_1471 = arith.extui %and3A_1470 : i1 to i32
        %cond3A_1472 = arith.constant 0 : i32
        %cond3A_1473 = arith.cmpi ne, %convert_element_type3A_1471, %cond3A_1472 : i32
        scf.if %cond3A_1473 {
          %dma_start3A_1480 = arith.constant 0 : i32
          %dma_start3A_1481 = arith.constant 0 : i32
          %dma_start3A_1482 = arith.constant 0 : i32
          %dma_start3A_1483 = tpu.memref_slice %arg0[%dma_start3A_1480, %add3A_1268, %dma_start3A_1481, %dma_start3A_1482] : memref<8x192x128x128xf32, #tpu.memory_space<any>> -> memref<8x1x128x128xf32, #tpu.memory_space<any>>
          %dma_start3A_1484 = tpu.memref_squeeze %dma_start3A_1483 : memref<8x1x128x128xf32, #tpu.memory_space<any>> -> memref<8x128x128xf32, #tpu.memory_space<any>>
          tpu.enqueue_dma source(%dma_start3A_1484 : memref<8x128x128xf32, #tpu.memory_space<any>>) target(%arg36 : memref<8x128x128xf32, #tpu.memory_space<vmem>>) target_semaphore(%arg84 : memref<!tpu.dma_semaphore, #tpu.memory_space<semaphore_mem>>)
        } else {
        }
        %eq3A_1474 = arith.constant 0 : i32
        %eq3A_1475 = arith.cmpi eq, %get3A_1456, %eq3A_1474 : i32
        %and3A_1476 = arith.andi %ne3A_1457, %eq3A_1475 : i1
        %convert_element_type3A_1477 = arith.extui %and3A_1476 : i1 to i32
        %cond3A_1478 = arith.constant 0 : i32
        %cond3A_1479 = arith.cmpi ne, %convert_element_type3A_1477, %cond3A_1478 : i32
        scf.if %cond3A_1479 {
          %dma_start3A_1480 = arith.constant 0 : i32
          %dma_start3A_1481 = arith.constant 0 : i32
          %dma_start3A_1482 = arith.constant 0 : i32
          %dma_start3A_1483 = tpu.memref_slice %arg1[%dma_start3A_1480, %add3A_1268, %dma_start3A_1481, %dma_start3A_1482] : memref<8x192x128x128xf32, #tpu.memory_space<any>> -> memref<8x1x128x128xf32, #tpu.memory_space<any>>
          %dma_start3A_1484 = tpu.memref_squeeze %dma_start3A_1483 : memref<8x1x128x128xf32, #tpu.memory_space<any>> -> memref<8x128x128xf32, #tpu.memory_space<any>>
          tpu.enqueue_dma source(%dma_start3A_1484 : memref<8x128x128xf32, #tpu.memory_space<any>>) target(%arg36 : memref<8x128x128xf32, #tpu.memory_space<vmem>>) target_semaphore(%arg84 : memref<!tpu.dma_semaphore, #tpu.memory_space<semaphore_mem>>)
        } else {
        }
      } else {
      }
      %mul3A_1274 = arith.constant 24 : i32
      %mul3A_1275 = arith.muli %mul3A_1274, %add3A_611 : i32
      %add3A_1276 = arith.constant 19 : i32
      %add3A_1277 = arith.addi %mul3A_1275, %add3A_1276 : i32
      %get3A_1278 = arith.index_cast %add3A_1277 : i32 to index
      %get3A_1279 = memref.load %arg2[%get3A_1278] : memref<192xi32, #tpu.memory_space<smem>>
      %get3A_1280 = arith.index_cast %add3A_1277 : i32 to index
      %get3A_1281 = memref.load %arg3[%get3A_1280] : memref<192xi32, #tpu.memory_space<smem>>
      %eq3A_1282 = arith.cmpi eq, %get3A_1279, %get3A_1281 : i32
      %dma_wait3A_1283 = arith.constant 0 : i32
      %dma_wait3A_1284 = arith.constant 0 : i32
      %dma_wait3A_1285 = arith.constant 0 : i32
      %dma_wait3A_1286 = arith.constant 0 : i32
      %dma_wait3A_1287 = tpu.memref_slice %arg0[%dma_wait3A_1284, %dma_wait3A_1283, %dma_wait3A_1285, %dma_wait3A_1286] : memref<8x192x128x128xf32, #tpu.memory_space<any>> -> memref<8x1x128x128xf32, #tpu.memory_space<any>>
      %dma_wait3A_1288 = tpu.memref_squeeze %dma_wait3A_1287 : memref<8x1x128x128xf32, #tpu.memory_space<any>> -> memref<8x128x128xf32, #tpu.memory_space<any>>
      tpu.wait_dma2 semaphore(%arg73 : memref<!tpu.dma_semaphore, #tpu.memory_space<semaphore_mem>>) src(%dma_wait3A_1288 : memref<8x128x128xf32, #tpu.memory_space<any>>) dst(%arg25 : memref<8x128x128xf32, #tpu.memory_space<vmem>>)
      %dma_start3A_1289 = arith.constant 0 : i32
      %dma_start3A_1290 = arith.constant 0 : i32
      %dma_start3A_1291 = arith.constant 0 : i32
      %dma_start3A_1292 = tpu.memref_slice %arg4[%dma_start3A_1289, %add3A_1277, %dma_start3A_1290, %dma_start3A_1291] : memref<8x192x128x128xf32, #tpu.memory_space<any>> -> memref<8x1x128x128xf32, #tpu.memory_space<any>>
      %dma_start3A_1293 = tpu.memref_squeeze %dma_start3A_1292 : memref<8x1x128x128xf32, #tpu.memory_space<any>> -> memref<8x128x128xf32, #tpu.memory_space<any>>
      tpu.enqueue_dma source(%arg25 : memref<8x128x128xf32, #tpu.memory_space<vmem>>) target(%dma_start3A_1293 : memref<8x128x128xf32, #tpu.memory_space<any>>) target_semaphore(%arg121 : memref<!tpu.dma_semaphore, #tpu.memory_space<semaphore_mem>>)
      %convert_element_type3A_1294 = arith.extui %eq3A_1282 : i1 to i32
      %cond3A_1295 = arith.constant 0 : i32
      %cond3A_1296 = arith.cmpi ne, %convert_element_type3A_1294, %cond3A_1295 : i32
      scf.if %cond3A_1296 {
        %dma_start3A_1449 = arith.constant 0 : i32
        %dma_start3A_1450 = arith.constant 0 : i32
        %dma_start3A_1451 = arith.constant 0 : i32
        %dma_start3A_1452 = tpu.memref_slice %arg5[%dma_start3A_1449, %add3A_1277, %dma_start3A_1450, %dma_start3A_1451] : memref<8x192x128x128xf32, #tpu.memory_space<any>> -> memref<8x1x128x128xf32, #tpu.memory_space<any>>
        %dma_start3A_1453 = tpu.memref_squeeze %dma_start3A_1452 : memref<8x1x128x128xf32, #tpu.memory_space<any>> -> memref<8x128x128xf32, #tpu.memory_space<any>>
        tpu.enqueue_dma source(%arg25 : memref<8x128x128xf32, #tpu.memory_space<vmem>>) target(%dma_start3A_1453 : memref<8x128x128xf32, #tpu.memory_space<any>>) target_semaphore(%arg145 : memref<!tpu.dma_semaphore, #tpu.memory_space<semaphore_mem>>)
      } else {
      }
      %not3A_1297 = arith.constant true
      %not3A_1298 = arith.xori %eq3A_1282, %not3A_1297 : i1
      %convert_element_type3A_1299 = arith.extui %not3A_1298 : i1 to i32
      %cond3A_1300 = arith.constant 0 : i32
      %cond3A_1301 = arith.cmpi ne, %convert_element_type3A_1299, %cond3A_1300 : i32
      scf.if %cond3A_1301 {
        %dma_wait3A_1449 = arith.constant 0 : i32
        %dma_wait3A_1450 = arith.constant 0 : i32
        %dma_wait3A_1451 = arith.constant 0 : i32
        %dma_wait3A_1452 = arith.constant 0 : i32
        %dma_wait3A_1453 = tpu.memref_slice %arg0[%dma_wait3A_1450, %dma_wait3A_1449, %dma_wait3A_1451, %dma_wait3A_1452] : memref<8x192x128x128xf32, #tpu.memory_space<any>> -> memref<8x1x128x128xf32, #tpu.memory_space<any>>
        %dma_wait3A_1454 = tpu.memref_squeeze %dma_wait3A_1453 : memref<8x1x128x128xf32, #tpu.memory_space<any>> -> memref<8x128x128xf32, #tpu.memory_space<any>>
        tpu.wait_dma2 semaphore(%arg97 : memref<!tpu.dma_semaphore, #tpu.memory_space<semaphore_mem>>) src(%dma_wait3A_1454 : memref<8x128x128xf32, #tpu.memory_space<any>>) dst(%arg49 : memref<8x128x128xf32, #tpu.memory_space<vmem>>)
        %dma_start3A_1455 = arith.constant 0 : i32
        %dma_start3A_1456 = arith.constant 0 : i32
        %dma_start3A_1457 = arith.constant 0 : i32
        %dma_start3A_1458 = tpu.memref_slice %arg5[%dma_start3A_1455, %add3A_1277, %dma_start3A_1456, %dma_start3A_1457] : memref<8x192x128x128xf32, #tpu.memory_space<any>> -> memref<8x1x128x128xf32, #tpu.memory_space<any>>
        %dma_start3A_1459 = tpu.memref_squeeze %dma_start3A_1458 : memref<8x1x128x128xf32, #tpu.memory_space<any>> -> memref<8x128x128xf32, #tpu.memory_space<any>>
        tpu.enqueue_dma source(%arg49 : memref<8x128x128xf32, #tpu.memory_space<vmem>>) target(%dma_start3A_1459 : memref<8x128x128xf32, #tpu.memory_space<any>>) target_semaphore(%arg145 : memref<!tpu.dma_semaphore, #tpu.memory_space<semaphore_mem>>)
      } else {
      }
      %add3A_1302 = arith.constant 12 : i32
      %add3A_1303 = arith.addi %add3A_1277, %add3A_1302 : i32
      %lt3A_1304 = arith.constant 192 : i32
      %lt3A_1305 = arith.cmpi slt, %add3A_1303, %lt3A_1304 : i32
      %convert_element_type3A_1306 = arith.extui %lt3A_1305 : i1 to i32
      %cond3A_1307 = arith.constant 0 : i32
      %cond3A_1308 = arith.cmpi ne, %convert_element_type3A_1306, %cond3A_1307 : i32
      scf.if %cond3A_1308 {
        %ge3A = arith.constant 24 : i32
        %ge3A_1449 = arith.cmpi sge, %add3A_1303, %ge3A : i32
        %convert_element_type3A_1450 = arith.extui %ge3A_1449 : i1 to i32
        %cond3A_1451 = arith.constant 0 : i32
        %cond3A_1452 = arith.cmpi ne, %convert_element_type3A_1450, %cond3A_1451 : i32
        scf.if %cond3A_1452 {
          %dma_wait3A_1480 = arith.constant 0 : i32
          %dma_wait3A_1481 = arith.constant 0 : i32
          %dma_wait3A_1482 = arith.constant 0 : i32
          %dma_wait3A_1483 = arith.constant 0 : i32
          %dma_wait3A_1484 = tpu.memref_slice %arg0[%dma_wait3A_1481, %dma_wait3A_1480, %dma_wait3A_1482, %dma_wait3A_1483] : memref<8x192x128x128xf32, #tpu.memory_space<any>> -> memref<8x1x128x128xf32, #tpu.memory_space<any>>
          %dma_wait3A_1485 = tpu.memref_squeeze %dma_wait3A_1484 : memref<8x1x128x128xf32, #tpu.memory_space<any>> -> memref<8x128x128xf32, #tpu.memory_space<any>>
          tpu.wait_dma2 semaphore(%arg109 : memref<!tpu.dma_semaphore, #tpu.memory_space<semaphore_mem>>) src(%dma_wait3A_1485 : memref<8x128x128xf32, #tpu.memory_space<any>>) dst(%arg13 : memref<8x128x128xf32, #tpu.memory_space<vmem>>)
          %dma_wait3A_1486 = arith.constant 0 : i32
          %dma_wait3A_1487 = arith.constant 0 : i32
          %dma_wait3A_1488 = arith.constant 0 : i32
          %dma_wait3A_1489 = arith.constant 0 : i32
          %dma_wait3A_1490 = tpu.memref_slice %arg0[%dma_wait3A_1487, %dma_wait3A_1486, %dma_wait3A_1488, %dma_wait3A_1489] : memref<8x192x128x128xf32, #tpu.memory_space<any>> -> memref<8x1x128x128xf32, #tpu.memory_space<any>>
          %dma_wait3A_1491 = tpu.memref_squeeze %dma_wait3A_1490 : memref<8x1x128x128xf32, #tpu.memory_space<any>> -> memref<8x128x128xf32, #tpu.memory_space<any>>
          tpu.wait_dma2 semaphore(%arg133 : memref<!tpu.dma_semaphore, #tpu.memory_space<semaphore_mem>>) src(%dma_wait3A_1491 : memref<8x128x128xf32, #tpu.memory_space<any>>) dst(%arg13 : memref<8x128x128xf32, #tpu.memory_space<vmem>>)
        } else {
        }
        %get3A_1453 = arith.index_cast %add3A_1303 : i32 to index
        %get3A_1454 = memref.load %arg2[%get3A_1453] : memref<192xi32, #tpu.memory_space<smem>>
        %get3A_1455 = arith.index_cast %add3A_1303 : i32 to index
        %get3A_1456 = memref.load %arg3[%get3A_1455] : memref<192xi32, #tpu.memory_space<smem>>
        %ne3A_1457 = arith.cmpi ne, %get3A_1454, %get3A_1456 : i32
        %eq3A_1458 = arith.constant 1 : i32
        %eq3A_1459 = arith.cmpi eq, %get3A_1454, %eq3A_1458 : i32
        %convert_element_type3A_1460 = arith.extui %eq3A_1459 : i1 to i32
        %cond3A_1461 = arith.constant 0 : i32
        %cond3A_1462 = arith.cmpi ne, %convert_element_type3A_1460, %cond3A_1461 : i32
        scf.if %cond3A_1462 {
          %dma_start3A_1480 = arith.constant 0 : i32
          %dma_start3A_1481 = arith.constant 0 : i32
          %dma_start3A_1482 = arith.constant 0 : i32
          %dma_start3A_1483 = tpu.memref_slice %arg0[%dma_start3A_1480, %add3A_1303, %dma_start3A_1481, %dma_start3A_1482] : memref<8x192x128x128xf32, #tpu.memory_space<any>> -> memref<8x1x128x128xf32, #tpu.memory_space<any>>
          %dma_start3A_1484 = tpu.memref_squeeze %dma_start3A_1483 : memref<8x1x128x128xf32, #tpu.memory_space<any>> -> memref<8x128x128xf32, #tpu.memory_space<any>>
          tpu.enqueue_dma source(%dma_start3A_1484 : memref<8x128x128xf32, #tpu.memory_space<any>>) target(%arg13 : memref<8x128x128xf32, #tpu.memory_space<vmem>>) target_semaphore(%arg61 : memref<!tpu.dma_semaphore, #tpu.memory_space<semaphore_mem>>)
        } else {
        }
        %eq3A_1463 = arith.constant 0 : i32
        %eq3A_1464 = arith.cmpi eq, %get3A_1454, %eq3A_1463 : i32
        %convert_element_type3A_1465 = arith.extui %eq3A_1464 : i1 to i32
        %cond3A_1466 = arith.constant 0 : i32
        %cond3A_1467 = arith.cmpi ne, %convert_element_type3A_1465, %cond3A_1466 : i32
        scf.if %cond3A_1467 {
          %dma_start3A_1480 = arith.constant 0 : i32
          %dma_start3A_1481 = arith.constant 0 : i32
          %dma_start3A_1482 = arith.constant 0 : i32
          %dma_start3A_1483 = tpu.memref_slice %arg1[%dma_start3A_1480, %add3A_1303, %dma_start3A_1481, %dma_start3A_1482] : memref<8x192x128x128xf32, #tpu.memory_space<any>> -> memref<8x1x128x128xf32, #tpu.memory_space<any>>
          %dma_start3A_1484 = tpu.memref_squeeze %dma_start3A_1483 : memref<8x1x128x128xf32, #tpu.memory_space<any>> -> memref<8x128x128xf32, #tpu.memory_space<any>>
          tpu.enqueue_dma source(%dma_start3A_1484 : memref<8x128x128xf32, #tpu.memory_space<any>>) target(%arg13 : memref<8x128x128xf32, #tpu.memory_space<vmem>>) target_semaphore(%arg61 : memref<!tpu.dma_semaphore, #tpu.memory_space<semaphore_mem>>)
        } else {
        }
        %eq3A_1468 = arith.constant 1 : i32
        %eq3A_1469 = arith.cmpi eq, %get3A_1456, %eq3A_1468 : i32
        %and3A_1470 = arith.andi %ne3A_1457, %eq3A_1469 : i1
        %convert_element_type3A_1471 = arith.extui %and3A_1470 : i1 to i32
        %cond3A_1472 = arith.constant 0 : i32
        %cond3A_1473 = arith.cmpi ne, %convert_element_type3A_1471, %cond3A_1472 : i32
        scf.if %cond3A_1473 {
          %dma_start3A_1480 = arith.constant 0 : i32
          %dma_start3A_1481 = arith.constant 0 : i32
          %dma_start3A_1482 = arith.constant 0 : i32
          %dma_start3A_1483 = tpu.memref_slice %arg0[%dma_start3A_1480, %add3A_1303, %dma_start3A_1481, %dma_start3A_1482] : memref<8x192x128x128xf32, #tpu.memory_space<any>> -> memref<8x1x128x128xf32, #tpu.memory_space<any>>
          %dma_start3A_1484 = tpu.memref_squeeze %dma_start3A_1483 : memref<8x1x128x128xf32, #tpu.memory_space<any>> -> memref<8x128x128xf32, #tpu.memory_space<any>>
          tpu.enqueue_dma source(%dma_start3A_1484 : memref<8x128x128xf32, #tpu.memory_space<any>>) target(%arg37 : memref<8x128x128xf32, #tpu.memory_space<vmem>>) target_semaphore(%arg85 : memref<!tpu.dma_semaphore, #tpu.memory_space<semaphore_mem>>)
        } else {
        }
        %eq3A_1474 = arith.constant 0 : i32
        %eq3A_1475 = arith.cmpi eq, %get3A_1456, %eq3A_1474 : i32
        %and3A_1476 = arith.andi %ne3A_1457, %eq3A_1475 : i1
        %convert_element_type3A_1477 = arith.extui %and3A_1476 : i1 to i32
        %cond3A_1478 = arith.constant 0 : i32
        %cond3A_1479 = arith.cmpi ne, %convert_element_type3A_1477, %cond3A_1478 : i32
        scf.if %cond3A_1479 {
          %dma_start3A_1480 = arith.constant 0 : i32
          %dma_start3A_1481 = arith.constant 0 : i32
          %dma_start3A_1482 = arith.constant 0 : i32
          %dma_start3A_1483 = tpu.memref_slice %arg1[%dma_start3A_1480, %add3A_1303, %dma_start3A_1481, %dma_start3A_1482] : memref<8x192x128x128xf32, #tpu.memory_space<any>> -> memref<8x1x128x128xf32, #tpu.memory_space<any>>
          %dma_start3A_1484 = tpu.memref_squeeze %dma_start3A_1483 : memref<8x1x128x128xf32, #tpu.memory_space<any>> -> memref<8x128x128xf32, #tpu.memory_space<any>>
          tpu.enqueue_dma source(%dma_start3A_1484 : memref<8x128x128xf32, #tpu.memory_space<any>>) target(%arg37 : memref<8x128x128xf32, #tpu.memory_space<vmem>>) target_semaphore(%arg85 : memref<!tpu.dma_semaphore, #tpu.memory_space<semaphore_mem>>)
        } else {
        }
      } else {
      }
      %mul3A_1309 = arith.constant 24 : i32
      %mul3A_1310 = arith.muli %mul3A_1309, %add3A_611 : i32
      %add3A_1311 = arith.constant 20 : i32
      %add3A_1312 = arith.addi %mul3A_1310, %add3A_1311 : i32
      %get3A_1313 = arith.index_cast %add3A_1312 : i32 to index
      %get3A_1314 = memref.load %arg2[%get3A_1313] : memref<192xi32, #tpu.memory_space<smem>>
      %get3A_1315 = arith.index_cast %add3A_1312 : i32 to index
      %get3A_1316 = memref.load %arg3[%get3A_1315] : memref<192xi32, #tpu.memory_space<smem>>
      %eq3A_1317 = arith.cmpi eq, %get3A_1314, %get3A_1316 : i32
      %dma_wait3A_1318 = arith.constant 0 : i32
      %dma_wait3A_1319 = arith.constant 0 : i32
      %dma_wait3A_1320 = arith.constant 0 : i32
      %dma_wait3A_1321 = arith.constant 0 : i32
      %dma_wait3A_1322 = tpu.memref_slice %arg0[%dma_wait3A_1319, %dma_wait3A_1318, %dma_wait3A_1320, %dma_wait3A_1321] : memref<8x192x128x128xf32, #tpu.memory_space<any>> -> memref<8x1x128x128xf32, #tpu.memory_space<any>>
      %dma_wait3A_1323 = tpu.memref_squeeze %dma_wait3A_1322 : memref<8x1x128x128xf32, #tpu.memory_space<any>> -> memref<8x128x128xf32, #tpu.memory_space<any>>
      tpu.wait_dma2 semaphore(%arg74 : memref<!tpu.dma_semaphore, #tpu.memory_space<semaphore_mem>>) src(%dma_wait3A_1323 : memref<8x128x128xf32, #tpu.memory_space<any>>) dst(%arg26 : memref<8x128x128xf32, #tpu.memory_space<vmem>>)
      %dma_start3A_1324 = arith.constant 0 : i32
      %dma_start3A_1325 = arith.constant 0 : i32
      %dma_start3A_1326 = arith.constant 0 : i32
      %dma_start3A_1327 = tpu.memref_slice %arg4[%dma_start3A_1324, %add3A_1312, %dma_start3A_1325, %dma_start3A_1326] : memref<8x192x128x128xf32, #tpu.memory_space<any>> -> memref<8x1x128x128xf32, #tpu.memory_space<any>>
      %dma_start3A_1328 = tpu.memref_squeeze %dma_start3A_1327 : memref<8x1x128x128xf32, #tpu.memory_space<any>> -> memref<8x128x128xf32, #tpu.memory_space<any>>
      tpu.enqueue_dma source(%arg26 : memref<8x128x128xf32, #tpu.memory_space<vmem>>) target(%dma_start3A_1328 : memref<8x128x128xf32, #tpu.memory_space<any>>) target_semaphore(%arg122 : memref<!tpu.dma_semaphore, #tpu.memory_space<semaphore_mem>>)
      %convert_element_type3A_1329 = arith.extui %eq3A_1317 : i1 to i32
      %cond3A_1330 = arith.constant 0 : i32
      %cond3A_1331 = arith.cmpi ne, %convert_element_type3A_1329, %cond3A_1330 : i32
      scf.if %cond3A_1331 {
        %dma_start3A_1449 = arith.constant 0 : i32
        %dma_start3A_1450 = arith.constant 0 : i32
        %dma_start3A_1451 = arith.constant 0 : i32
        %dma_start3A_1452 = tpu.memref_slice %arg5[%dma_start3A_1449, %add3A_1312, %dma_start3A_1450, %dma_start3A_1451] : memref<8x192x128x128xf32, #tpu.memory_space<any>> -> memref<8x1x128x128xf32, #tpu.memory_space<any>>
        %dma_start3A_1453 = tpu.memref_squeeze %dma_start3A_1452 : memref<8x1x128x128xf32, #tpu.memory_space<any>> -> memref<8x128x128xf32, #tpu.memory_space<any>>
        tpu.enqueue_dma source(%arg26 : memref<8x128x128xf32, #tpu.memory_space<vmem>>) target(%dma_start3A_1453 : memref<8x128x128xf32, #tpu.memory_space<any>>) target_semaphore(%arg146 : memref<!tpu.dma_semaphore, #tpu.memory_space<semaphore_mem>>)
      } else {
      }
      %not3A_1332 = arith.constant true
      %not3A_1333 = arith.xori %eq3A_1317, %not3A_1332 : i1
      %convert_element_type3A_1334 = arith.extui %not3A_1333 : i1 to i32
      %cond3A_1335 = arith.constant 0 : i32
      %cond3A_1336 = arith.cmpi ne, %convert_element_type3A_1334, %cond3A_1335 : i32
      scf.if %cond3A_1336 {
        %dma_wait3A_1449 = arith.constant 0 : i32
        %dma_wait3A_1450 = arith.constant 0 : i32
        %dma_wait3A_1451 = arith.constant 0 : i32
        %dma_wait3A_1452 = arith.constant 0 : i32
        %dma_wait3A_1453 = tpu.memref_slice %arg0[%dma_wait3A_1450, %dma_wait3A_1449, %dma_wait3A_1451, %dma_wait3A_1452] : memref<8x192x128x128xf32, #tpu.memory_space<any>> -> memref<8x1x128x128xf32, #tpu.memory_space<any>>
        %dma_wait3A_1454 = tpu.memref_squeeze %dma_wait3A_1453 : memref<8x1x128x128xf32, #tpu.memory_space<any>> -> memref<8x128x128xf32, #tpu.memory_space<any>>
        tpu.wait_dma2 semaphore(%arg98 : memref<!tpu.dma_semaphore, #tpu.memory_space<semaphore_mem>>) src(%dma_wait3A_1454 : memref<8x128x128xf32, #tpu.memory_space<any>>) dst(%arg50 : memref<8x128x128xf32, #tpu.memory_space<vmem>>)
        %dma_start3A_1455 = arith.constant 0 : i32
        %dma_start3A_1456 = arith.constant 0 : i32
        %dma_start3A_1457 = arith.constant 0 : i32
        %dma_start3A_1458 = tpu.memref_slice %arg5[%dma_start3A_1455, %add3A_1312, %dma_start3A_1456, %dma_start3A_1457] : memref<8x192x128x128xf32, #tpu.memory_space<any>> -> memref<8x1x128x128xf32, #tpu.memory_space<any>>
        %dma_start3A_1459 = tpu.memref_squeeze %dma_start3A_1458 : memref<8x1x128x128xf32, #tpu.memory_space<any>> -> memref<8x128x128xf32, #tpu.memory_space<any>>
        tpu.enqueue_dma source(%arg50 : memref<8x128x128xf32, #tpu.memory_space<vmem>>) target(%dma_start3A_1459 : memref<8x128x128xf32, #tpu.memory_space<any>>) target_semaphore(%arg146 : memref<!tpu.dma_semaphore, #tpu.memory_space<semaphore_mem>>)
      } else {
      }
      %add3A_1337 = arith.constant 12 : i32
      %add3A_1338 = arith.addi %add3A_1312, %add3A_1337 : i32
      %lt3A_1339 = arith.constant 192 : i32
      %lt3A_1340 = arith.cmpi slt, %add3A_1338, %lt3A_1339 : i32
      %convert_element_type3A_1341 = arith.extui %lt3A_1340 : i1 to i32
      %cond3A_1342 = arith.constant 0 : i32
      %cond3A_1343 = arith.cmpi ne, %convert_element_type3A_1341, %cond3A_1342 : i32
      scf.if %cond3A_1343 {
        %ge3A = arith.constant 24 : i32
        %ge3A_1449 = arith.cmpi sge, %add3A_1338, %ge3A : i32
        %convert_element_type3A_1450 = arith.extui %ge3A_1449 : i1 to i32
        %cond3A_1451 = arith.constant 0 : i32
        %cond3A_1452 = arith.cmpi ne, %convert_element_type3A_1450, %cond3A_1451 : i32
        scf.if %cond3A_1452 {
          %dma_wait3A_1480 = arith.constant 0 : i32
          %dma_wait3A_1481 = arith.constant 0 : i32
          %dma_wait3A_1482 = arith.constant 0 : i32
          %dma_wait3A_1483 = arith.constant 0 : i32
          %dma_wait3A_1484 = tpu.memref_slice %arg0[%dma_wait3A_1481, %dma_wait3A_1480, %dma_wait3A_1482, %dma_wait3A_1483] : memref<8x192x128x128xf32, #tpu.memory_space<any>> -> memref<8x1x128x128xf32, #tpu.memory_space<any>>
          %dma_wait3A_1485 = tpu.memref_squeeze %dma_wait3A_1484 : memref<8x1x128x128xf32, #tpu.memory_space<any>> -> memref<8x128x128xf32, #tpu.memory_space<any>>
          tpu.wait_dma2 semaphore(%arg110 : memref<!tpu.dma_semaphore, #tpu.memory_space<semaphore_mem>>) src(%dma_wait3A_1485 : memref<8x128x128xf32, #tpu.memory_space<any>>) dst(%arg14 : memref<8x128x128xf32, #tpu.memory_space<vmem>>)
          %dma_wait3A_1486 = arith.constant 0 : i32
          %dma_wait3A_1487 = arith.constant 0 : i32
          %dma_wait3A_1488 = arith.constant 0 : i32
          %dma_wait3A_1489 = arith.constant 0 : i32
          %dma_wait3A_1490 = tpu.memref_slice %arg0[%dma_wait3A_1487, %dma_wait3A_1486, %dma_wait3A_1488, %dma_wait3A_1489] : memref<8x192x128x128xf32, #tpu.memory_space<any>> -> memref<8x1x128x128xf32, #tpu.memory_space<any>>
          %dma_wait3A_1491 = tpu.memref_squeeze %dma_wait3A_1490 : memref<8x1x128x128xf32, #tpu.memory_space<any>> -> memref<8x128x128xf32, #tpu.memory_space<any>>
          tpu.wait_dma2 semaphore(%arg134 : memref<!tpu.dma_semaphore, #tpu.memory_space<semaphore_mem>>) src(%dma_wait3A_1491 : memref<8x128x128xf32, #tpu.memory_space<any>>) dst(%arg14 : memref<8x128x128xf32, #tpu.memory_space<vmem>>)
        } else {
        }
        %get3A_1453 = arith.index_cast %add3A_1338 : i32 to index
        %get3A_1454 = memref.load %arg2[%get3A_1453] : memref<192xi32, #tpu.memory_space<smem>>
        %get3A_1455 = arith.index_cast %add3A_1338 : i32 to index
        %get3A_1456 = memref.load %arg3[%get3A_1455] : memref<192xi32, #tpu.memory_space<smem>>
        %ne3A_1457 = arith.cmpi ne, %get3A_1454, %get3A_1456 : i32
        %eq3A_1458 = arith.constant 1 : i32
        %eq3A_1459 = arith.cmpi eq, %get3A_1454, %eq3A_1458 : i32
        %convert_element_type3A_1460 = arith.extui %eq3A_1459 : i1 to i32
        %cond3A_1461 = arith.constant 0 : i32
        %cond3A_1462 = arith.cmpi ne, %convert_element_type3A_1460, %cond3A_1461 : i32
        scf.if %cond3A_1462 {
          %dma_start3A_1480 = arith.constant 0 : i32
          %dma_start3A_1481 = arith.constant 0 : i32
          %dma_start3A_1482 = arith.constant 0 : i32
          %dma_start3A_1483 = tpu.memref_slice %arg0[%dma_start3A_1480, %add3A_1338, %dma_start3A_1481, %dma_start3A_1482] : memref<8x192x128x128xf32, #tpu.memory_space<any>> -> memref<8x1x128x128xf32, #tpu.memory_space<any>>
          %dma_start3A_1484 = tpu.memref_squeeze %dma_start3A_1483 : memref<8x1x128x128xf32, #tpu.memory_space<any>> -> memref<8x128x128xf32, #tpu.memory_space<any>>
          tpu.enqueue_dma source(%dma_start3A_1484 : memref<8x128x128xf32, #tpu.memory_space<any>>) target(%arg14 : memref<8x128x128xf32, #tpu.memory_space<vmem>>) target_semaphore(%arg62 : memref<!tpu.dma_semaphore, #tpu.memory_space<semaphore_mem>>)
        } else {
        }
        %eq3A_1463 = arith.constant 0 : i32
        %eq3A_1464 = arith.cmpi eq, %get3A_1454, %eq3A_1463 : i32
        %convert_element_type3A_1465 = arith.extui %eq3A_1464 : i1 to i32
        %cond3A_1466 = arith.constant 0 : i32
        %cond3A_1467 = arith.cmpi ne, %convert_element_type3A_1465, %cond3A_1466 : i32
        scf.if %cond3A_1467 {
          %dma_start3A_1480 = arith.constant 0 : i32
          %dma_start3A_1481 = arith.constant 0 : i32
          %dma_start3A_1482 = arith.constant 0 : i32
          %dma_start3A_1483 = tpu.memref_slice %arg1[%dma_start3A_1480, %add3A_1338, %dma_start3A_1481, %dma_start3A_1482] : memref<8x192x128x128xf32, #tpu.memory_space<any>> -> memref<8x1x128x128xf32, #tpu.memory_space<any>>
          %dma_start3A_1484 = tpu.memref_squeeze %dma_start3A_1483 : memref<8x1x128x128xf32, #tpu.memory_space<any>> -> memref<8x128x128xf32, #tpu.memory_space<any>>
          tpu.enqueue_dma source(%dma_start3A_1484 : memref<8x128x128xf32, #tpu.memory_space<any>>) target(%arg14 : memref<8x128x128xf32, #tpu.memory_space<vmem>>) target_semaphore(%arg62 : memref<!tpu.dma_semaphore, #tpu.memory_space<semaphore_mem>>)
        } else {
        }
        %eq3A_1468 = arith.constant 1 : i32
        %eq3A_1469 = arith.cmpi eq, %get3A_1456, %eq3A_1468 : i32
        %and3A_1470 = arith.andi %ne3A_1457, %eq3A_1469 : i1
        %convert_element_type3A_1471 = arith.extui %and3A_1470 : i1 to i32
        %cond3A_1472 = arith.constant 0 : i32
        %cond3A_1473 = arith.cmpi ne, %convert_element_type3A_1471, %cond3A_1472 : i32
        scf.if %cond3A_1473 {
          %dma_start3A_1480 = arith.constant 0 : i32
          %dma_start3A_1481 = arith.constant 0 : i32
          %dma_start3A_1482 = arith.constant 0 : i32
          %dma_start3A_1483 = tpu.memref_slice %arg0[%dma_start3A_1480, %add3A_1338, %dma_start3A_1481, %dma_start3A_1482] : memref<8x192x128x128xf32, #tpu.memory_space<any>> -> memref<8x1x128x128xf32, #tpu.memory_space<any>>
          %dma_start3A_1484 = tpu.memref_squeeze %dma_start3A_1483 : memref<8x1x128x128xf32, #tpu.memory_space<any>> -> memref<8x128x128xf32, #tpu.memory_space<any>>
          tpu.enqueue_dma source(%dma_start3A_1484 : memref<8x128x128xf32, #tpu.memory_space<any>>) target(%arg38 : memref<8x128x128xf32, #tpu.memory_space<vmem>>) target_semaphore(%arg86 : memref<!tpu.dma_semaphore, #tpu.memory_space<semaphore_mem>>)
        } else {
        }
        %eq3A_1474 = arith.constant 0 : i32
        %eq3A_1475 = arith.cmpi eq, %get3A_1456, %eq3A_1474 : i32
        %and3A_1476 = arith.andi %ne3A_1457, %eq3A_1475 : i1
        %convert_element_type3A_1477 = arith.extui %and3A_1476 : i1 to i32
        %cond3A_1478 = arith.constant 0 : i32
        %cond3A_1479 = arith.cmpi ne, %convert_element_type3A_1477, %cond3A_1478 : i32
        scf.if %cond3A_1479 {
          %dma_start3A_1480 = arith.constant 0 : i32
          %dma_start3A_1481 = arith.constant 0 : i32
          %dma_start3A_1482 = arith.constant 0 : i32
          %dma_start3A_1483 = tpu.memref_slice %arg1[%dma_start3A_1480, %add3A_1338, %dma_start3A_1481, %dma_start3A_1482] : memref<8x192x128x128xf32, #tpu.memory_space<any>> -> memref<8x1x128x128xf32, #tpu.memory_space<any>>
          %dma_start3A_1484 = tpu.memref_squeeze %dma_start3A_1483 : memref<8x1x128x128xf32, #tpu.memory_space<any>> -> memref<8x128x128xf32, #tpu.memory_space<any>>
          tpu.enqueue_dma source(%dma_start3A_1484 : memref<8x128x128xf32, #tpu.memory_space<any>>) target(%arg38 : memref<8x128x128xf32, #tpu.memory_space<vmem>>) target_semaphore(%arg86 : memref<!tpu.dma_semaphore, #tpu.memory_space<semaphore_mem>>)
        } else {
        }
      } else {
      }
      %mul3A_1344 = arith.constant 24 : i32
      %mul3A_1345 = arith.muli %mul3A_1344, %add3A_611 : i32
      %add3A_1346 = arith.constant 21 : i32
      %add3A_1347 = arith.addi %mul3A_1345, %add3A_1346 : i32
      %get3A_1348 = arith.index_cast %add3A_1347 : i32 to index
      %get3A_1349 = memref.load %arg2[%get3A_1348] : memref<192xi32, #tpu.memory_space<smem>>
      %get3A_1350 = arith.index_cast %add3A_1347 : i32 to index
      %get3A_1351 = memref.load %arg3[%get3A_1350] : memref<192xi32, #tpu.memory_space<smem>>
      %eq3A_1352 = arith.cmpi eq, %get3A_1349, %get3A_1351 : i32
      %dma_wait3A_1353 = arith.constant 0 : i32
      %dma_wait3A_1354 = arith.constant 0 : i32
      %dma_wait3A_1355 = arith.constant 0 : i32
      %dma_wait3A_1356 = arith.constant 0 : i32
      %dma_wait3A_1357 = tpu.memref_slice %arg0[%dma_wait3A_1354, %dma_wait3A_1353, %dma_wait3A_1355, %dma_wait3A_1356] : memref<8x192x128x128xf32, #tpu.memory_space<any>> -> memref<8x1x128x128xf32, #tpu.memory_space<any>>
      %dma_wait3A_1358 = tpu.memref_squeeze %dma_wait3A_1357 : memref<8x1x128x128xf32, #tpu.memory_space<any>> -> memref<8x128x128xf32, #tpu.memory_space<any>>
      tpu.wait_dma2 semaphore(%arg75 : memref<!tpu.dma_semaphore, #tpu.memory_space<semaphore_mem>>) src(%dma_wait3A_1358 : memref<8x128x128xf32, #tpu.memory_space<any>>) dst(%arg27 : memref<8x128x128xf32, #tpu.memory_space<vmem>>)
      %dma_start3A_1359 = arith.constant 0 : i32
      %dma_start3A_1360 = arith.constant 0 : i32
      %dma_start3A_1361 = arith.constant 0 : i32
      %dma_start3A_1362 = tpu.memref_slice %arg4[%dma_start3A_1359, %add3A_1347, %dma_start3A_1360, %dma_start3A_1361] : memref<8x192x128x128xf32, #tpu.memory_space<any>> -> memref<8x1x128x128xf32, #tpu.memory_space<any>>
      %dma_start3A_1363 = tpu.memref_squeeze %dma_start3A_1362 : memref<8x1x128x128xf32, #tpu.memory_space<any>> -> memref<8x128x128xf32, #tpu.memory_space<any>>
      tpu.enqueue_dma source(%arg27 : memref<8x128x128xf32, #tpu.memory_space<vmem>>) target(%dma_start3A_1363 : memref<8x128x128xf32, #tpu.memory_space<any>>) target_semaphore(%arg123 : memref<!tpu.dma_semaphore, #tpu.memory_space<semaphore_mem>>)
      %convert_element_type3A_1364 = arith.extui %eq3A_1352 : i1 to i32
      %cond3A_1365 = arith.constant 0 : i32
      %cond3A_1366 = arith.cmpi ne, %convert_element_type3A_1364, %cond3A_1365 : i32
      scf.if %cond3A_1366 {
        %dma_start3A_1449 = arith.constant 0 : i32
        %dma_start3A_1450 = arith.constant 0 : i32
        %dma_start3A_1451 = arith.constant 0 : i32
        %dma_start3A_1452 = tpu.memref_slice %arg5[%dma_start3A_1449, %add3A_1347, %dma_start3A_1450, %dma_start3A_1451] : memref<8x192x128x128xf32, #tpu.memory_space<any>> -> memref<8x1x128x128xf32, #tpu.memory_space<any>>
        %dma_start3A_1453 = tpu.memref_squeeze %dma_start3A_1452 : memref<8x1x128x128xf32, #tpu.memory_space<any>> -> memref<8x128x128xf32, #tpu.memory_space<any>>
        tpu.enqueue_dma source(%arg27 : memref<8x128x128xf32, #tpu.memory_space<vmem>>) target(%dma_start3A_1453 : memref<8x128x128xf32, #tpu.memory_space<any>>) target_semaphore(%arg147 : memref<!tpu.dma_semaphore, #tpu.memory_space<semaphore_mem>>)
      } else {
      }
      %not3A_1367 = arith.constant true
      %not3A_1368 = arith.xori %eq3A_1352, %not3A_1367 : i1
      %convert_element_type3A_1369 = arith.extui %not3A_1368 : i1 to i32
      %cond3A_1370 = arith.constant 0 : i32
      %cond3A_1371 = arith.cmpi ne, %convert_element_type3A_1369, %cond3A_1370 : i32
      scf.if %cond3A_1371 {
        %dma_wait3A_1449 = arith.constant 0 : i32
        %dma_wait3A_1450 = arith.constant 0 : i32
        %dma_wait3A_1451 = arith.constant 0 : i32
        %dma_wait3A_1452 = arith.constant 0 : i32
        %dma_wait3A_1453 = tpu.memref_slice %arg0[%dma_wait3A_1450, %dma_wait3A_1449, %dma_wait3A_1451, %dma_wait3A_1452] : memref<8x192x128x128xf32, #tpu.memory_space<any>> -> memref<8x1x128x128xf32, #tpu.memory_space<any>>
        %dma_wait3A_1454 = tpu.memref_squeeze %dma_wait3A_1453 : memref<8x1x128x128xf32, #tpu.memory_space<any>> -> memref<8x128x128xf32, #tpu.memory_space<any>>
        tpu.wait_dma2 semaphore(%arg99 : memref<!tpu.dma_semaphore, #tpu.memory_space<semaphore_mem>>) src(%dma_wait3A_1454 : memref<8x128x128xf32, #tpu.memory_space<any>>) dst(%arg51 : memref<8x128x128xf32, #tpu.memory_space<vmem>>)
        %dma_start3A_1455 = arith.constant 0 : i32
        %dma_start3A_1456 = arith.constant 0 : i32
        %dma_start3A_1457 = arith.constant 0 : i32
        %dma_start3A_1458 = tpu.memref_slice %arg5[%dma_start3A_1455, %add3A_1347, %dma_start3A_1456, %dma_start3A_1457] : memref<8x192x128x128xf32, #tpu.memory_space<any>> -> memref<8x1x128x128xf32, #tpu.memory_space<any>>
        %dma_start3A_1459 = tpu.memref_squeeze %dma_start3A_1458 : memref<8x1x128x128xf32, #tpu.memory_space<any>> -> memref<8x128x128xf32, #tpu.memory_space<any>>
        tpu.enqueue_dma source(%arg51 : memref<8x128x128xf32, #tpu.memory_space<vmem>>) target(%dma_start3A_1459 : memref<8x128x128xf32, #tpu.memory_space<any>>) target_semaphore(%arg147 : memref<!tpu.dma_semaphore, #tpu.memory_space<semaphore_mem>>)
      } else {
      }
      %add3A_1372 = arith.constant 12 : i32
      %add3A_1373 = arith.addi %add3A_1347, %add3A_1372 : i32
      %lt3A_1374 = arith.constant 192 : i32
      %lt3A_1375 = arith.cmpi slt, %add3A_1373, %lt3A_1374 : i32
      %convert_element_type3A_1376 = arith.extui %lt3A_1375 : i1 to i32
      %cond3A_1377 = arith.constant 0 : i32
      %cond3A_1378 = arith.cmpi ne, %convert_element_type3A_1376, %cond3A_1377 : i32
      scf.if %cond3A_1378 {
        %ge3A = arith.constant 24 : i32
        %ge3A_1449 = arith.cmpi sge, %add3A_1373, %ge3A : i32
        %convert_element_type3A_1450 = arith.extui %ge3A_1449 : i1 to i32
        %cond3A_1451 = arith.constant 0 : i32
        %cond3A_1452 = arith.cmpi ne, %convert_element_type3A_1450, %cond3A_1451 : i32
        scf.if %cond3A_1452 {
          %dma_wait3A_1480 = arith.constant 0 : i32
          %dma_wait3A_1481 = arith.constant 0 : i32
          %dma_wait3A_1482 = arith.constant 0 : i32
          %dma_wait3A_1483 = arith.constant 0 : i32
          %dma_wait3A_1484 = tpu.memref_slice %arg0[%dma_wait3A_1481, %dma_wait3A_1480, %dma_wait3A_1482, %dma_wait3A_1483] : memref<8x192x128x128xf32, #tpu.memory_space<any>> -> memref<8x1x128x128xf32, #tpu.memory_space<any>>
          %dma_wait3A_1485 = tpu.memref_squeeze %dma_wait3A_1484 : memref<8x1x128x128xf32, #tpu.memory_space<any>> -> memref<8x128x128xf32, #tpu.memory_space<any>>
          tpu.wait_dma2 semaphore(%arg111 : memref<!tpu.dma_semaphore, #tpu.memory_space<semaphore_mem>>) src(%dma_wait3A_1485 : memref<8x128x128xf32, #tpu.memory_space<any>>) dst(%arg15 : memref<8x128x128xf32, #tpu.memory_space<vmem>>)
          %dma_wait3A_1486 = arith.constant 0 : i32
          %dma_wait3A_1487 = arith.constant 0 : i32
          %dma_wait3A_1488 = arith.constant 0 : i32
          %dma_wait3A_1489 = arith.constant 0 : i32
          %dma_wait3A_1490 = tpu.memref_slice %arg0[%dma_wait3A_1487, %dma_wait3A_1486, %dma_wait3A_1488, %dma_wait3A_1489] : memref<8x192x128x128xf32, #tpu.memory_space<any>> -> memref<8x1x128x128xf32, #tpu.memory_space<any>>
          %dma_wait3A_1491 = tpu.memref_squeeze %dma_wait3A_1490 : memref<8x1x128x128xf32, #tpu.memory_space<any>> -> memref<8x128x128xf32, #tpu.memory_space<any>>
          tpu.wait_dma2 semaphore(%arg135 : memref<!tpu.dma_semaphore, #tpu.memory_space<semaphore_mem>>) src(%dma_wait3A_1491 : memref<8x128x128xf32, #tpu.memory_space<any>>) dst(%arg15 : memref<8x128x128xf32, #tpu.memory_space<vmem>>)
        } else {
        }
        %get3A_1453 = arith.index_cast %add3A_1373 : i32 to index
        %get3A_1454 = memref.load %arg2[%get3A_1453] : memref<192xi32, #tpu.memory_space<smem>>
        %get3A_1455 = arith.index_cast %add3A_1373 : i32 to index
        %get3A_1456 = memref.load %arg3[%get3A_1455] : memref<192xi32, #tpu.memory_space<smem>>
        %ne3A_1457 = arith.cmpi ne, %get3A_1454, %get3A_1456 : i32
        %eq3A_1458 = arith.constant 1 : i32
        %eq3A_1459 = arith.cmpi eq, %get3A_1454, %eq3A_1458 : i32
        %convert_element_type3A_1460 = arith.extui %eq3A_1459 : i1 to i32
        %cond3A_1461 = arith.constant 0 : i32
        %cond3A_1462 = arith.cmpi ne, %convert_element_type3A_1460, %cond3A_1461 : i32
        scf.if %cond3A_1462 {
          %dma_start3A_1480 = arith.constant 0 : i32
          %dma_start3A_1481 = arith.constant 0 : i32
          %dma_start3A_1482 = arith.constant 0 : i32
          %dma_start3A_1483 = tpu.memref_slice %arg0[%dma_start3A_1480, %add3A_1373, %dma_start3A_1481, %dma_start3A_1482] : memref<8x192x128x128xf32, #tpu.memory_space<any>> -> memref<8x1x128x128xf32, #tpu.memory_space<any>>
          %dma_start3A_1484 = tpu.memref_squeeze %dma_start3A_1483 : memref<8x1x128x128xf32, #tpu.memory_space<any>> -> memref<8x128x128xf32, #tpu.memory_space<any>>
          tpu.enqueue_dma source(%dma_start3A_1484 : memref<8x128x128xf32, #tpu.memory_space<any>>) target(%arg15 : memref<8x128x128xf32, #tpu.memory_space<vmem>>) target_semaphore(%arg63 : memref<!tpu.dma_semaphore, #tpu.memory_space<semaphore_mem>>)
        } else {
        }
        %eq3A_1463 = arith.constant 0 : i32
        %eq3A_1464 = arith.cmpi eq, %get3A_1454, %eq3A_1463 : i32
        %convert_element_type3A_1465 = arith.extui %eq3A_1464 : i1 to i32
        %cond3A_1466 = arith.constant 0 : i32
        %cond3A_1467 = arith.cmpi ne, %convert_element_type3A_1465, %cond3A_1466 : i32
        scf.if %cond3A_1467 {
          %dma_start3A_1480 = arith.constant 0 : i32
          %dma_start3A_1481 = arith.constant 0 : i32
          %dma_start3A_1482 = arith.constant 0 : i32
          %dma_start3A_1483 = tpu.memref_slice %arg1[%dma_start3A_1480, %add3A_1373, %dma_start3A_1481, %dma_start3A_1482] : memref<8x192x128x128xf32, #tpu.memory_space<any>> -> memref<8x1x128x128xf32, #tpu.memory_space<any>>
          %dma_start3A_1484 = tpu.memref_squeeze %dma_start3A_1483 : memref<8x1x128x128xf32, #tpu.memory_space<any>> -> memref<8x128x128xf32, #tpu.memory_space<any>>
          tpu.enqueue_dma source(%dma_start3A_1484 : memref<8x128x128xf32, #tpu.memory_space<any>>) target(%arg15 : memref<8x128x128xf32, #tpu.memory_space<vmem>>) target_semaphore(%arg63 : memref<!tpu.dma_semaphore, #tpu.memory_space<semaphore_mem>>)
        } else {
        }
        %eq3A_1468 = arith.constant 1 : i32
        %eq3A_1469 = arith.cmpi eq, %get3A_1456, %eq3A_1468 : i32
        %and3A_1470 = arith.andi %ne3A_1457, %eq3A_1469 : i1
        %convert_element_type3A_1471 = arith.extui %and3A_1470 : i1 to i32
        %cond3A_1472 = arith.constant 0 : i32
        %cond3A_1473 = arith.cmpi ne, %convert_element_type3A_1471, %cond3A_1472 : i32
        scf.if %cond3A_1473 {
          %dma_start3A_1480 = arith.constant 0 : i32
          %dma_start3A_1481 = arith.constant 0 : i32
          %dma_start3A_1482 = arith.constant 0 : i32
          %dma_start3A_1483 = tpu.memref_slice %arg0[%dma_start3A_1480, %add3A_1373, %dma_start3A_1481, %dma_start3A_1482] : memref<8x192x128x128xf32, #tpu.memory_space<any>> -> memref<8x1x128x128xf32, #tpu.memory_space<any>>
          %dma_start3A_1484 = tpu.memref_squeeze %dma_start3A_1483 : memref<8x1x128x128xf32, #tpu.memory_space<any>> -> memref<8x128x128xf32, #tpu.memory_space<any>>
          tpu.enqueue_dma source(%dma_start3A_1484 : memref<8x128x128xf32, #tpu.memory_space<any>>) target(%arg39 : memref<8x128x128xf32, #tpu.memory_space<vmem>>) target_semaphore(%arg87 : memref<!tpu.dma_semaphore, #tpu.memory_space<semaphore_mem>>)
        } else {
        }
        %eq3A_1474 = arith.constant 0 : i32
        %eq3A_1475 = arith.cmpi eq, %get3A_1456, %eq3A_1474 : i32
        %and3A_1476 = arith.andi %ne3A_1457, %eq3A_1475 : i1
        %convert_element_type3A_1477 = arith.extui %and3A_1476 : i1 to i32
        %cond3A_1478 = arith.constant 0 : i32
        %cond3A_1479 = arith.cmpi ne, %convert_element_type3A_1477, %cond3A_1478 : i32
        scf.if %cond3A_1479 {
          %dma_start3A_1480 = arith.constant 0 : i32
          %dma_start3A_1481 = arith.constant 0 : i32
          %dma_start3A_1482 = arith.constant 0 : i32
          %dma_start3A_1483 = tpu.memref_slice %arg1[%dma_start3A_1480, %add3A_1373, %dma_start3A_1481, %dma_start3A_1482] : memref<8x192x128x128xf32, #tpu.memory_space<any>> -> memref<8x1x128x128xf32, #tpu.memory_space<any>>
          %dma_start3A_1484 = tpu.memref_squeeze %dma_start3A_1483 : memref<8x1x128x128xf32, #tpu.memory_space<any>> -> memref<8x128x128xf32, #tpu.memory_space<any>>
          tpu.enqueue_dma source(%dma_start3A_1484 : memref<8x128x128xf32, #tpu.memory_space<any>>) target(%arg39 : memref<8x128x128xf32, #tpu.memory_space<vmem>>) target_semaphore(%arg87 : memref<!tpu.dma_semaphore, #tpu.memory_space<semaphore_mem>>)
        } else {
        }
      } else {
      }
      %mul3A_1379 = arith.constant 24 : i32
      %mul3A_1380 = arith.muli %mul3A_1379, %add3A_611 : i32
      %add3A_1381 = arith.constant 22 : i32
      %add3A_1382 = arith.addi %mul3A_1380, %add3A_1381 : i32
      %get3A_1383 = arith.index_cast %add3A_1382 : i32 to index
      %get3A_1384 = memref.load %arg2[%get3A_1383] : memref<192xi32, #tpu.memory_space<smem>>
      %get3A_1385 = arith.index_cast %add3A_1382 : i32 to index
      %get3A_1386 = memref.load %arg3[%get3A_1385] : memref<192xi32, #tpu.memory_space<smem>>
      %eq3A_1387 = arith.cmpi eq, %get3A_1384, %get3A_1386 : i32
      %dma_wait3A_1388 = arith.constant 0 : i32
      %dma_wait3A_1389 = arith.constant 0 : i32
      %dma_wait3A_1390 = arith.constant 0 : i32
      %dma_wait3A_1391 = arith.constant 0 : i32
      %dma_wait3A_1392 = tpu.memref_slice %arg0[%dma_wait3A_1389, %dma_wait3A_1388, %dma_wait3A_1390, %dma_wait3A_1391] : memref<8x192x128x128xf32, #tpu.memory_space<any>> -> memref<8x1x128x128xf32, #tpu.memory_space<any>>
      %dma_wait3A_1393 = tpu.memref_squeeze %dma_wait3A_1392 : memref<8x1x128x128xf32, #tpu.memory_space<any>> -> memref<8x128x128xf32, #tpu.memory_space<any>>
      tpu.wait_dma2 semaphore(%arg76 : memref<!tpu.dma_semaphore, #tpu.memory_space<semaphore_mem>>) src(%dma_wait3A_1393 : memref<8x128x128xf32, #tpu.memory_space<any>>) dst(%arg28 : memref<8x128x128xf32, #tpu.memory_space<vmem>>)
      %dma_start3A_1394 = arith.constant 0 : i32
      %dma_start3A_1395 = arith.constant 0 : i32
      %dma_start3A_1396 = arith.constant 0 : i32
      %dma_start3A_1397 = tpu.memref_slice %arg4[%dma_start3A_1394, %add3A_1382, %dma_start3A_1395, %dma_start3A_1396] : memref<8x192x128x128xf32, #tpu.memory_space<any>> -> memref<8x1x128x128xf32, #tpu.memory_space<any>>
      %dma_start3A_1398 = tpu.memref_squeeze %dma_start3A_1397 : memref<8x1x128x128xf32, #tpu.memory_space<any>> -> memref<8x128x128xf32, #tpu.memory_space<any>>
      tpu.enqueue_dma source(%arg28 : memref<8x128x128xf32, #tpu.memory_space<vmem>>) target(%dma_start3A_1398 : memref<8x128x128xf32, #tpu.memory_space<any>>) target_semaphore(%arg124 : memref<!tpu.dma_semaphore, #tpu.memory_space<semaphore_mem>>)
      %convert_element_type3A_1399 = arith.extui %eq3A_1387 : i1 to i32
      %cond3A_1400 = arith.constant 0 : i32
      %cond3A_1401 = arith.cmpi ne, %convert_element_type3A_1399, %cond3A_1400 : i32
      scf.if %cond3A_1401 {
        %dma_start3A_1449 = arith.constant 0 : i32
        %dma_start3A_1450 = arith.constant 0 : i32
        %dma_start3A_1451 = arith.constant 0 : i32
        %dma_start3A_1452 = tpu.memref_slice %arg5[%dma_start3A_1449, %add3A_1382, %dma_start3A_1450, %dma_start3A_1451] : memref<8x192x128x128xf32, #tpu.memory_space<any>> -> memref<8x1x128x128xf32, #tpu.memory_space<any>>
        %dma_start3A_1453 = tpu.memref_squeeze %dma_start3A_1452 : memref<8x1x128x128xf32, #tpu.memory_space<any>> -> memref<8x128x128xf32, #tpu.memory_space<any>>
        tpu.enqueue_dma source(%arg28 : memref<8x128x128xf32, #tpu.memory_space<vmem>>) target(%dma_start3A_1453 : memref<8x128x128xf32, #tpu.memory_space<any>>) target_semaphore(%arg148 : memref<!tpu.dma_semaphore, #tpu.memory_space<semaphore_mem>>)
      } else {
      }
      %not3A_1402 = arith.constant true
      %not3A_1403 = arith.xori %eq3A_1387, %not3A_1402 : i1
      %convert_element_type3A_1404 = arith.extui %not3A_1403 : i1 to i32
      %cond3A_1405 = arith.constant 0 : i32
      %cond3A_1406 = arith.cmpi ne, %convert_element_type3A_1404, %cond3A_1405 : i32
      scf.if %cond3A_1406 {
        %dma_wait3A_1449 = arith.constant 0 : i32
        %dma_wait3A_1450 = arith.constant 0 : i32
        %dma_wait3A_1451 = arith.constant 0 : i32
        %dma_wait3A_1452 = arith.constant 0 : i32
        %dma_wait3A_1453 = tpu.memref_slice %arg0[%dma_wait3A_1450, %dma_wait3A_1449, %dma_wait3A_1451, %dma_wait3A_1452] : memref<8x192x128x128xf32, #tpu.memory_space<any>> -> memref<8x1x128x128xf32, #tpu.memory_space<any>>
        %dma_wait3A_1454 = tpu.memref_squeeze %dma_wait3A_1453 : memref<8x1x128x128xf32, #tpu.memory_space<any>> -> memref<8x128x128xf32, #tpu.memory_space<any>>
        tpu.wait_dma2 semaphore(%arg100 : memref<!tpu.dma_semaphore, #tpu.memory_space<semaphore_mem>>) src(%dma_wait3A_1454 : memref<8x128x128xf32, #tpu.memory_space<any>>) dst(%arg52 : memref<8x128x128xf32, #tpu.memory_space<vmem>>)
        %dma_start3A_1455 = arith.constant 0 : i32
        %dma_start3A_1456 = arith.constant 0 : i32
        %dma_start3A_1457 = arith.constant 0 : i32
        %dma_start3A_1458 = tpu.memref_slice %arg5[%dma_start3A_1455, %add3A_1382, %dma_start3A_1456, %dma_start3A_1457] : memref<8x192x128x128xf32, #tpu.memory_space<any>> -> memref<8x1x128x128xf32, #tpu.memory_space<any>>
        %dma_start3A_1459 = tpu.memref_squeeze %dma_start3A_1458 : memref<8x1x128x128xf32, #tpu.memory_space<any>> -> memref<8x128x128xf32, #tpu.memory_space<any>>
        tpu.enqueue_dma source(%arg52 : memref<8x128x128xf32, #tpu.memory_space<vmem>>) target(%dma_start3A_1459 : memref<8x128x128xf32, #tpu.memory_space<any>>) target_semaphore(%arg148 : memref<!tpu.dma_semaphore, #tpu.memory_space<semaphore_mem>>)
      } else {
      }
      %add3A_1407 = arith.constant 12 : i32
      %add3A_1408 = arith.addi %add3A_1382, %add3A_1407 : i32
      %lt3A_1409 = arith.constant 192 : i32
      %lt3A_1410 = arith.cmpi slt, %add3A_1408, %lt3A_1409 : i32
      %convert_element_type3A_1411 = arith.extui %lt3A_1410 : i1 to i32
      %cond3A_1412 = arith.constant 0 : i32
      %cond3A_1413 = arith.cmpi ne, %convert_element_type3A_1411, %cond3A_1412 : i32
      scf.if %cond3A_1413 {
        %ge3A = arith.constant 24 : i32
        %ge3A_1449 = arith.cmpi sge, %add3A_1408, %ge3A : i32
        %convert_element_type3A_1450 = arith.extui %ge3A_1449 : i1 to i32
        %cond3A_1451 = arith.constant 0 : i32
        %cond3A_1452 = arith.cmpi ne, %convert_element_type3A_1450, %cond3A_1451 : i32
        scf.if %cond3A_1452 {
          %dma_wait3A_1480 = arith.constant 0 : i32
          %dma_wait3A_1481 = arith.constant 0 : i32
          %dma_wait3A_1482 = arith.constant 0 : i32
          %dma_wait3A_1483 = arith.constant 0 : i32
          %dma_wait3A_1484 = tpu.memref_slice %arg0[%dma_wait3A_1481, %dma_wait3A_1480, %dma_wait3A_1482, %dma_wait3A_1483] : memref<8x192x128x128xf32, #tpu.memory_space<any>> -> memref<8x1x128x128xf32, #tpu.memory_space<any>>
          %dma_wait3A_1485 = tpu.memref_squeeze %dma_wait3A_1484 : memref<8x1x128x128xf32, #tpu.memory_space<any>> -> memref<8x128x128xf32, #tpu.memory_space<any>>
          tpu.wait_dma2 semaphore(%arg112 : memref<!tpu.dma_semaphore, #tpu.memory_space<semaphore_mem>>) src(%dma_wait3A_1485 : memref<8x128x128xf32, #tpu.memory_space<any>>) dst(%arg16 : memref<8x128x128xf32, #tpu.memory_space<vmem>>)
          %dma_wait3A_1486 = arith.constant 0 : i32
          %dma_wait3A_1487 = arith.constant 0 : i32
          %dma_wait3A_1488 = arith.constant 0 : i32
          %dma_wait3A_1489 = arith.constant 0 : i32
          %dma_wait3A_1490 = tpu.memref_slice %arg0[%dma_wait3A_1487, %dma_wait3A_1486, %dma_wait3A_1488, %dma_wait3A_1489] : memref<8x192x128x128xf32, #tpu.memory_space<any>> -> memref<8x1x128x128xf32, #tpu.memory_space<any>>
          %dma_wait3A_1491 = tpu.memref_squeeze %dma_wait3A_1490 : memref<8x1x128x128xf32, #tpu.memory_space<any>> -> memref<8x128x128xf32, #tpu.memory_space<any>>
          tpu.wait_dma2 semaphore(%arg136 : memref<!tpu.dma_semaphore, #tpu.memory_space<semaphore_mem>>) src(%dma_wait3A_1491 : memref<8x128x128xf32, #tpu.memory_space<any>>) dst(%arg16 : memref<8x128x128xf32, #tpu.memory_space<vmem>>)
        } else {
        }
        %get3A_1453 = arith.index_cast %add3A_1408 : i32 to index
        %get3A_1454 = memref.load %arg2[%get3A_1453] : memref<192xi32, #tpu.memory_space<smem>>
        %get3A_1455 = arith.index_cast %add3A_1408 : i32 to index
        %get3A_1456 = memref.load %arg3[%get3A_1455] : memref<192xi32, #tpu.memory_space<smem>>
        %ne3A_1457 = arith.cmpi ne, %get3A_1454, %get3A_1456 : i32
        %eq3A_1458 = arith.constant 1 : i32
        %eq3A_1459 = arith.cmpi eq, %get3A_1454, %eq3A_1458 : i32
        %convert_element_type3A_1460 = arith.extui %eq3A_1459 : i1 to i32
        %cond3A_1461 = arith.constant 0 : i32
        %cond3A_1462 = arith.cmpi ne, %convert_element_type3A_1460, %cond3A_1461 : i32
        scf.if %cond3A_1462 {
          %dma_start3A_1480 = arith.constant 0 : i32
          %dma_start3A_1481 = arith.constant 0 : i32
          %dma_start3A_1482 = arith.constant 0 : i32
          %dma_start3A_1483 = tpu.memref_slice %arg0[%dma_start3A_1480, %add3A_1408, %dma_start3A_1481, %dma_start3A_1482] : memref<8x192x128x128xf32, #tpu.memory_space<any>> -> memref<8x1x128x128xf32, #tpu.memory_space<any>>
          %dma_start3A_1484 = tpu.memref_squeeze %dma_start3A_1483 : memref<8x1x128x128xf32, #tpu.memory_space<any>> -> memref<8x128x128xf32, #tpu.memory_space<any>>
          tpu.enqueue_dma source(%dma_start3A_1484 : memref<8x128x128xf32, #tpu.memory_space<any>>) target(%arg16 : memref<8x128x128xf32, #tpu.memory_space<vmem>>) target_semaphore(%arg64 : memref<!tpu.dma_semaphore, #tpu.memory_space<semaphore_mem>>)
        } else {
        }
        %eq3A_1463 = arith.constant 0 : i32
        %eq3A_1464 = arith.cmpi eq, %get3A_1454, %eq3A_1463 : i32
        %convert_element_type3A_1465 = arith.extui %eq3A_1464 : i1 to i32
        %cond3A_1466 = arith.constant 0 : i32
        %cond3A_1467 = arith.cmpi ne, %convert_element_type3A_1465, %cond3A_1466 : i32
        scf.if %cond3A_1467 {
          %dma_start3A_1480 = arith.constant 0 : i32
          %dma_start3A_1481 = arith.constant 0 : i32
          %dma_start3A_1482 = arith.constant 0 : i32
          %dma_start3A_1483 = tpu.memref_slice %arg1[%dma_start3A_1480, %add3A_1408, %dma_start3A_1481, %dma_start3A_1482] : memref<8x192x128x128xf32, #tpu.memory_space<any>> -> memref<8x1x128x128xf32, #tpu.memory_space<any>>
          %dma_start3A_1484 = tpu.memref_squeeze %dma_start3A_1483 : memref<8x1x128x128xf32, #tpu.memory_space<any>> -> memref<8x128x128xf32, #tpu.memory_space<any>>
          tpu.enqueue_dma source(%dma_start3A_1484 : memref<8x128x128xf32, #tpu.memory_space<any>>) target(%arg16 : memref<8x128x128xf32, #tpu.memory_space<vmem>>) target_semaphore(%arg64 : memref<!tpu.dma_semaphore, #tpu.memory_space<semaphore_mem>>)
        } else {
        }
        %eq3A_1468 = arith.constant 1 : i32
        %eq3A_1469 = arith.cmpi eq, %get3A_1456, %eq3A_1468 : i32
        %and3A_1470 = arith.andi %ne3A_1457, %eq3A_1469 : i1
        %convert_element_type3A_1471 = arith.extui %and3A_1470 : i1 to i32
        %cond3A_1472 = arith.constant 0 : i32
        %cond3A_1473 = arith.cmpi ne, %convert_element_type3A_1471, %cond3A_1472 : i32
        scf.if %cond3A_1473 {
          %dma_start3A_1480 = arith.constant 0 : i32
          %dma_start3A_1481 = arith.constant 0 : i32
          %dma_start3A_1482 = arith.constant 0 : i32
          %dma_start3A_1483 = tpu.memref_slice %arg0[%dma_start3A_1480, %add3A_1408, %dma_start3A_1481, %dma_start3A_1482] : memref<8x192x128x128xf32, #tpu.memory_space<any>> -> memref<8x1x128x128xf32, #tpu.memory_space<any>>
          %dma_start3A_1484 = tpu.memref_squeeze %dma_start3A_1483 : memref<8x1x128x128xf32, #tpu.memory_space<any>> -> memref<8x128x128xf32, #tpu.memory_space<any>>
          tpu.enqueue_dma source(%dma_start3A_1484 : memref<8x128x128xf32, #tpu.memory_space<any>>) target(%arg40 : memref<8x128x128xf32, #tpu.memory_space<vmem>>) target_semaphore(%arg88 : memref<!tpu.dma_semaphore, #tpu.memory_space<semaphore_mem>>)
        } else {
        }
        %eq3A_1474 = arith.constant 0 : i32
        %eq3A_1475 = arith.cmpi eq, %get3A_1456, %eq3A_1474 : i32
        %and3A_1476 = arith.andi %ne3A_1457, %eq3A_1475 : i1
        %convert_element_type3A_1477 = arith.extui %and3A_1476 : i1 to i32
        %cond3A_1478 = arith.constant 0 : i32
        %cond3A_1479 = arith.cmpi ne, %convert_element_type3A_1477, %cond3A_1478 : i32
        scf.if %cond3A_1479 {
          %dma_start3A_1480 = arith.constant 0 : i32
          %dma_start3A_1481 = arith.constant 0 : i32
          %dma_start3A_1482 = arith.constant 0 : i32
          %dma_start3A_1483 = tpu.memref_slice %arg1[%dma_start3A_1480, %add3A_1408, %dma_start3A_1481, %dma_start3A_1482] : memref<8x192x128x128xf32, #tpu.memory_space<any>> -> memref<8x1x128x128xf32, #tpu.memory_space<any>>
          %dma_start3A_1484 = tpu.memref_squeeze %dma_start3A_1483 : memref<8x1x128x128xf32, #tpu.memory_space<any>> -> memref<8x128x128xf32, #tpu.memory_space<any>>
          tpu.enqueue_dma source(%dma_start3A_1484 : memref<8x128x128xf32, #tpu.memory_space<any>>) target(%arg40 : memref<8x128x128xf32, #tpu.memory_space<vmem>>) target_semaphore(%arg88 : memref<!tpu.dma_semaphore, #tpu.memory_space<semaphore_mem>>)
        } else {
        }
      } else {
      }
      %mul3A_1414 = arith.constant 24 : i32
      %mul3A_1415 = arith.muli %mul3A_1414, %add3A_611 : i32
      %add3A_1416 = arith.constant 23 : i32
      %add3A_1417 = arith.addi %mul3A_1415, %add3A_1416 : i32
      %get3A_1418 = arith.index_cast %add3A_1417 : i32 to index
      %get3A_1419 = memref.load %arg2[%get3A_1418] : memref<192xi32, #tpu.memory_space<smem>>
      %get3A_1420 = arith.index_cast %add3A_1417 : i32 to index
      %get3A_1421 = memref.load %arg3[%get3A_1420] : memref<192xi32, #tpu.memory_space<smem>>
      %eq3A_1422 = arith.cmpi eq, %get3A_1419, %get3A_1421 : i32
      %dma_wait3A_1423 = arith.constant 0 : i32
      %dma_wait3A_1424 = arith.constant 0 : i32
      %dma_wait3A_1425 = arith.constant 0 : i32
      %dma_wait3A_1426 = arith.constant 0 : i32
      %dma_wait3A_1427 = tpu.memref_slice %arg0[%dma_wait3A_1424, %dma_wait3A_1423, %dma_wait3A_1425, %dma_wait3A_1426] : memref<8x192x128x128xf32, #tpu.memory_space<any>> -> memref<8x1x128x128xf32, #tpu.memory_space<any>>
      %dma_wait3A_1428 = tpu.memref_squeeze %dma_wait3A_1427 : memref<8x1x128x128xf32, #tpu.memory_space<any>> -> memref<8x128x128xf32, #tpu.memory_space<any>>
      tpu.wait_dma2 semaphore(%arg77 : memref<!tpu.dma_semaphore, #tpu.memory_space<semaphore_mem>>) src(%dma_wait3A_1428 : memref<8x128x128xf32, #tpu.memory_space<any>>) dst(%arg29 : memref<8x128x128xf32, #tpu.memory_space<vmem>>)
      %dma_start3A_1429 = arith.constant 0 : i32
      %dma_start3A_1430 = arith.constant 0 : i32
      %dma_start3A_1431 = arith.constant 0 : i32
      %dma_start3A_1432 = tpu.memref_slice %arg4[%dma_start3A_1429, %add3A_1417, %dma_start3A_1430, %dma_start3A_1431] : memref<8x192x128x128xf32, #tpu.memory_space<any>> -> memref<8x1x128x128xf32, #tpu.memory_space<any>>
      %dma_start3A_1433 = tpu.memref_squeeze %dma_start3A_1432 : memref<8x1x128x128xf32, #tpu.memory_space<any>> -> memref<8x128x128xf32, #tpu.memory_space<any>>
      tpu.enqueue_dma source(%arg29 : memref<8x128x128xf32, #tpu.memory_space<vmem>>) target(%dma_start3A_1433 : memref<8x128x128xf32, #tpu.memory_space<any>>) target_semaphore(%arg125 : memref<!tpu.dma_semaphore, #tpu.memory_space<semaphore_mem>>)
      %convert_element_type3A_1434 = arith.extui %eq3A_1422 : i1 to i32
      %cond3A_1435 = arith.constant 0 : i32
      %cond3A_1436 = arith.cmpi ne, %convert_element_type3A_1434, %cond3A_1435 : i32
      scf.if %cond3A_1436 {
        %dma_start3A_1449 = arith.constant 0 : i32
        %dma_start3A_1450 = arith.constant 0 : i32
        %dma_start3A_1451 = arith.constant 0 : i32
        %dma_start3A_1452 = tpu.memref_slice %arg5[%dma_start3A_1449, %add3A_1417, %dma_start3A_1450, %dma_start3A_1451] : memref<8x192x128x128xf32, #tpu.memory_space<any>> -> memref<8x1x128x128xf32, #tpu.memory_space<any>>
        %dma_start3A_1453 = tpu.memref_squeeze %dma_start3A_1452 : memref<8x1x128x128xf32, #tpu.memory_space<any>> -> memref<8x128x128xf32, #tpu.memory_space<any>>
        tpu.enqueue_dma source(%arg29 : memref<8x128x128xf32, #tpu.memory_space<vmem>>) target(%dma_start3A_1453 : memref<8x128x128xf32, #tpu.memory_space<any>>) target_semaphore(%arg149 : memref<!tpu.dma_semaphore, #tpu.memory_space<semaphore_mem>>)
      } else {
      }
      %not3A_1437 = arith.constant true
      %not3A_1438 = arith.xori %eq3A_1422, %not3A_1437 : i1
      %convert_element_type3A_1439 = arith.extui %not3A_1438 : i1 to i32
      %cond3A_1440 = arith.constant 0 : i32
      %cond3A_1441 = arith.cmpi ne, %convert_element_type3A_1439, %cond3A_1440 : i32
      scf.if %cond3A_1441 {
        %dma_wait3A_1449 = arith.constant 0 : i32
        %dma_wait3A_1450 = arith.constant 0 : i32
        %dma_wait3A_1451 = arith.constant 0 : i32
        %dma_wait3A_1452 = arith.constant 0 : i32
        %dma_wait3A_1453 = tpu.memref_slice %arg0[%dma_wait3A_1450, %dma_wait3A_1449, %dma_wait3A_1451, %dma_wait3A_1452] : memref<8x192x128x128xf32, #tpu.memory_space<any>> -> memref<8x1x128x128xf32, #tpu.memory_space<any>>
        %dma_wait3A_1454 = tpu.memref_squeeze %dma_wait3A_1453 : memref<8x1x128x128xf32, #tpu.memory_space<any>> -> memref<8x128x128xf32, #tpu.memory_space<any>>
        tpu.wait_dma2 semaphore(%arg101 : memref<!tpu.dma_semaphore, #tpu.memory_space<semaphore_mem>>) src(%dma_wait3A_1454 : memref<8x128x128xf32, #tpu.memory_space<any>>) dst(%arg53 : memref<8x128x128xf32, #tpu.memory_space<vmem>>)
        %dma_start3A_1455 = arith.constant 0 : i32
        %dma_start3A_1456 = arith.constant 0 : i32
        %dma_start3A_1457 = arith.constant 0 : i32
        %dma_start3A_1458 = tpu.memref_slice %arg5[%dma_start3A_1455, %add3A_1417, %dma_start3A_1456, %dma_start3A_1457] : memref<8x192x128x128xf32, #tpu.memory_space<any>> -> memref<8x1x128x128xf32, #tpu.memory_space<any>>
        %dma_start3A_1459 = tpu.memref_squeeze %dma_start3A_1458 : memref<8x1x128x128xf32, #tpu.memory_space<any>> -> memref<8x128x128xf32, #tpu.memory_space<any>>
        tpu.enqueue_dma source(%arg53 : memref<8x128x128xf32, #tpu.memory_space<vmem>>) target(%dma_start3A_1459 : memref<8x128x128xf32, #tpu.memory_space<any>>) target_semaphore(%arg149 : memref<!tpu.dma_semaphore, #tpu.memory_space<semaphore_mem>>)
      } else {
      }
      %add3A_1442 = arith.constant 12 : i32
      %add3A_1443 = arith.addi %add3A_1417, %add3A_1442 : i32
      %lt3A_1444 = arith.constant 192 : i32
      %lt3A_1445 = arith.cmpi slt, %add3A_1443, %lt3A_1444 : i32
      %convert_element_type3A_1446 = arith.extui %lt3A_1445 : i1 to i32
      %cond3A_1447 = arith.constant 0 : i32
      %cond3A_1448 = arith.cmpi ne, %convert_element_type3A_1446, %cond3A_1447 : i32
      scf.if %cond3A_1448 {
        %ge3A = arith.constant 24 : i32
        %ge3A_1449 = arith.cmpi sge, %add3A_1443, %ge3A : i32
        %convert_element_type3A_1450 = arith.extui %ge3A_1449 : i1 to i32
        %cond3A_1451 = arith.constant 0 : i32
        %cond3A_1452 = arith.cmpi ne, %convert_element_type3A_1450, %cond3A_1451 : i32
        scf.if %cond3A_1452 {
          %dma_wait3A_1480 = arith.constant 0 : i32
          %dma_wait3A_1481 = arith.constant 0 : i32
          %dma_wait3A_1482 = arith.constant 0 : i32
          %dma_wait3A_1483 = arith.constant 0 : i32
          %dma_wait3A_1484 = tpu.memref_slice %arg0[%dma_wait3A_1481, %dma_wait3A_1480, %dma_wait3A_1482, %dma_wait3A_1483] : memref<8x192x128x128xf32, #tpu.memory_space<any>> -> memref<8x1x128x128xf32, #tpu.memory_space<any>>
          %dma_wait3A_1485 = tpu.memref_squeeze %dma_wait3A_1484 : memref<8x1x128x128xf32, #tpu.memory_space<any>> -> memref<8x128x128xf32, #tpu.memory_space<any>>
          tpu.wait_dma2 semaphore(%arg113 : memref<!tpu.dma_semaphore, #tpu.memory_space<semaphore_mem>>) src(%dma_wait3A_1485 : memref<8x128x128xf32, #tpu.memory_space<any>>) dst(%arg17 : memref<8x128x128xf32, #tpu.memory_space<vmem>>)
          %dma_wait3A_1486 = arith.constant 0 : i32
          %dma_wait3A_1487 = arith.constant 0 : i32
          %dma_wait3A_1488 = arith.constant 0 : i32
          %dma_wait3A_1489 = arith.constant 0 : i32
          %dma_wait3A_1490 = tpu.memref_slice %arg0[%dma_wait3A_1487, %dma_wait3A_1486, %dma_wait3A_1488, %dma_wait3A_1489] : memref<8x192x128x128xf32, #tpu.memory_space<any>> -> memref<8x1x128x128xf32, #tpu.memory_space<any>>
          %dma_wait3A_1491 = tpu.memref_squeeze %dma_wait3A_1490 : memref<8x1x128x128xf32, #tpu.memory_space<any>> -> memref<8x128x128xf32, #tpu.memory_space<any>>
          tpu.wait_dma2 semaphore(%arg137 : memref<!tpu.dma_semaphore, #tpu.memory_space<semaphore_mem>>) src(%dma_wait3A_1491 : memref<8x128x128xf32, #tpu.memory_space<any>>) dst(%arg17 : memref<8x128x128xf32, #tpu.memory_space<vmem>>)
        } else {
        }
        %get3A_1453 = arith.index_cast %add3A_1443 : i32 to index
        %get3A_1454 = memref.load %arg2[%get3A_1453] : memref<192xi32, #tpu.memory_space<smem>>
        %get3A_1455 = arith.index_cast %add3A_1443 : i32 to index
        %get3A_1456 = memref.load %arg3[%get3A_1455] : memref<192xi32, #tpu.memory_space<smem>>
        %ne3A_1457 = arith.cmpi ne, %get3A_1454, %get3A_1456 : i32
        %eq3A_1458 = arith.constant 1 : i32
        %eq3A_1459 = arith.cmpi eq, %get3A_1454, %eq3A_1458 : i32
        %convert_element_type3A_1460 = arith.extui %eq3A_1459 : i1 to i32
        %cond3A_1461 = arith.constant 0 : i32
        %cond3A_1462 = arith.cmpi ne, %convert_element_type3A_1460, %cond3A_1461 : i32
        scf.if %cond3A_1462 {
          %dma_start3A_1480 = arith.constant 0 : i32
          %dma_start3A_1481 = arith.constant 0 : i32
          %dma_start3A_1482 = arith.constant 0 : i32
          %dma_start3A_1483 = tpu.memref_slice %arg0[%dma_start3A_1480, %add3A_1443, %dma_start3A_1481, %dma_start3A_1482] : memref<8x192x128x128xf32, #tpu.memory_space<any>> -> memref<8x1x128x128xf32, #tpu.memory_space<any>>
          %dma_start3A_1484 = tpu.memref_squeeze %dma_start3A_1483 : memref<8x1x128x128xf32, #tpu.memory_space<any>> -> memref<8x128x128xf32, #tpu.memory_space<any>>
          tpu.enqueue_dma source(%dma_start3A_1484 : memref<8x128x128xf32, #tpu.memory_space<any>>) target(%arg17 : memref<8x128x128xf32, #tpu.memory_space<vmem>>) target_semaphore(%arg65 : memref<!tpu.dma_semaphore, #tpu.memory_space<semaphore_mem>>)
        } else {
        }
        %eq3A_1463 = arith.constant 0 : i32
        %eq3A_1464 = arith.cmpi eq, %get3A_1454, %eq3A_1463 : i32
        %convert_element_type3A_1465 = arith.extui %eq3A_1464 : i1 to i32
        %cond3A_1466 = arith.constant 0 : i32
        %cond3A_1467 = arith.cmpi ne, %convert_element_type3A_1465, %cond3A_1466 : i32
        scf.if %cond3A_1467 {
          %dma_start3A_1480 = arith.constant 0 : i32
          %dma_start3A_1481 = arith.constant 0 : i32
          %dma_start3A_1482 = arith.constant 0 : i32
          %dma_start3A_1483 = tpu.memref_slice %arg1[%dma_start3A_1480, %add3A_1443, %dma_start3A_1481, %dma_start3A_1482] : memref<8x192x128x128xf32, #tpu.memory_space<any>> -> memref<8x1x128x128xf32, #tpu.memory_space<any>>
          %dma_start3A_1484 = tpu.memref_squeeze %dma_start3A_1483 : memref<8x1x128x128xf32, #tpu.memory_space<any>> -> memref<8x128x128xf32, #tpu.memory_space<any>>
          tpu.enqueue_dma source(%dma_start3A_1484 : memref<8x128x128xf32, #tpu.memory_space<any>>) target(%arg17 : memref<8x128x128xf32, #tpu.memory_space<vmem>>) target_semaphore(%arg65 : memref<!tpu.dma_semaphore, #tpu.memory_space<semaphore_mem>>)
        } else {
        }
        %eq3A_1468 = arith.constant 1 : i32
        %eq3A_1469 = arith.cmpi eq, %get3A_1456, %eq3A_1468 : i32
        %and3A_1470 = arith.andi %ne3A_1457, %eq3A_1469 : i1
        %convert_element_type3A_1471 = arith.extui %and3A_1470 : i1 to i32
        %cond3A_1472 = arith.constant 0 : i32
        %cond3A_1473 = arith.cmpi ne, %convert_element_type3A_1471, %cond3A_1472 : i32
        scf.if %cond3A_1473 {
          %dma_start3A_1480 = arith.constant 0 : i32
          %dma_start3A_1481 = arith.constant 0 : i32
          %dma_start3A_1482 = arith.constant 0 : i32
          %dma_start3A_1483 = tpu.memref_slice %arg0[%dma_start3A_1480, %add3A_1443, %dma_start3A_1481, %dma_start3A_1482] : memref<8x192x128x128xf32, #tpu.memory_space<any>> -> memref<8x1x128x128xf32, #tpu.memory_space<any>>
          %dma_start3A_1484 = tpu.memref_squeeze %dma_start3A_1483 : memref<8x1x128x128xf32, #tpu.memory_space<any>> -> memref<8x128x128xf32, #tpu.memory_space<any>>
          tpu.enqueue_dma source(%dma_start3A_1484 : memref<8x128x128xf32, #tpu.memory_space<any>>) target(%arg41 : memref<8x128x128xf32, #tpu.memory_space<vmem>>) target_semaphore(%arg89 : memref<!tpu.dma_semaphore, #tpu.memory_space<semaphore_mem>>)
        } else {
        }
        %eq3A_1474 = arith.constant 0 : i32
        %eq3A_1475 = arith.cmpi eq, %get3A_1456, %eq3A_1474 : i32
        %and3A_1476 = arith.andi %ne3A_1457, %eq3A_1475 : i1
        %convert_element_type3A_1477 = arith.extui %and3A_1476 : i1 to i32
        %cond3A_1478 = arith.constant 0 : i32
        %cond3A_1479 = arith.cmpi ne, %convert_element_type3A_1477, %cond3A_1478 : i32
        scf.if %cond3A_1479 {
          %dma_start3A_1480 = arith.constant 0 : i32
          %dma_start3A_1481 = arith.constant 0 : i32
          %dma_start3A_1482 = arith.constant 0 : i32
          %dma_start3A_1483 = tpu.memref_slice %arg1[%dma_start3A_1480, %add3A_1443, %dma_start3A_1481, %dma_start3A_1482] : memref<8x192x128x128xf32, #tpu.memory_space<any>> -> memref<8x1x128x128xf32, #tpu.memory_space<any>>
          %dma_start3A_1484 = tpu.memref_squeeze %dma_start3A_1483 : memref<8x1x128x128xf32, #tpu.memory_space<any>> -> memref<8x128x128xf32, #tpu.memory_space<any>>
          tpu.enqueue_dma source(%dma_start3A_1484 : memref<8x128x128xf32, #tpu.memory_space<any>>) target(%arg41 : memref<8x128x128xf32, #tpu.memory_space<vmem>>) target_semaphore(%arg89 : memref<!tpu.dma_semaphore, #tpu.memory_space<semaphore_mem>>)
        } else {
        }
      } else {
      }
    }
    %scan3A_321 = arith.constant 8 : i32
    %dma_wait3A = arith.constant 0 : i32
    %dma_wait3A_322 = arith.constant 0 : i32
    %dma_wait3A_323 = arith.constant 0 : i32
    %dma_wait3A_324 = arith.constant 0 : i32
    %dma_wait3A_325 = tpu.memref_slice %arg0[%dma_wait3A_322, %dma_wait3A, %dma_wait3A_323, %dma_wait3A_324] : memref<8x192x128x128xf32, #tpu.memory_space<any>> -> memref<8x1x128x128xf32, #tpu.memory_space<any>>
    %dma_wait3A_326 = tpu.memref_squeeze %dma_wait3A_325 : memref<8x1x128x128xf32, #tpu.memory_space<any>> -> memref<8x128x128xf32, #tpu.memory_space<any>>
    tpu.wait_dma2 semaphore(%arg102 : memref<!tpu.dma_semaphore, #tpu.memory_space<semaphore_mem>>) src(%dma_wait3A_326 : memref<8x128x128xf32, #tpu.memory_space<any>>) dst(%arg6 : memref<8x128x128xf32, #tpu.memory_space<vmem>>)
    %dma_wait3A_327 = arith.constant 0 : i32
    %dma_wait3A_328 = arith.constant 0 : i32
    %dma_wait3A_329 = arith.constant 0 : i32
    %dma_wait3A_330 = arith.constant 0 : i32
    %dma_wait3A_331 = tpu.memref_slice %arg0[%dma_wait3A_328, %dma_wait3A_327, %dma_wait3A_329, %dma_wait3A_330] : memref<8x192x128x128xf32, #tpu.memory_space<any>> -> memref<8x1x128x128xf32, #tpu.memory_space<any>>
    %dma_wait3A_332 = tpu.memref_squeeze %dma_wait3A_331 : memref<8x1x128x128xf32, #tpu.memory_space<any>> -> memref<8x128x128xf32, #tpu.memory_space<any>>
    tpu.wait_dma2 semaphore(%arg126 : memref<!tpu.dma_semaphore, #tpu.memory_space<semaphore_mem>>) src(%dma_wait3A_332 : memref<8x128x128xf32, #tpu.memory_space<any>>) dst(%arg6 : memref<8x128x128xf32, #tpu.memory_space<vmem>>)
    %dma_wait3A_333 = arith.constant 0 : i32
    %dma_wait3A_334 = arith.constant 0 : i32
    %dma_wait3A_335 = arith.constant 0 : i32
    %dma_wait3A_336 = arith.constant 0 : i32
    %dma_wait3A_337 = tpu.memref_slice %arg0[%dma_wait3A_334, %dma_wait3A_333, %dma_wait3A_335, %dma_wait3A_336] : memref<8x192x128x128xf32, #tpu.memory_space<any>> -> memref<8x1x128x128xf32, #tpu.memory_space<any>>
    %dma_wait3A_338 = tpu.memref_squeeze %dma_wait3A_337 : memref<8x1x128x128xf32, #tpu.memory_space<any>> -> memref<8x128x128xf32, #tpu.memory_space<any>>
    tpu.wait_dma2 semaphore(%arg103 : memref<!tpu.dma_semaphore, #tpu.memory_space<semaphore_mem>>) src(%dma_wait3A_338 : memref<8x128x128xf32, #tpu.memory_space<any>>) dst(%arg7 : memref<8x128x128xf32, #tpu.memory_space<vmem>>)
    %dma_wait3A_339 = arith.constant 0 : i32
    %dma_wait3A_340 = arith.constant 0 : i32
    %dma_wait3A_341 = arith.constant 0 : i32
    %dma_wait3A_342 = arith.constant 0 : i32
    %dma_wait3A_343 = tpu.memref_slice %arg0[%dma_wait3A_340, %dma_wait3A_339, %dma_wait3A_341, %dma_wait3A_342] : memref<8x192x128x128xf32, #tpu.memory_space<any>> -> memref<8x1x128x128xf32, #tpu.memory_space<any>>
    %dma_wait3A_344 = tpu.memref_squeeze %dma_wait3A_343 : memref<8x1x128x128xf32, #tpu.memory_space<any>> -> memref<8x128x128xf32, #tpu.memory_space<any>>
    tpu.wait_dma2 semaphore(%arg127 : memref<!tpu.dma_semaphore, #tpu.memory_space<semaphore_mem>>) src(%dma_wait3A_344 : memref<8x128x128xf32, #tpu.memory_space<any>>) dst(%arg7 : memref<8x128x128xf32, #tpu.memory_space<vmem>>)
    %dma_wait3A_345 = arith.constant 0 : i32
    %dma_wait3A_346 = arith.constant 0 : i32
    %dma_wait3A_347 = arith.constant 0 : i32
    %dma_wait3A_348 = arith.constant 0 : i32
    %dma_wait3A_349 = tpu.memref_slice %arg0[%dma_wait3A_346, %dma_wait3A_345, %dma_wait3A_347, %dma_wait3A_348] : memref<8x192x128x128xf32, #tpu.memory_space<any>> -> memref<8x1x128x128xf32, #tpu.memory_space<any>>
    %dma_wait3A_350 = tpu.memref_squeeze %dma_wait3A_349 : memref<8x1x128x128xf32, #tpu.memory_space<any>> -> memref<8x128x128xf32, #tpu.memory_space<any>>
    tpu.wait_dma2 semaphore(%arg104 : memref<!tpu.dma_semaphore, #tpu.memory_space<semaphore_mem>>) src(%dma_wait3A_350 : memref<8x128x128xf32, #tpu.memory_space<any>>) dst(%arg8 : memref<8x128x128xf32, #tpu.memory_space<vmem>>)
    %dma_wait3A_351 = arith.constant 0 : i32
    %dma_wait3A_352 = arith.constant 0 : i32
    %dma_wait3A_353 = arith.constant 0 : i32
    %dma_wait3A_354 = arith.constant 0 : i32
    %dma_wait3A_355 = tpu.memref_slice %arg0[%dma_wait3A_352, %dma_wait3A_351, %dma_wait3A_353, %dma_wait3A_354] : memref<8x192x128x128xf32, #tpu.memory_space<any>> -> memref<8x1x128x128xf32, #tpu.memory_space<any>>
    %dma_wait3A_356 = tpu.memref_squeeze %dma_wait3A_355 : memref<8x1x128x128xf32, #tpu.memory_space<any>> -> memref<8x128x128xf32, #tpu.memory_space<any>>
    tpu.wait_dma2 semaphore(%arg128 : memref<!tpu.dma_semaphore, #tpu.memory_space<semaphore_mem>>) src(%dma_wait3A_356 : memref<8x128x128xf32, #tpu.memory_space<any>>) dst(%arg8 : memref<8x128x128xf32, #tpu.memory_space<vmem>>)
    %dma_wait3A_357 = arith.constant 0 : i32
    %dma_wait3A_358 = arith.constant 0 : i32
    %dma_wait3A_359 = arith.constant 0 : i32
    %dma_wait3A_360 = arith.constant 0 : i32
    %dma_wait3A_361 = tpu.memref_slice %arg0[%dma_wait3A_358, %dma_wait3A_357, %dma_wait3A_359, %dma_wait3A_360] : memref<8x192x128x128xf32, #tpu.memory_space<any>> -> memref<8x1x128x128xf32, #tpu.memory_space<any>>
    %dma_wait3A_362 = tpu.memref_squeeze %dma_wait3A_361 : memref<8x1x128x128xf32, #tpu.memory_space<any>> -> memref<8x128x128xf32, #tpu.memory_space<any>>
    tpu.wait_dma2 semaphore(%arg105 : memref<!tpu.dma_semaphore, #tpu.memory_space<semaphore_mem>>) src(%dma_wait3A_362 : memref<8x128x128xf32, #tpu.memory_space<any>>) dst(%arg9 : memref<8x128x128xf32, #tpu.memory_space<vmem>>)
    %dma_wait3A_363 = arith.constant 0 : i32
    %dma_wait3A_364 = arith.constant 0 : i32
    %dma_wait3A_365 = arith.constant 0 : i32
    %dma_wait3A_366 = arith.constant 0 : i32
    %dma_wait3A_367 = tpu.memref_slice %arg0[%dma_wait3A_364, %dma_wait3A_363, %dma_wait3A_365, %dma_wait3A_366] : memref<8x192x128x128xf32, #tpu.memory_space<any>> -> memref<8x1x128x128xf32, #tpu.memory_space<any>>
    %dma_wait3A_368 = tpu.memref_squeeze %dma_wait3A_367 : memref<8x1x128x128xf32, #tpu.memory_space<any>> -> memref<8x128x128xf32, #tpu.memory_space<any>>
    tpu.wait_dma2 semaphore(%arg129 : memref<!tpu.dma_semaphore, #tpu.memory_space<semaphore_mem>>) src(%dma_wait3A_368 : memref<8x128x128xf32, #tpu.memory_space<any>>) dst(%arg9 : memref<8x128x128xf32, #tpu.memory_space<vmem>>)
    %dma_wait3A_369 = arith.constant 0 : i32
    %dma_wait3A_370 = arith.constant 0 : i32
    %dma_wait3A_371 = arith.constant 0 : i32
    %dma_wait3A_372 = arith.constant 0 : i32
    %dma_wait3A_373 = tpu.memref_slice %arg0[%dma_wait3A_370, %dma_wait3A_369, %dma_wait3A_371, %dma_wait3A_372] : memref<8x192x128x128xf32, #tpu.memory_space<any>> -> memref<8x1x128x128xf32, #tpu.memory_space<any>>
    %dma_wait3A_374 = tpu.memref_squeeze %dma_wait3A_373 : memref<8x1x128x128xf32, #tpu.memory_space<any>> -> memref<8x128x128xf32, #tpu.memory_space<any>>
    tpu.wait_dma2 semaphore(%arg106 : memref<!tpu.dma_semaphore, #tpu.memory_space<semaphore_mem>>) src(%dma_wait3A_374 : memref<8x128x128xf32, #tpu.memory_space<any>>) dst(%arg10 : memref<8x128x128xf32, #tpu.memory_space<vmem>>)
    %dma_wait3A_375 = arith.constant 0 : i32
    %dma_wait3A_376 = arith.constant 0 : i32
    %dma_wait3A_377 = arith.constant 0 : i32
    %dma_wait3A_378 = arith.constant 0 : i32
    %dma_wait3A_379 = tpu.memref_slice %arg0[%dma_wait3A_376, %dma_wait3A_375, %dma_wait3A_377, %dma_wait3A_378] : memref<8x192x128x128xf32, #tpu.memory_space<any>> -> memref<8x1x128x128xf32, #tpu.memory_space<any>>
    %dma_wait3A_380 = tpu.memref_squeeze %dma_wait3A_379 : memref<8x1x128x128xf32, #tpu.memory_space<any>> -> memref<8x128x128xf32, #tpu.memory_space<any>>
    tpu.wait_dma2 semaphore(%arg130 : memref<!tpu.dma_semaphore, #tpu.memory_space<semaphore_mem>>) src(%dma_wait3A_380 : memref<8x128x128xf32, #tpu.memory_space<any>>) dst(%arg10 : memref<8x128x128xf32, #tpu.memory_space<vmem>>)
    %dma_wait3A_381 = arith.constant 0 : i32
    %dma_wait3A_382 = arith.constant 0 : i32
    %dma_wait3A_383 = arith.constant 0 : i32
    %dma_wait3A_384 = arith.constant 0 : i32
    %dma_wait3A_385 = tpu.memref_slice %arg0[%dma_wait3A_382, %dma_wait3A_381, %dma_wait3A_383, %dma_wait3A_384] : memref<8x192x128x128xf32, #tpu.memory_space<any>> -> memref<8x1x128x128xf32, #tpu.memory_space<any>>
    %dma_wait3A_386 = tpu.memref_squeeze %dma_wait3A_385 : memref<8x1x128x128xf32, #tpu.memory_space<any>> -> memref<8x128x128xf32, #tpu.memory_space<any>>
    tpu.wait_dma2 semaphore(%arg107 : memref<!tpu.dma_semaphore, #tpu.memory_space<semaphore_mem>>) src(%dma_wait3A_386 : memref<8x128x128xf32, #tpu.memory_space<any>>) dst(%arg11 : memref<8x128x128xf32, #tpu.memory_space<vmem>>)
    %dma_wait3A_387 = arith.constant 0 : i32
    %dma_wait3A_388 = arith.constant 0 : i32
    %dma_wait3A_389 = arith.constant 0 : i32
    %dma_wait3A_390 = arith.constant 0 : i32
    %dma_wait3A_391 = tpu.memref_slice %arg0[%dma_wait3A_388, %dma_wait3A_387, %dma_wait3A_389, %dma_wait3A_390] : memref<8x192x128x128xf32, #tpu.memory_space<any>> -> memref<8x1x128x128xf32, #tpu.memory_space<any>>
    %dma_wait3A_392 = tpu.memref_squeeze %dma_wait3A_391 : memref<8x1x128x128xf32, #tpu.memory_space<any>> -> memref<8x128x128xf32, #tpu.memory_space<any>>
    tpu.wait_dma2 semaphore(%arg131 : memref<!tpu.dma_semaphore, #tpu.memory_space<semaphore_mem>>) src(%dma_wait3A_392 : memref<8x128x128xf32, #tpu.memory_space<any>>) dst(%arg11 : memref<8x128x128xf32, #tpu.memory_space<vmem>>)
    %dma_wait3A_393 = arith.constant 0 : i32
    %dma_wait3A_394 = arith.constant 0 : i32
    %dma_wait3A_395 = arith.constant 0 : i32
    %dma_wait3A_396 = arith.constant 0 : i32
    %dma_wait3A_397 = tpu.memref_slice %arg0[%dma_wait3A_394, %dma_wait3A_393, %dma_wait3A_395, %dma_wait3A_396] : memref<8x192x128x128xf32, #tpu.memory_space<any>> -> memref<8x1x128x128xf32, #tpu.memory_space<any>>
    %dma_wait3A_398 = tpu.memref_squeeze %dma_wait3A_397 : memref<8x1x128x128xf32, #tpu.memory_space<any>> -> memref<8x128x128xf32, #tpu.memory_space<any>>
    tpu.wait_dma2 semaphore(%arg108 : memref<!tpu.dma_semaphore, #tpu.memory_space<semaphore_mem>>) src(%dma_wait3A_398 : memref<8x128x128xf32, #tpu.memory_space<any>>) dst(%arg12 : memref<8x128x128xf32, #tpu.memory_space<vmem>>)
    %dma_wait3A_399 = arith.constant 0 : i32
    %dma_wait3A_400 = arith.constant 0 : i32
    %dma_wait3A_401 = arith.constant 0 : i32
    %dma_wait3A_402 = arith.constant 0 : i32
    %dma_wait3A_403 = tpu.memref_slice %arg0[%dma_wait3A_400, %dma_wait3A_399, %dma_wait3A_401, %dma_wait3A_402] : memref<8x192x128x128xf32, #tpu.memory_space<any>> -> memref<8x1x128x128xf32, #tpu.memory_space<any>>
    %dma_wait3A_404 = tpu.memref_squeeze %dma_wait3A_403 : memref<8x1x128x128xf32, #tpu.memory_space<any>> -> memref<8x128x128xf32, #tpu.memory_space<any>>
    tpu.wait_dma2 semaphore(%arg132 : memref<!tpu.dma_semaphore, #tpu.memory_space<semaphore_mem>>) src(%dma_wait3A_404 : memref<8x128x128xf32, #tpu.memory_space<any>>) dst(%arg12 : memref<8x128x128xf32, #tpu.memory_space<vmem>>)
    %dma_wait3A_405 = arith.constant 0 : i32
    %dma_wait3A_406 = arith.constant 0 : i32
    %dma_wait3A_407 = arith.constant 0 : i32
    %dma_wait3A_408 = arith.constant 0 : i32
    %dma_wait3A_409 = tpu.memref_slice %arg0[%dma_wait3A_406, %dma_wait3A_405, %dma_wait3A_407, %dma_wait3A_408] : memref<8x192x128x128xf32, #tpu.memory_space<any>> -> memref<8x1x128x128xf32, #tpu.memory_space<any>>
    %dma_wait3A_410 = tpu.memref_squeeze %dma_wait3A_409 : memref<8x1x128x128xf32, #tpu.memory_space<any>> -> memref<8x128x128xf32, #tpu.memory_space<any>>
    tpu.wait_dma2 semaphore(%arg109 : memref<!tpu.dma_semaphore, #tpu.memory_space<semaphore_mem>>) src(%dma_wait3A_410 : memref<8x128x128xf32, #tpu.memory_space<any>>) dst(%arg13 : memref<8x128x128xf32, #tpu.memory_space<vmem>>)
    %dma_wait3A_411 = arith.constant 0 : i32
    %dma_wait3A_412 = arith.constant 0 : i32
    %dma_wait3A_413 = arith.constant 0 : i32
    %dma_wait3A_414 = arith.constant 0 : i32
    %dma_wait3A_415 = tpu.memref_slice %arg0[%dma_wait3A_412, %dma_wait3A_411, %dma_wait3A_413, %dma_wait3A_414] : memref<8x192x128x128xf32, #tpu.memory_space<any>> -> memref<8x1x128x128xf32, #tpu.memory_space<any>>
    %dma_wait3A_416 = tpu.memref_squeeze %dma_wait3A_415 : memref<8x1x128x128xf32, #tpu.memory_space<any>> -> memref<8x128x128xf32, #tpu.memory_space<any>>
    tpu.wait_dma2 semaphore(%arg133 : memref<!tpu.dma_semaphore, #tpu.memory_space<semaphore_mem>>) src(%dma_wait3A_416 : memref<8x128x128xf32, #tpu.memory_space<any>>) dst(%arg13 : memref<8x128x128xf32, #tpu.memory_space<vmem>>)
    %dma_wait3A_417 = arith.constant 0 : i32
    %dma_wait3A_418 = arith.constant 0 : i32
    %dma_wait3A_419 = arith.constant 0 : i32
    %dma_wait3A_420 = arith.constant 0 : i32
    %dma_wait3A_421 = tpu.memref_slice %arg0[%dma_wait3A_418, %dma_wait3A_417, %dma_wait3A_419, %dma_wait3A_420] : memref<8x192x128x128xf32, #tpu.memory_space<any>> -> memref<8x1x128x128xf32, #tpu.memory_space<any>>
    %dma_wait3A_422 = tpu.memref_squeeze %dma_wait3A_421 : memref<8x1x128x128xf32, #tpu.memory_space<any>> -> memref<8x128x128xf32, #tpu.memory_space<any>>
    tpu.wait_dma2 semaphore(%arg110 : memref<!tpu.dma_semaphore, #tpu.memory_space<semaphore_mem>>) src(%dma_wait3A_422 : memref<8x128x128xf32, #tpu.memory_space<any>>) dst(%arg14 : memref<8x128x128xf32, #tpu.memory_space<vmem>>)
    %dma_wait3A_423 = arith.constant 0 : i32
    %dma_wait3A_424 = arith.constant 0 : i32
    %dma_wait3A_425 = arith.constant 0 : i32
    %dma_wait3A_426 = arith.constant 0 : i32
    %dma_wait3A_427 = tpu.memref_slice %arg0[%dma_wait3A_424, %dma_wait3A_423, %dma_wait3A_425, %dma_wait3A_426] : memref<8x192x128x128xf32, #tpu.memory_space<any>> -> memref<8x1x128x128xf32, #tpu.memory_space<any>>
    %dma_wait3A_428 = tpu.memref_squeeze %dma_wait3A_427 : memref<8x1x128x128xf32, #tpu.memory_space<any>> -> memref<8x128x128xf32, #tpu.memory_space<any>>
    tpu.wait_dma2 semaphore(%arg134 : memref<!tpu.dma_semaphore, #tpu.memory_space<semaphore_mem>>) src(%dma_wait3A_428 : memref<8x128x128xf32, #tpu.memory_space<any>>) dst(%arg14 : memref<8x128x128xf32, #tpu.memory_space<vmem>>)
    %dma_wait3A_429 = arith.constant 0 : i32
    %dma_wait3A_430 = arith.constant 0 : i32
    %dma_wait3A_431 = arith.constant 0 : i32
    %dma_wait3A_432 = arith.constant 0 : i32
    %dma_wait3A_433 = tpu.memref_slice %arg0[%dma_wait3A_430, %dma_wait3A_429, %dma_wait3A_431, %dma_wait3A_432] : memref<8x192x128x128xf32, #tpu.memory_space<any>> -> memref<8x1x128x128xf32, #tpu.memory_space<any>>
    %dma_wait3A_434 = tpu.memref_squeeze %dma_wait3A_433 : memref<8x1x128x128xf32, #tpu.memory_space<any>> -> memref<8x128x128xf32, #tpu.memory_space<any>>
    tpu.wait_dma2 semaphore(%arg111 : memref<!tpu.dma_semaphore, #tpu.memory_space<semaphore_mem>>) src(%dma_wait3A_434 : memref<8x128x128xf32, #tpu.memory_space<any>>) dst(%arg15 : memref<8x128x128xf32, #tpu.memory_space<vmem>>)
    %dma_wait3A_435 = arith.constant 0 : i32
    %dma_wait3A_436 = arith.constant 0 : i32
    %dma_wait3A_437 = arith.constant 0 : i32
    %dma_wait3A_438 = arith.constant 0 : i32
    %dma_wait3A_439 = tpu.memref_slice %arg0[%dma_wait3A_436, %dma_wait3A_435, %dma_wait3A_437, %dma_wait3A_438] : memref<8x192x128x128xf32, #tpu.memory_space<any>> -> memref<8x1x128x128xf32, #tpu.memory_space<any>>
    %dma_wait3A_440 = tpu.memref_squeeze %dma_wait3A_439 : memref<8x1x128x128xf32, #tpu.memory_space<any>> -> memref<8x128x128xf32, #tpu.memory_space<any>>
    tpu.wait_dma2 semaphore(%arg135 : memref<!tpu.dma_semaphore, #tpu.memory_space<semaphore_mem>>) src(%dma_wait3A_440 : memref<8x128x128xf32, #tpu.memory_space<any>>) dst(%arg15 : memref<8x128x128xf32, #tpu.memory_space<vmem>>)
    %dma_wait3A_441 = arith.constant 0 : i32
    %dma_wait3A_442 = arith.constant 0 : i32
    %dma_wait3A_443 = arith.constant 0 : i32
    %dma_wait3A_444 = arith.constant 0 : i32
    %dma_wait3A_445 = tpu.memref_slice %arg0[%dma_wait3A_442, %dma_wait3A_441, %dma_wait3A_443, %dma_wait3A_444] : memref<8x192x128x128xf32, #tpu.memory_space<any>> -> memref<8x1x128x128xf32, #tpu.memory_space<any>>
    %dma_wait3A_446 = tpu.memref_squeeze %dma_wait3A_445 : memref<8x1x128x128xf32, #tpu.memory_space<any>> -> memref<8x128x128xf32, #tpu.memory_space<any>>
    tpu.wait_dma2 semaphore(%arg112 : memref<!tpu.dma_semaphore, #tpu.memory_space<semaphore_mem>>) src(%dma_wait3A_446 : memref<8x128x128xf32, #tpu.memory_space<any>>) dst(%arg16 : memref<8x128x128xf32, #tpu.memory_space<vmem>>)
    %dma_wait3A_447 = arith.constant 0 : i32
    %dma_wait3A_448 = arith.constant 0 : i32
    %dma_wait3A_449 = arith.constant 0 : i32
    %dma_wait3A_450 = arith.constant 0 : i32
    %dma_wait3A_451 = tpu.memref_slice %arg0[%dma_wait3A_448, %dma_wait3A_447, %dma_wait3A_449, %dma_wait3A_450] : memref<8x192x128x128xf32, #tpu.memory_space<any>> -> memref<8x1x128x128xf32, #tpu.memory_space<any>>
    %dma_wait3A_452 = tpu.memref_squeeze %dma_wait3A_451 : memref<8x1x128x128xf32, #tpu.memory_space<any>> -> memref<8x128x128xf32, #tpu.memory_space<any>>
    tpu.wait_dma2 semaphore(%arg136 : memref<!tpu.dma_semaphore, #tpu.memory_space<semaphore_mem>>) src(%dma_wait3A_452 : memref<8x128x128xf32, #tpu.memory_space<any>>) dst(%arg16 : memref<8x128x128xf32, #tpu.memory_space<vmem>>)
    %dma_wait3A_453 = arith.constant 0 : i32
    %dma_wait3A_454 = arith.constant 0 : i32
    %dma_wait3A_455 = arith.constant 0 : i32
    %dma_wait3A_456 = arith.constant 0 : i32
    %dma_wait3A_457 = tpu.memref_slice %arg0[%dma_wait3A_454, %dma_wait3A_453, %dma_wait3A_455, %dma_wait3A_456] : memref<8x192x128x128xf32, #tpu.memory_space<any>> -> memref<8x1x128x128xf32, #tpu.memory_space<any>>
    %dma_wait3A_458 = tpu.memref_squeeze %dma_wait3A_457 : memref<8x1x128x128xf32, #tpu.memory_space<any>> -> memref<8x128x128xf32, #tpu.memory_space<any>>
    tpu.wait_dma2 semaphore(%arg113 : memref<!tpu.dma_semaphore, #tpu.memory_space<semaphore_mem>>) src(%dma_wait3A_458 : memref<8x128x128xf32, #tpu.memory_space<any>>) dst(%arg17 : memref<8x128x128xf32, #tpu.memory_space<vmem>>)
    %dma_wait3A_459 = arith.constant 0 : i32
    %dma_wait3A_460 = arith.constant 0 : i32
    %dma_wait3A_461 = arith.constant 0 : i32
    %dma_wait3A_462 = arith.constant 0 : i32
    %dma_wait3A_463 = tpu.memref_slice %arg0[%dma_wait3A_460, %dma_wait3A_459, %dma_wait3A_461, %dma_wait3A_462] : memref<8x192x128x128xf32, #tpu.memory_space<any>> -> memref<8x1x128x128xf32, #tpu.memory_space<any>>
    %dma_wait3A_464 = tpu.memref_squeeze %dma_wait3A_463 : memref<8x1x128x128xf32, #tpu.memory_space<any>> -> memref<8x128x128xf32, #tpu.memory_space<any>>
    tpu.wait_dma2 semaphore(%arg137 : memref<!tpu.dma_semaphore, #tpu.memory_space<semaphore_mem>>) src(%dma_wait3A_464 : memref<8x128x128xf32, #tpu.memory_space<any>>) dst(%arg17 : memref<8x128x128xf32, #tpu.memory_space<vmem>>)
    %dma_wait3A_465 = arith.constant 0 : i32
    %dma_wait3A_466 = arith.constant 0 : i32
    %dma_wait3A_467 = arith.constant 0 : i32
    %dma_wait3A_468 = arith.constant 0 : i32
    %dma_wait3A_469 = tpu.memref_slice %arg0[%dma_wait3A_466, %dma_wait3A_465, %dma_wait3A_467, %dma_wait3A_468] : memref<8x192x128x128xf32, #tpu.memory_space<any>> -> memref<8x1x128x128xf32, #tpu.memory_space<any>>
    %dma_wait3A_470 = tpu.memref_squeeze %dma_wait3A_469 : memref<8x1x128x128xf32, #tpu.memory_space<any>> -> memref<8x128x128xf32, #tpu.memory_space<any>>
    tpu.wait_dma2 semaphore(%arg114 : memref<!tpu.dma_semaphore, #tpu.memory_space<semaphore_mem>>) src(%dma_wait3A_470 : memref<8x128x128xf32, #tpu.memory_space<any>>) dst(%arg18 : memref<8x128x128xf32, #tpu.memory_space<vmem>>)
    %dma_wait3A_471 = arith.constant 0 : i32
    %dma_wait3A_472 = arith.constant 0 : i32
    %dma_wait3A_473 = arith.constant 0 : i32
    %dma_wait3A_474 = arith.constant 0 : i32
    %dma_wait3A_475 = tpu.memref_slice %arg0[%dma_wait3A_472, %dma_wait3A_471, %dma_wait3A_473, %dma_wait3A_474] : memref<8x192x128x128xf32, #tpu.memory_space<any>> -> memref<8x1x128x128xf32, #tpu.memory_space<any>>
    %dma_wait3A_476 = tpu.memref_squeeze %dma_wait3A_475 : memref<8x1x128x128xf32, #tpu.memory_space<any>> -> memref<8x128x128xf32, #tpu.memory_space<any>>
    tpu.wait_dma2 semaphore(%arg138 : memref<!tpu.dma_semaphore, #tpu.memory_space<semaphore_mem>>) src(%dma_wait3A_476 : memref<8x128x128xf32, #tpu.memory_space<any>>) dst(%arg18 : memref<8x128x128xf32, #tpu.memory_space<vmem>>)
    %dma_wait3A_477 = arith.constant 0 : i32
    %dma_wait3A_478 = arith.constant 0 : i32
    %dma_wait3A_479 = arith.constant 0 : i32
    %dma_wait3A_480 = arith.constant 0 : i32
    %dma_wait3A_481 = tpu.memref_slice %arg0[%dma_wait3A_478, %dma_wait3A_477, %dma_wait3A_479, %dma_wait3A_480] : memref<8x192x128x128xf32, #tpu.memory_space<any>> -> memref<8x1x128x128xf32, #tpu.memory_space<any>>
    %dma_wait3A_482 = tpu.memref_squeeze %dma_wait3A_481 : memref<8x1x128x128xf32, #tpu.memory_space<any>> -> memref<8x128x128xf32, #tpu.memory_space<any>>
    tpu.wait_dma2 semaphore(%arg115 : memref<!tpu.dma_semaphore, #tpu.memory_space<semaphore_mem>>) src(%dma_wait3A_482 : memref<8x128x128xf32, #tpu.memory_space<any>>) dst(%arg19 : memref<8x128x128xf32, #tpu.memory_space<vmem>>)
    %dma_wait3A_483 = arith.constant 0 : i32
    %dma_wait3A_484 = arith.constant 0 : i32
    %dma_wait3A_485 = arith.constant 0 : i32
    %dma_wait3A_486 = arith.constant 0 : i32
    %dma_wait3A_487 = tpu.memref_slice %arg0[%dma_wait3A_484, %dma_wait3A_483, %dma_wait3A_485, %dma_wait3A_486] : memref<8x192x128x128xf32, #tpu.memory_space<any>> -> memref<8x1x128x128xf32, #tpu.memory_space<any>>
    %dma_wait3A_488 = tpu.memref_squeeze %dma_wait3A_487 : memref<8x1x128x128xf32, #tpu.memory_space<any>> -> memref<8x128x128xf32, #tpu.memory_space<any>>
    tpu.wait_dma2 semaphore(%arg139 : memref<!tpu.dma_semaphore, #tpu.memory_space<semaphore_mem>>) src(%dma_wait3A_488 : memref<8x128x128xf32, #tpu.memory_space<any>>) dst(%arg19 : memref<8x128x128xf32, #tpu.memory_space<vmem>>)
    %dma_wait3A_489 = arith.constant 0 : i32
    %dma_wait3A_490 = arith.constant 0 : i32
    %dma_wait3A_491 = arith.constant 0 : i32
    %dma_wait3A_492 = arith.constant 0 : i32
    %dma_wait3A_493 = tpu.memref_slice %arg0[%dma_wait3A_490, %dma_wait3A_489, %dma_wait3A_491, %dma_wait3A_492] : memref<8x192x128x128xf32, #tpu.memory_space<any>> -> memref<8x1x128x128xf32, #tpu.memory_space<any>>
    %dma_wait3A_494 = tpu.memref_squeeze %dma_wait3A_493 : memref<8x1x128x128xf32, #tpu.memory_space<any>> -> memref<8x128x128xf32, #tpu.memory_space<any>>
    tpu.wait_dma2 semaphore(%arg116 : memref<!tpu.dma_semaphore, #tpu.memory_space<semaphore_mem>>) src(%dma_wait3A_494 : memref<8x128x128xf32, #tpu.memory_space<any>>) dst(%arg20 : memref<8x128x128xf32, #tpu.memory_space<vmem>>)
    %dma_wait3A_495 = arith.constant 0 : i32
    %dma_wait3A_496 = arith.constant 0 : i32
    %dma_wait3A_497 = arith.constant 0 : i32
    %dma_wait3A_498 = arith.constant 0 : i32
    %dma_wait3A_499 = tpu.memref_slice %arg0[%dma_wait3A_496, %dma_wait3A_495, %dma_wait3A_497, %dma_wait3A_498] : memref<8x192x128x128xf32, #tpu.memory_space<any>> -> memref<8x1x128x128xf32, #tpu.memory_space<any>>
    %dma_wait3A_500 = tpu.memref_squeeze %dma_wait3A_499 : memref<8x1x128x128xf32, #tpu.memory_space<any>> -> memref<8x128x128xf32, #tpu.memory_space<any>>
    tpu.wait_dma2 semaphore(%arg140 : memref<!tpu.dma_semaphore, #tpu.memory_space<semaphore_mem>>) src(%dma_wait3A_500 : memref<8x128x128xf32, #tpu.memory_space<any>>) dst(%arg20 : memref<8x128x128xf32, #tpu.memory_space<vmem>>)
    %dma_wait3A_501 = arith.constant 0 : i32
    %dma_wait3A_502 = arith.constant 0 : i32
    %dma_wait3A_503 = arith.constant 0 : i32
    %dma_wait3A_504 = arith.constant 0 : i32
    %dma_wait3A_505 = tpu.memref_slice %arg0[%dma_wait3A_502, %dma_wait3A_501, %dma_wait3A_503, %dma_wait3A_504] : memref<8x192x128x128xf32, #tpu.memory_space<any>> -> memref<8x1x128x128xf32, #tpu.memory_space<any>>
    %dma_wait3A_506 = tpu.memref_squeeze %dma_wait3A_505 : memref<8x1x128x128xf32, #tpu.memory_space<any>> -> memref<8x128x128xf32, #tpu.memory_space<any>>
    tpu.wait_dma2 semaphore(%arg117 : memref<!tpu.dma_semaphore, #tpu.memory_space<semaphore_mem>>) src(%dma_wait3A_506 : memref<8x128x128xf32, #tpu.memory_space<any>>) dst(%arg21 : memref<8x128x128xf32, #tpu.memory_space<vmem>>)
    %dma_wait3A_507 = arith.constant 0 : i32
    %dma_wait3A_508 = arith.constant 0 : i32
    %dma_wait3A_509 = arith.constant 0 : i32
    %dma_wait3A_510 = arith.constant 0 : i32
    %dma_wait3A_511 = tpu.memref_slice %arg0[%dma_wait3A_508, %dma_wait3A_507, %dma_wait3A_509, %dma_wait3A_510] : memref<8x192x128x128xf32, #tpu.memory_space<any>> -> memref<8x1x128x128xf32, #tpu.memory_space<any>>
    %dma_wait3A_512 = tpu.memref_squeeze %dma_wait3A_511 : memref<8x1x128x128xf32, #tpu.memory_space<any>> -> memref<8x128x128xf32, #tpu.memory_space<any>>
    tpu.wait_dma2 semaphore(%arg141 : memref<!tpu.dma_semaphore, #tpu.memory_space<semaphore_mem>>) src(%dma_wait3A_512 : memref<8x128x128xf32, #tpu.memory_space<any>>) dst(%arg21 : memref<8x128x128xf32, #tpu.memory_space<vmem>>)
    %dma_wait3A_513 = arith.constant 0 : i32
    %dma_wait3A_514 = arith.constant 0 : i32
    %dma_wait3A_515 = arith.constant 0 : i32
    %dma_wait3A_516 = arith.constant 0 : i32
    %dma_wait3A_517 = tpu.memref_slice %arg0[%dma_wait3A_514, %dma_wait3A_513, %dma_wait3A_515, %dma_wait3A_516] : memref<8x192x128x128xf32, #tpu.memory_space<any>> -> memref<8x1x128x128xf32, #tpu.memory_space<any>>
    %dma_wait3A_518 = tpu.memref_squeeze %dma_wait3A_517 : memref<8x1x128x128xf32, #tpu.memory_space<any>> -> memref<8x128x128xf32, #tpu.memory_space<any>>
    tpu.wait_dma2 semaphore(%arg118 : memref<!tpu.dma_semaphore, #tpu.memory_space<semaphore_mem>>) src(%dma_wait3A_518 : memref<8x128x128xf32, #tpu.memory_space<any>>) dst(%arg22 : memref<8x128x128xf32, #tpu.memory_space<vmem>>)
    %dma_wait3A_519 = arith.constant 0 : i32
    %dma_wait3A_520 = arith.constant 0 : i32
    %dma_wait3A_521 = arith.constant 0 : i32
    %dma_wait3A_522 = arith.constant 0 : i32
    %dma_wait3A_523 = tpu.memref_slice %arg0[%dma_wait3A_520, %dma_wait3A_519, %dma_wait3A_521, %dma_wait3A_522] : memref<8x192x128x128xf32, #tpu.memory_space<any>> -> memref<8x1x128x128xf32, #tpu.memory_space<any>>
    %dma_wait3A_524 = tpu.memref_squeeze %dma_wait3A_523 : memref<8x1x128x128xf32, #tpu.memory_space<any>> -> memref<8x128x128xf32, #tpu.memory_space<any>>
    tpu.wait_dma2 semaphore(%arg142 : memref<!tpu.dma_semaphore, #tpu.memory_space<semaphore_mem>>) src(%dma_wait3A_524 : memref<8x128x128xf32, #tpu.memory_space<any>>) dst(%arg22 : memref<8x128x128xf32, #tpu.memory_space<vmem>>)
    %dma_wait3A_525 = arith.constant 0 : i32
    %dma_wait3A_526 = arith.constant 0 : i32
    %dma_wait3A_527 = arith.constant 0 : i32
    %dma_wait3A_528 = arith.constant 0 : i32
    %dma_wait3A_529 = tpu.memref_slice %arg0[%dma_wait3A_526, %dma_wait3A_525, %dma_wait3A_527, %dma_wait3A_528] : memref<8x192x128x128xf32, #tpu.memory_space<any>> -> memref<8x1x128x128xf32, #tpu.memory_space<any>>
    %dma_wait3A_530 = tpu.memref_squeeze %dma_wait3A_529 : memref<8x1x128x128xf32, #tpu.memory_space<any>> -> memref<8x128x128xf32, #tpu.memory_space<any>>
    tpu.wait_dma2 semaphore(%arg119 : memref<!tpu.dma_semaphore, #tpu.memory_space<semaphore_mem>>) src(%dma_wait3A_530 : memref<8x128x128xf32, #tpu.memory_space<any>>) dst(%arg23 : memref<8x128x128xf32, #tpu.memory_space<vmem>>)
    %dma_wait3A_531 = arith.constant 0 : i32
    %dma_wait3A_532 = arith.constant 0 : i32
    %dma_wait3A_533 = arith.constant 0 : i32
    %dma_wait3A_534 = arith.constant 0 : i32
    %dma_wait3A_535 = tpu.memref_slice %arg0[%dma_wait3A_532, %dma_wait3A_531, %dma_wait3A_533, %dma_wait3A_534] : memref<8x192x128x128xf32, #tpu.memory_space<any>> -> memref<8x1x128x128xf32, #tpu.memory_space<any>>
    %dma_wait3A_536 = tpu.memref_squeeze %dma_wait3A_535 : memref<8x1x128x128xf32, #tpu.memory_space<any>> -> memref<8x128x128xf32, #tpu.memory_space<any>>
    tpu.wait_dma2 semaphore(%arg143 : memref<!tpu.dma_semaphore, #tpu.memory_space<semaphore_mem>>) src(%dma_wait3A_536 : memref<8x128x128xf32, #tpu.memory_space<any>>) dst(%arg23 : memref<8x128x128xf32, #tpu.memory_space<vmem>>)
    %dma_wait3A_537 = arith.constant 0 : i32
    %dma_wait3A_538 = arith.constant 0 : i32
    %dma_wait3A_539 = arith.constant 0 : i32
    %dma_wait3A_540 = arith.constant 0 : i32
    %dma_wait3A_541 = tpu.memref_slice %arg0[%dma_wait3A_538, %dma_wait3A_537, %dma_wait3A_539, %dma_wait3A_540] : memref<8x192x128x128xf32, #tpu.memory_space<any>> -> memref<8x1x128x128xf32, #tpu.memory_space<any>>
    %dma_wait3A_542 = tpu.memref_squeeze %dma_wait3A_541 : memref<8x1x128x128xf32, #tpu.memory_space<any>> -> memref<8x128x128xf32, #tpu.memory_space<any>>
    tpu.wait_dma2 semaphore(%arg120 : memref<!tpu.dma_semaphore, #tpu.memory_space<semaphore_mem>>) src(%dma_wait3A_542 : memref<8x128x128xf32, #tpu.memory_space<any>>) dst(%arg24 : memref<8x128x128xf32, #tpu.memory_space<vmem>>)
    %dma_wait3A_543 = arith.constant 0 : i32
    %dma_wait3A_544 = arith.constant 0 : i32
    %dma_wait3A_545 = arith.constant 0 : i32
    %dma_wait3A_546 = arith.constant 0 : i32
    %dma_wait3A_547 = tpu.memref_slice %arg0[%dma_wait3A_544, %dma_wait3A_543, %dma_wait3A_545, %dma_wait3A_546] : memref<8x192x128x128xf32, #tpu.memory_space<any>> -> memref<8x1x128x128xf32, #tpu.memory_space<any>>
    %dma_wait3A_548 = tpu.memref_squeeze %dma_wait3A_547 : memref<8x1x128x128xf32, #tpu.memory_space<any>> -> memref<8x128x128xf32, #tpu.memory_space<any>>
    tpu.wait_dma2 semaphore(%arg144 : memref<!tpu.dma_semaphore, #tpu.memory_space<semaphore_mem>>) src(%dma_wait3A_548 : memref<8x128x128xf32, #tpu.memory_space<any>>) dst(%arg24 : memref<8x128x128xf32, #tpu.memory_space<vmem>>)
    %dma_wait3A_549 = arith.constant 0 : i32
    %dma_wait3A_550 = arith.constant 0 : i32
    %dma_wait3A_551 = arith.constant 0 : i32
    %dma_wait3A_552 = arith.constant 0 : i32
    %dma_wait3A_553 = tpu.memref_slice %arg0[%dma_wait3A_550, %dma_wait3A_549, %dma_wait3A_551, %dma_wait3A_552] : memref<8x192x128x128xf32, #tpu.memory_space<any>> -> memref<8x1x128x128xf32, #tpu.memory_space<any>>
    %dma_wait3A_554 = tpu.memref_squeeze %dma_wait3A_553 : memref<8x1x128x128xf32, #tpu.memory_space<any>> -> memref<8x128x128xf32, #tpu.memory_space<any>>
    tpu.wait_dma2 semaphore(%arg121 : memref<!tpu.dma_semaphore, #tpu.memory_space<semaphore_mem>>) src(%dma_wait3A_554 : memref<8x128x128xf32, #tpu.memory_space<any>>) dst(%arg25 : memref<8x128x128xf32, #tpu.memory_space<vmem>>)
    %dma_wait3A_555 = arith.constant 0 : i32
    %dma_wait3A_556 = arith.constant 0 : i32
    %dma_wait3A_557 = arith.constant 0 : i32
    %dma_wait3A_558 = arith.constant 0 : i32
    %dma_wait3A_559 = tpu.memref_slice %arg0[%dma_wait3A_556, %dma_wait3A_555, %dma_wait3A_557, %dma_wait3A_558] : memref<8x192x128x128xf32, #tpu.memory_space<any>> -> memref<8x1x128x128xf32, #tpu.memory_space<any>>
    %dma_wait3A_560 = tpu.memref_squeeze %dma_wait3A_559 : memref<8x1x128x128xf32, #tpu.memory_space<any>> -> memref<8x128x128xf32, #tpu.memory_space<any>>
    tpu.wait_dma2 semaphore(%arg145 : memref<!tpu.dma_semaphore, #tpu.memory_space<semaphore_mem>>) src(%dma_wait3A_560 : memref<8x128x128xf32, #tpu.memory_space<any>>) dst(%arg25 : memref<8x128x128xf32, #tpu.memory_space<vmem>>)
    %dma_wait3A_561 = arith.constant 0 : i32
    %dma_wait3A_562 = arith.constant 0 : i32
    %dma_wait3A_563 = arith.constant 0 : i32
    %dma_wait3A_564 = arith.constant 0 : i32
    %dma_wait3A_565 = tpu.memref_slice %arg0[%dma_wait3A_562, %dma_wait3A_561, %dma_wait3A_563, %dma_wait3A_564] : memref<8x192x128x128xf32, #tpu.memory_space<any>> -> memref<8x1x128x128xf32, #tpu.memory_space<any>>
    %dma_wait3A_566 = tpu.memref_squeeze %dma_wait3A_565 : memref<8x1x128x128xf32, #tpu.memory_space<any>> -> memref<8x128x128xf32, #tpu.memory_space<any>>
    tpu.wait_dma2 semaphore(%arg122 : memref<!tpu.dma_semaphore, #tpu.memory_space<semaphore_mem>>) src(%dma_wait3A_566 : memref<8x128x128xf32, #tpu.memory_space<any>>) dst(%arg26 : memref<8x128x128xf32, #tpu.memory_space<vmem>>)
    %dma_wait3A_567 = arith.constant 0 : i32
    %dma_wait3A_568 = arith.constant 0 : i32
    %dma_wait3A_569 = arith.constant 0 : i32
    %dma_wait3A_570 = arith.constant 0 : i32
    %dma_wait3A_571 = tpu.memref_slice %arg0[%dma_wait3A_568, %dma_wait3A_567, %dma_wait3A_569, %dma_wait3A_570] : memref<8x192x128x128xf32, #tpu.memory_space<any>> -> memref<8x1x128x128xf32, #tpu.memory_space<any>>
    %dma_wait3A_572 = tpu.memref_squeeze %dma_wait3A_571 : memref<8x1x128x128xf32, #tpu.memory_space<any>> -> memref<8x128x128xf32, #tpu.memory_space<any>>
    tpu.wait_dma2 semaphore(%arg146 : memref<!tpu.dma_semaphore, #tpu.memory_space<semaphore_mem>>) src(%dma_wait3A_572 : memref<8x128x128xf32, #tpu.memory_space<any>>) dst(%arg26 : memref<8x128x128xf32, #tpu.memory_space<vmem>>)
    %dma_wait3A_573 = arith.constant 0 : i32
    %dma_wait3A_574 = arith.constant 0 : i32
    %dma_wait3A_575 = arith.constant 0 : i32
    %dma_wait3A_576 = arith.constant 0 : i32
    %dma_wait3A_577 = tpu.memref_slice %arg0[%dma_wait3A_574, %dma_wait3A_573, %dma_wait3A_575, %dma_wait3A_576] : memref<8x192x128x128xf32, #tpu.memory_space<any>> -> memref<8x1x128x128xf32, #tpu.memory_space<any>>
    %dma_wait3A_578 = tpu.memref_squeeze %dma_wait3A_577 : memref<8x1x128x128xf32, #tpu.memory_space<any>> -> memref<8x128x128xf32, #tpu.memory_space<any>>
    tpu.wait_dma2 semaphore(%arg123 : memref<!tpu.dma_semaphore, #tpu.memory_space<semaphore_mem>>) src(%dma_wait3A_578 : memref<8x128x128xf32, #tpu.memory_space<any>>) dst(%arg27 : memref<8x128x128xf32, #tpu.memory_space<vmem>>)
    %dma_wait3A_579 = arith.constant 0 : i32
    %dma_wait3A_580 = arith.constant 0 : i32
    %dma_wait3A_581 = arith.constant 0 : i32
    %dma_wait3A_582 = arith.constant 0 : i32
    %dma_wait3A_583 = tpu.memref_slice %arg0[%dma_wait3A_580, %dma_wait3A_579, %dma_wait3A_581, %dma_wait3A_582] : memref<8x192x128x128xf32, #tpu.memory_space<any>> -> memref<8x1x128x128xf32, #tpu.memory_space<any>>
    %dma_wait3A_584 = tpu.memref_squeeze %dma_wait3A_583 : memref<8x1x128x128xf32, #tpu.memory_space<any>> -> memref<8x128x128xf32, #tpu.memory_space<any>>
    tpu.wait_dma2 semaphore(%arg147 : memref<!tpu.dma_semaphore, #tpu.memory_space<semaphore_mem>>) src(%dma_wait3A_584 : memref<8x128x128xf32, #tpu.memory_space<any>>) dst(%arg27 : memref<8x128x128xf32, #tpu.memory_space<vmem>>)
    %dma_wait3A_585 = arith.constant 0 : i32
    %dma_wait3A_586 = arith.constant 0 : i32
    %dma_wait3A_587 = arith.constant 0 : i32
    %dma_wait3A_588 = arith.constant 0 : i32
    %dma_wait3A_589 = tpu.memref_slice %arg0[%dma_wait3A_586, %dma_wait3A_585, %dma_wait3A_587, %dma_wait3A_588] : memref<8x192x128x128xf32, #tpu.memory_space<any>> -> memref<8x1x128x128xf32, #tpu.memory_space<any>>
    %dma_wait3A_590 = tpu.memref_squeeze %dma_wait3A_589 : memref<8x1x128x128xf32, #tpu.memory_space<any>> -> memref<8x128x128xf32, #tpu.memory_space<any>>
    tpu.wait_dma2 semaphore(%arg124 : memref<!tpu.dma_semaphore, #tpu.memory_space<semaphore_mem>>) src(%dma_wait3A_590 : memref<8x128x128xf32, #tpu.memory_space<any>>) dst(%arg28 : memref<8x128x128xf32, #tpu.memory_space<vmem>>)
    %dma_wait3A_591 = arith.constant 0 : i32
    %dma_wait3A_592 = arith.constant 0 : i32
    %dma_wait3A_593 = arith.constant 0 : i32
    %dma_wait3A_594 = arith.constant 0 : i32
    %dma_wait3A_595 = tpu.memref_slice %arg0[%dma_wait3A_592, %dma_wait3A_591, %dma_wait3A_593, %dma_wait3A_594] : memref<8x192x128x128xf32, #tpu.memory_space<any>> -> memref<8x1x128x128xf32, #tpu.memory_space<any>>
    %dma_wait3A_596 = tpu.memref_squeeze %dma_wait3A_595 : memref<8x1x128x128xf32, #tpu.memory_space<any>> -> memref<8x128x128xf32, #tpu.memory_space<any>>
    tpu.wait_dma2 semaphore(%arg148 : memref<!tpu.dma_semaphore, #tpu.memory_space<semaphore_mem>>) src(%dma_wait3A_596 : memref<8x128x128xf32, #tpu.memory_space<any>>) dst(%arg28 : memref<8x128x128xf32, #tpu.memory_space<vmem>>)
    %dma_wait3A_597 = arith.constant 0 : i32
    %dma_wait3A_598 = arith.constant 0 : i32
    %dma_wait3A_599 = arith.constant 0 : i32
    %dma_wait3A_600 = arith.constant 0 : i32
    %dma_wait3A_601 = tpu.memref_slice %arg0[%dma_wait3A_598, %dma_wait3A_597, %dma_wait3A_599, %dma_wait3A_600] : memref<8x192x128x128xf32, #tpu.memory_space<any>> -> memref<8x1x128x128xf32, #tpu.memory_space<any>>
    %dma_wait3A_602 = tpu.memref_squeeze %dma_wait3A_601 : memref<8x1x128x128xf32, #tpu.memory_space<any>> -> memref<8x128x128xf32, #tpu.memory_space<any>>
    tpu.wait_dma2 semaphore(%arg125 : memref<!tpu.dma_semaphore, #tpu.memory_space<semaphore_mem>>) src(%dma_wait3A_602 : memref<8x128x128xf32, #tpu.memory_space<any>>) dst(%arg29 : memref<8x128x128xf32, #tpu.memory_space<vmem>>)
    %dma_wait3A_603 = arith.constant 0 : i32
    %dma_wait3A_604 = arith.constant 0 : i32
    %dma_wait3A_605 = arith.constant 0 : i32
    %dma_wait3A_606 = arith.constant 0 : i32
    %dma_wait3A_607 = tpu.memref_slice %arg0[%dma_wait3A_604, %dma_wait3A_603, %dma_wait3A_605, %dma_wait3A_606] : memref<8x192x128x128xf32, #tpu.memory_space<any>> -> memref<8x1x128x128xf32, #tpu.memory_space<any>>
    %dma_wait3A_608 = tpu.memref_squeeze %dma_wait3A_607 : memref<8x1x128x128xf32, #tpu.memory_space<any>> -> memref<8x128x128xf32, #tpu.memory_space<any>>
    tpu.wait_dma2 semaphore(%arg149 : memref<!tpu.dma_semaphore, #tpu.memory_space<semaphore_mem>>) src(%dma_wait3A_608 : memref<8x128x128xf32, #tpu.memory_space<any>>) dst(%arg29 : memref<8x128x128xf32, #tpu.memory_space<vmem>>)
    return
  }
}

</mosaic_0001>

<sc_bundles>
// kernel: kernel.4.cloned.1.call-start
scs
__scs_entry_jumppad:
0x0: {  	(pc) =	sbr.rel $0x88, $3  }
0x1: {  	(tag) =	ssettag $0x0;
	lr =	simm.s32 $0x1  }
0x2: {  	[smem:$0x3F9D] =	sst lr;
	_ =	strace $0xD0000000  }
0x3: {  	_ = 	snop  }
0x4: {  	_ = 	snop  }
0x5: {  	_ = 	snop  }
0x6: {  	_ = 	snop  }
0x7: {  	_ = 	snop  }
__scs_overlays_trampoline_lowered:
0x8: {  	[smem:$0x3FAC] =	sst s0  }
0x9: {  	[smem:$0x3FAD] =	sst s1  }
0xa: {  	[smem:$0x3FAE] =	sst s2  }
0xb: {  	[smem:$0x3FAF] =	sst s3  }
0xc: {  	[smem:$0x3FB0] =	sst s4  }
0xd: {  	[smem:$0x3FB1] =	sst s5  }
0xe: {  	[smem:$0x3FB2] =	sst s6  }
0xf: {  	[smem:$0x3FB3] =	sst s7  }
0x10: {  	[smem:$0x3FB4] =	sst s8  }
0x11: {  	[smem:$0x3FB5] =	sst s9;
	s0 =	simm.s32 @!p0 $0x0  }
0x12: {  	s1 =	sld [smem:$0x3F9B];
	s0 =	simm.s32 @p0 $0x1  }
0x13: {  	[smem:$0x3FB6] =	sst s0;
	s0 =	simm.s32 @!p1 $0x0  }
0x14: {  	s2 =	sld [smem:$0x3F9A];
	s0 =	simm.s32 @p1 $0x1  }
0x15: {  	[smem:$0x3FB7] =	sst s0;
	s0 =	simm.s32 @!p2 $0x0  }
0x16: {  	s3 =	sld [smem:$0x3FDB];
	s0 =	simm.s32 @p2 $0x1  }
0x17: {  	s4 =	simm.s32 $0x1BF5;
	[smem:$0x3FB9] =	sst s0  }
0x18: {  	s0 =	sld [smem:$0x3F9C];
	_ =	swait.ge [sflag:s4], $0x0  }
0x19: {  	s7 =	sld [smem:$0x3F9D]  }
0x1a: {  	s8 =	sadd.s32 $0xFFFFE003, lr  }
0x1b: {  	s9 =	sadd.s32 $0xFFFFFEF7, lr;
	s5 =	simm.s32 $0xFFFFFFFF;
	p2 =	slt.u32 s8, $0xFFFFF086  }
0x1c: {  	p1 =	slt.u32 s9, $0xF7A;
	s5 =	simm.s32 @!p2 $0x0  }
0x1d: {  	s5 =	simm.s32 @p1 $0x1;
	p0 =	seq.s32 s7, s2  }
0x1e: {  	s7 =	smul.u32 @!p0 $0xF7A, s2;
	p2 =	seq.s32 @!p0 s5, $0x0  }
0x1f: {  	s9 =	smul.u32 $0xF7A, s1;
	s8 =	simm.s32 @!p0 $0x1BF5;
	p2 =	por !p2, p0  }
0x20: {  	[sflag:s8] =	ssyncset.s32 @!p0 $0xFFFFF086;
	s6 =	sadd.s32 @!p0 s3, s7;
	s7 =	simm.s32 @!p0 $0x108  }
0x21: {  	s3 =	sadd.s32 s3, s9;
	s6 =	sadd.s32 @!p0 $0x88, s6;
	s7 =	simm.s32 @p2 $0x1082  }
0x22: {  	[simem:s7], [sflag:s8] =	dma.local @!p0 [hbm:s6], $0xF7A  }
0x23: {  	s9 =	sor.u32 $0xD0000000, s2;
	s6 =	simm.s32 $0x108;
	_ =	swait.ge @!p0 [sflag:s8], $0x0  }
0x24: {  	s3 =	sadd.s32 $0x88, s3;
	s6 =	simm.s32 @!p1 $0x1082;
	[sflag:s4] =	ssyncset.s32 $0xFFFFF086  }
0x25: {  	[simem:s6], [sflag:s4] =	dma.local [hbm:s3], $0xF7A  }
0x26: {  	[smem:$0x3F9D] =	sst s1;
	(tag) =	ssettag s2;
	_ =	strace s9  }
0x27: {  	s1 =	sld [smem:$0x3FAD]  }
0x28: {  	s2 =	sld [smem:$0x3FAE]  }
0x29: {  	s4 =	sld [smem:$0x3FB0]  }
0x2a: {  	p0 =	seq.s32 s5, $0x0;
	s5 =	sld [smem:$0x3FB1]  }
0x2b: {  	s6 =	sld [smem:$0x3FB2]  }
0x2c: {  	s7 =	sld [smem:$0x3FB3]  }
0x2d: {  	s3 =	simm.s32 $0x108;
	s8 =	sld [smem:$0x3FB4]  }
0x2e: {  	s3 =	simm.s32 @!p0 $0x1082;
	s9 =	sld [smem:$0x3FB5]  }
0x2f: {  	lr =	sadd.s32 s0, s3;
	s0 =	sld [smem:$0x3FAC]  }
0x30: {  	s3 =	sld [smem:$0x3FAF]  }
0x31: {  	[smem:$0x3FB8] =	sst s10  }
0x32: {  	s10 =	sld [smem:$0x3FB6];
	_ =	sdelay $0x3  }
0x33: {  	p0 =	seq.s32 s10, $0x1;
	s10 =	sld [smem:$0x3FB8];
	_ =	sdelay $0x3  }
0x34: {  	[smem:$0x3FB8] =	sst s10  }
0x35: {  	s10 =	sld [smem:$0x3FB7];
	_ =	sdelay $0x3  }
0x36: {  	p1 =	seq.s32 s10, $0x1;
	s10 =	sld [smem:$0x3FB8];
	_ =	sdelay $0x3  }
0x37: {  	[smem:$0x3FB8] =	sst s10  }
0x38: {  	s10 =	sld [smem:$0x3FB9]  }
0x39: {  	_ = 	snop;
	(pc) =	sbr.ind lr, $3  }
0x3a: {  	_ = 	snop  }
0x3b: {  	_ = 	snop  }
0x3c: {  	p2 =	seq.s32 s10, $0x1;
	s10 =	sld [smem:$0x3FB8]  }
0x3d: {  	_ =	shalt  }
0x3e: {  	_ =	shalt  }
0x3f: {  	_ =	shalt  }
0x40: {  	_ =	shalt  }
0x41: {  	_ =	shalt  }
0x42: {  	_ =	shalt  }
0x43: {  	_ =	shalt  }
0x44: {  	_ =	shalt  }
0x45: {  	_ =	shalt  }
0x46: {  	_ =	shalt  }
0x47: {  	_ =	shalt  }
0x48: {  	_ =	shalt  }
0x49: {  	_ =	shalt  }
0x4a: {  	_ =	shalt  }
0x4b: {  	_ =	shalt  }
0x4c: {  	_ =	shalt  }
0x4d: {  	_ =	shalt  }
0x4e: {  	_ =	shalt  }
0x4f: {  	_ =	shalt  }
0x50: {  	_ =	shalt  }
0x51: {  	_ =	shalt  }
0x52: {  	_ =	shalt  }
0x53: {  	_ =	shalt  }
0x54: {  	_ =	shalt  }
0x55: {  	_ =	shalt  }
0x56: {  	_ =	shalt  }
0x57: {  	_ =	shalt  }
0x58: {  	_ =	shalt  }
0x59: {  	_ =	shalt  }
0x5a: {  	_ =	shalt  }
0x5b: {  	_ =	shalt  }
0x5c: {  	_ =	shalt  }
0x5d: {  	_ =	shalt  }
0x5e: {  	_ =	shalt  }
0x5f: {  	_ =	shalt  }
0x60: {  	_ =	shalt  }
0x61: {  	_ =	shalt  }
0x62: {  	_ =	shalt  }
0x63: {  	_ =	shalt  }
0x64: {  	_ =	shalt  }
0x65: {  	_ =	shalt  }
0x66: {  	_ =	shalt  }
0x67: {  	_ =	shalt  }
0x68: {  	_ =	shalt  }
0x69: {  	_ =	shalt  }
0x6a: {  	_ =	shalt  }
0x6b: {  	_ =	shalt  }
0x6c: {  	_ =	shalt  }
0x6d: {  	_ =	shalt  }
0x6e: {  	_ =	shalt  }
0x6f: {  	_ =	shalt  }
0x70: {  	_ =	shalt  }
0x71: {  	_ =	shalt  }
0x72: {  	_ =	shalt  }
0x73: {  	_ =	shalt  }
0x74: {  	_ =	shalt  }
0x75: {  	_ =	shalt  }
0x76: {  	_ =	shalt  }
0x77: {  	_ =	shalt  }
0x78: {  	_ =	shalt  }
0x79: {  	_ =	shalt  }
0x7a: {  	_ =	shalt  }
0x7b: {  	_ =	shalt  }
0x7c: {  	_ =	shalt  }
0x7d: {  	_ =	shalt  }
0x7e: {  	_ =	shalt  }
0x7f: {  	_ =	shalt  }
0x80: {  	_ =	shalt  }
0x81: {  	_ =	shalt  }
0x82: {  	_ =	shalt  }
0x83: {  	_ =	shalt  }
0x84: {  	_ =	shalt  }
0x85: {  	_ =	shalt  }
0x86: {  	_ =	shalt  }
0x87: {  	_ =	shalt  }
.Lfunc_end0:
.L_simem_size_0:
called_computation_lowered:
.L_overlay_start_0:
0x88: {  	s0 =	sld [smem:$0x3FD9]  }
0x89: {  	s1 =	sld [smem:$0x3FFE];
	_ =	sdelay $0x3  }
0x8a: {  	s0 =	sadd.s32 s1, s0  }
0x8b: {  	[smem:$0x3FC4] =	sst s0  }
0x8c: {  	_ = 	snop  }
0x8d: {  	s0 =	sld [smem:$0x3FD0];
	_ =	sdelay $0x1  }
0x8e: {  	s14 =	sld [smem:$0x3FC7]  }
0x8f: {  	s3 =	simm.s32 $0xA;
	s4 =	simm.s32 $0x10;
	s2 =	sld [smem:$0x3FC6]  }
0x90: {  	[smem:s4], [sflag:s3] =	dma.local [hbm:s0], $0x1  }
0x91: {  	_ =	swait.eq [sflag:s3], $0x1  }
0x92: {  	[sflag:s3] =	ssyncset.done $0x0  }
0x93: {  	s15 =	sld [smem:$0x10];
	[sflag:s3] =	ssyncadd.s32 $0xFFFFFFFF  }
0x94: {  	s16 =	sld [smem:$0x11];
	(tm) =	ssettm $0x1  }
0x95: {  	s17 =	sld [smem:$0x3FFB];
	_ =	sdelay $0x3  }
0x96: {  	_ =	strace s17  }
0x97: {  	s4 =	sld [smem:$0x3FFC];
	_ =	sdelay $0x3  }
0x98: {  	_ =	strace s4  }
0x99: {  	s4 =	sld [smem:$0x3FFD];
	_ =	sdelay $0x3  }
0x9a: {  	_ =	strace s4  }
0x9b: {  	_ =	strace $0x8FFFFFFF  }
0x9c: {  	s18 =	sld [smem:$0x3FDB];
	_ =	sdelay $0x1  }
0x9d: {  	s5 =	simm.s32 $_scs_section_size  }
0x9e: {  	s6 =	simm.s32 $_size__tile_overlayer_lowered;
	s7 =	simm.s32 $_tile_overlayer_lowered  }
0x9f: {  	s21 =	simm.s32 $0x1BFF;
	s20 =	sshll.u32 s7, $0x1;
	s4 =	sadd.s32 s5, s18  }
0xa0: {  	s8 =	simm.s32 $0x0;
	s19 =	sshll.u32 s6, $0x1;
	s6 =	sadd.s32 s20, s4  }
0xa1: {  	[timem:s8], [sflag:s21] =	dma.local [hbm:s6], s19  }
0xa2: {  	_ =	swait.ge [sflag:s21], s19  }
0xa3: {  	s5 =	ssub.s32 $0x0, s19;
	[sflag:s21] =	ssyncset.done $0x0  }
0xa4: {  	[sflag:s21] =	ssyncadd.s32 s5;
	_ =	sdelay $0x1  }
0xa5: {  	s22 =	simm.s32 $0x1B8B  }
0xa6: {  	_ =	swait.ge [sflag:s22], $0x1  }
0xa7: {  	[sflag:s22] =	ssyncset.done $0x0  }
0xa8: {  	s23 =	simm.s32 $0x1B8E;
	[sflag:s22] =	ssyncadd.s32 $0xFFFFFFFF  }
0xa9: {  	s24 =	simm.s32 $execute0_lowered;
	[smem:$0x3FD2] =	sst s23  }
0xaa: {  	s5 =	sshll.u32 s24, $0x1;
	_ =	strace $0x80000046;
	[dreg:$0x1] =	wrdreg $0xFFFFFFFF  }
0xab: {  	s25 =	simm.s32 $_size_execute0_lowered;
	s4 =	sadd.s32 s4, s5;
	[dreg:$0x0] =	wrdreg $0x0  }
0xac: {  	s5 =	sshll.u32 s25, $0x1;
	[dreg:$0x2] =	wrdreg s4  }
0xad: {  	[dreg:$0x3] =	wrdreg s5  }
0xae: {  	[dreg:$0x4] =	wrdreg $0xC0  }
0xaf: {  	_ =	task [dreg:s8], $0x5FFFF  }
0xb0: {  	[dreg:$0x1] =	wrdreg $0xFFFFFFFF  }
0xb1: {  	[dreg:$0x0] =	wrdreg $0x60  }
0xb2: {  	[dreg:$0x2] =	wrdreg s14  }
0xb3: {  	[dreg:$0x3] =	wrdreg s2  }
0xb4: {  	[dreg:$0x4] =	wrdreg s16  }
0xb5: {  	[dreg:$0x5] =	wrdreg s15  }
0xb6: {  	[dreg:$0x6] =	wrdreg $0x9  }
0xb7: {  	_ =	task.clear_ibuf [dreg:s8], $0x7FFFF;
	_ =	strace $0x90000046  }
0xb8: {  	s26 =	simm.s32 $0x9;
	_ =	strace $0x80000048  }
0xb9: {  	_ =	swait.ge [sflag:s26], $0x1  }
0xba: {  	[sflag:s26] =	ssyncadd.s32 $0xFFFFFFFF  }
0xbb: {  	_ =	strace $0x90000048  }
0xbc: {  	_ =	sfence  }
0xbd: {  	s28 =	sld [smem:$0x0];
	_ =	sdelay $0x1  }
0xbe: {  	s29 =	srdreg.scid  }
0xbf: {  	s30 =	sshll.u32 s29, $0xD;
	s31 =	sshrl.u32 s29, $0x2  }
0xc0: {  	s1 =	sand.u32 $0x1, s29;
	s2 =	sand.u32 $0x4000, s30;
	s0 =	sadd.s32 s31, s28  }
0xc1: {  	s1 =	sor.u32 s2, s1;
	s0 =	sshll.u32 s0, $0x11  }
0xc2: {  	s0 =	sor.u32 s0, s1  }
0xc3: {  	s0 =	sadd.s32 $0x8F2B, s0  }
0xc4: {  	[sflag:s0] =	ssyncadd.remote.s32 $0x1  }
0xc5: {  	_ =	sfence.sel $0xFFFF  }
0xc6: {  	[dreg:$0x0] =	wrdreg $0xFFFFFFFF;
	(pc) =	sbr.abs _section_cstart, $3  }
0xc7: {  	[dreg:$0x1] =	wrdreg $0xFFFFFFFF  }
0xc8: {  	_ =	task.clear_ibuf [dreg:s8], $0x2FFFF;
	_ =	strace $0x9FFFFFFF  }
0xc9: {  	(tm) =	ssettm $0x7FFFFFFF  }
tec
execute0_lowered:
.L_overlay_start_1:
0x0: {  	(tag) =	ssettag $0x1  }
0x1: {  	s3 =	stileid.u32  }
0x2: {  	p0 =	sne.s32 s3, $0x0  }
.Ltmp0:
0x3: {  	s2 =	rddreg [dreg:$0x0];
	(pc) =	sbr.rel @p0 .LBB2_2-.Ltmp0, $4  }
0x4: {  	s4 =	rddreg [dreg:$0x1]  }
0x5: {  	s6 =	rddreg [dreg:$0x2]  }
0x6: {  	s1 =	rddreg [dreg:$0x3]  }
0x7: {  	s0 =	rddreg [dreg:$0x4];
	_ =	strace $0x80000047  }
0x8: {  	s3 =	simm.s32 $0x0;
	s31 =	simm.s32 $0x1  }
0x9: {  	[tilespmem:s3], [sflag:$0x1] =	stream.linear.gather [hbm4b:s2+s3], $0x100, $0x38;
	[tilespmem:$0x200] =	vst v63  }
0xa: {  	_ =	swait.ge [sflag:s31], $0x100  }
0xb: {  	[sflag:s31] =	ssyncset.done $0x0  }
0xc: {  	[sflag:s31] =	ssyncadd.s32 $0xFFFFFF00  }
0xd: {  	v0 =	vld [tilespmem:$0x0]  }
0xe: {  	v1 =	vld [tilespmem:$0x10]  }
0xf: {  	v2 =	vld [tilespmem:$0x20]  }
0x10: {  	v3 =	vld [tilespmem:$0x30]  }
0x11: {  	v4 =	vld [tilespmem:$0x40]  }
0x12: {  	v5 =	vld [tilespmem:$0x50];
	v0 =	vand.u32 $0x7FFFFFFF, v0  }
0x13: {  	v6 =	vld [tilespmem:$0x60];
	v1 =	vand.u32 $0x7FFFFFFF, v1;
	vm0 =	vge.f32 v0, $5.000000000e-01;
	v0 =	vimm.s32 $0x0  }
0x14: {  	v11 =	vld [tilespmem:$0x70];
	v10 =	vand.u32 $0x7FFFFFFF, v2;
	vm13 =	vge.f32 v1, $5.000000000e-01;
	v7 =	vsel vm0, $0x1, v0  }
0x15: {  	v14 =	vld [tilespmem:$0x80];
	v13 =	vand.u32 $0x7FFFFFFF, v3;
	vm14 =	vge.f32 v10, $5.000000000e-01;
	v12 =	vsel vm13, $0x1, v0;
	[tilespmem:$0x100] =	vst v7  }
0x16: {  	v17 =	vld [tilespmem:$0x90];
	v16 =	vand.u32 $0x7FFFFFFF, v4;
	vm15 =	vge.f32 v13, $5.000000000e-01;
	v15 =	vsel vm14, $0x1, v0;
	[tilespmem:$0x110] =	vst v12  }
0x17: {  	v20 =	vld [tilespmem:$0xA0];
	v19 =	vand.u32 $0x7FFFFFFF, v5;
	vm4 =	vge.f32 v16, $5.000000000e-01;
	v18 =	vsel vm15, $0x1, v0;
	[tilespmem:$0x120] =	vst v15  }
0x18: {  	v23 =	vld [tilespmem:$0xB0];
	v22 =	vand.u32 $0x7FFFFFFF, v6;
	vm5 =	vge.f32 v19, $5.000000000e-01;
	v21 =	vsel vm4, $0x1, v0;
	[tilespmem:$0x130] =	vst v18  }
0x19: {  	v25 =	vand.u32 $0x7FFFFFFF, v11;
	vm6 =	vge.f32 v22, $5.000000000e-01;
	v24 =	vsel vm5, $0x1, v0;
	[tilespmem:$0x140] =	vst v21  }
0x1a: {  	v27 =	vand.u32 $0x7FFFFFFF, v14;
	vm7 =	vge.f32 v25, $5.000000000e-01;
	v26 =	vsel vm6, $0x1, v0;
	[tilespmem:$0x150] =	vst v24  }
0x1b: {  	v29 =	vand.u32 $0x7FFFFFFF, v17;
	vm8 =	vge.f32 v27, $5.000000000e-01;
	v28 =	vsel vm7, $0x1, v0;
	[tilespmem:$0x160] =	vst v26  }
0x1c: {  	v31 =	vand.u32 $0x7FFFFFFF, v20;
	vm9 =	vge.f32 v29, $5.000000000e-01;
	v30 =	vsel vm8, $0x1, v0;
	[tilespmem:$0x170] =	vst v28  }
0x1d: {  	v33 =	vand.u32 $0x7FFFFFFF, v23;
	vm10 =	vge.f32 v31, $5.000000000e-01;
	v32 =	vsel vm9, $0x1, v0;
	[tilespmem:$0x180] =	vst v30  }
0x1e: {  	vm11 =	vge.f32 v33, $5.000000000e-01;
	v34 =	vsel vm10, $0x1, v0;
	[tilespmem:$0x190] =	vst v32  }
0x1f: {  	v1 =	vsel vm11, $0x1, v0;
	[tilespmem:$0x1A0] =	vst v34  }
0x20: {  	s5 =	simm.s32 $0x100;
	[tilespmem:$0x1B0] =	vst v1  }
0x21: {  	[hbm4b:s6+s3] =	stream.linear.scatter [tilespmem:s5], [sflag:$0x1], $0x100, $0x38;
	[tilespmem:$0x200] =	vst v63  }
0x22: {  	_ =	swait.ge [sflag:s31], $0x100  }
0x23: {  	[sflag:s31] =	ssyncset.done $0x0  }
0x24: {  	[sflag:s31] =	ssyncadd.s32 $0xFFFFFF00  }
0x25: {  	[tilespmem:s3], [sflag:$0x1] =	stream.linear.gather [hbm4b:s4+s3], $0x100, $0x38;
	[tilespmem:$0x200] =	vst v63  }
0x26: {  	_ =	swait.ge [sflag:s31], $0x100  }
0x27: {  	[sflag:s31] =	ssyncset.done $0x0  }
0x28: {  	[sflag:s31] =	ssyncadd.s32 $0xFFFFFF00  }
0x29: {  	v35 =	vld [tilespmem:$0x0]  }
0x2a: {  	v36 =	vld [tilespmem:$0x10]  }
0x2b: {  	v37 =	vld [tilespmem:$0x20]  }
0x2c: {  	v38 =	vld [tilespmem:$0x30]  }
0x2d: {  	v39 =	vld [tilespmem:$0x40]  }
0x2e: {  	v41 =	vld [tilespmem:$0x50]  }
0x2f: {  	v46 =	vld [tilespmem:$0x70]  }
0x30: {  	v48 =	vld [tilespmem:$0x80]  }
0x31: {  	v52 =	vld [tilespmem:$0xA0]  }
0x32: {  	v55 =	vld [tilespmem:$0xB0];
	_ =	sdelay $0x1  }
0x33: {  	v1 =	vand.u32 $0x7FFFFFFF, v35;
	v40 =	vand.u32 $0x7FFFFFFF, v36;
	v42 =	vand.u32 $0x7FFFFFFF, v37  }
0x34: {  	v4 =	vand.u32 $0x7FFFFFFF, v38;
	v47 =	vand.u32 $0x7FFFFFFF, v39;
	v2 =	vand.u32 $0x7FFFFFFF, v41  }
0x35: {  	v44 =	vld [tilespmem:$0x60];
	v54 =	vand.u32 $0x7FFFFFFF, v46;
	v56 =	vand.u32 $0x7FFFFFFF, v48;
	v60 =	vand.u32 $0x7FFFFFFF, v52  }
0x36: {  	v61 =	vand.u32 $0x7FFFFFFF, v55;
	vm12 =	vge.f32 v1, $5.000000000e-01;
	vm1 =	vge.f32 v40, $5.000000000e-01  }
0x37: {  	v50 =	vld [tilespmem:$0x90];
	vm14 =	vge.f32 v42, $5.000000000e-01;
	vm4 =	vge.f32 v4, $5.000000000e-01;
	vm0 =	vmneg vm12  }
0x38: {  	vm5 =	vge.f32 v47, $5.000000000e-01;
	vm13 =	vmneg vm1;
	v43 =	vsel vm0, $0x1, v0  }
0x39: {  	vm7 =	vge.f32 v2, $5.000000000e-01;
	vm15 =	vmneg vm14;
	v45 =	vsel vm13, $0x1, v0;
	[tilespmem:$0x100] =	vst v43  }
0x3a: {  	v1 =	vand.u32 $0x7FFFFFFF, v44;
	vm6 =	vmneg vm5;
	v8 =	vsel vm15, $0x1, v0;
	[tilespmem:$0x110] =	vst v45  }
0x3b: {  	vm10 =	vge.f32 v54, $5.000000000e-01;
	vm8 =	vmneg vm7;
	v51 =	vsel vm6, $0x1, v0;
	[tilespmem:$0x120] =	vst v8  }
0x3c: {  	v2 =	vand.u32 $0x7FFFFFFF, v50;
	vm1 =	vmneg vm10;
	v53 =	vsel vm8, $0x1, v0;
	[tilespmem:$0x140] =	vst v51  }
0x3d: {  	vm12 =	vge.f32 v2, $5.000000000e-01;
	vm0 =	vmneg vm4;
	v58 =	vsel vm1, $0x1, v0;
	[tilespmem:$0x150] =	vst v53  }
0x3e: {  	vm9 =	vge.f32 v1, $5.000000000e-01;
	vm1 =	vmneg vm12;
	v49 =	vsel vm0, $0x1, v0;
	[tilespmem:$0x170] =	vst v58  }
0x3f: {  	vm11 =	vge.f32 v56, $5.000000000e-01;
	vm0 =	vmneg vm9;
	v62 =	vsel vm1, $0x1, v0;
	[tilespmem:$0x130] =	vst v49  }
0x40: {  	vm13 =	vge.f32 v60, $5.000000000e-01;
	v57 =	vsel vm0, $0x1, v0;
	vm0 =	vmneg vm11;
	[tilespmem:$0x190] =	vst v62  }
0x41: {  	vm14 =	vge.f32 v61, $5.000000000e-01;
	[tilespmem:$0x160] =	vst v57;
	v59 =	vsel vm0, $0x1, v0;
	vm0 =	vmneg vm13  }
0x42: {  	vm15 =	vmneg vm14;
	[tilespmem:$0x180] =	vst v59;
	v63 =	vsel vm0, $0x1, v0  }
0x43: {  	v0 =	vsel vm15, $0x1, v0;
	[tilespmem:$0x1A0] =	vst v63  }
0x44: {  	[tilespmem:$0x1B0] =	vst v0  }
0x45: {  	[hbm4b:s1+s3] =	stream.linear.scatter [tilespmem:s5], [sflag:$0x1], $0x100, $0x38;
	[tilespmem:$0x200] =	vst v63  }
0x46: {  	_ =	swait.ge [sflag:s31], $0x100  }
0x47: {  	[sflag:s31] =	ssyncset.done $0x0  }
0x48: {  	[sflag:s31] =	ssyncadd.s32 $0xFFFFFF00  }
.LBB2_2:
0x49: {  	_ =	sfence.sel $0x180000  }
0x4a: {  	[bflag:$0x0] =	sbarrier.arrive $0xFFFF  }
0x4b: {  	_ =	strace $0x90000047  }
0x4c: {  	s0 =	sadd.s32 @!p0 $0x100000, s0;
	[bflag:$0x2] =	sbarrier.arrive $0xFFFF  }
0x4d: {  	[sflag:s0] =	ssyncadd.tile.s32 @!p0 $0x1;
	_ =	shalt  }
.Lfunc_end2:
_tile_overlayer_lowered:
.L_overlay_start_2:
0x4e: {  	(tag) =	ssettag $0x2  }
0x4f: {  	s0 =	rddreg [dreg:$0x0];
	s2 =	stileid.u32  }
0x50: {  	s1 =	rddreg [dreg:$0x1];
	p0 =	sne.s32 s2, $0x0  }
0x51: {  	s3 =	rddreg [dreg:$0x2];
	[bflag:$0x3] =	sbarrier.arrive $0xFFFF;
	s2 =	simm.s32 @!p0 $0x1C01  }
0x52: {  	[timem:s3], [sflag:s2] =	dma.local @!p0 [hbm:s0], s1  }
0x53: {  	s0 =	simm.s32 @!p0 $0x1  }
0x54: {  	_ =	swait.ge @!p0 [sflag:s0], s1  }
0x55: {  	s1 =	ssub.s32 @!p0 $0x0, s1;
	[sflag:s0] =	ssyncset.done @!p0 $0x0  }
0x56: {  	[sflag:s0] =	ssyncadd.s32 @!p0 s1  }
0x57: {  	[bflag:$0x3] =	sbarrier.arrive $0xFFFF  }
0x58: {  	_ =	shalt  }

</sc_bundles>
